<compile_context>
chip_gen: v7x
topology: tpu7x:2x2x1
jax: 0.10.2.dev20260603
libtpu: 0.0.44.dev20260713+nightly
codegen_flags: <defaults>
</compile_context>

<pallas_src>
import jax
import jax.numpy as jnp
from jax import lax
from jax.experimental import pallas as pl
from jax.experimental.pallas import tpu as pltpu
from jax.experimental.pallas import tpu_sc as plsc

_B = 512
_N = 65536
_G = 4096
_S = 16
_L = 16
_NC = 2
_NS = 16
_NW = _NC * _NS
_RPT = _B // _NW
_CHUNK = 1024
_NCH = _N // _CHUNK
_GRP = 4
_PPS = _N // _NS
_IB = 128


def _sc_body(x_hbm, perm_hbm, wflat_hbm, out_hbm,
             idx_v, segb_v, wvb_v, x_v0, x_v1,
             shared_seg, shared_wv, sem1, sem2, semb0, semb1, *accs):
    cid = lax.axis_index("c")
    sid = lax.axis_index("s")
    wid = sid * _NC + cid
    row0 = wid * _RPT

    base = sid * _PPS
    pltpu.sync_copy(perm_hbm.at[sid], idx_v)
    pltpu.sync_copy(wflat_hbm.at[pl.ds(base, _PPS)], wvb_v)

    @plsc.parallel_loop(0, _PPS // _L, unroll=2)
    def _(vi):
        sl = pl.ds(vi * _L, _L)
        ivec = base + vi * _L + lax.iota(jnp.int32, 16)
        g = lax.shift_right_arithmetic(ivec, 4)
        tpe = lax.rem(g, jnp.int32(3))
        is_or = tpe == 1
        wl = wvb_v[sl]
        wvb_v[sl] = jnp.where(tpe == 2, wl, jnp.float32(1.0))
        segb_v[sl] = jnp.where(is_or, g | jnp.int32(-(2**31)), g)

    copies = []
    for j in range(_PPS // _IB):
        ssl = pl.ds(j * _IB, _IB)
        copies.append(
            pltpu.async_copy(segb_v.at[ssl], shared_seg.at[idx_v.at[j]], sem1))
        copies.append(
            pltpu.async_copy(wvb_v.at[ssl], shared_wv.at[idx_v.at[j]], sem2))

    xs = (x_v0, x_v1)
    sems = (semb0, semb1)

    def issue(ci, b):
        off = ci * _CHUNK
        pltpu.async_copy(
            x_hbm.at[pl.ds(row0, _RPT), pl.ds(off, _CHUNK)], xs[b], sems[b])

    def drain(b):
        pltpu.make_async_copy(
            x_hbm.at[pl.ds(0, _RPT), pl.ds(0, _CHUNK)], xs[b], sems[b]).wait()

    issue(0, 0)
    issue(1, 1)

    zeros = jnp.zeros((_L,), jnp.float32)

    @plsc.parallel_loop(0, _G // _L)
    def _(v):
        sl = pl.ds(v * _L, _L)
        for r in range(_RPT):
            accs[r][sl] = zeros

    for c in copies:
        c.wait()
    plsc.subcore_barrier()

    def compute(b, k):
        @plsc.parallel_loop(0, _CHUNK // _L, unroll=4)
        def _(vi):
            sl = pl.ds(k * _CHUNK + vi * _L, _L)
            pk = segb_v[sl]
            w = wvb_v[sl]
            maskvec = lax.bitwise_not(
                lax.bitwise_and(pk, jnp.int32(-(2**31))))
            seg = lax.bitwise_and(pk, jnp.int32(0x7FFFFFFF))
            xsl = pl.ds(vi * _L, _L)
            for r in range(_RPT):
                xi = plsc.bitcast(xs[b][r, xsl], jnp.int32)
                val = w * plsc.bitcast(
                    lax.bitwise_and(xi, maskvec), jnp.float32)
                plsc.addupdate_scatter(accs[r], [seg], val)

    def super_body(gi, _):
        moff = gi * _GRP * _CHUNK
        pltpu.sync_copy(shared_seg.at[pl.ds(moff, _GRP * _CHUNK)], segb_v)
        pltpu.sync_copy(shared_wv.at[pl.ds(moff, _GRP * _CHUNK)], wvb_v)
        for k in range(_GRP):
            ci = gi * _GRP + k
            b = k % 2
            drain(b)
            compute(b, k)

            @pl.when(ci + 2 < _NCH)
            def _():
                issue(ci + 2, b)

        return 0

    lax.fori_loop(0, _NCH // _GRP, super_body, 0)

    @plsc.parallel_loop(0, _G // _L)
    def _(v):
        sl = pl.ds(v * _L, _L)
        gvec = v * _L + lax.iota(jnp.int32, 16)
        m_g = lax.rem(gvec, jnp.int32(3)) == 1
        for r in range(_RPT):
            a = accs[r][sl]
            accs[r][sl] = jnp.where(
                m_g, jnp.where(a > 0.0, jnp.float32(1.0), jnp.float32(0.0)), a)

    out_copies = [
        pltpu.async_copy(accs[r], out_hbm.at[pl.ds((row0 + r) * _G, _G)], sem1)
        for r in range(_RPT)]
    for c in out_copies:
        c.wait()


@jax.jit
def _sc_call(x, perm3, wflat):
    mesh = plsc.VectorSubcoreMesh(core_axis_name="c", subcore_axis_name="s")
    return pl.kernel(
        _sc_body,
        mesh=mesh,
        compiler_params=pltpu.CompilerParams(
            needs_layout_passes=False, use_tc_tiling_on_sc=True),
        out_type=jax.ShapeDtypeStruct((_B * _G,), jnp.float32),
        scratch_types=[
            pltpu.VMEM((_PPS // _IB, _IB), jnp.int32),
            pltpu.VMEM((_PPS,), jnp.int32),
            pltpu.VMEM((_PPS,), jnp.float32),
            pltpu.VMEM((_RPT, _CHUNK), jnp.float32),
            pltpu.VMEM((_RPT, _CHUNK), jnp.float32),
            pltpu.VMEM_SHARED((_N,), jnp.int32),
            pltpu.VMEM_SHARED((_N,), jnp.float32),
            pltpu.SemaphoreType.DMA,
            pltpu.SemaphoreType.DMA,
            pltpu.SemaphoreType.DMA,
            pltpu.SemaphoreType.DMA,
        ] + [pltpu.VMEM((_G,), jnp.float32) for _ in range(_RPT)],
    )(x, perm3, wflat)


def kernel(x, perm, W):
    perm3 = perm.reshape(_NS, _PPS // _IB, _IB)
    return _sc_call(x, perm3, W.reshape(-1)).reshape(_B, _G)

# --- scband reference (transcript-rebuilt; emitter-appended) ---
"""Pipeline reference for scband-aggregate-representation-4827543240709 (READ-ONLY COPY).

The authoritative reference and input builder live on the scoring server;
editing this copy changes nothing except your own understanding.
"""

import jax, jax.numpy as jnp
import numpy as np

B = 512          # batch of inpatient inputs (module is vmapped over batch)
N = 65536        # source scheme size (number of codes)
G = 4096         # number of target groups
S = 16           # codes per group (subset size)


def setup_inputs(seed: int = 0) -> dict:
    key = jax.random.key(seed)
    kx, kp, kw = jax.random.split(key, 3)
    x = jax.random.normal(kx, (B, N), dtype=jnp.float32)
    # Each group g aggregates a disjoint sorted subset of source indices.
    perm = jax.random.permutation(kp, N).astype(jnp.int32)
    perm = jnp.sort(perm.reshape(G, S), axis=-1).reshape(-1)  # sorted subset_index per group
    # WeightedSum groups use an eqx.nn.Linear(S, 1, use_bias=False):
    # weights init ~ U(-1/sqrt(S), 1/sqrt(S)). One weight row per group
    # (only rows with g % 3 == 2 are actually used).
    lim = 1.0 / np.sqrt(S)
    W = jax.random.uniform(kw, (G, S), dtype=jnp.float32, minval=-lim, maxval=lim)
    return {"x": x, "perm": perm, "W": W}


def reference(x, perm, W):
    # Gather each group's subset: equivalent to x[subset] per aggregator.
    g = jnp.take(x, perm, axis=1).reshape(x.shape[0], G, S)
    # Sum aggregator: x[subset].sum()
    sum_out = g.sum(axis=-1)
    # OR aggregator: x[subset].any() (nonzero -> True), cast to float by hstack promotion
    or_out = jnp.where(jnp.any(g != 0, axis=-1), 1.0, 0.0).astype(jnp.float32)
    # WeightedSum aggregator: Linear(S,1,no bias) applied to x[subset]
    wsum_out = jnp.einsum('bgs,gs->bg', g, W)
    # Groups cycle through aggregator types: g%3==0 -> sum, ==1 -> or, ==2 -> w_sum,
    # concatenated (hstack) in target-scheme group order.
    gtype = jnp.arange(G) % 3
    out = jnp.where(gtype == 0, sum_out, jnp.where(gtype == 1, or_out, wsum_out))
    return out


if False:  # reference __main__ guard neutralized (emitter)
    inp = setup_inputs()
    out = reference(**inp)
    print(out.shape, out.dtype)

if __name__ == "__main__":
    import jax
    _d = setup_inputs()
    print(jax.jit(kernel)(*tuple(_d.values())))

</pallas_src>

<mosaic_0001>
#map = affine_map<(d0, d1) -> (0, 0)>
#map1 = affine_map<(d0, d1) -> (0, 0, 0)>
#map2 = affine_map<(d0, d1) -> (0)>
module attributes {stable_mosaic.version = 14 : i64} {
  func.func @_sc_body(%arg0: i32, %arg1: i32, %arg2: memref<512x65536xf32, #tpu.memory_space<hbm>>, %arg3: memref<16x32x128xi32, #tpu.memory_space<hbm>>, %arg4: memref<65536xf32, #tpu.memory_space<hbm>>, %arg5: memref<2097152xf32, #tpu.memory_space<hbm>>, %arg6: memref<32x128xi32, #tpu.memory_space<vmem>>, %arg7: memref<4096xi32, #tpu.memory_space<vmem>>, %arg8: memref<4096xf32, #tpu.memory_space<vmem>>, %arg9: memref<16x1024xf32, #tpu.memory_space<vmem>>, %arg10: memref<16x1024xf32, #tpu.memory_space<vmem>>, %arg11: memref<65536xi32, #tpu.memory_space<vmem_shared>>, %arg12: memref<65536xf32, #tpu.memory_space<vmem_shared>>, %arg13: memref<!tpu.dma_semaphore, #tpu.memory_space<semaphore_mem>>, %arg14: memref<!tpu.dma_semaphore, #tpu.memory_space<semaphore_mem>>, %arg15: memref<!tpu.dma_semaphore, #tpu.memory_space<semaphore_mem>>, %arg16: memref<!tpu.dma_semaphore, #tpu.memory_space<semaphore_mem>>, %arg17: memref<4096xf32, #tpu.memory_space<vmem>>, %arg18: memref<4096xf32, #tpu.memory_space<vmem>>, %arg19: memref<4096xf32, #tpu.memory_space<vmem>>, %arg20: memref<4096xf32, #tpu.memory_space<vmem>>, %arg21: memref<4096xf32, #tpu.memory_space<vmem>>, %arg22: memref<4096xf32, #tpu.memory_space<vmem>>, %arg23: memref<4096xf32, #tpu.memory_space<vmem>>, %arg24: memref<4096xf32, #tpu.memory_space<vmem>>, %arg25: memref<4096xf32, #tpu.memory_space<vmem>>, %arg26: memref<4096xf32, #tpu.memory_space<vmem>>, %arg27: memref<4096xf32, #tpu.memory_space<vmem>>, %arg28: memref<4096xf32, #tpu.memory_space<vmem>>, %arg29: memref<4096xf32, #tpu.memory_space<vmem>>, %arg30: memref<4096xf32, #tpu.memory_space<vmem>>, %arg31: memref<4096xf32, #tpu.memory_space<vmem>>, %arg32: memref<4096xf32, #tpu.memory_space<vmem>>) attributes {dimension_semantics = [#tpu.dimension_semantics<core_parallel>, #tpu.dimension_semantics<subcore_parallel>], iteration_bounds = array<i64: 2, 16>, scalar_prefetch = 0 : i64, scratch_operands = 27 : i64, tpu.core_type = #tpu.core_type<sc_vector_subcore>, window_params = [{transform_indices = #map}, {transform_indices = #map1}, {transform_indices = #map2}, {transform_indices = #map2}]} {
    %mul3A = arith.constant 2 : i32
    %mul3A_0 = arith.muli %arg1, %mul3A : i32
    %add3A = arith.addi %mul3A_0, %arg0 : i32
    %mul3A_1 = arith.constant 16 : i32
    %mul3A_2 = arith.muli %add3A, %mul3A_1 : i32
    %mul3A_3 = arith.constant 4096 : i32
    %mul3A_4 = arith.muli %arg1, %mul3A_3 : i32
    "tpu.region"() ({
      %run_scoped3A = tpu.sem_alloc : memref<!tpu.dma_semaphore, #tpu.memory_space<semaphore_mem>>
      %dma_start3A_1178 = arith.constant 0 : i32
      %dma_start3A_1179 = arith.constant 0 : i32
      %dma_start3A_1180 = tpu.memref_slice %arg3[%arg1, %dma_start3A_1178, %dma_start3A_1179] : memref<16x32x128xi32, #tpu.memory_space<hbm>> -> memref<1x32x128xi32, #tpu.memory_space<hbm>>
      %dma_start3A_1181 = tpu.memref_squeeze %dma_start3A_1180 : memref<1x32x128xi32, #tpu.memory_space<hbm>> -> memref<32x128xi32, #tpu.memory_space<hbm>>
      %dma_start3A_1182 = arith.constant 0 : i32
      %dma_start3A_1183 = arith.constant 0 : i32
      %dma_start3A_1184 = tpu.memref_slice %arg3[%arg1, %dma_start3A_1182, %dma_start3A_1183] : memref<16x32x128xi32, #tpu.memory_space<hbm>> -> memref<1x32x128xi32, #tpu.memory_space<hbm>>
      %dma_start3A_1185 = tpu.memref_squeeze %dma_start3A_1184 : memref<1x32x128xi32, #tpu.memory_space<hbm>> -> memref<32x128xi32, #tpu.memory_space<hbm>>
      tpu.enqueue_dma source(%dma_start3A_1185 : memref<32x128xi32, #tpu.memory_space<hbm>>) target(%arg6 : memref<32x128xi32, #tpu.memory_space<vmem>>) target_semaphore(%run_scoped3A : memref<!tpu.dma_semaphore, #tpu.memory_space<semaphore_mem>>)
      %dma_wait3A_1186 = arith.constant 0 : i32
      %dma_wait3A_1187 = arith.constant 0 : i32
      %dma_wait3A_1188 = tpu.memref_slice %arg3[%arg1, %dma_wait3A_1186, %dma_wait3A_1187] : memref<16x32x128xi32, #tpu.memory_space<hbm>> -> memref<1x32x128xi32, #tpu.memory_space<hbm>>
      %dma_wait3A_1189 = tpu.memref_squeeze %dma_wait3A_1188 : memref<1x32x128xi32, #tpu.memory_space<hbm>> -> memref<32x128xi32, #tpu.memory_space<hbm>>
      %dma_wait3A_1190 = arith.constant 0 : i32
      %dma_wait3A_1191 = arith.constant 0 : i32
      %dma_wait3A_1192 = tpu.memref_slice %arg3[%arg1, %dma_wait3A_1190, %dma_wait3A_1191] : memref<16x32x128xi32, #tpu.memory_space<hbm>> -> memref<1x32x128xi32, #tpu.memory_space<hbm>>
      %dma_wait3A_1193 = tpu.memref_squeeze %dma_wait3A_1192 : memref<1x32x128xi32, #tpu.memory_space<hbm>> -> memref<32x128xi32, #tpu.memory_space<hbm>>
      tpu.wait_dma2 semaphore(%run_scoped3A : memref<!tpu.dma_semaphore, #tpu.memory_space<semaphore_mem>>) src(%dma_wait3A_1193 : memref<32x128xi32, #tpu.memory_space<hbm>>) dst(%arg6 : memref<32x128xi32, #tpu.memory_space<vmem>>)
      tpu.yield
    }) : () -> ()
    "tpu.region"() ({
      %run_scoped3A = tpu.sem_alloc : memref<!tpu.dma_semaphore, #tpu.memory_space<semaphore_mem>>
      %dma_start3A_1178 = tpu.memref_slice %arg4[%mul3A_4] : memref<65536xf32, #tpu.memory_space<hbm>> -> memref<4096xf32, #tpu.memory_space<hbm>>
      %dma_start3A_1179 = tpu.memref_slice %arg4[%mul3A_4] : memref<65536xf32, #tpu.memory_space<hbm>> -> memref<4096xf32, #tpu.memory_space<hbm>>
      tpu.enqueue_dma source(%dma_start3A_1179 : memref<4096xf32, #tpu.memory_space<hbm>>) target(%arg8 : memref<4096xf32, #tpu.memory_space<vmem>>) target_semaphore(%run_scoped3A : memref<!tpu.dma_semaphore, #tpu.memory_space<semaphore_mem>>)
      %dma_wait3A_1180 = tpu.memref_slice %arg4[%mul3A_4] : memref<65536xf32, #tpu.memory_space<hbm>> -> memref<4096xf32, #tpu.memory_space<hbm>>
      %dma_wait3A_1181 = tpu.memref_slice %arg4[%mul3A_4] : memref<65536xf32, #tpu.memory_space<hbm>> -> memref<4096xf32, #tpu.memory_space<hbm>>
      tpu.wait_dma2 semaphore(%run_scoped3A : memref<!tpu.dma_semaphore, #tpu.memory_space<semaphore_mem>>) src(%dma_wait3A_1181 : memref<4096xf32, #tpu.memory_space<hbm>>) dst(%arg8 : memref<4096xf32, #tpu.memory_space<vmem>>)
      tpu.yield
    }) : () -> ()
    %parallel_loop3A = arith.constant 0 : i32
    %parallel_loop3A_5 = arith.constant 256 : i32
    %parallel_loop3A_6 = arith.constant 1 : i32
    scf.for %parallel_loop3A_1178 = %parallel_loop3A to %parallel_loop3A_5 step %parallel_loop3A_6  : i32 {
      %parallel_loop3A_1179 = arith.constant 16 : i32
      %parallel_loop3A_1180 = arith.muli %parallel_loop3A_1178, %parallel_loop3A_1179 : i32
      %parallel_loop3A_1181 = arith.constant 16 : i32
      %parallel_loop3A_1182 = arith.muli %parallel_loop3A_1178, %parallel_loop3A_1181 : i32
      %parallel_loop3A_1183 = arith.addi %mul3A_4, %parallel_loop3A_1182 : i32
      %parallel_loop3A_1184 = tpu.iota {dimensions = array<i32: 0>} : vector<16xi32>
      %parallel_loop3A_1185 = vector.broadcast %parallel_loop3A_1183 : i32 to vector<16xi32>
      %parallel_loop3A_1186 = arith.addi %parallel_loop3A_1185, %parallel_loop3A_1184 : vector<16xi32>
      %parallel_loop3A_1187 = arith.constant 4 : i32
      %parallel_loop3A_1188 = vector.broadcast %parallel_loop3A_1187 : i32 to vector<16xi32>
      %parallel_loop3A_1189 = arith.shrsi %parallel_loop3A_1186, %parallel_loop3A_1188 : vector<16xi32>
      %parallel_loop3A_1190 = arith.constant 3 : i32
      %parallel_loop3A_1191 = vector.broadcast %parallel_loop3A_1190 : i32 to vector<16xi32>
      %parallel_loop3A_1192 = arith.remsi %parallel_loop3A_1189, %parallel_loop3A_1191 : vector<16xi32>
      %parallel_loop3A_1193 = arith.constant 1 : i32
      %parallel_loop3A_1194 = vector.broadcast %parallel_loop3A_1193 : i32 to vector<16xi32>
      %parallel_loop3A_1195 = arith.cmpi eq, %parallel_loop3A_1192, %parallel_loop3A_1194 : vector<16xi32>
      %parallel_loop3A_1196 = arith.index_cast %parallel_loop3A_1180 : i32 to index
      %parallel_loop3A_1197 = tpu.vector_load %arg8[%parallel_loop3A_1196] {strides = array<i32>} : memref<4096xf32, #tpu.memory_space<vmem>>, vector<16xf32>,
      %parallel_loop3A_1198 = arith.constant 2 : i32
      %parallel_loop3A_1199 = vector.broadcast %parallel_loop3A_1198 : i32 to vector<16xi32>
      %parallel_loop3A_1200 = arith.cmpi eq, %parallel_loop3A_1192, %parallel_loop3A_1199 : vector<16xi32>
      %parallel_loop3A_1201 = arith.constant 1.000000e+00 : f32
      %parallel_loop3A_1202 = vector.broadcast %parallel_loop3A_1201 : f32 to vector<16xf32>
      %parallel_loop3A_1203 = arith.select %parallel_loop3A_1200, %parallel_loop3A_1197, %parallel_loop3A_1202 : vector<16xi1>, vector<16xf32>
      %parallel_loop3A_1204 = arith.index_cast %parallel_loop3A_1180 : i32 to index
      %parallel_loop3A_1205 = tpu.vector_load %arg8[%parallel_loop3A_1204] {strides = array<i32>} : memref<4096xf32, #tpu.memory_space<vmem>>, vector<16xf32>,
      tpu.vector_store %arg8[%parallel_loop3A_1204], %parallel_loop3A_1203 {strides = array<i32>} : memref<4096xf32, #tpu.memory_space<vmem>>, vector<16xf32>,
      %parallel_loop3A_1206 = arith.constant -2147483648 : i32
      %parallel_loop3A_1207 = vector.broadcast %parallel_loop3A_1206 : i32 to vector<16xi32>
      %parallel_loop3A_1208 = arith.ori %parallel_loop3A_1189, %parallel_loop3A_1207 : vector<16xi32>
      %parallel_loop3A_1209 = arith.select %parallel_loop3A_1195, %parallel_loop3A_1208, %parallel_loop3A_1189 : vector<16xi1>, vector<16xi32>
      %parallel_loop3A_1210 = arith.index_cast %parallel_loop3A_1180 : i32 to index
      %parallel_loop3A_1211 = tpu.vector_load %arg7[%parallel_loop3A_1210] {strides = array<i32>} : memref<4096xi32, #tpu.memory_space<vmem>>, vector<16xi32>,
      tpu.vector_store %arg7[%parallel_loop3A_1210], %parallel_loop3A_1209 {strides = array<i32>} : memref<4096xi32, #tpu.memory_space<vmem>>, vector<16xi32>,
    } {sc.loop_unroll_factor = 2 : i64, sc.parallel_access}
    %dma_start3A = arith.constant 0 : i32
    %dma_start3A_7 = arith.constant 0 : i32
    %dma_start3A_8 = tpu.memref_slice %arg7[%dma_start3A_7] : memref<4096xi32, #tpu.memory_space<vmem>> -> memref<128xi32, #tpu.memory_space<vmem>>
    %dma_start3A_9 = arith.constant 0 : i32
    %dma_start3A_10 = tpu.memref_slice %arg6[%dma_start3A, %dma_start3A_9] : memref<32x128xi32, #tpu.memory_space<vmem>> -> memref<1x128xi32, #tpu.memory_space<vmem>>
    %dma_start3A_11 = tpu.memref_squeeze %dma_start3A_10 : memref<1x128xi32, #tpu.memory_space<vmem>> -> memref<128xi32, #tpu.memory_space<vmem>>
    %dma_start3A_12 = arith.constant 0 : i32
    %dma_start3A_13 = tpu.memref_slice %arg11[%dma_start3A_12] : memref<65536xi32, #tpu.memory_space<vmem_shared>> -> memref<65536xi32, #tpu.memory_space<vmem_shared>>
    tpu.enqueue_indirect_dma source(%dma_start3A_8 : memref<128xi32, #tpu.memory_space<vmem>>) target(%dma_start3A_13 : memref<65536xi32, #tpu.memory_space<vmem_shared>>) offsets(%dma_start3A_11 : memref<128xi32, #tpu.memory_space<vmem>>) semaphore(%arg13 : memref<!tpu.dma_semaphore, #tpu.memory_space<semaphore_mem>>)
    %dma_start3A_14 = arith.constant 0 : i32
    %dma_start3A_15 = arith.constant 0 : i32
    %dma_start3A_16 = tpu.memref_slice %arg8[%dma_start3A_15] : memref<4096xf32, #tpu.memory_space<vmem>> -> memref<128xf32, #tpu.memory_space<vmem>>
    %dma_start3A_17 = arith.constant 0 : i32
    %dma_start3A_18 = tpu.memref_slice %arg6[%dma_start3A_14, %dma_start3A_17] : memref<32x128xi32, #tpu.memory_space<vmem>> -> memref<1x128xi32, #tpu.memory_space<vmem>>
    %dma_start3A_19 = tpu.memref_squeeze %dma_start3A_18 : memref<1x128xi32, #tpu.memory_space<vmem>> -> memref<128xi32, #tpu.memory_space<vmem>>
    %dma_start3A_20 = arith.constant 0 : i32
    %dma_start3A_21 = tpu.memref_slice %arg12[%dma_start3A_20] : memref<65536xf32, #tpu.memory_space<vmem_shared>> -> memref<65536xf32, #tpu.memory_space<vmem_shared>>
    tpu.enqueue_indirect_dma source(%dma_start3A_16 : memref<128xf32, #tpu.memory_space<vmem>>) target(%dma_start3A_21 : memref<65536xf32, #tpu.memory_space<vmem_shared>>) offsets(%dma_start3A_19 : memref<128xi32, #tpu.memory_space<vmem>>) semaphore(%arg14 : memref<!tpu.dma_semaphore, #tpu.memory_space<semaphore_mem>>)
    %dma_start3A_22 = arith.constant 1 : i32
    %dma_start3A_23 = arith.constant 128 : i32
    %dma_start3A_24 = tpu.memref_slice %arg7[%dma_start3A_23] : memref<4096xi32, #tpu.memory_space<vmem>> -> memref<128xi32, #tpu.memory_space<vmem>>
    %dma_start3A_25 = arith.constant 0 : i32
    %dma_start3A_26 = tpu.memref_slice %arg6[%dma_start3A_22, %dma_start3A_25] : memref<32x128xi32, #tpu.memory_space<vmem>> -> memref<1x128xi32, #tpu.memory_space<vmem>>
    %dma_start3A_27 = tpu.memref_squeeze %dma_start3A_26 : memref<1x128xi32, #tpu.memory_space<vmem>> -> memref<128xi32, #tpu.memory_space<vmem>>
    %dma_start3A_28 = arith.constant 0 : i32
    %dma_start3A_29 = tpu.memref_slice %arg11[%dma_start3A_28] : memref<65536xi32, #tpu.memory_space<vmem_shared>> -> memref<65536xi32, #tpu.memory_space<vmem_shared>>
    tpu.enqueue_indirect_dma source(%dma_start3A_24 : memref<128xi32, #tpu.memory_space<vmem>>) target(%dma_start3A_29 : memref<65536xi32, #tpu.memory_space<vmem_shared>>) offsets(%dma_start3A_27 : memref<128xi32, #tpu.memory_space<vmem>>) semaphore(%arg13 : memref<!tpu.dma_semaphore, #tpu.memory_space<semaphore_mem>>)
    %dma_start3A_30 = arith.constant 1 : i32
    %dma_start3A_31 = arith.constant 128 : i32
    %dma_start3A_32 = tpu.memref_slice %arg8[%dma_start3A_31] : memref<4096xf32, #tpu.memory_space<vmem>> -> memref<128xf32, #tpu.memory_space<vmem>>
    %dma_start3A_33 = arith.constant 0 : i32
    %dma_start3A_34 = tpu.memref_slice %arg6[%dma_start3A_30, %dma_start3A_33] : memref<32x128xi32, #tpu.memory_space<vmem>> -> memref<1x128xi32, #tpu.memory_space<vmem>>
    %dma_start3A_35 = tpu.memref_squeeze %dma_start3A_34 : memref<1x128xi32, #tpu.memory_space<vmem>> -> memref<128xi32, #tpu.memory_space<vmem>>
    %dma_start3A_36 = arith.constant 0 : i32
    %dma_start3A_37 = tpu.memref_slice %arg12[%dma_start3A_36] : memref<65536xf32, #tpu.memory_space<vmem_shared>> -> memref<65536xf32, #tpu.memory_space<vmem_shared>>
    tpu.enqueue_indirect_dma source(%dma_start3A_32 : memref<128xf32, #tpu.memory_space<vmem>>) target(%dma_start3A_37 : memref<65536xf32, #tpu.memory_space<vmem_shared>>) offsets(%dma_start3A_35 : memref<128xi32, #tpu.memory_space<vmem>>) semaphore(%arg14 : memref<!tpu.dma_semaphore, #tpu.memory_space<semaphore_mem>>)
    %dma_start3A_38 = arith.constant 2 : i32
    %dma_start3A_39 = arith.constant 256 : i32
    %dma_start3A_40 = tpu.memref_slice %arg7[%dma_start3A_39] : memref<4096xi32, #tpu.memory_space<vmem>> -> memref<128xi32, #tpu.memory_space<vmem>>
    %dma_start3A_41 = arith.constant 0 : i32
    %dma_start3A_42 = tpu.memref_slice %arg6[%dma_start3A_38, %dma_start3A_41] : memref<32x128xi32, #tpu.memory_space<vmem>> -> memref<1x128xi32, #tpu.memory_space<vmem>>
    %dma_start3A_43 = tpu.memref_squeeze %dma_start3A_42 : memref<1x128xi32, #tpu.memory_space<vmem>> -> memref<128xi32, #tpu.memory_space<vmem>>
    %dma_start3A_44 = arith.constant 0 : i32
    %dma_start3A_45 = tpu.memref_slice %arg11[%dma_start3A_44] : memref<65536xi32, #tpu.memory_space<vmem_shared>> -> memref<65536xi32, #tpu.memory_space<vmem_shared>>
    tpu.enqueue_indirect_dma source(%dma_start3A_40 : memref<128xi32, #tpu.memory_space<vmem>>) target(%dma_start3A_45 : memref<65536xi32, #tpu.memory_space<vmem_shared>>) offsets(%dma_start3A_43 : memref<128xi32, #tpu.memory_space<vmem>>) semaphore(%arg13 : memref<!tpu.dma_semaphore, #tpu.memory_space<semaphore_mem>>)
    %dma_start3A_46 = arith.constant 2 : i32
    %dma_start3A_47 = arith.constant 256 : i32
    %dma_start3A_48 = tpu.memref_slice %arg8[%dma_start3A_47] : memref<4096xf32, #tpu.memory_space<vmem>> -> memref<128xf32, #tpu.memory_space<vmem>>
    %dma_start3A_49 = arith.constant 0 : i32
    %dma_start3A_50 = tpu.memref_slice %arg6[%dma_start3A_46, %dma_start3A_49] : memref<32x128xi32, #tpu.memory_space<vmem>> -> memref<1x128xi32, #tpu.memory_space<vmem>>
    %dma_start3A_51 = tpu.memref_squeeze %dma_start3A_50 : memref<1x128xi32, #tpu.memory_space<vmem>> -> memref<128xi32, #tpu.memory_space<vmem>>
    %dma_start3A_52 = arith.constant 0 : i32
    %dma_start3A_53 = tpu.memref_slice %arg12[%dma_start3A_52] : memref<65536xf32, #tpu.memory_space<vmem_shared>> -> memref<65536xf32, #tpu.memory_space<vmem_shared>>
    tpu.enqueue_indirect_dma source(%dma_start3A_48 : memref<128xf32, #tpu.memory_space<vmem>>) target(%dma_start3A_53 : memref<65536xf32, #tpu.memory_space<vmem_shared>>) offsets(%dma_start3A_51 : memref<128xi32, #tpu.memory_space<vmem>>) semaphore(%arg14 : memref<!tpu.dma_semaphore, #tpu.memory_space<semaphore_mem>>)
    %dma_start3A_54 = arith.constant 3 : i32
    %dma_start3A_55 = arith.constant 384 : i32
    %dma_start3A_56 = tpu.memref_slice %arg7[%dma_start3A_55] : memref<4096xi32, #tpu.memory_space<vmem>> -> memref<128xi32, #tpu.memory_space<vmem>>
    %dma_start3A_57 = arith.constant 0 : i32
    %dma_start3A_58 = tpu.memref_slice %arg6[%dma_start3A_54, %dma_start3A_57] : memref<32x128xi32, #tpu.memory_space<vmem>> -> memref<1x128xi32, #tpu.memory_space<vmem>>
    %dma_start3A_59 = tpu.memref_squeeze %dma_start3A_58 : memref<1x128xi32, #tpu.memory_space<vmem>> -> memref<128xi32, #tpu.memory_space<vmem>>
    %dma_start3A_60 = arith.constant 0 : i32
    %dma_start3A_61 = tpu.memref_slice %arg11[%dma_start3A_60] : memref<65536xi32, #tpu.memory_space<vmem_shared>> -> memref<65536xi32, #tpu.memory_space<vmem_shared>>
    tpu.enqueue_indirect_dma source(%dma_start3A_56 : memref<128xi32, #tpu.memory_space<vmem>>) target(%dma_start3A_61 : memref<65536xi32, #tpu.memory_space<vmem_shared>>) offsets(%dma_start3A_59 : memref<128xi32, #tpu.memory_space<vmem>>) semaphore(%arg13 : memref<!tpu.dma_semaphore, #tpu.memory_space<semaphore_mem>>)
    %dma_start3A_62 = arith.constant 3 : i32
    %dma_start3A_63 = arith.constant 384 : i32
    %dma_start3A_64 = tpu.memref_slice %arg8[%dma_start3A_63] : memref<4096xf32, #tpu.memory_space<vmem>> -> memref<128xf32, #tpu.memory_space<vmem>>
    %dma_start3A_65 = arith.constant 0 : i32
    %dma_start3A_66 = tpu.memref_slice %arg6[%dma_start3A_62, %dma_start3A_65] : memref<32x128xi32, #tpu.memory_space<vmem>> -> memref<1x128xi32, #tpu.memory_space<vmem>>
    %dma_start3A_67 = tpu.memref_squeeze %dma_start3A_66 : memref<1x128xi32, #tpu.memory_space<vmem>> -> memref<128xi32, #tpu.memory_space<vmem>>
    %dma_start3A_68 = arith.constant 0 : i32
    %dma_start3A_69 = tpu.memref_slice %arg12[%dma_start3A_68] : memref<65536xf32, #tpu.memory_space<vmem_shared>> -> memref<65536xf32, #tpu.memory_space<vmem_shared>>
    tpu.enqueue_indirect_dma source(%dma_start3A_64 : memref<128xf32, #tpu.memory_space<vmem>>) target(%dma_start3A_69 : memref<65536xf32, #tpu.memory_space<vmem_shared>>) offsets(%dma_start3A_67 : memref<128xi32, #tpu.memory_space<vmem>>) semaphore(%arg14 : memref<!tpu.dma_semaphore, #tpu.memory_space<semaphore_mem>>)
    %dma_start3A_70 = arith.constant 4 : i32
    %dma_start3A_71 = arith.constant 512 : i32
    %dma_start3A_72 = tpu.memref_slice %arg7[%dma_start3A_71] : memref<4096xi32, #tpu.memory_space<vmem>> -> memref<128xi32, #tpu.memory_space<vmem>>
    %dma_start3A_73 = arith.constant 0 : i32
    %dma_start3A_74 = tpu.memref_slice %arg6[%dma_start3A_70, %dma_start3A_73] : memref<32x128xi32, #tpu.memory_space<vmem>> -> memref<1x128xi32, #tpu.memory_space<vmem>>
    %dma_start3A_75 = tpu.memref_squeeze %dma_start3A_74 : memref<1x128xi32, #tpu.memory_space<vmem>> -> memref<128xi32, #tpu.memory_space<vmem>>
    %dma_start3A_76 = arith.constant 0 : i32
    %dma_start3A_77 = tpu.memref_slice %arg11[%dma_start3A_76] : memref<65536xi32, #tpu.memory_space<vmem_shared>> -> memref<65536xi32, #tpu.memory_space<vmem_shared>>
    tpu.enqueue_indirect_dma source(%dma_start3A_72 : memref<128xi32, #tpu.memory_space<vmem>>) target(%dma_start3A_77 : memref<65536xi32, #tpu.memory_space<vmem_shared>>) offsets(%dma_start3A_75 : memref<128xi32, #tpu.memory_space<vmem>>) semaphore(%arg13 : memref<!tpu.dma_semaphore, #tpu.memory_space<semaphore_mem>>)
    %dma_start3A_78 = arith.constant 4 : i32
    %dma_start3A_79 = arith.constant 512 : i32
    %dma_start3A_80 = tpu.memref_slice %arg8[%dma_start3A_79] : memref<4096xf32, #tpu.memory_space<vmem>> -> memref<128xf32, #tpu.memory_space<vmem>>
    %dma_start3A_81 = arith.constant 0 : i32
    %dma_start3A_82 = tpu.memref_slice %arg6[%dma_start3A_78, %dma_start3A_81] : memref<32x128xi32, #tpu.memory_space<vmem>> -> memref<1x128xi32, #tpu.memory_space<vmem>>
    %dma_start3A_83 = tpu.memref_squeeze %dma_start3A_82 : memref<1x128xi32, #tpu.memory_space<vmem>> -> memref<128xi32, #tpu.memory_space<vmem>>
    %dma_start3A_84 = arith.constant 0 : i32
    %dma_start3A_85 = tpu.memref_slice %arg12[%dma_start3A_84] : memref<65536xf32, #tpu.memory_space<vmem_shared>> -> memref<65536xf32, #tpu.memory_space<vmem_shared>>
    tpu.enqueue_indirect_dma source(%dma_start3A_80 : memref<128xf32, #tpu.memory_space<vmem>>) target(%dma_start3A_85 : memref<65536xf32, #tpu.memory_space<vmem_shared>>) offsets(%dma_start3A_83 : memref<128xi32, #tpu.memory_space<vmem>>) semaphore(%arg14 : memref<!tpu.dma_semaphore, #tpu.memory_space<semaphore_mem>>)
    %dma_start3A_86 = arith.constant 5 : i32
    %dma_start3A_87 = arith.constant 640 : i32
    %dma_start3A_88 = tpu.memref_slice %arg7[%dma_start3A_87] : memref<4096xi32, #tpu.memory_space<vmem>> -> memref<128xi32, #tpu.memory_space<vmem>>
    %dma_start3A_89 = arith.constant 0 : i32
    %dma_start3A_90 = tpu.memref_slice %arg6[%dma_start3A_86, %dma_start3A_89] : memref<32x128xi32, #tpu.memory_space<vmem>> -> memref<1x128xi32, #tpu.memory_space<vmem>>
    %dma_start3A_91 = tpu.memref_squeeze %dma_start3A_90 : memref<1x128xi32, #tpu.memory_space<vmem>> -> memref<128xi32, #tpu.memory_space<vmem>>
    %dma_start3A_92 = arith.constant 0 : i32
    %dma_start3A_93 = tpu.memref_slice %arg11[%dma_start3A_92] : memref<65536xi32, #tpu.memory_space<vmem_shared>> -> memref<65536xi32, #tpu.memory_space<vmem_shared>>
    tpu.enqueue_indirect_dma source(%dma_start3A_88 : memref<128xi32, #tpu.memory_space<vmem>>) target(%dma_start3A_93 : memref<65536xi32, #tpu.memory_space<vmem_shared>>) offsets(%dma_start3A_91 : memref<128xi32, #tpu.memory_space<vmem>>) semaphore(%arg13 : memref<!tpu.dma_semaphore, #tpu.memory_space<semaphore_mem>>)
    %dma_start3A_94 = arith.constant 5 : i32
    %dma_start3A_95 = arith.constant 640 : i32
    %dma_start3A_96 = tpu.memref_slice %arg8[%dma_start3A_95] : memref<4096xf32, #tpu.memory_space<vmem>> -> memref<128xf32, #tpu.memory_space<vmem>>
    %dma_start3A_97 = arith.constant 0 : i32
    %dma_start3A_98 = tpu.memref_slice %arg6[%dma_start3A_94, %dma_start3A_97] : memref<32x128xi32, #tpu.memory_space<vmem>> -> memref<1x128xi32, #tpu.memory_space<vmem>>
    %dma_start3A_99 = tpu.memref_squeeze %dma_start3A_98 : memref<1x128xi32, #tpu.memory_space<vmem>> -> memref<128xi32, #tpu.memory_space<vmem>>
    %dma_start3A_100 = arith.constant 0 : i32
    %dma_start3A_101 = tpu.memref_slice %arg12[%dma_start3A_100] : memref<65536xf32, #tpu.memory_space<vmem_shared>> -> memref<65536xf32, #tpu.memory_space<vmem_shared>>
    tpu.enqueue_indirect_dma source(%dma_start3A_96 : memref<128xf32, #tpu.memory_space<vmem>>) target(%dma_start3A_101 : memref<65536xf32, #tpu.memory_space<vmem_shared>>) offsets(%dma_start3A_99 : memref<128xi32, #tpu.memory_space<vmem>>) semaphore(%arg14 : memref<!tpu.dma_semaphore, #tpu.memory_space<semaphore_mem>>)
    %dma_start3A_102 = arith.constant 6 : i32
    %dma_start3A_103 = arith.constant 768 : i32
    %dma_start3A_104 = tpu.memref_slice %arg7[%dma_start3A_103] : memref<4096xi32, #tpu.memory_space<vmem>> -> memref<128xi32, #tpu.memory_space<vmem>>
    %dma_start3A_105 = arith.constant 0 : i32
    %dma_start3A_106 = tpu.memref_slice %arg6[%dma_start3A_102, %dma_start3A_105] : memref<32x128xi32, #tpu.memory_space<vmem>> -> memref<1x128xi32, #tpu.memory_space<vmem>>
    %dma_start3A_107 = tpu.memref_squeeze %dma_start3A_106 : memref<1x128xi32, #tpu.memory_space<vmem>> -> memref<128xi32, #tpu.memory_space<vmem>>
    %dma_start3A_108 = arith.constant 0 : i32
    %dma_start3A_109 = tpu.memref_slice %arg11[%dma_start3A_108] : memref<65536xi32, #tpu.memory_space<vmem_shared>> -> memref<65536xi32, #tpu.memory_space<vmem_shared>>
    tpu.enqueue_indirect_dma source(%dma_start3A_104 : memref<128xi32, #tpu.memory_space<vmem>>) target(%dma_start3A_109 : memref<65536xi32, #tpu.memory_space<vmem_shared>>) offsets(%dma_start3A_107 : memref<128xi32, #tpu.memory_space<vmem>>) semaphore(%arg13 : memref<!tpu.dma_semaphore, #tpu.memory_space<semaphore_mem>>)
    %dma_start3A_110 = arith.constant 6 : i32
    %dma_start3A_111 = arith.constant 768 : i32
    %dma_start3A_112 = tpu.memref_slice %arg8[%dma_start3A_111] : memref<4096xf32, #tpu.memory_space<vmem>> -> memref<128xf32, #tpu.memory_space<vmem>>
    %dma_start3A_113 = arith.constant 0 : i32
    %dma_start3A_114 = tpu.memref_slice %arg6[%dma_start3A_110, %dma_start3A_113] : memref<32x128xi32, #tpu.memory_space<vmem>> -> memref<1x128xi32, #tpu.memory_space<vmem>>
    %dma_start3A_115 = tpu.memref_squeeze %dma_start3A_114 : memref<1x128xi32, #tpu.memory_space<vmem>> -> memref<128xi32, #tpu.memory_space<vmem>>
    %dma_start3A_116 = arith.constant 0 : i32
    %dma_start3A_117 = tpu.memref_slice %arg12[%dma_start3A_116] : memref<65536xf32, #tpu.memory_space<vmem_shared>> -> memref<65536xf32, #tpu.memory_space<vmem_shared>>
    tpu.enqueue_indirect_dma source(%dma_start3A_112 : memref<128xf32, #tpu.memory_space<vmem>>) target(%dma_start3A_117 : memref<65536xf32, #tpu.memory_space<vmem_shared>>) offsets(%dma_start3A_115 : memref<128xi32, #tpu.memory_space<vmem>>) semaphore(%arg14 : memref<!tpu.dma_semaphore, #tpu.memory_space<semaphore_mem>>)
    %dma_start3A_118 = arith.constant 7 : i32
    %dma_start3A_119 = arith.constant 896 : i32
    %dma_start3A_120 = tpu.memref_slice %arg7[%dma_start3A_119] : memref<4096xi32, #tpu.memory_space<vmem>> -> memref<128xi32, #tpu.memory_space<vmem>>
    %dma_start3A_121 = arith.constant 0 : i32
    %dma_start3A_122 = tpu.memref_slice %arg6[%dma_start3A_118, %dma_start3A_121] : memref<32x128xi32, #tpu.memory_space<vmem>> -> memref<1x128xi32, #tpu.memory_space<vmem>>
    %dma_start3A_123 = tpu.memref_squeeze %dma_start3A_122 : memref<1x128xi32, #tpu.memory_space<vmem>> -> memref<128xi32, #tpu.memory_space<vmem>>
    %dma_start3A_124 = arith.constant 0 : i32
    %dma_start3A_125 = tpu.memref_slice %arg11[%dma_start3A_124] : memref<65536xi32, #tpu.memory_space<vmem_shared>> -> memref<65536xi32, #tpu.memory_space<vmem_shared>>
    tpu.enqueue_indirect_dma source(%dma_start3A_120 : memref<128xi32, #tpu.memory_space<vmem>>) target(%dma_start3A_125 : memref<65536xi32, #tpu.memory_space<vmem_shared>>) offsets(%dma_start3A_123 : memref<128xi32, #tpu.memory_space<vmem>>) semaphore(%arg13 : memref<!tpu.dma_semaphore, #tpu.memory_space<semaphore_mem>>)
    %dma_start3A_126 = arith.constant 7 : i32
    %dma_start3A_127 = arith.constant 896 : i32
    %dma_start3A_128 = tpu.memref_slice %arg8[%dma_start3A_127] : memref<4096xf32, #tpu.memory_space<vmem>> -> memref<128xf32, #tpu.memory_space<vmem>>
    %dma_start3A_129 = arith.constant 0 : i32
    %dma_start3A_130 = tpu.memref_slice %arg6[%dma_start3A_126, %dma_start3A_129] : memref<32x128xi32, #tpu.memory_space<vmem>> -> memref<1x128xi32, #tpu.memory_space<vmem>>
    %dma_start3A_131 = tpu.memref_squeeze %dma_start3A_130 : memref<1x128xi32, #tpu.memory_space<vmem>> -> memref<128xi32, #tpu.memory_space<vmem>>
    %dma_start3A_132 = arith.constant 0 : i32
    %dma_start3A_133 = tpu.memref_slice %arg12[%dma_start3A_132] : memref<65536xf32, #tpu.memory_space<vmem_shared>> -> memref<65536xf32, #tpu.memory_space<vmem_shared>>
    tpu.enqueue_indirect_dma source(%dma_start3A_128 : memref<128xf32, #tpu.memory_space<vmem>>) target(%dma_start3A_133 : memref<65536xf32, #tpu.memory_space<vmem_shared>>) offsets(%dma_start3A_131 : memref<128xi32, #tpu.memory_space<vmem>>) semaphore(%arg14 : memref<!tpu.dma_semaphore, #tpu.memory_space<semaphore_mem>>)
    %dma_start3A_134 = arith.constant 8 : i32
    %dma_start3A_135 = arith.constant 1024 : i32
    %dma_start3A_136 = tpu.memref_slice %arg7[%dma_start3A_135] : memref<4096xi32, #tpu.memory_space<vmem>> -> memref<128xi32, #tpu.memory_space<vmem>>
    %dma_start3A_137 = arith.constant 0 : i32
    %dma_start3A_138 = tpu.memref_slice %arg6[%dma_start3A_134, %dma_start3A_137] : memref<32x128xi32, #tpu.memory_space<vmem>> -> memref<1x128xi32, #tpu.memory_space<vmem>>
    %dma_start3A_139 = tpu.memref_squeeze %dma_start3A_138 : memref<1x128xi32, #tpu.memory_space<vmem>> -> memref<128xi32, #tpu.memory_space<vmem>>
    %dma_start3A_140 = arith.constant 0 : i32
    %dma_start3A_141 = tpu.memref_slice %arg11[%dma_start3A_140] : memref<65536xi32, #tpu.memory_space<vmem_shared>> -> memref<65536xi32, #tpu.memory_space<vmem_shared>>
    tpu.enqueue_indirect_dma source(%dma_start3A_136 : memref<128xi32, #tpu.memory_space<vmem>>) target(%dma_start3A_141 : memref<65536xi32, #tpu.memory_space<vmem_shared>>) offsets(%dma_start3A_139 : memref<128xi32, #tpu.memory_space<vmem>>) semaphore(%arg13 : memref<!tpu.dma_semaphore, #tpu.memory_space<semaphore_mem>>)
    %dma_start3A_142 = arith.constant 8 : i32
    %dma_start3A_143 = arith.constant 1024 : i32
    %dma_start3A_144 = tpu.memref_slice %arg8[%dma_start3A_143] : memref<4096xf32, #tpu.memory_space<vmem>> -> memref<128xf32, #tpu.memory_space<vmem>>
    %dma_start3A_145 = arith.constant 0 : i32
    %dma_start3A_146 = tpu.memref_slice %arg6[%dma_start3A_142, %dma_start3A_145] : memref<32x128xi32, #tpu.memory_space<vmem>> -> memref<1x128xi32, #tpu.memory_space<vmem>>
    %dma_start3A_147 = tpu.memref_squeeze %dma_start3A_146 : memref<1x128xi32, #tpu.memory_space<vmem>> -> memref<128xi32, #tpu.memory_space<vmem>>
    %dma_start3A_148 = arith.constant 0 : i32
    %dma_start3A_149 = tpu.memref_slice %arg12[%dma_start3A_148] : memref<65536xf32, #tpu.memory_space<vmem_shared>> -> memref<65536xf32, #tpu.memory_space<vmem_shared>>
    tpu.enqueue_indirect_dma source(%dma_start3A_144 : memref<128xf32, #tpu.memory_space<vmem>>) target(%dma_start3A_149 : memref<65536xf32, #tpu.memory_space<vmem_shared>>) offsets(%dma_start3A_147 : memref<128xi32, #tpu.memory_space<vmem>>) semaphore(%arg14 : memref<!tpu.dma_semaphore, #tpu.memory_space<semaphore_mem>>)
    %dma_start3A_150 = arith.constant 9 : i32
    %dma_start3A_151 = arith.constant 1152 : i32
    %dma_start3A_152 = tpu.memref_slice %arg7[%dma_start3A_151] : memref<4096xi32, #tpu.memory_space<vmem>> -> memref<128xi32, #tpu.memory_space<vmem>>
    %dma_start3A_153 = arith.constant 0 : i32
    %dma_start3A_154 = tpu.memref_slice %arg6[%dma_start3A_150, %dma_start3A_153] : memref<32x128xi32, #tpu.memory_space<vmem>> -> memref<1x128xi32, #tpu.memory_space<vmem>>
    %dma_start3A_155 = tpu.memref_squeeze %dma_start3A_154 : memref<1x128xi32, #tpu.memory_space<vmem>> -> memref<128xi32, #tpu.memory_space<vmem>>
    %dma_start3A_156 = arith.constant 0 : i32
    %dma_start3A_157 = tpu.memref_slice %arg11[%dma_start3A_156] : memref<65536xi32, #tpu.memory_space<vmem_shared>> -> memref<65536xi32, #tpu.memory_space<vmem_shared>>
    tpu.enqueue_indirect_dma source(%dma_start3A_152 : memref<128xi32, #tpu.memory_space<vmem>>) target(%dma_start3A_157 : memref<65536xi32, #tpu.memory_space<vmem_shared>>) offsets(%dma_start3A_155 : memref<128xi32, #tpu.memory_space<vmem>>) semaphore(%arg13 : memref<!tpu.dma_semaphore, #tpu.memory_space<semaphore_mem>>)
    %dma_start3A_158 = arith.constant 9 : i32
    %dma_start3A_159 = arith.constant 1152 : i32
    %dma_start3A_160 = tpu.memref_slice %arg8[%dma_start3A_159] : memref<4096xf32, #tpu.memory_space<vmem>> -> memref<128xf32, #tpu.memory_space<vmem>>
    %dma_start3A_161 = arith.constant 0 : i32
    %dma_start3A_162 = tpu.memref_slice %arg6[%dma_start3A_158, %dma_start3A_161] : memref<32x128xi32, #tpu.memory_space<vmem>> -> memref<1x128xi32, #tpu.memory_space<vmem>>
    %dma_start3A_163 = tpu.memref_squeeze %dma_start3A_162 : memref<1x128xi32, #tpu.memory_space<vmem>> -> memref<128xi32, #tpu.memory_space<vmem>>
    %dma_start3A_164 = arith.constant 0 : i32
    %dma_start3A_165 = tpu.memref_slice %arg12[%dma_start3A_164] : memref<65536xf32, #tpu.memory_space<vmem_shared>> -> memref<65536xf32, #tpu.memory_space<vmem_shared>>
    tpu.enqueue_indirect_dma source(%dma_start3A_160 : memref<128xf32, #tpu.memory_space<vmem>>) target(%dma_start3A_165 : memref<65536xf32, #tpu.memory_space<vmem_shared>>) offsets(%dma_start3A_163 : memref<128xi32, #tpu.memory_space<vmem>>) semaphore(%arg14 : memref<!tpu.dma_semaphore, #tpu.memory_space<semaphore_mem>>)
    %dma_start3A_166 = arith.constant 10 : i32
    %dma_start3A_167 = arith.constant 1280 : i32
    %dma_start3A_168 = tpu.memref_slice %arg7[%dma_start3A_167] : memref<4096xi32, #tpu.memory_space<vmem>> -> memref<128xi32, #tpu.memory_space<vmem>>
    %dma_start3A_169 = arith.constant 0 : i32
    %dma_start3A_170 = tpu.memref_slice %arg6[%dma_start3A_166, %dma_start3A_169] : memref<32x128xi32, #tpu.memory_space<vmem>> -> memref<1x128xi32, #tpu.memory_space<vmem>>
    %dma_start3A_171 = tpu.memref_squeeze %dma_start3A_170 : memref<1x128xi32, #tpu.memory_space<vmem>> -> memref<128xi32, #tpu.memory_space<vmem>>
    %dma_start3A_172 = arith.constant 0 : i32
    %dma_start3A_173 = tpu.memref_slice %arg11[%dma_start3A_172] : memref<65536xi32, #tpu.memory_space<vmem_shared>> -> memref<65536xi32, #tpu.memory_space<vmem_shared>>
    tpu.enqueue_indirect_dma source(%dma_start3A_168 : memref<128xi32, #tpu.memory_space<vmem>>) target(%dma_start3A_173 : memref<65536xi32, #tpu.memory_space<vmem_shared>>) offsets(%dma_start3A_171 : memref<128xi32, #tpu.memory_space<vmem>>) semaphore(%arg13 : memref<!tpu.dma_semaphore, #tpu.memory_space<semaphore_mem>>)
    %dma_start3A_174 = arith.constant 10 : i32
    %dma_start3A_175 = arith.constant 1280 : i32
    %dma_start3A_176 = tpu.memref_slice %arg8[%dma_start3A_175] : memref<4096xf32, #tpu.memory_space<vmem>> -> memref<128xf32, #tpu.memory_space<vmem>>
    %dma_start3A_177 = arith.constant 0 : i32
    %dma_start3A_178 = tpu.memref_slice %arg6[%dma_start3A_174, %dma_start3A_177] : memref<32x128xi32, #tpu.memory_space<vmem>> -> memref<1x128xi32, #tpu.memory_space<vmem>>
    %dma_start3A_179 = tpu.memref_squeeze %dma_start3A_178 : memref<1x128xi32, #tpu.memory_space<vmem>> -> memref<128xi32, #tpu.memory_space<vmem>>
    %dma_start3A_180 = arith.constant 0 : i32
    %dma_start3A_181 = tpu.memref_slice %arg12[%dma_start3A_180] : memref<65536xf32, #tpu.memory_space<vmem_shared>> -> memref<65536xf32, #tpu.memory_space<vmem_shared>>
    tpu.enqueue_indirect_dma source(%dma_start3A_176 : memref<128xf32, #tpu.memory_space<vmem>>) target(%dma_start3A_181 : memref<65536xf32, #tpu.memory_space<vmem_shared>>) offsets(%dma_start3A_179 : memref<128xi32, #tpu.memory_space<vmem>>) semaphore(%arg14 : memref<!tpu.dma_semaphore, #tpu.memory_space<semaphore_mem>>)
    %dma_start3A_182 = arith.constant 11 : i32
    %dma_start3A_183 = arith.constant 1408 : i32
    %dma_start3A_184 = tpu.memref_slice %arg7[%dma_start3A_183] : memref<4096xi32, #tpu.memory_space<vmem>> -> memref<128xi32, #tpu.memory_space<vmem>>
    %dma_start3A_185 = arith.constant 0 : i32
    %dma_start3A_186 = tpu.memref_slice %arg6[%dma_start3A_182, %dma_start3A_185] : memref<32x128xi32, #tpu.memory_space<vmem>> -> memref<1x128xi32, #tpu.memory_space<vmem>>
    %dma_start3A_187 = tpu.memref_squeeze %dma_start3A_186 : memref<1x128xi32, #tpu.memory_space<vmem>> -> memref<128xi32, #tpu.memory_space<vmem>>
    %dma_start3A_188 = arith.constant 0 : i32
    %dma_start3A_189 = tpu.memref_slice %arg11[%dma_start3A_188] : memref<65536xi32, #tpu.memory_space<vmem_shared>> -> memref<65536xi32, #tpu.memory_space<vmem_shared>>
    tpu.enqueue_indirect_dma source(%dma_start3A_184 : memref<128xi32, #tpu.memory_space<vmem>>) target(%dma_start3A_189 : memref<65536xi32, #tpu.memory_space<vmem_shared>>) offsets(%dma_start3A_187 : memref<128xi32, #tpu.memory_space<vmem>>) semaphore(%arg13 : memref<!tpu.dma_semaphore, #tpu.memory_space<semaphore_mem>>)
    %dma_start3A_190 = arith.constant 11 : i32
    %dma_start3A_191 = arith.constant 1408 : i32
    %dma_start3A_192 = tpu.memref_slice %arg8[%dma_start3A_191] : memref<4096xf32, #tpu.memory_space<vmem>> -> memref<128xf32, #tpu.memory_space<vmem>>
    %dma_start3A_193 = arith.constant 0 : i32
    %dma_start3A_194 = tpu.memref_slice %arg6[%dma_start3A_190, %dma_start3A_193] : memref<32x128xi32, #tpu.memory_space<vmem>> -> memref<1x128xi32, #tpu.memory_space<vmem>>
    %dma_start3A_195 = tpu.memref_squeeze %dma_start3A_194 : memref<1x128xi32, #tpu.memory_space<vmem>> -> memref<128xi32, #tpu.memory_space<vmem>>
    %dma_start3A_196 = arith.constant 0 : i32
    %dma_start3A_197 = tpu.memref_slice %arg12[%dma_start3A_196] : memref<65536xf32, #tpu.memory_space<vmem_shared>> -> memref<65536xf32, #tpu.memory_space<vmem_shared>>
    tpu.enqueue_indirect_dma source(%dma_start3A_192 : memref<128xf32, #tpu.memory_space<vmem>>) target(%dma_start3A_197 : memref<65536xf32, #tpu.memory_space<vmem_shared>>) offsets(%dma_start3A_195 : memref<128xi32, #tpu.memory_space<vmem>>) semaphore(%arg14 : memref<!tpu.dma_semaphore, #tpu.memory_space<semaphore_mem>>)
    %dma_start3A_198 = arith.constant 12 : i32
    %dma_start3A_199 = arith.constant 1536 : i32
    %dma_start3A_200 = tpu.memref_slice %arg7[%dma_start3A_199] : memref<4096xi32, #tpu.memory_space<vmem>> -> memref<128xi32, #tpu.memory_space<vmem>>
    %dma_start3A_201 = arith.constant 0 : i32
    %dma_start3A_202 = tpu.memref_slice %arg6[%dma_start3A_198, %dma_start3A_201] : memref<32x128xi32, #tpu.memory_space<vmem>> -> memref<1x128xi32, #tpu.memory_space<vmem>>
    %dma_start3A_203 = tpu.memref_squeeze %dma_start3A_202 : memref<1x128xi32, #tpu.memory_space<vmem>> -> memref<128xi32, #tpu.memory_space<vmem>>
    %dma_start3A_204 = arith.constant 0 : i32
    %dma_start3A_205 = tpu.memref_slice %arg11[%dma_start3A_204] : memref<65536xi32, #tpu.memory_space<vmem_shared>> -> memref<65536xi32, #tpu.memory_space<vmem_shared>>
    tpu.enqueue_indirect_dma source(%dma_start3A_200 : memref<128xi32, #tpu.memory_space<vmem>>) target(%dma_start3A_205 : memref<65536xi32, #tpu.memory_space<vmem_shared>>) offsets(%dma_start3A_203 : memref<128xi32, #tpu.memory_space<vmem>>) semaphore(%arg13 : memref<!tpu.dma_semaphore, #tpu.memory_space<semaphore_mem>>)
    %dma_start3A_206 = arith.constant 12 : i32
    %dma_start3A_207 = arith.constant 1536 : i32
    %dma_start3A_208 = tpu.memref_slice %arg8[%dma_start3A_207] : memref<4096xf32, #tpu.memory_space<vmem>> -> memref<128xf32, #tpu.memory_space<vmem>>
    %dma_start3A_209 = arith.constant 0 : i32
    %dma_start3A_210 = tpu.memref_slice %arg6[%dma_start3A_206, %dma_start3A_209] : memref<32x128xi32, #tpu.memory_space<vmem>> -> memref<1x128xi32, #tpu.memory_space<vmem>>
    %dma_start3A_211 = tpu.memref_squeeze %dma_start3A_210 : memref<1x128xi32, #tpu.memory_space<vmem>> -> memref<128xi32, #tpu.memory_space<vmem>>
    %dma_start3A_212 = arith.constant 0 : i32
    %dma_start3A_213 = tpu.memref_slice %arg12[%dma_start3A_212] : memref<65536xf32, #tpu.memory_space<vmem_shared>> -> memref<65536xf32, #tpu.memory_space<vmem_shared>>
    tpu.enqueue_indirect_dma source(%dma_start3A_208 : memref<128xf32, #tpu.memory_space<vmem>>) target(%dma_start3A_213 : memref<65536xf32, #tpu.memory_space<vmem_shared>>) offsets(%dma_start3A_211 : memref<128xi32, #tpu.memory_space<vmem>>) semaphore(%arg14 : memref<!tpu.dma_semaphore, #tpu.memory_space<semaphore_mem>>)
    %dma_start3A_214 = arith.constant 13 : i32
    %dma_start3A_215 = arith.constant 1664 : i32
    %dma_start3A_216 = tpu.memref_slice %arg7[%dma_start3A_215] : memref<4096xi32, #tpu.memory_space<vmem>> -> memref<128xi32, #tpu.memory_space<vmem>>
    %dma_start3A_217 = arith.constant 0 : i32
    %dma_start3A_218 = tpu.memref_slice %arg6[%dma_start3A_214, %dma_start3A_217] : memref<32x128xi32, #tpu.memory_space<vmem>> -> memref<1x128xi32, #tpu.memory_space<vmem>>
    %dma_start3A_219 = tpu.memref_squeeze %dma_start3A_218 : memref<1x128xi32, #tpu.memory_space<vmem>> -> memref<128xi32, #tpu.memory_space<vmem>>
    %dma_start3A_220 = arith.constant 0 : i32
    %dma_start3A_221 = tpu.memref_slice %arg11[%dma_start3A_220] : memref<65536xi32, #tpu.memory_space<vmem_shared>> -> memref<65536xi32, #tpu.memory_space<vmem_shared>>
    tpu.enqueue_indirect_dma source(%dma_start3A_216 : memref<128xi32, #tpu.memory_space<vmem>>) target(%dma_start3A_221 : memref<65536xi32, #tpu.memory_space<vmem_shared>>) offsets(%dma_start3A_219 : memref<128xi32, #tpu.memory_space<vmem>>) semaphore(%arg13 : memref<!tpu.dma_semaphore, #tpu.memory_space<semaphore_mem>>)
    %dma_start3A_222 = arith.constant 13 : i32
    %dma_start3A_223 = arith.constant 1664 : i32
    %dma_start3A_224 = tpu.memref_slice %arg8[%dma_start3A_223] : memref<4096xf32, #tpu.memory_space<vmem>> -> memref<128xf32, #tpu.memory_space<vmem>>
    %dma_start3A_225 = arith.constant 0 : i32
    %dma_start3A_226 = tpu.memref_slice %arg6[%dma_start3A_222, %dma_start3A_225] : memref<32x128xi32, #tpu.memory_space<vmem>> -> memref<1x128xi32, #tpu.memory_space<vmem>>
    %dma_start3A_227 = tpu.memref_squeeze %dma_start3A_226 : memref<1x128xi32, #tpu.memory_space<vmem>> -> memref<128xi32, #tpu.memory_space<vmem>>
    %dma_start3A_228 = arith.constant 0 : i32
    %dma_start3A_229 = tpu.memref_slice %arg12[%dma_start3A_228] : memref<65536xf32, #tpu.memory_space<vmem_shared>> -> memref<65536xf32, #tpu.memory_space<vmem_shared>>
    tpu.enqueue_indirect_dma source(%dma_start3A_224 : memref<128xf32, #tpu.memory_space<vmem>>) target(%dma_start3A_229 : memref<65536xf32, #tpu.memory_space<vmem_shared>>) offsets(%dma_start3A_227 : memref<128xi32, #tpu.memory_space<vmem>>) semaphore(%arg14 : memref<!tpu.dma_semaphore, #tpu.memory_space<semaphore_mem>>)
    %dma_start3A_230 = arith.constant 14 : i32
    %dma_start3A_231 = arith.constant 1792 : i32
    %dma_start3A_232 = tpu.memref_slice %arg7[%dma_start3A_231] : memref<4096xi32, #tpu.memory_space<vmem>> -> memref<128xi32, #tpu.memory_space<vmem>>
    %dma_start3A_233 = arith.constant 0 : i32
    %dma_start3A_234 = tpu.memref_slice %arg6[%dma_start3A_230, %dma_start3A_233] : memref<32x128xi32, #tpu.memory_space<vmem>> -> memref<1x128xi32, #tpu.memory_space<vmem>>
    %dma_start3A_235 = tpu.memref_squeeze %dma_start3A_234 : memref<1x128xi32, #tpu.memory_space<vmem>> -> memref<128xi32, #tpu.memory_space<vmem>>
    %dma_start3A_236 = arith.constant 0 : i32
    %dma_start3A_237 = tpu.memref_slice %arg11[%dma_start3A_236] : memref<65536xi32, #tpu.memory_space<vmem_shared>> -> memref<65536xi32, #tpu.memory_space<vmem_shared>>
    tpu.enqueue_indirect_dma source(%dma_start3A_232 : memref<128xi32, #tpu.memory_space<vmem>>) target(%dma_start3A_237 : memref<65536xi32, #tpu.memory_space<vmem_shared>>) offsets(%dma_start3A_235 : memref<128xi32, #tpu.memory_space<vmem>>) semaphore(%arg13 : memref<!tpu.dma_semaphore, #tpu.memory_space<semaphore_mem>>)
    %dma_start3A_238 = arith.constant 14 : i32
    %dma_start3A_239 = arith.constant 1792 : i32
    %dma_start3A_240 = tpu.memref_slice %arg8[%dma_start3A_239] : memref<4096xf32, #tpu.memory_space<vmem>> -> memref<128xf32, #tpu.memory_space<vmem>>
    %dma_start3A_241 = arith.constant 0 : i32
    %dma_start3A_242 = tpu.memref_slice %arg6[%dma_start3A_238, %dma_start3A_241] : memref<32x128xi32, #tpu.memory_space<vmem>> -> memref<1x128xi32, #tpu.memory_space<vmem>>
    %dma_start3A_243 = tpu.memref_squeeze %dma_start3A_242 : memref<1x128xi32, #tpu.memory_space<vmem>> -> memref<128xi32, #tpu.memory_space<vmem>>
    %dma_start3A_244 = arith.constant 0 : i32
    %dma_start3A_245 = tpu.memref_slice %arg12[%dma_start3A_244] : memref<65536xf32, #tpu.memory_space<vmem_shared>> -> memref<65536xf32, #tpu.memory_space<vmem_shared>>
    tpu.enqueue_indirect_dma source(%dma_start3A_240 : memref<128xf32, #tpu.memory_space<vmem>>) target(%dma_start3A_245 : memref<65536xf32, #tpu.memory_space<vmem_shared>>) offsets(%dma_start3A_243 : memref<128xi32, #tpu.memory_space<vmem>>) semaphore(%arg14 : memref<!tpu.dma_semaphore, #tpu.memory_space<semaphore_mem>>)
    %dma_start3A_246 = arith.constant 15 : i32
    %dma_start3A_247 = arith.constant 1920 : i32
    %dma_start3A_248 = tpu.memref_slice %arg7[%dma_start3A_247] : memref<4096xi32, #tpu.memory_space<vmem>> -> memref<128xi32, #tpu.memory_space<vmem>>
    %dma_start3A_249 = arith.constant 0 : i32
    %dma_start3A_250 = tpu.memref_slice %arg6[%dma_start3A_246, %dma_start3A_249] : memref<32x128xi32, #tpu.memory_space<vmem>> -> memref<1x128xi32, #tpu.memory_space<vmem>>
    %dma_start3A_251 = tpu.memref_squeeze %dma_start3A_250 : memref<1x128xi32, #tpu.memory_space<vmem>> -> memref<128xi32, #tpu.memory_space<vmem>>
    %dma_start3A_252 = arith.constant 0 : i32
    %dma_start3A_253 = tpu.memref_slice %arg11[%dma_start3A_252] : memref<65536xi32, #tpu.memory_space<vmem_shared>> -> memref<65536xi32, #tpu.memory_space<vmem_shared>>
    tpu.enqueue_indirect_dma source(%dma_start3A_248 : memref<128xi32, #tpu.memory_space<vmem>>) target(%dma_start3A_253 : memref<65536xi32, #tpu.memory_space<vmem_shared>>) offsets(%dma_start3A_251 : memref<128xi32, #tpu.memory_space<vmem>>) semaphore(%arg13 : memref<!tpu.dma_semaphore, #tpu.memory_space<semaphore_mem>>)
    %dma_start3A_254 = arith.constant 15 : i32
    %dma_start3A_255 = arith.constant 1920 : i32
    %dma_start3A_256 = tpu.memref_slice %arg8[%dma_start3A_255] : memref<4096xf32, #tpu.memory_space<vmem>> -> memref<128xf32, #tpu.memory_space<vmem>>
    %dma_start3A_257 = arith.constant 0 : i32
    %dma_start3A_258 = tpu.memref_slice %arg6[%dma_start3A_254, %dma_start3A_257] : memref<32x128xi32, #tpu.memory_space<vmem>> -> memref<1x128xi32, #tpu.memory_space<vmem>>
    %dma_start3A_259 = tpu.memref_squeeze %dma_start3A_258 : memref<1x128xi32, #tpu.memory_space<vmem>> -> memref<128xi32, #tpu.memory_space<vmem>>
    %dma_start3A_260 = arith.constant 0 : i32
    %dma_start3A_261 = tpu.memref_slice %arg12[%dma_start3A_260] : memref<65536xf32, #tpu.memory_space<vmem_shared>> -> memref<65536xf32, #tpu.memory_space<vmem_shared>>
    tpu.enqueue_indirect_dma source(%dma_start3A_256 : memref<128xf32, #tpu.memory_space<vmem>>) target(%dma_start3A_261 : memref<65536xf32, #tpu.memory_space<vmem_shared>>) offsets(%dma_start3A_259 : memref<128xi32, #tpu.memory_space<vmem>>) semaphore(%arg14 : memref<!tpu.dma_semaphore, #tpu.memory_space<semaphore_mem>>)
    %dma_start3A_262 = arith.constant 16 : i32
    %dma_start3A_263 = arith.constant 2048 : i32
    %dma_start3A_264 = tpu.memref_slice %arg7[%dma_start3A_263] : memref<4096xi32, #tpu.memory_space<vmem>> -> memref<128xi32, #tpu.memory_space<vmem>>
    %dma_start3A_265 = arith.constant 0 : i32
    %dma_start3A_266 = tpu.memref_slice %arg6[%dma_start3A_262, %dma_start3A_265] : memref<32x128xi32, #tpu.memory_space<vmem>> -> memref<1x128xi32, #tpu.memory_space<vmem>>
    %dma_start3A_267 = tpu.memref_squeeze %dma_start3A_266 : memref<1x128xi32, #tpu.memory_space<vmem>> -> memref<128xi32, #tpu.memory_space<vmem>>
    %dma_start3A_268 = arith.constant 0 : i32
    %dma_start3A_269 = tpu.memref_slice %arg11[%dma_start3A_268] : memref<65536xi32, #tpu.memory_space<vmem_shared>> -> memref<65536xi32, #tpu.memory_space<vmem_shared>>
    tpu.enqueue_indirect_dma source(%dma_start3A_264 : memref<128xi32, #tpu.memory_space<vmem>>) target(%dma_start3A_269 : memref<65536xi32, #tpu.memory_space<vmem_shared>>) offsets(%dma_start3A_267 : memref<128xi32, #tpu.memory_space<vmem>>) semaphore(%arg13 : memref<!tpu.dma_semaphore, #tpu.memory_space<semaphore_mem>>)
    %dma_start3A_270 = arith.constant 16 : i32
    %dma_start3A_271 = arith.constant 2048 : i32
    %dma_start3A_272 = tpu.memref_slice %arg8[%dma_start3A_271] : memref<4096xf32, #tpu.memory_space<vmem>> -> memref<128xf32, #tpu.memory_space<vmem>>
    %dma_start3A_273 = arith.constant 0 : i32
    %dma_start3A_274 = tpu.memref_slice %arg6[%dma_start3A_270, %dma_start3A_273] : memref<32x128xi32, #tpu.memory_space<vmem>> -> memref<1x128xi32, #tpu.memory_space<vmem>>
    %dma_start3A_275 = tpu.memref_squeeze %dma_start3A_274 : memref<1x128xi32, #tpu.memory_space<vmem>> -> memref<128xi32, #tpu.memory_space<vmem>>
    %dma_start3A_276 = arith.constant 0 : i32
    %dma_start3A_277 = tpu.memref_slice %arg12[%dma_start3A_276] : memref<65536xf32, #tpu.memory_space<vmem_shared>> -> memref<65536xf32, #tpu.memory_space<vmem_shared>>
    tpu.enqueue_indirect_dma source(%dma_start3A_272 : memref<128xf32, #tpu.memory_space<vmem>>) target(%dma_start3A_277 : memref<65536xf32, #tpu.memory_space<vmem_shared>>) offsets(%dma_start3A_275 : memref<128xi32, #tpu.memory_space<vmem>>) semaphore(%arg14 : memref<!tpu.dma_semaphore, #tpu.memory_space<semaphore_mem>>)
    %dma_start3A_278 = arith.constant 17 : i32
    %dma_start3A_279 = arith.constant 2176 : i32
    %dma_start3A_280 = tpu.memref_slice %arg7[%dma_start3A_279] : memref<4096xi32, #tpu.memory_space<vmem>> -> memref<128xi32, #tpu.memory_space<vmem>>
    %dma_start3A_281 = arith.constant 0 : i32
    %dma_start3A_282 = tpu.memref_slice %arg6[%dma_start3A_278, %dma_start3A_281] : memref<32x128xi32, #tpu.memory_space<vmem>> -> memref<1x128xi32, #tpu.memory_space<vmem>>
    %dma_start3A_283 = tpu.memref_squeeze %dma_start3A_282 : memref<1x128xi32, #tpu.memory_space<vmem>> -> memref<128xi32, #tpu.memory_space<vmem>>
    %dma_start3A_284 = arith.constant 0 : i32
    %dma_start3A_285 = tpu.memref_slice %arg11[%dma_start3A_284] : memref<65536xi32, #tpu.memory_space<vmem_shared>> -> memref<65536xi32, #tpu.memory_space<vmem_shared>>
    tpu.enqueue_indirect_dma source(%dma_start3A_280 : memref<128xi32, #tpu.memory_space<vmem>>) target(%dma_start3A_285 : memref<65536xi32, #tpu.memory_space<vmem_shared>>) offsets(%dma_start3A_283 : memref<128xi32, #tpu.memory_space<vmem>>) semaphore(%arg13 : memref<!tpu.dma_semaphore, #tpu.memory_space<semaphore_mem>>)
    %dma_start3A_286 = arith.constant 17 : i32
    %dma_start3A_287 = arith.constant 2176 : i32
    %dma_start3A_288 = tpu.memref_slice %arg8[%dma_start3A_287] : memref<4096xf32, #tpu.memory_space<vmem>> -> memref<128xf32, #tpu.memory_space<vmem>>
    %dma_start3A_289 = arith.constant 0 : i32
    %dma_start3A_290 = tpu.memref_slice %arg6[%dma_start3A_286, %dma_start3A_289] : memref<32x128xi32, #tpu.memory_space<vmem>> -> memref<1x128xi32, #tpu.memory_space<vmem>>
    %dma_start3A_291 = tpu.memref_squeeze %dma_start3A_290 : memref<1x128xi32, #tpu.memory_space<vmem>> -> memref<128xi32, #tpu.memory_space<vmem>>
    %dma_start3A_292 = arith.constant 0 : i32
    %dma_start3A_293 = tpu.memref_slice %arg12[%dma_start3A_292] : memref<65536xf32, #tpu.memory_space<vmem_shared>> -> memref<65536xf32, #tpu.memory_space<vmem_shared>>
    tpu.enqueue_indirect_dma source(%dma_start3A_288 : memref<128xf32, #tpu.memory_space<vmem>>) target(%dma_start3A_293 : memref<65536xf32, #tpu.memory_space<vmem_shared>>) offsets(%dma_start3A_291 : memref<128xi32, #tpu.memory_space<vmem>>) semaphore(%arg14 : memref<!tpu.dma_semaphore, #tpu.memory_space<semaphore_mem>>)
    %dma_start3A_294 = arith.constant 18 : i32
    %dma_start3A_295 = arith.constant 2304 : i32
    %dma_start3A_296 = tpu.memref_slice %arg7[%dma_start3A_295] : memref<4096xi32, #tpu.memory_space<vmem>> -> memref<128xi32, #tpu.memory_space<vmem>>
    %dma_start3A_297 = arith.constant 0 : i32
    %dma_start3A_298 = tpu.memref_slice %arg6[%dma_start3A_294, %dma_start3A_297] : memref<32x128xi32, #tpu.memory_space<vmem>> -> memref<1x128xi32, #tpu.memory_space<vmem>>
    %dma_start3A_299 = tpu.memref_squeeze %dma_start3A_298 : memref<1x128xi32, #tpu.memory_space<vmem>> -> memref<128xi32, #tpu.memory_space<vmem>>
    %dma_start3A_300 = arith.constant 0 : i32
    %dma_start3A_301 = tpu.memref_slice %arg11[%dma_start3A_300] : memref<65536xi32, #tpu.memory_space<vmem_shared>> -> memref<65536xi32, #tpu.memory_space<vmem_shared>>
    tpu.enqueue_indirect_dma source(%dma_start3A_296 : memref<128xi32, #tpu.memory_space<vmem>>) target(%dma_start3A_301 : memref<65536xi32, #tpu.memory_space<vmem_shared>>) offsets(%dma_start3A_299 : memref<128xi32, #tpu.memory_space<vmem>>) semaphore(%arg13 : memref<!tpu.dma_semaphore, #tpu.memory_space<semaphore_mem>>)
    %dma_start3A_302 = arith.constant 18 : i32
    %dma_start3A_303 = arith.constant 2304 : i32
    %dma_start3A_304 = tpu.memref_slice %arg8[%dma_start3A_303] : memref<4096xf32, #tpu.memory_space<vmem>> -> memref<128xf32, #tpu.memory_space<vmem>>
    %dma_start3A_305 = arith.constant 0 : i32
    %dma_start3A_306 = tpu.memref_slice %arg6[%dma_start3A_302, %dma_start3A_305] : memref<32x128xi32, #tpu.memory_space<vmem>> -> memref<1x128xi32, #tpu.memory_space<vmem>>
    %dma_start3A_307 = tpu.memref_squeeze %dma_start3A_306 : memref<1x128xi32, #tpu.memory_space<vmem>> -> memref<128xi32, #tpu.memory_space<vmem>>
    %dma_start3A_308 = arith.constant 0 : i32
    %dma_start3A_309 = tpu.memref_slice %arg12[%dma_start3A_308] : memref<65536xf32, #tpu.memory_space<vmem_shared>> -> memref<65536xf32, #tpu.memory_space<vmem_shared>>
    tpu.enqueue_indirect_dma source(%dma_start3A_304 : memref<128xf32, #tpu.memory_space<vmem>>) target(%dma_start3A_309 : memref<65536xf32, #tpu.memory_space<vmem_shared>>) offsets(%dma_start3A_307 : memref<128xi32, #tpu.memory_space<vmem>>) semaphore(%arg14 : memref<!tpu.dma_semaphore, #tpu.memory_space<semaphore_mem>>)
    %dma_start3A_310 = arith.constant 19 : i32
    %dma_start3A_311 = arith.constant 2432 : i32
    %dma_start3A_312 = tpu.memref_slice %arg7[%dma_start3A_311] : memref<4096xi32, #tpu.memory_space<vmem>> -> memref<128xi32, #tpu.memory_space<vmem>>
    %dma_start3A_313 = arith.constant 0 : i32
    %dma_start3A_314 = tpu.memref_slice %arg6[%dma_start3A_310, %dma_start3A_313] : memref<32x128xi32, #tpu.memory_space<vmem>> -> memref<1x128xi32, #tpu.memory_space<vmem>>
    %dma_start3A_315 = tpu.memref_squeeze %dma_start3A_314 : memref<1x128xi32, #tpu.memory_space<vmem>> -> memref<128xi32, #tpu.memory_space<vmem>>
    %dma_start3A_316 = arith.constant 0 : i32
    %dma_start3A_317 = tpu.memref_slice %arg11[%dma_start3A_316] : memref<65536xi32, #tpu.memory_space<vmem_shared>> -> memref<65536xi32, #tpu.memory_space<vmem_shared>>
    tpu.enqueue_indirect_dma source(%dma_start3A_312 : memref<128xi32, #tpu.memory_space<vmem>>) target(%dma_start3A_317 : memref<65536xi32, #tpu.memory_space<vmem_shared>>) offsets(%dma_start3A_315 : memref<128xi32, #tpu.memory_space<vmem>>) semaphore(%arg13 : memref<!tpu.dma_semaphore, #tpu.memory_space<semaphore_mem>>)
    %dma_start3A_318 = arith.constant 19 : i32
    %dma_start3A_319 = arith.constant 2432 : i32
    %dma_start3A_320 = tpu.memref_slice %arg8[%dma_start3A_319] : memref<4096xf32, #tpu.memory_space<vmem>> -> memref<128xf32, #tpu.memory_space<vmem>>
    %dma_start3A_321 = arith.constant 0 : i32
    %dma_start3A_322 = tpu.memref_slice %arg6[%dma_start3A_318, %dma_start3A_321] : memref<32x128xi32, #tpu.memory_space<vmem>> -> memref<1x128xi32, #tpu.memory_space<vmem>>
    %dma_start3A_323 = tpu.memref_squeeze %dma_start3A_322 : memref<1x128xi32, #tpu.memory_space<vmem>> -> memref<128xi32, #tpu.memory_space<vmem>>
    %dma_start3A_324 = arith.constant 0 : i32
    %dma_start3A_325 = tpu.memref_slice %arg12[%dma_start3A_324] : memref<65536xf32, #tpu.memory_space<vmem_shared>> -> memref<65536xf32, #tpu.memory_space<vmem_shared>>
    tpu.enqueue_indirect_dma source(%dma_start3A_320 : memref<128xf32, #tpu.memory_space<vmem>>) target(%dma_start3A_325 : memref<65536xf32, #tpu.memory_space<vmem_shared>>) offsets(%dma_start3A_323 : memref<128xi32, #tpu.memory_space<vmem>>) semaphore(%arg14 : memref<!tpu.dma_semaphore, #tpu.memory_space<semaphore_mem>>)
    %dma_start3A_326 = arith.constant 20 : i32
    %dma_start3A_327 = arith.constant 2560 : i32
    %dma_start3A_328 = tpu.memref_slice %arg7[%dma_start3A_327] : memref<4096xi32, #tpu.memory_space<vmem>> -> memref<128xi32, #tpu.memory_space<vmem>>
    %dma_start3A_329 = arith.constant 0 : i32
    %dma_start3A_330 = tpu.memref_slice %arg6[%dma_start3A_326, %dma_start3A_329] : memref<32x128xi32, #tpu.memory_space<vmem>> -> memref<1x128xi32, #tpu.memory_space<vmem>>
    %dma_start3A_331 = tpu.memref_squeeze %dma_start3A_330 : memref<1x128xi32, #tpu.memory_space<vmem>> -> memref<128xi32, #tpu.memory_space<vmem>>
    %dma_start3A_332 = arith.constant 0 : i32
    %dma_start3A_333 = tpu.memref_slice %arg11[%dma_start3A_332] : memref<65536xi32, #tpu.memory_space<vmem_shared>> -> memref<65536xi32, #tpu.memory_space<vmem_shared>>
    tpu.enqueue_indirect_dma source(%dma_start3A_328 : memref<128xi32, #tpu.memory_space<vmem>>) target(%dma_start3A_333 : memref<65536xi32, #tpu.memory_space<vmem_shared>>) offsets(%dma_start3A_331 : memref<128xi32, #tpu.memory_space<vmem>>) semaphore(%arg13 : memref<!tpu.dma_semaphore, #tpu.memory_space<semaphore_mem>>)
    %dma_start3A_334 = arith.constant 20 : i32
    %dma_start3A_335 = arith.constant 2560 : i32
    %dma_start3A_336 = tpu.memref_slice %arg8[%dma_start3A_335] : memref<4096xf32, #tpu.memory_space<vmem>> -> memref<128xf32, #tpu.memory_space<vmem>>
    %dma_start3A_337 = arith.constant 0 : i32
    %dma_start3A_338 = tpu.memref_slice %arg6[%dma_start3A_334, %dma_start3A_337] : memref<32x128xi32, #tpu.memory_space<vmem>> -> memref<1x128xi32, #tpu.memory_space<vmem>>
    %dma_start3A_339 = tpu.memref_squeeze %dma_start3A_338 : memref<1x128xi32, #tpu.memory_space<vmem>> -> memref<128xi32, #tpu.memory_space<vmem>>
    %dma_start3A_340 = arith.constant 0 : i32
    %dma_start3A_341 = tpu.memref_slice %arg12[%dma_start3A_340] : memref<65536xf32, #tpu.memory_space<vmem_shared>> -> memref<65536xf32, #tpu.memory_space<vmem_shared>>
    tpu.enqueue_indirect_dma source(%dma_start3A_336 : memref<128xf32, #tpu.memory_space<vmem>>) target(%dma_start3A_341 : memref<65536xf32, #tpu.memory_space<vmem_shared>>) offsets(%dma_start3A_339 : memref<128xi32, #tpu.memory_space<vmem>>) semaphore(%arg14 : memref<!tpu.dma_semaphore, #tpu.memory_space<semaphore_mem>>)
    %dma_start3A_342 = arith.constant 21 : i32
    %dma_start3A_343 = arith.constant 2688 : i32
    %dma_start3A_344 = tpu.memref_slice %arg7[%dma_start3A_343] : memref<4096xi32, #tpu.memory_space<vmem>> -> memref<128xi32, #tpu.memory_space<vmem>>
    %dma_start3A_345 = arith.constant 0 : i32
    %dma_start3A_346 = tpu.memref_slice %arg6[%dma_start3A_342, %dma_start3A_345] : memref<32x128xi32, #tpu.memory_space<vmem>> -> memref<1x128xi32, #tpu.memory_space<vmem>>
    %dma_start3A_347 = tpu.memref_squeeze %dma_start3A_346 : memref<1x128xi32, #tpu.memory_space<vmem>> -> memref<128xi32, #tpu.memory_space<vmem>>
    %dma_start3A_348 = arith.constant 0 : i32
    %dma_start3A_349 = tpu.memref_slice %arg11[%dma_start3A_348] : memref<65536xi32, #tpu.memory_space<vmem_shared>> -> memref<65536xi32, #tpu.memory_space<vmem_shared>>
    tpu.enqueue_indirect_dma source(%dma_start3A_344 : memref<128xi32, #tpu.memory_space<vmem>>) target(%dma_start3A_349 : memref<65536xi32, #tpu.memory_space<vmem_shared>>) offsets(%dma_start3A_347 : memref<128xi32, #tpu.memory_space<vmem>>) semaphore(%arg13 : memref<!tpu.dma_semaphore, #tpu.memory_space<semaphore_mem>>)
    %dma_start3A_350 = arith.constant 21 : i32
    %dma_start3A_351 = arith.constant 2688 : i32
    %dma_start3A_352 = tpu.memref_slice %arg8[%dma_start3A_351] : memref<4096xf32, #tpu.memory_space<vmem>> -> memref<128xf32, #tpu.memory_space<vmem>>
    %dma_start3A_353 = arith.constant 0 : i32
    %dma_start3A_354 = tpu.memref_slice %arg6[%dma_start3A_350, %dma_start3A_353] : memref<32x128xi32, #tpu.memory_space<vmem>> -> memref<1x128xi32, #tpu.memory_space<vmem>>
    %dma_start3A_355 = tpu.memref_squeeze %dma_start3A_354 : memref<1x128xi32, #tpu.memory_space<vmem>> -> memref<128xi32, #tpu.memory_space<vmem>>
    %dma_start3A_356 = arith.constant 0 : i32
    %dma_start3A_357 = tpu.memref_slice %arg12[%dma_start3A_356] : memref<65536xf32, #tpu.memory_space<vmem_shared>> -> memref<65536xf32, #tpu.memory_space<vmem_shared>>
    tpu.enqueue_indirect_dma source(%dma_start3A_352 : memref<128xf32, #tpu.memory_space<vmem>>) target(%dma_start3A_357 : memref<65536xf32, #tpu.memory_space<vmem_shared>>) offsets(%dma_start3A_355 : memref<128xi32, #tpu.memory_space<vmem>>) semaphore(%arg14 : memref<!tpu.dma_semaphore, #tpu.memory_space<semaphore_mem>>)
    %dma_start3A_358 = arith.constant 22 : i32
    %dma_start3A_359 = arith.constant 2816 : i32
    %dma_start3A_360 = tpu.memref_slice %arg7[%dma_start3A_359] : memref<4096xi32, #tpu.memory_space<vmem>> -> memref<128xi32, #tpu.memory_space<vmem>>
    %dma_start3A_361 = arith.constant 0 : i32
    %dma_start3A_362 = tpu.memref_slice %arg6[%dma_start3A_358, %dma_start3A_361] : memref<32x128xi32, #tpu.memory_space<vmem>> -> memref<1x128xi32, #tpu.memory_space<vmem>>
    %dma_start3A_363 = tpu.memref_squeeze %dma_start3A_362 : memref<1x128xi32, #tpu.memory_space<vmem>> -> memref<128xi32, #tpu.memory_space<vmem>>
    %dma_start3A_364 = arith.constant 0 : i32
    %dma_start3A_365 = tpu.memref_slice %arg11[%dma_start3A_364] : memref<65536xi32, #tpu.memory_space<vmem_shared>> -> memref<65536xi32, #tpu.memory_space<vmem_shared>>
    tpu.enqueue_indirect_dma source(%dma_start3A_360 : memref<128xi32, #tpu.memory_space<vmem>>) target(%dma_start3A_365 : memref<65536xi32, #tpu.memory_space<vmem_shared>>) offsets(%dma_start3A_363 : memref<128xi32, #tpu.memory_space<vmem>>) semaphore(%arg13 : memref<!tpu.dma_semaphore, #tpu.memory_space<semaphore_mem>>)
    %dma_start3A_366 = arith.constant 22 : i32
    %dma_start3A_367 = arith.constant 2816 : i32
    %dma_start3A_368 = tpu.memref_slice %arg8[%dma_start3A_367] : memref<4096xf32, #tpu.memory_space<vmem>> -> memref<128xf32, #tpu.memory_space<vmem>>
    %dma_start3A_369 = arith.constant 0 : i32
    %dma_start3A_370 = tpu.memref_slice %arg6[%dma_start3A_366, %dma_start3A_369] : memref<32x128xi32, #tpu.memory_space<vmem>> -> memref<1x128xi32, #tpu.memory_space<vmem>>
    %dma_start3A_371 = tpu.memref_squeeze %dma_start3A_370 : memref<1x128xi32, #tpu.memory_space<vmem>> -> memref<128xi32, #tpu.memory_space<vmem>>
    %dma_start3A_372 = arith.constant 0 : i32
    %dma_start3A_373 = tpu.memref_slice %arg12[%dma_start3A_372] : memref<65536xf32, #tpu.memory_space<vmem_shared>> -> memref<65536xf32, #tpu.memory_space<vmem_shared>>
    tpu.enqueue_indirect_dma source(%dma_start3A_368 : memref<128xf32, #tpu.memory_space<vmem>>) target(%dma_start3A_373 : memref<65536xf32, #tpu.memory_space<vmem_shared>>) offsets(%dma_start3A_371 : memref<128xi32, #tpu.memory_space<vmem>>) semaphore(%arg14 : memref<!tpu.dma_semaphore, #tpu.memory_space<semaphore_mem>>)
    %dma_start3A_374 = arith.constant 23 : i32
    %dma_start3A_375 = arith.constant 2944 : i32
    %dma_start3A_376 = tpu.memref_slice %arg7[%dma_start3A_375] : memref<4096xi32, #tpu.memory_space<vmem>> -> memref<128xi32, #tpu.memory_space<vmem>>
    %dma_start3A_377 = arith.constant 0 : i32
    %dma_start3A_378 = tpu.memref_slice %arg6[%dma_start3A_374, %dma_start3A_377] : memref<32x128xi32, #tpu.memory_space<vmem>> -> memref<1x128xi32, #tpu.memory_space<vmem>>
    %dma_start3A_379 = tpu.memref_squeeze %dma_start3A_378 : memref<1x128xi32, #tpu.memory_space<vmem>> -> memref<128xi32, #tpu.memory_space<vmem>>
    %dma_start3A_380 = arith.constant 0 : i32
    %dma_start3A_381 = tpu.memref_slice %arg11[%dma_start3A_380] : memref<65536xi32, #tpu.memory_space<vmem_shared>> -> memref<65536xi32, #tpu.memory_space<vmem_shared>>
    tpu.enqueue_indirect_dma source(%dma_start3A_376 : memref<128xi32, #tpu.memory_space<vmem>>) target(%dma_start3A_381 : memref<65536xi32, #tpu.memory_space<vmem_shared>>) offsets(%dma_start3A_379 : memref<128xi32, #tpu.memory_space<vmem>>) semaphore(%arg13 : memref<!tpu.dma_semaphore, #tpu.memory_space<semaphore_mem>>)
    %dma_start3A_382 = arith.constant 23 : i32
    %dma_start3A_383 = arith.constant 2944 : i32
    %dma_start3A_384 = tpu.memref_slice %arg8[%dma_start3A_383] : memref<4096xf32, #tpu.memory_space<vmem>> -> memref<128xf32, #tpu.memory_space<vmem>>
    %dma_start3A_385 = arith.constant 0 : i32
    %dma_start3A_386 = tpu.memref_slice %arg6[%dma_start3A_382, %dma_start3A_385] : memref<32x128xi32, #tpu.memory_space<vmem>> -> memref<1x128xi32, #tpu.memory_space<vmem>>
    %dma_start3A_387 = tpu.memref_squeeze %dma_start3A_386 : memref<1x128xi32, #tpu.memory_space<vmem>> -> memref<128xi32, #tpu.memory_space<vmem>>
    %dma_start3A_388 = arith.constant 0 : i32
    %dma_start3A_389 = tpu.memref_slice %arg12[%dma_start3A_388] : memref<65536xf32, #tpu.memory_space<vmem_shared>> -> memref<65536xf32, #tpu.memory_space<vmem_shared>>
    tpu.enqueue_indirect_dma source(%dma_start3A_384 : memref<128xf32, #tpu.memory_space<vmem>>) target(%dma_start3A_389 : memref<65536xf32, #tpu.memory_space<vmem_shared>>) offsets(%dma_start3A_387 : memref<128xi32, #tpu.memory_space<vmem>>) semaphore(%arg14 : memref<!tpu.dma_semaphore, #tpu.memory_space<semaphore_mem>>)
    %dma_start3A_390 = arith.constant 24 : i32
    %dma_start3A_391 = arith.constant 3072 : i32
    %dma_start3A_392 = tpu.memref_slice %arg7[%dma_start3A_391] : memref<4096xi32, #tpu.memory_space<vmem>> -> memref<128xi32, #tpu.memory_space<vmem>>
    %dma_start3A_393 = arith.constant 0 : i32
    %dma_start3A_394 = tpu.memref_slice %arg6[%dma_start3A_390, %dma_start3A_393] : memref<32x128xi32, #tpu.memory_space<vmem>> -> memref<1x128xi32, #tpu.memory_space<vmem>>
    %dma_start3A_395 = tpu.memref_squeeze %dma_start3A_394 : memref<1x128xi32, #tpu.memory_space<vmem>> -> memref<128xi32, #tpu.memory_space<vmem>>
    %dma_start3A_396 = arith.constant 0 : i32
    %dma_start3A_397 = tpu.memref_slice %arg11[%dma_start3A_396] : memref<65536xi32, #tpu.memory_space<vmem_shared>> -> memref<65536xi32, #tpu.memory_space<vmem_shared>>
    tpu.enqueue_indirect_dma source(%dma_start3A_392 : memref<128xi32, #tpu.memory_space<vmem>>) target(%dma_start3A_397 : memref<65536xi32, #tpu.memory_space<vmem_shared>>) offsets(%dma_start3A_395 : memref<128xi32, #tpu.memory_space<vmem>>) semaphore(%arg13 : memref<!tpu.dma_semaphore, #tpu.memory_space<semaphore_mem>>)
    %dma_start3A_398 = arith.constant 24 : i32
    %dma_start3A_399 = arith.constant 3072 : i32
    %dma_start3A_400 = tpu.memref_slice %arg8[%dma_start3A_399] : memref<4096xf32, #tpu.memory_space<vmem>> -> memref<128xf32, #tpu.memory_space<vmem>>
    %dma_start3A_401 = arith.constant 0 : i32
    %dma_start3A_402 = tpu.memref_slice %arg6[%dma_start3A_398, %dma_start3A_401] : memref<32x128xi32, #tpu.memory_space<vmem>> -> memref<1x128xi32, #tpu.memory_space<vmem>>
    %dma_start3A_403 = tpu.memref_squeeze %dma_start3A_402 : memref<1x128xi32, #tpu.memory_space<vmem>> -> memref<128xi32, #tpu.memory_space<vmem>>
    %dma_start3A_404 = arith.constant 0 : i32
    %dma_start3A_405 = tpu.memref_slice %arg12[%dma_start3A_404] : memref<65536xf32, #tpu.memory_space<vmem_shared>> -> memref<65536xf32, #tpu.memory_space<vmem_shared>>
    tpu.enqueue_indirect_dma source(%dma_start3A_400 : memref<128xf32, #tpu.memory_space<vmem>>) target(%dma_start3A_405 : memref<65536xf32, #tpu.memory_space<vmem_shared>>) offsets(%dma_start3A_403 : memref<128xi32, #tpu.memory_space<vmem>>) semaphore(%arg14 : memref<!tpu.dma_semaphore, #tpu.memory_space<semaphore_mem>>)
    %dma_start3A_406 = arith.constant 25 : i32
    %dma_start3A_407 = arith.constant 3200 : i32
    %dma_start3A_408 = tpu.memref_slice %arg7[%dma_start3A_407] : memref<4096xi32, #tpu.memory_space<vmem>> -> memref<128xi32, #tpu.memory_space<vmem>>
    %dma_start3A_409 = arith.constant 0 : i32
    %dma_start3A_410 = tpu.memref_slice %arg6[%dma_start3A_406, %dma_start3A_409] : memref<32x128xi32, #tpu.memory_space<vmem>> -> memref<1x128xi32, #tpu.memory_space<vmem>>
    %dma_start3A_411 = tpu.memref_squeeze %dma_start3A_410 : memref<1x128xi32, #tpu.memory_space<vmem>> -> memref<128xi32, #tpu.memory_space<vmem>>
    %dma_start3A_412 = arith.constant 0 : i32
    %dma_start3A_413 = tpu.memref_slice %arg11[%dma_start3A_412] : memref<65536xi32, #tpu.memory_space<vmem_shared>> -> memref<65536xi32, #tpu.memory_space<vmem_shared>>
    tpu.enqueue_indirect_dma source(%dma_start3A_408 : memref<128xi32, #tpu.memory_space<vmem>>) target(%dma_start3A_413 : memref<65536xi32, #tpu.memory_space<vmem_shared>>) offsets(%dma_start3A_411 : memref<128xi32, #tpu.memory_space<vmem>>) semaphore(%arg13 : memref<!tpu.dma_semaphore, #tpu.memory_space<semaphore_mem>>)
    %dma_start3A_414 = arith.constant 25 : i32
    %dma_start3A_415 = arith.constant 3200 : i32
    %dma_start3A_416 = tpu.memref_slice %arg8[%dma_start3A_415] : memref<4096xf32, #tpu.memory_space<vmem>> -> memref<128xf32, #tpu.memory_space<vmem>>
    %dma_start3A_417 = arith.constant 0 : i32
    %dma_start3A_418 = tpu.memref_slice %arg6[%dma_start3A_414, %dma_start3A_417] : memref<32x128xi32, #tpu.memory_space<vmem>> -> memref<1x128xi32, #tpu.memory_space<vmem>>
    %dma_start3A_419 = tpu.memref_squeeze %dma_start3A_418 : memref<1x128xi32, #tpu.memory_space<vmem>> -> memref<128xi32, #tpu.memory_space<vmem>>
    %dma_start3A_420 = arith.constant 0 : i32
    %dma_start3A_421 = tpu.memref_slice %arg12[%dma_start3A_420] : memref<65536xf32, #tpu.memory_space<vmem_shared>> -> memref<65536xf32, #tpu.memory_space<vmem_shared>>
    tpu.enqueue_indirect_dma source(%dma_start3A_416 : memref<128xf32, #tpu.memory_space<vmem>>) target(%dma_start3A_421 : memref<65536xf32, #tpu.memory_space<vmem_shared>>) offsets(%dma_start3A_419 : memref<128xi32, #tpu.memory_space<vmem>>) semaphore(%arg14 : memref<!tpu.dma_semaphore, #tpu.memory_space<semaphore_mem>>)
    %dma_start3A_422 = arith.constant 26 : i32
    %dma_start3A_423 = arith.constant 3328 : i32
    %dma_start3A_424 = tpu.memref_slice %arg7[%dma_start3A_423] : memref<4096xi32, #tpu.memory_space<vmem>> -> memref<128xi32, #tpu.memory_space<vmem>>
    %dma_start3A_425 = arith.constant 0 : i32
    %dma_start3A_426 = tpu.memref_slice %arg6[%dma_start3A_422, %dma_start3A_425] : memref<32x128xi32, #tpu.memory_space<vmem>> -> memref<1x128xi32, #tpu.memory_space<vmem>>
    %dma_start3A_427 = tpu.memref_squeeze %dma_start3A_426 : memref<1x128xi32, #tpu.memory_space<vmem>> -> memref<128xi32, #tpu.memory_space<vmem>>
    %dma_start3A_428 = arith.constant 0 : i32
    %dma_start3A_429 = tpu.memref_slice %arg11[%dma_start3A_428] : memref<65536xi32, #tpu.memory_space<vmem_shared>> -> memref<65536xi32, #tpu.memory_space<vmem_shared>>
    tpu.enqueue_indirect_dma source(%dma_start3A_424 : memref<128xi32, #tpu.memory_space<vmem>>) target(%dma_start3A_429 : memref<65536xi32, #tpu.memory_space<vmem_shared>>) offsets(%dma_start3A_427 : memref<128xi32, #tpu.memory_space<vmem>>) semaphore(%arg13 : memref<!tpu.dma_semaphore, #tpu.memory_space<semaphore_mem>>)
    %dma_start3A_430 = arith.constant 26 : i32
    %dma_start3A_431 = arith.constant 3328 : i32
    %dma_start3A_432 = tpu.memref_slice %arg8[%dma_start3A_431] : memref<4096xf32, #tpu.memory_space<vmem>> -> memref<128xf32, #tpu.memory_space<vmem>>
    %dma_start3A_433 = arith.constant 0 : i32
    %dma_start3A_434 = tpu.memref_slice %arg6[%dma_start3A_430, %dma_start3A_433] : memref<32x128xi32, #tpu.memory_space<vmem>> -> memref<1x128xi32, #tpu.memory_space<vmem>>
    %dma_start3A_435 = tpu.memref_squeeze %dma_start3A_434 : memref<1x128xi32, #tpu.memory_space<vmem>> -> memref<128xi32, #tpu.memory_space<vmem>>
    %dma_start3A_436 = arith.constant 0 : i32
    %dma_start3A_437 = tpu.memref_slice %arg12[%dma_start3A_436] : memref<65536xf32, #tpu.memory_space<vmem_shared>> -> memref<65536xf32, #tpu.memory_space<vmem_shared>>
    tpu.enqueue_indirect_dma source(%dma_start3A_432 : memref<128xf32, #tpu.memory_space<vmem>>) target(%dma_start3A_437 : memref<65536xf32, #tpu.memory_space<vmem_shared>>) offsets(%dma_start3A_435 : memref<128xi32, #tpu.memory_space<vmem>>) semaphore(%arg14 : memref<!tpu.dma_semaphore, #tpu.memory_space<semaphore_mem>>)
    %dma_start3A_438 = arith.constant 27 : i32
    %dma_start3A_439 = arith.constant 3456 : i32
    %dma_start3A_440 = tpu.memref_slice %arg7[%dma_start3A_439] : memref<4096xi32, #tpu.memory_space<vmem>> -> memref<128xi32, #tpu.memory_space<vmem>>
    %dma_start3A_441 = arith.constant 0 : i32
    %dma_start3A_442 = tpu.memref_slice %arg6[%dma_start3A_438, %dma_start3A_441] : memref<32x128xi32, #tpu.memory_space<vmem>> -> memref<1x128xi32, #tpu.memory_space<vmem>>
    %dma_start3A_443 = tpu.memref_squeeze %dma_start3A_442 : memref<1x128xi32, #tpu.memory_space<vmem>> -> memref<128xi32, #tpu.memory_space<vmem>>
    %dma_start3A_444 = arith.constant 0 : i32
    %dma_start3A_445 = tpu.memref_slice %arg11[%dma_start3A_444] : memref<65536xi32, #tpu.memory_space<vmem_shared>> -> memref<65536xi32, #tpu.memory_space<vmem_shared>>
    tpu.enqueue_indirect_dma source(%dma_start3A_440 : memref<128xi32, #tpu.memory_space<vmem>>) target(%dma_start3A_445 : memref<65536xi32, #tpu.memory_space<vmem_shared>>) offsets(%dma_start3A_443 : memref<128xi32, #tpu.memory_space<vmem>>) semaphore(%arg13 : memref<!tpu.dma_semaphore, #tpu.memory_space<semaphore_mem>>)
    %dma_start3A_446 = arith.constant 27 : i32
    %dma_start3A_447 = arith.constant 3456 : i32
    %dma_start3A_448 = tpu.memref_slice %arg8[%dma_start3A_447] : memref<4096xf32, #tpu.memory_space<vmem>> -> memref<128xf32, #tpu.memory_space<vmem>>
    %dma_start3A_449 = arith.constant 0 : i32
    %dma_start3A_450 = tpu.memref_slice %arg6[%dma_start3A_446, %dma_start3A_449] : memref<32x128xi32, #tpu.memory_space<vmem>> -> memref<1x128xi32, #tpu.memory_space<vmem>>
    %dma_start3A_451 = tpu.memref_squeeze %dma_start3A_450 : memref<1x128xi32, #tpu.memory_space<vmem>> -> memref<128xi32, #tpu.memory_space<vmem>>
    %dma_start3A_452 = arith.constant 0 : i32
    %dma_start3A_453 = tpu.memref_slice %arg12[%dma_start3A_452] : memref<65536xf32, #tpu.memory_space<vmem_shared>> -> memref<65536xf32, #tpu.memory_space<vmem_shared>>
    tpu.enqueue_indirect_dma source(%dma_start3A_448 : memref<128xf32, #tpu.memory_space<vmem>>) target(%dma_start3A_453 : memref<65536xf32, #tpu.memory_space<vmem_shared>>) offsets(%dma_start3A_451 : memref<128xi32, #tpu.memory_space<vmem>>) semaphore(%arg14 : memref<!tpu.dma_semaphore, #tpu.memory_space<semaphore_mem>>)
    %dma_start3A_454 = arith.constant 28 : i32
    %dma_start3A_455 = arith.constant 3584 : i32
    %dma_start3A_456 = tpu.memref_slice %arg7[%dma_start3A_455] : memref<4096xi32, #tpu.memory_space<vmem>> -> memref<128xi32, #tpu.memory_space<vmem>>
    %dma_start3A_457 = arith.constant 0 : i32
    %dma_start3A_458 = tpu.memref_slice %arg6[%dma_start3A_454, %dma_start3A_457] : memref<32x128xi32, #tpu.memory_space<vmem>> -> memref<1x128xi32, #tpu.memory_space<vmem>>
    %dma_start3A_459 = tpu.memref_squeeze %dma_start3A_458 : memref<1x128xi32, #tpu.memory_space<vmem>> -> memref<128xi32, #tpu.memory_space<vmem>>
    %dma_start3A_460 = arith.constant 0 : i32
    %dma_start3A_461 = tpu.memref_slice %arg11[%dma_start3A_460] : memref<65536xi32, #tpu.memory_space<vmem_shared>> -> memref<65536xi32, #tpu.memory_space<vmem_shared>>
    tpu.enqueue_indirect_dma source(%dma_start3A_456 : memref<128xi32, #tpu.memory_space<vmem>>) target(%dma_start3A_461 : memref<65536xi32, #tpu.memory_space<vmem_shared>>) offsets(%dma_start3A_459 : memref<128xi32, #tpu.memory_space<vmem>>) semaphore(%arg13 : memref<!tpu.dma_semaphore, #tpu.memory_space<semaphore_mem>>)
    %dma_start3A_462 = arith.constant 28 : i32
    %dma_start3A_463 = arith.constant 3584 : i32
    %dma_start3A_464 = tpu.memref_slice %arg8[%dma_start3A_463] : memref<4096xf32, #tpu.memory_space<vmem>> -> memref<128xf32, #tpu.memory_space<vmem>>
    %dma_start3A_465 = arith.constant 0 : i32
    %dma_start3A_466 = tpu.memref_slice %arg6[%dma_start3A_462, %dma_start3A_465] : memref<32x128xi32, #tpu.memory_space<vmem>> -> memref<1x128xi32, #tpu.memory_space<vmem>>
    %dma_start3A_467 = tpu.memref_squeeze %dma_start3A_466 : memref<1x128xi32, #tpu.memory_space<vmem>> -> memref<128xi32, #tpu.memory_space<vmem>>
    %dma_start3A_468 = arith.constant 0 : i32
    %dma_start3A_469 = tpu.memref_slice %arg12[%dma_start3A_468] : memref<65536xf32, #tpu.memory_space<vmem_shared>> -> memref<65536xf32, #tpu.memory_space<vmem_shared>>
    tpu.enqueue_indirect_dma source(%dma_start3A_464 : memref<128xf32, #tpu.memory_space<vmem>>) target(%dma_start3A_469 : memref<65536xf32, #tpu.memory_space<vmem_shared>>) offsets(%dma_start3A_467 : memref<128xi32, #tpu.memory_space<vmem>>) semaphore(%arg14 : memref<!tpu.dma_semaphore, #tpu.memory_space<semaphore_mem>>)
    %dma_start3A_470 = arith.constant 29 : i32
    %dma_start3A_471 = arith.constant 3712 : i32
    %dma_start3A_472 = tpu.memref_slice %arg7[%dma_start3A_471] : memref<4096xi32, #tpu.memory_space<vmem>> -> memref<128xi32, #tpu.memory_space<vmem>>
    %dma_start3A_473 = arith.constant 0 : i32
    %dma_start3A_474 = tpu.memref_slice %arg6[%dma_start3A_470, %dma_start3A_473] : memref<32x128xi32, #tpu.memory_space<vmem>> -> memref<1x128xi32, #tpu.memory_space<vmem>>
    %dma_start3A_475 = tpu.memref_squeeze %dma_start3A_474 : memref<1x128xi32, #tpu.memory_space<vmem>> -> memref<128xi32, #tpu.memory_space<vmem>>
    %dma_start3A_476 = arith.constant 0 : i32
    %dma_start3A_477 = tpu.memref_slice %arg11[%dma_start3A_476] : memref<65536xi32, #tpu.memory_space<vmem_shared>> -> memref<65536xi32, #tpu.memory_space<vmem_shared>>
    tpu.enqueue_indirect_dma source(%dma_start3A_472 : memref<128xi32, #tpu.memory_space<vmem>>) target(%dma_start3A_477 : memref<65536xi32, #tpu.memory_space<vmem_shared>>) offsets(%dma_start3A_475 : memref<128xi32, #tpu.memory_space<vmem>>) semaphore(%arg13 : memref<!tpu.dma_semaphore, #tpu.memory_space<semaphore_mem>>)
    %dma_start3A_478 = arith.constant 29 : i32
    %dma_start3A_479 = arith.constant 3712 : i32
    %dma_start3A_480 = tpu.memref_slice %arg8[%dma_start3A_479] : memref<4096xf32, #tpu.memory_space<vmem>> -> memref<128xf32, #tpu.memory_space<vmem>>
    %dma_start3A_481 = arith.constant 0 : i32
    %dma_start3A_482 = tpu.memref_slice %arg6[%dma_start3A_478, %dma_start3A_481] : memref<32x128xi32, #tpu.memory_space<vmem>> -> memref<1x128xi32, #tpu.memory_space<vmem>>
    %dma_start3A_483 = tpu.memref_squeeze %dma_start3A_482 : memref<1x128xi32, #tpu.memory_space<vmem>> -> memref<128xi32, #tpu.memory_space<vmem>>
    %dma_start3A_484 = arith.constant 0 : i32
    %dma_start3A_485 = tpu.memref_slice %arg12[%dma_start3A_484] : memref<65536xf32, #tpu.memory_space<vmem_shared>> -> memref<65536xf32, #tpu.memory_space<vmem_shared>>
    tpu.enqueue_indirect_dma source(%dma_start3A_480 : memref<128xf32, #tpu.memory_space<vmem>>) target(%dma_start3A_485 : memref<65536xf32, #tpu.memory_space<vmem_shared>>) offsets(%dma_start3A_483 : memref<128xi32, #tpu.memory_space<vmem>>) semaphore(%arg14 : memref<!tpu.dma_semaphore, #tpu.memory_space<semaphore_mem>>)
    %dma_start3A_486 = arith.constant 30 : i32
    %dma_start3A_487 = arith.constant 3840 : i32
    %dma_start3A_488 = tpu.memref_slice %arg7[%dma_start3A_487] : memref<4096xi32, #tpu.memory_space<vmem>> -> memref<128xi32, #tpu.memory_space<vmem>>
    %dma_start3A_489 = arith.constant 0 : i32
    %dma_start3A_490 = tpu.memref_slice %arg6[%dma_start3A_486, %dma_start3A_489] : memref<32x128xi32, #tpu.memory_space<vmem>> -> memref<1x128xi32, #tpu.memory_space<vmem>>
    %dma_start3A_491 = tpu.memref_squeeze %dma_start3A_490 : memref<1x128xi32, #tpu.memory_space<vmem>> -> memref<128xi32, #tpu.memory_space<vmem>>
    %dma_start3A_492 = arith.constant 0 : i32
    %dma_start3A_493 = tpu.memref_slice %arg11[%dma_start3A_492] : memref<65536xi32, #tpu.memory_space<vmem_shared>> -> memref<65536xi32, #tpu.memory_space<vmem_shared>>
    tpu.enqueue_indirect_dma source(%dma_start3A_488 : memref<128xi32, #tpu.memory_space<vmem>>) target(%dma_start3A_493 : memref<65536xi32, #tpu.memory_space<vmem_shared>>) offsets(%dma_start3A_491 : memref<128xi32, #tpu.memory_space<vmem>>) semaphore(%arg13 : memref<!tpu.dma_semaphore, #tpu.memory_space<semaphore_mem>>)
    %dma_start3A_494 = arith.constant 30 : i32
    %dma_start3A_495 = arith.constant 3840 : i32
    %dma_start3A_496 = tpu.memref_slice %arg8[%dma_start3A_495] : memref<4096xf32, #tpu.memory_space<vmem>> -> memref<128xf32, #tpu.memory_space<vmem>>
    %dma_start3A_497 = arith.constant 0 : i32
    %dma_start3A_498 = tpu.memref_slice %arg6[%dma_start3A_494, %dma_start3A_497] : memref<32x128xi32, #tpu.memory_space<vmem>> -> memref<1x128xi32, #tpu.memory_space<vmem>>
    %dma_start3A_499 = tpu.memref_squeeze %dma_start3A_498 : memref<1x128xi32, #tpu.memory_space<vmem>> -> memref<128xi32, #tpu.memory_space<vmem>>
    %dma_start3A_500 = arith.constant 0 : i32
    %dma_start3A_501 = tpu.memref_slice %arg12[%dma_start3A_500] : memref<65536xf32, #tpu.memory_space<vmem_shared>> -> memref<65536xf32, #tpu.memory_space<vmem_shared>>
    tpu.enqueue_indirect_dma source(%dma_start3A_496 : memref<128xf32, #tpu.memory_space<vmem>>) target(%dma_start3A_501 : memref<65536xf32, #tpu.memory_space<vmem_shared>>) offsets(%dma_start3A_499 : memref<128xi32, #tpu.memory_space<vmem>>) semaphore(%arg14 : memref<!tpu.dma_semaphore, #tpu.memory_space<semaphore_mem>>)
    %dma_start3A_502 = arith.constant 31 : i32
    %dma_start3A_503 = arith.constant 3968 : i32
    %dma_start3A_504 = tpu.memref_slice %arg7[%dma_start3A_503] : memref<4096xi32, #tpu.memory_space<vmem>> -> memref<128xi32, #tpu.memory_space<vmem>>
    %dma_start3A_505 = arith.constant 0 : i32
    %dma_start3A_506 = tpu.memref_slice %arg6[%dma_start3A_502, %dma_start3A_505] : memref<32x128xi32, #tpu.memory_space<vmem>> -> memref<1x128xi32, #tpu.memory_space<vmem>>
    %dma_start3A_507 = tpu.memref_squeeze %dma_start3A_506 : memref<1x128xi32, #tpu.memory_space<vmem>> -> memref<128xi32, #tpu.memory_space<vmem>>
    %dma_start3A_508 = arith.constant 0 : i32
    %dma_start3A_509 = tpu.memref_slice %arg11[%dma_start3A_508] : memref<65536xi32, #tpu.memory_space<vmem_shared>> -> memref<65536xi32, #tpu.memory_space<vmem_shared>>
    tpu.enqueue_indirect_dma source(%dma_start3A_504 : memref<128xi32, #tpu.memory_space<vmem>>) target(%dma_start3A_509 : memref<65536xi32, #tpu.memory_space<vmem_shared>>) offsets(%dma_start3A_507 : memref<128xi32, #tpu.memory_space<vmem>>) semaphore(%arg13 : memref<!tpu.dma_semaphore, #tpu.memory_space<semaphore_mem>>)
    %dma_start3A_510 = arith.constant 31 : i32
    %dma_start3A_511 = arith.constant 3968 : i32
    %dma_start3A_512 = tpu.memref_slice %arg8[%dma_start3A_511] : memref<4096xf32, #tpu.memory_space<vmem>> -> memref<128xf32, #tpu.memory_space<vmem>>
    %dma_start3A_513 = arith.constant 0 : i32
    %dma_start3A_514 = tpu.memref_slice %arg6[%dma_start3A_510, %dma_start3A_513] : memref<32x128xi32, #tpu.memory_space<vmem>> -> memref<1x128xi32, #tpu.memory_space<vmem>>
    %dma_start3A_515 = tpu.memref_squeeze %dma_start3A_514 : memref<1x128xi32, #tpu.memory_space<vmem>> -> memref<128xi32, #tpu.memory_space<vmem>>
    %dma_start3A_516 = arith.constant 0 : i32
    %dma_start3A_517 = tpu.memref_slice %arg12[%dma_start3A_516] : memref<65536xf32, #tpu.memory_space<vmem_shared>> -> memref<65536xf32, #tpu.memory_space<vmem_shared>>
    tpu.enqueue_indirect_dma source(%dma_start3A_512 : memref<128xf32, #tpu.memory_space<vmem>>) target(%dma_start3A_517 : memref<65536xf32, #tpu.memory_space<vmem_shared>>) offsets(%dma_start3A_515 : memref<128xi32, #tpu.memory_space<vmem>>) semaphore(%arg14 : memref<!tpu.dma_semaphore, #tpu.memory_space<semaphore_mem>>)
    %dma_start3A_518 = arith.constant 0 : i32
    %dma_start3A_519 = tpu.memref_slice %arg2[%mul3A_2, %dma_start3A_518] : memref<512x65536xf32, #tpu.memory_space<hbm>> -> memref<16x1024xf32, #tpu.memory_space<hbm>>
    %dma_start3A_520 = arith.constant 0 : i32
    %dma_start3A_521 = tpu.memref_slice %arg2[%mul3A_2, %dma_start3A_520] : memref<512x65536xf32, #tpu.memory_space<hbm>> -> memref<16x1024xf32, #tpu.memory_space<hbm>>
    tpu.enqueue_dma source(%dma_start3A_521 : memref<16x1024xf32, #tpu.memory_space<hbm>>) target(%arg9 : memref<16x1024xf32, #tpu.memory_space<vmem>>) target_semaphore(%arg15 : memref<!tpu.dma_semaphore, #tpu.memory_space<semaphore_mem>>)
    %dma_start3A_522 = arith.constant 1024 : i32
    %dma_start3A_523 = tpu.memref_slice %arg2[%mul3A_2, %dma_start3A_522] : memref<512x65536xf32, #tpu.memory_space<hbm>> -> memref<16x1024xf32, #tpu.memory_space<hbm>>
    %dma_start3A_524 = arith.constant 1024 : i32
    %dma_start3A_525 = tpu.memref_slice %arg2[%mul3A_2, %dma_start3A_524] : memref<512x65536xf32, #tpu.memory_space<hbm>> -> memref<16x1024xf32, #tpu.memory_space<hbm>>
    tpu.enqueue_dma source(%dma_start3A_525 : memref<16x1024xf32, #tpu.memory_space<hbm>>) target(%arg10 : memref<16x1024xf32, #tpu.memory_space<vmem>>) target_semaphore(%arg16 : memref<!tpu.dma_semaphore, #tpu.memory_space<semaphore_mem>>)
    %broadcast_in_dim3A = arith.constant 0.000000e+00 : f32
    %broadcast_in_dim3A_526 = vector.broadcast %broadcast_in_dim3A : f32 to vector<16xf32>
    %parallel_loop3A_527 = arith.constant 0 : i32
    %parallel_loop3A_528 = arith.constant 256 : i32
    %parallel_loop3A_529 = arith.constant 1 : i32
    scf.for %parallel_loop3A_1178 = %parallel_loop3A_527 to %parallel_loop3A_528 step %parallel_loop3A_529  : i32 {
      %parallel_loop3A_1179 = arith.constant 16 : i32
      %parallel_loop3A_1180 = arith.muli %parallel_loop3A_1178, %parallel_loop3A_1179 : i32
      %parallel_loop3A_1181 = arith.index_cast %parallel_loop3A_1180 : i32 to index
      %parallel_loop3A_1182 = tpu.vector_load %arg17[%parallel_loop3A_1181] {strides = array<i32>} : memref<4096xf32, #tpu.memory_space<vmem>>, vector<16xf32>,
      tpu.vector_store %arg17[%parallel_loop3A_1181], %broadcast_in_dim3A_526 {strides = array<i32>} : memref<4096xf32, #tpu.memory_space<vmem>>, vector<16xf32>,
      %parallel_loop3A_1183 = arith.index_cast %parallel_loop3A_1180 : i32 to index
      %parallel_loop3A_1184 = tpu.vector_load %arg18[%parallel_loop3A_1183] {strides = array<i32>} : memref<4096xf32, #tpu.memory_space<vmem>>, vector<16xf32>,
      tpu.vector_store %arg18[%parallel_loop3A_1183], %broadcast_in_dim3A_526 {strides = array<i32>} : memref<4096xf32, #tpu.memory_space<vmem>>, vector<16xf32>,
      %parallel_loop3A_1185 = arith.index_cast %parallel_loop3A_1180 : i32 to index
      %parallel_loop3A_1186 = tpu.vector_load %arg19[%parallel_loop3A_1185] {strides = array<i32>} : memref<4096xf32, #tpu.memory_space<vmem>>, vector<16xf32>,
      tpu.vector_store %arg19[%parallel_loop3A_1185], %broadcast_in_dim3A_526 {strides = array<i32>} : memref<4096xf32, #tpu.memory_space<vmem>>, vector<16xf32>,
      %parallel_loop3A_1187 = arith.index_cast %parallel_loop3A_1180 : i32 to index
      %parallel_loop3A_1188 = tpu.vector_load %arg20[%parallel_loop3A_1187] {strides = array<i32>} : memref<4096xf32, #tpu.memory_space<vmem>>, vector<16xf32>,
      tpu.vector_store %arg20[%parallel_loop3A_1187], %broadcast_in_dim3A_526 {strides = array<i32>} : memref<4096xf32, #tpu.memory_space<vmem>>, vector<16xf32>,
      %parallel_loop3A_1189 = arith.index_cast %parallel_loop3A_1180 : i32 to index
      %parallel_loop3A_1190 = tpu.vector_load %arg21[%parallel_loop3A_1189] {strides = array<i32>} : memref<4096xf32, #tpu.memory_space<vmem>>, vector<16xf32>,
      tpu.vector_store %arg21[%parallel_loop3A_1189], %broadcast_in_dim3A_526 {strides = array<i32>} : memref<4096xf32, #tpu.memory_space<vmem>>, vector<16xf32>,
      %parallel_loop3A_1191 = arith.index_cast %parallel_loop3A_1180 : i32 to index
      %parallel_loop3A_1192 = tpu.vector_load %arg22[%parallel_loop3A_1191] {strides = array<i32>} : memref<4096xf32, #tpu.memory_space<vmem>>, vector<16xf32>,
      tpu.vector_store %arg22[%parallel_loop3A_1191], %broadcast_in_dim3A_526 {strides = array<i32>} : memref<4096xf32, #tpu.memory_space<vmem>>, vector<16xf32>,
      %parallel_loop3A_1193 = arith.index_cast %parallel_loop3A_1180 : i32 to index
      %parallel_loop3A_1194 = tpu.vector_load %arg23[%parallel_loop3A_1193] {strides = array<i32>} : memref<4096xf32, #tpu.memory_space<vmem>>, vector<16xf32>,
      tpu.vector_store %arg23[%parallel_loop3A_1193], %broadcast_in_dim3A_526 {strides = array<i32>} : memref<4096xf32, #tpu.memory_space<vmem>>, vector<16xf32>,
      %parallel_loop3A_1195 = arith.index_cast %parallel_loop3A_1180 : i32 to index
      %parallel_loop3A_1196 = tpu.vector_load %arg24[%parallel_loop3A_1195] {strides = array<i32>} : memref<4096xf32, #tpu.memory_space<vmem>>, vector<16xf32>,
      tpu.vector_store %arg24[%parallel_loop3A_1195], %broadcast_in_dim3A_526 {strides = array<i32>} : memref<4096xf32, #tpu.memory_space<vmem>>, vector<16xf32>,
      %parallel_loop3A_1197 = arith.index_cast %parallel_loop3A_1180 : i32 to index
      %parallel_loop3A_1198 = tpu.vector_load %arg25[%parallel_loop3A_1197] {strides = array<i32>} : memref<4096xf32, #tpu.memory_space<vmem>>, vector<16xf32>,
      tpu.vector_store %arg25[%parallel_loop3A_1197], %broadcast_in_dim3A_526 {strides = array<i32>} : memref<4096xf32, #tpu.memory_space<vmem>>, vector<16xf32>,
      %parallel_loop3A_1199 = arith.index_cast %parallel_loop3A_1180 : i32 to index
      %parallel_loop3A_1200 = tpu.vector_load %arg26[%parallel_loop3A_1199] {strides = array<i32>} : memref<4096xf32, #tpu.memory_space<vmem>>, vector<16xf32>,
      tpu.vector_store %arg26[%parallel_loop3A_1199], %broadcast_in_dim3A_526 {strides = array<i32>} : memref<4096xf32, #tpu.memory_space<vmem>>, vector<16xf32>,
      %parallel_loop3A_1201 = arith.index_cast %parallel_loop3A_1180 : i32 to index
      %parallel_loop3A_1202 = tpu.vector_load %arg27[%parallel_loop3A_1201] {strides = array<i32>} : memref<4096xf32, #tpu.memory_space<vmem>>, vector<16xf32>,
      tpu.vector_store %arg27[%parallel_loop3A_1201], %broadcast_in_dim3A_526 {strides = array<i32>} : memref<4096xf32, #tpu.memory_space<vmem>>, vector<16xf32>,
      %parallel_loop3A_1203 = arith.index_cast %parallel_loop3A_1180 : i32 to index
      %parallel_loop3A_1204 = tpu.vector_load %arg28[%parallel_loop3A_1203] {strides = array<i32>} : memref<4096xf32, #tpu.memory_space<vmem>>, vector<16xf32>,
      tpu.vector_store %arg28[%parallel_loop3A_1203], %broadcast_in_dim3A_526 {strides = array<i32>} : memref<4096xf32, #tpu.memory_space<vmem>>, vector<16xf32>,
      %parallel_loop3A_1205 = arith.index_cast %parallel_loop3A_1180 : i32 to index
      %parallel_loop3A_1206 = tpu.vector_load %arg29[%parallel_loop3A_1205] {strides = array<i32>} : memref<4096xf32, #tpu.memory_space<vmem>>, vector<16xf32>,
      tpu.vector_store %arg29[%parallel_loop3A_1205], %broadcast_in_dim3A_526 {strides = array<i32>} : memref<4096xf32, #tpu.memory_space<vmem>>, vector<16xf32>,
      %parallel_loop3A_1207 = arith.index_cast %parallel_loop3A_1180 : i32 to index
      %parallel_loop3A_1208 = tpu.vector_load %arg30[%parallel_loop3A_1207] {strides = array<i32>} : memref<4096xf32, #tpu.memory_space<vmem>>, vector<16xf32>,
      tpu.vector_store %arg30[%parallel_loop3A_1207], %broadcast_in_dim3A_526 {strides = array<i32>} : memref<4096xf32, #tpu.memory_space<vmem>>, vector<16xf32>,
      %parallel_loop3A_1209 = arith.index_cast %parallel_loop3A_1180 : i32 to index
      %parallel_loop3A_1210 = tpu.vector_load %arg31[%parallel_loop3A_1209] {strides = array<i32>} : memref<4096xf32, #tpu.memory_space<vmem>>, vector<16xf32>,
      tpu.vector_store %arg31[%parallel_loop3A_1209], %broadcast_in_dim3A_526 {strides = array<i32>} : memref<4096xf32, #tpu.memory_space<vmem>>, vector<16xf32>,
      %parallel_loop3A_1211 = arith.index_cast %parallel_loop3A_1180 : i32 to index
      %parallel_loop3A_1212 = tpu.vector_load %arg32[%parallel_loop3A_1211] {strides = array<i32>} : memref<4096xf32, #tpu.memory_space<vmem>>, vector<16xf32>,
      tpu.vector_store %arg32[%parallel_loop3A_1211], %broadcast_in_dim3A_526 {strides = array<i32>} : memref<4096xf32, #tpu.memory_space<vmem>>, vector<16xf32>,
    } {sc.loop_unroll_factor = 1 : i64, sc.parallel_access}
    %dma_wait3A = arith.constant 0 : i32
    %dma_wait3A_530 = arith.constant 0 : i32
    %dma_wait3A_531 = tpu.memref_slice %arg7[%dma_wait3A_530] : memref<4096xi32, #tpu.memory_space<vmem>> -> memref<128xi32, #tpu.memory_space<vmem>>
    %dma_wait3A_532 = arith.constant 0 : i32
    %dma_wait3A_533 = tpu.memref_slice %arg6[%dma_wait3A, %dma_wait3A_532] : memref<32x128xi32, #tpu.memory_space<vmem>> -> memref<1x128xi32, #tpu.memory_space<vmem>>
    %dma_wait3A_534 = tpu.memref_squeeze %dma_wait3A_533 : memref<1x128xi32, #tpu.memory_space<vmem>> -> memref<128xi32, #tpu.memory_space<vmem>>
    %dma_wait3A_535 = arith.constant 0 : i32
    %dma_wait3A_536 = tpu.memref_slice %arg11[%dma_wait3A_535] : memref<65536xi32, #tpu.memory_space<vmem_shared>> -> memref<65536xi32, #tpu.memory_space<vmem_shared>>
    tpu.wait_indirect_dma semaphore(%arg13 : memref<!tpu.dma_semaphore, #tpu.memory_space<semaphore_mem>>) src(%dma_wait3A_531 : memref<128xi32, #tpu.memory_space<vmem>>) dst(%dma_wait3A_536 : memref<65536xi32, #tpu.memory_space<vmem_shared>>)
    %dma_wait3A_537 = arith.constant 0 : i32
    %dma_wait3A_538 = arith.constant 0 : i32
    %dma_wait3A_539 = tpu.memref_slice %arg8[%dma_wait3A_538] : memref<4096xf32, #tpu.memory_space<vmem>> -> memref<128xf32, #tpu.memory_space<vmem>>
    %dma_wait3A_540 = arith.constant 0 : i32
    %dma_wait3A_541 = tpu.memref_slice %arg6[%dma_wait3A_537, %dma_wait3A_540] : memref<32x128xi32, #tpu.memory_space<vmem>> -> memref<1x128xi32, #tpu.memory_space<vmem>>
    %dma_wait3A_542 = tpu.memref_squeeze %dma_wait3A_541 : memref<1x128xi32, #tpu.memory_space<vmem>> -> memref<128xi32, #tpu.memory_space<vmem>>
    %dma_wait3A_543 = arith.constant 0 : i32
    %dma_wait3A_544 = tpu.memref_slice %arg12[%dma_wait3A_543] : memref<65536xf32, #tpu.memory_space<vmem_shared>> -> memref<65536xf32, #tpu.memory_space<vmem_shared>>
    tpu.wait_indirect_dma semaphore(%arg14 : memref<!tpu.dma_semaphore, #tpu.memory_space<semaphore_mem>>) src(%dma_wait3A_539 : memref<128xf32, #tpu.memory_space<vmem>>) dst(%dma_wait3A_544 : memref<65536xf32, #tpu.memory_space<vmem_shared>>)
    %dma_wait3A_545 = arith.constant 1 : i32
    %dma_wait3A_546 = arith.constant 128 : i32
    %dma_wait3A_547 = tpu.memref_slice %arg7[%dma_wait3A_546] : memref<4096xi32, #tpu.memory_space<vmem>> -> memref<128xi32, #tpu.memory_space<vmem>>
    %dma_wait3A_548 = arith.constant 0 : i32
    %dma_wait3A_549 = tpu.memref_slice %arg6[%dma_wait3A_545, %dma_wait3A_548] : memref<32x128xi32, #tpu.memory_space<vmem>> -> memref<1x128xi32, #tpu.memory_space<vmem>>
    %dma_wait3A_550 = tpu.memref_squeeze %dma_wait3A_549 : memref<1x128xi32, #tpu.memory_space<vmem>> -> memref<128xi32, #tpu.memory_space<vmem>>
    %dma_wait3A_551 = arith.constant 0 : i32
    %dma_wait3A_552 = tpu.memref_slice %arg11[%dma_wait3A_551] : memref<65536xi32, #tpu.memory_space<vmem_shared>> -> memref<65536xi32, #tpu.memory_space<vmem_shared>>
    tpu.wait_indirect_dma semaphore(%arg13 : memref<!tpu.dma_semaphore, #tpu.memory_space<semaphore_mem>>) src(%dma_wait3A_547 : memref<128xi32, #tpu.memory_space<vmem>>) dst(%dma_wait3A_552 : memref<65536xi32, #tpu.memory_space<vmem_shared>>)
    %dma_wait3A_553 = arith.constant 1 : i32
    %dma_wait3A_554 = arith.constant 128 : i32
    %dma_wait3A_555 = tpu.memref_slice %arg8[%dma_wait3A_554] : memref<4096xf32, #tpu.memory_space<vmem>> -> memref<128xf32, #tpu.memory_space<vmem>>
    %dma_wait3A_556 = arith.constant 0 : i32
    %dma_wait3A_557 = tpu.memref_slice %arg6[%dma_wait3A_553, %dma_wait3A_556] : memref<32x128xi32, #tpu.memory_space<vmem>> -> memref<1x128xi32, #tpu.memory_space<vmem>>
    %dma_wait3A_558 = tpu.memref_squeeze %dma_wait3A_557 : memref<1x128xi32, #tpu.memory_space<vmem>> -> memref<128xi32, #tpu.memory_space<vmem>>
    %dma_wait3A_559 = arith.constant 0 : i32
    %dma_wait3A_560 = tpu.memref_slice %arg12[%dma_wait3A_559] : memref<65536xf32, #tpu.memory_space<vmem_shared>> -> memref<65536xf32, #tpu.memory_space<vmem_shared>>
    tpu.wait_indirect_dma semaphore(%arg14 : memref<!tpu.dma_semaphore, #tpu.memory_space<semaphore_mem>>) src(%dma_wait3A_555 : memref<128xf32, #tpu.memory_space<vmem>>) dst(%dma_wait3A_560 : memref<65536xf32, #tpu.memory_space<vmem_shared>>)
    %dma_wait3A_561 = arith.constant 2 : i32
    %dma_wait3A_562 = arith.constant 256 : i32
    %dma_wait3A_563 = tpu.memref_slice %arg7[%dma_wait3A_562] : memref<4096xi32, #tpu.memory_space<vmem>> -> memref<128xi32, #tpu.memory_space<vmem>>
    %dma_wait3A_564 = arith.constant 0 : i32
    %dma_wait3A_565 = tpu.memref_slice %arg6[%dma_wait3A_561, %dma_wait3A_564] : memref<32x128xi32, #tpu.memory_space<vmem>> -> memref<1x128xi32, #tpu.memory_space<vmem>>
    %dma_wait3A_566 = tpu.memref_squeeze %dma_wait3A_565 : memref<1x128xi32, #tpu.memory_space<vmem>> -> memref<128xi32, #tpu.memory_space<vmem>>
    %dma_wait3A_567 = arith.constant 0 : i32
    %dma_wait3A_568 = tpu.memref_slice %arg11[%dma_wait3A_567] : memref<65536xi32, #tpu.memory_space<vmem_shared>> -> memref<65536xi32, #tpu.memory_space<vmem_shared>>
    tpu.wait_indirect_dma semaphore(%arg13 : memref<!tpu.dma_semaphore, #tpu.memory_space<semaphore_mem>>) src(%dma_wait3A_563 : memref<128xi32, #tpu.memory_space<vmem>>) dst(%dma_wait3A_568 : memref<65536xi32, #tpu.memory_space<vmem_shared>>)
    %dma_wait3A_569 = arith.constant 2 : i32
    %dma_wait3A_570 = arith.constant 256 : i32
    %dma_wait3A_571 = tpu.memref_slice %arg8[%dma_wait3A_570] : memref<4096xf32, #tpu.memory_space<vmem>> -> memref<128xf32, #tpu.memory_space<vmem>>
    %dma_wait3A_572 = arith.constant 0 : i32
    %dma_wait3A_573 = tpu.memref_slice %arg6[%dma_wait3A_569, %dma_wait3A_572] : memref<32x128xi32, #tpu.memory_space<vmem>> -> memref<1x128xi32, #tpu.memory_space<vmem>>
    %dma_wait3A_574 = tpu.memref_squeeze %dma_wait3A_573 : memref<1x128xi32, #tpu.memory_space<vmem>> -> memref<128xi32, #tpu.memory_space<vmem>>
    %dma_wait3A_575 = arith.constant 0 : i32
    %dma_wait3A_576 = tpu.memref_slice %arg12[%dma_wait3A_575] : memref<65536xf32, #tpu.memory_space<vmem_shared>> -> memref<65536xf32, #tpu.memory_space<vmem_shared>>
    tpu.wait_indirect_dma semaphore(%arg14 : memref<!tpu.dma_semaphore, #tpu.memory_space<semaphore_mem>>) src(%dma_wait3A_571 : memref<128xf32, #tpu.memory_space<vmem>>) dst(%dma_wait3A_576 : memref<65536xf32, #tpu.memory_space<vmem_shared>>)
    %dma_wait3A_577 = arith.constant 3 : i32
    %dma_wait3A_578 = arith.constant 384 : i32
    %dma_wait3A_579 = tpu.memref_slice %arg7[%dma_wait3A_578] : memref<4096xi32, #tpu.memory_space<vmem>> -> memref<128xi32, #tpu.memory_space<vmem>>
    %dma_wait3A_580 = arith.constant 0 : i32
    %dma_wait3A_581 = tpu.memref_slice %arg6[%dma_wait3A_577, %dma_wait3A_580] : memref<32x128xi32, #tpu.memory_space<vmem>> -> memref<1x128xi32, #tpu.memory_space<vmem>>
    %dma_wait3A_582 = tpu.memref_squeeze %dma_wait3A_581 : memref<1x128xi32, #tpu.memory_space<vmem>> -> memref<128xi32, #tpu.memory_space<vmem>>
    %dma_wait3A_583 = arith.constant 0 : i32
    %dma_wait3A_584 = tpu.memref_slice %arg11[%dma_wait3A_583] : memref<65536xi32, #tpu.memory_space<vmem_shared>> -> memref<65536xi32, #tpu.memory_space<vmem_shared>>
    tpu.wait_indirect_dma semaphore(%arg13 : memref<!tpu.dma_semaphore, #tpu.memory_space<semaphore_mem>>) src(%dma_wait3A_579 : memref<128xi32, #tpu.memory_space<vmem>>) dst(%dma_wait3A_584 : memref<65536xi32, #tpu.memory_space<vmem_shared>>)
    %dma_wait3A_585 = arith.constant 3 : i32
    %dma_wait3A_586 = arith.constant 384 : i32
    %dma_wait3A_587 = tpu.memref_slice %arg8[%dma_wait3A_586] : memref<4096xf32, #tpu.memory_space<vmem>> -> memref<128xf32, #tpu.memory_space<vmem>>
    %dma_wait3A_588 = arith.constant 0 : i32
    %dma_wait3A_589 = tpu.memref_slice %arg6[%dma_wait3A_585, %dma_wait3A_588] : memref<32x128xi32, #tpu.memory_space<vmem>> -> memref<1x128xi32, #tpu.memory_space<vmem>>
    %dma_wait3A_590 = tpu.memref_squeeze %dma_wait3A_589 : memref<1x128xi32, #tpu.memory_space<vmem>> -> memref<128xi32, #tpu.memory_space<vmem>>
    %dma_wait3A_591 = arith.constant 0 : i32
    %dma_wait3A_592 = tpu.memref_slice %arg12[%dma_wait3A_591] : memref<65536xf32, #tpu.memory_space<vmem_shared>> -> memref<65536xf32, #tpu.memory_space<vmem_shared>>
    tpu.wait_indirect_dma semaphore(%arg14 : memref<!tpu.dma_semaphore, #tpu.memory_space<semaphore_mem>>) src(%dma_wait3A_587 : memref<128xf32, #tpu.memory_space<vmem>>) dst(%dma_wait3A_592 : memref<65536xf32, #tpu.memory_space<vmem_shared>>)
    %dma_wait3A_593 = arith.constant 4 : i32
    %dma_wait3A_594 = arith.constant 512 : i32
    %dma_wait3A_595 = tpu.memref_slice %arg7[%dma_wait3A_594] : memref<4096xi32, #tpu.memory_space<vmem>> -> memref<128xi32, #tpu.memory_space<vmem>>
    %dma_wait3A_596 = arith.constant 0 : i32
    %dma_wait3A_597 = tpu.memref_slice %arg6[%dma_wait3A_593, %dma_wait3A_596] : memref<32x128xi32, #tpu.memory_space<vmem>> -> memref<1x128xi32, #tpu.memory_space<vmem>>
    %dma_wait3A_598 = tpu.memref_squeeze %dma_wait3A_597 : memref<1x128xi32, #tpu.memory_space<vmem>> -> memref<128xi32, #tpu.memory_space<vmem>>
    %dma_wait3A_599 = arith.constant 0 : i32
    %dma_wait3A_600 = tpu.memref_slice %arg11[%dma_wait3A_599] : memref<65536xi32, #tpu.memory_space<vmem_shared>> -> memref<65536xi32, #tpu.memory_space<vmem_shared>>
    tpu.wait_indirect_dma semaphore(%arg13 : memref<!tpu.dma_semaphore, #tpu.memory_space<semaphore_mem>>) src(%dma_wait3A_595 : memref<128xi32, #tpu.memory_space<vmem>>) dst(%dma_wait3A_600 : memref<65536xi32, #tpu.memory_space<vmem_shared>>)
    %dma_wait3A_601 = arith.constant 4 : i32
    %dma_wait3A_602 = arith.constant 512 : i32
    %dma_wait3A_603 = tpu.memref_slice %arg8[%dma_wait3A_602] : memref<4096xf32, #tpu.memory_space<vmem>> -> memref<128xf32, #tpu.memory_space<vmem>>
    %dma_wait3A_604 = arith.constant 0 : i32
    %dma_wait3A_605 = tpu.memref_slice %arg6[%dma_wait3A_601, %dma_wait3A_604] : memref<32x128xi32, #tpu.memory_space<vmem>> -> memref<1x128xi32, #tpu.memory_space<vmem>>
    %dma_wait3A_606 = tpu.memref_squeeze %dma_wait3A_605 : memref<1x128xi32, #tpu.memory_space<vmem>> -> memref<128xi32, #tpu.memory_space<vmem>>
    %dma_wait3A_607 = arith.constant 0 : i32
    %dma_wait3A_608 = tpu.memref_slice %arg12[%dma_wait3A_607] : memref<65536xf32, #tpu.memory_space<vmem_shared>> -> memref<65536xf32, #tpu.memory_space<vmem_shared>>
    tpu.wait_indirect_dma semaphore(%arg14 : memref<!tpu.dma_semaphore, #tpu.memory_space<semaphore_mem>>) src(%dma_wait3A_603 : memref<128xf32, #tpu.memory_space<vmem>>) dst(%dma_wait3A_608 : memref<65536xf32, #tpu.memory_space<vmem_shared>>)
    %dma_wait3A_609 = arith.constant 5 : i32
    %dma_wait3A_610 = arith.constant 640 : i32
    %dma_wait3A_611 = tpu.memref_slice %arg7[%dma_wait3A_610] : memref<4096xi32, #tpu.memory_space<vmem>> -> memref<128xi32, #tpu.memory_space<vmem>>
    %dma_wait3A_612 = arith.constant 0 : i32
    %dma_wait3A_613 = tpu.memref_slice %arg6[%dma_wait3A_609, %dma_wait3A_612] : memref<32x128xi32, #tpu.memory_space<vmem>> -> memref<1x128xi32, #tpu.memory_space<vmem>>
    %dma_wait3A_614 = tpu.memref_squeeze %dma_wait3A_613 : memref<1x128xi32, #tpu.memory_space<vmem>> -> memref<128xi32, #tpu.memory_space<vmem>>
    %dma_wait3A_615 = arith.constant 0 : i32
    %dma_wait3A_616 = tpu.memref_slice %arg11[%dma_wait3A_615] : memref<65536xi32, #tpu.memory_space<vmem_shared>> -> memref<65536xi32, #tpu.memory_space<vmem_shared>>
    tpu.wait_indirect_dma semaphore(%arg13 : memref<!tpu.dma_semaphore, #tpu.memory_space<semaphore_mem>>) src(%dma_wait3A_611 : memref<128xi32, #tpu.memory_space<vmem>>) dst(%dma_wait3A_616 : memref<65536xi32, #tpu.memory_space<vmem_shared>>)
    %dma_wait3A_617 = arith.constant 5 : i32
    %dma_wait3A_618 = arith.constant 640 : i32
    %dma_wait3A_619 = tpu.memref_slice %arg8[%dma_wait3A_618] : memref<4096xf32, #tpu.memory_space<vmem>> -> memref<128xf32, #tpu.memory_space<vmem>>
    %dma_wait3A_620 = arith.constant 0 : i32
    %dma_wait3A_621 = tpu.memref_slice %arg6[%dma_wait3A_617, %dma_wait3A_620] : memref<32x128xi32, #tpu.memory_space<vmem>> -> memref<1x128xi32, #tpu.memory_space<vmem>>
    %dma_wait3A_622 = tpu.memref_squeeze %dma_wait3A_621 : memref<1x128xi32, #tpu.memory_space<vmem>> -> memref<128xi32, #tpu.memory_space<vmem>>
    %dma_wait3A_623 = arith.constant 0 : i32
    %dma_wait3A_624 = tpu.memref_slice %arg12[%dma_wait3A_623] : memref<65536xf32, #tpu.memory_space<vmem_shared>> -> memref<65536xf32, #tpu.memory_space<vmem_shared>>
    tpu.wait_indirect_dma semaphore(%arg14 : memref<!tpu.dma_semaphore, #tpu.memory_space<semaphore_mem>>) src(%dma_wait3A_619 : memref<128xf32, #tpu.memory_space<vmem>>) dst(%dma_wait3A_624 : memref<65536xf32, #tpu.memory_space<vmem_shared>>)
    %dma_wait3A_625 = arith.constant 6 : i32
    %dma_wait3A_626 = arith.constant 768 : i32
    %dma_wait3A_627 = tpu.memref_slice %arg7[%dma_wait3A_626] : memref<4096xi32, #tpu.memory_space<vmem>> -> memref<128xi32, #tpu.memory_space<vmem>>
    %dma_wait3A_628 = arith.constant 0 : i32
    %dma_wait3A_629 = tpu.memref_slice %arg6[%dma_wait3A_625, %dma_wait3A_628] : memref<32x128xi32, #tpu.memory_space<vmem>> -> memref<1x128xi32, #tpu.memory_space<vmem>>
    %dma_wait3A_630 = tpu.memref_squeeze %dma_wait3A_629 : memref<1x128xi32, #tpu.memory_space<vmem>> -> memref<128xi32, #tpu.memory_space<vmem>>
    %dma_wait3A_631 = arith.constant 0 : i32
    %dma_wait3A_632 = tpu.memref_slice %arg11[%dma_wait3A_631] : memref<65536xi32, #tpu.memory_space<vmem_shared>> -> memref<65536xi32, #tpu.memory_space<vmem_shared>>
    tpu.wait_indirect_dma semaphore(%arg13 : memref<!tpu.dma_semaphore, #tpu.memory_space<semaphore_mem>>) src(%dma_wait3A_627 : memref<128xi32, #tpu.memory_space<vmem>>) dst(%dma_wait3A_632 : memref<65536xi32, #tpu.memory_space<vmem_shared>>)
    %dma_wait3A_633 = arith.constant 6 : i32
    %dma_wait3A_634 = arith.constant 768 : i32
    %dma_wait3A_635 = tpu.memref_slice %arg8[%dma_wait3A_634] : memref<4096xf32, #tpu.memory_space<vmem>> -> memref<128xf32, #tpu.memory_space<vmem>>
    %dma_wait3A_636 = arith.constant 0 : i32
    %dma_wait3A_637 = tpu.memref_slice %arg6[%dma_wait3A_633, %dma_wait3A_636] : memref<32x128xi32, #tpu.memory_space<vmem>> -> memref<1x128xi32, #tpu.memory_space<vmem>>
    %dma_wait3A_638 = tpu.memref_squeeze %dma_wait3A_637 : memref<1x128xi32, #tpu.memory_space<vmem>> -> memref<128xi32, #tpu.memory_space<vmem>>
    %dma_wait3A_639 = arith.constant 0 : i32
    %dma_wait3A_640 = tpu.memref_slice %arg12[%dma_wait3A_639] : memref<65536xf32, #tpu.memory_space<vmem_shared>> -> memref<65536xf32, #tpu.memory_space<vmem_shared>>
    tpu.wait_indirect_dma semaphore(%arg14 : memref<!tpu.dma_semaphore, #tpu.memory_space<semaphore_mem>>) src(%dma_wait3A_635 : memref<128xf32, #tpu.memory_space<vmem>>) dst(%dma_wait3A_640 : memref<65536xf32, #tpu.memory_space<vmem_shared>>)
    %dma_wait3A_641 = arith.constant 7 : i32
    %dma_wait3A_642 = arith.constant 896 : i32
    %dma_wait3A_643 = tpu.memref_slice %arg7[%dma_wait3A_642] : memref<4096xi32, #tpu.memory_space<vmem>> -> memref<128xi32, #tpu.memory_space<vmem>>
    %dma_wait3A_644 = arith.constant 0 : i32
    %dma_wait3A_645 = tpu.memref_slice %arg6[%dma_wait3A_641, %dma_wait3A_644] : memref<32x128xi32, #tpu.memory_space<vmem>> -> memref<1x128xi32, #tpu.memory_space<vmem>>
    %dma_wait3A_646 = tpu.memref_squeeze %dma_wait3A_645 : memref<1x128xi32, #tpu.memory_space<vmem>> -> memref<128xi32, #tpu.memory_space<vmem>>
    %dma_wait3A_647 = arith.constant 0 : i32
    %dma_wait3A_648 = tpu.memref_slice %arg11[%dma_wait3A_647] : memref<65536xi32, #tpu.memory_space<vmem_shared>> -> memref<65536xi32, #tpu.memory_space<vmem_shared>>
    tpu.wait_indirect_dma semaphore(%arg13 : memref<!tpu.dma_semaphore, #tpu.memory_space<semaphore_mem>>) src(%dma_wait3A_643 : memref<128xi32, #tpu.memory_space<vmem>>) dst(%dma_wait3A_648 : memref<65536xi32, #tpu.memory_space<vmem_shared>>)
    %dma_wait3A_649 = arith.constant 7 : i32
    %dma_wait3A_650 = arith.constant 896 : i32
    %dma_wait3A_651 = tpu.memref_slice %arg8[%dma_wait3A_650] : memref<4096xf32, #tpu.memory_space<vmem>> -> memref<128xf32, #tpu.memory_space<vmem>>
    %dma_wait3A_652 = arith.constant 0 : i32
    %dma_wait3A_653 = tpu.memref_slice %arg6[%dma_wait3A_649, %dma_wait3A_652] : memref<32x128xi32, #tpu.memory_space<vmem>> -> memref<1x128xi32, #tpu.memory_space<vmem>>
    %dma_wait3A_654 = tpu.memref_squeeze %dma_wait3A_653 : memref<1x128xi32, #tpu.memory_space<vmem>> -> memref<128xi32, #tpu.memory_space<vmem>>
    %dma_wait3A_655 = arith.constant 0 : i32
    %dma_wait3A_656 = tpu.memref_slice %arg12[%dma_wait3A_655] : memref<65536xf32, #tpu.memory_space<vmem_shared>> -> memref<65536xf32, #tpu.memory_space<vmem_shared>>
    tpu.wait_indirect_dma semaphore(%arg14 : memref<!tpu.dma_semaphore, #tpu.memory_space<semaphore_mem>>) src(%dma_wait3A_651 : memref<128xf32, #tpu.memory_space<vmem>>) dst(%dma_wait3A_656 : memref<65536xf32, #tpu.memory_space<vmem_shared>>)
    %dma_wait3A_657 = arith.constant 8 : i32
    %dma_wait3A_658 = arith.constant 1024 : i32
    %dma_wait3A_659 = tpu.memref_slice %arg7[%dma_wait3A_658] : memref<4096xi32, #tpu.memory_space<vmem>> -> memref<128xi32, #tpu.memory_space<vmem>>
    %dma_wait3A_660 = arith.constant 0 : i32
    %dma_wait3A_661 = tpu.memref_slice %arg6[%dma_wait3A_657, %dma_wait3A_660] : memref<32x128xi32, #tpu.memory_space<vmem>> -> memref<1x128xi32, #tpu.memory_space<vmem>>
    %dma_wait3A_662 = tpu.memref_squeeze %dma_wait3A_661 : memref<1x128xi32, #tpu.memory_space<vmem>> -> memref<128xi32, #tpu.memory_space<vmem>>
    %dma_wait3A_663 = arith.constant 0 : i32
    %dma_wait3A_664 = tpu.memref_slice %arg11[%dma_wait3A_663] : memref<65536xi32, #tpu.memory_space<vmem_shared>> -> memref<65536xi32, #tpu.memory_space<vmem_shared>>
    tpu.wait_indirect_dma semaphore(%arg13 : memref<!tpu.dma_semaphore, #tpu.memory_space<semaphore_mem>>) src(%dma_wait3A_659 : memref<128xi32, #tpu.memory_space<vmem>>) dst(%dma_wait3A_664 : memref<65536xi32, #tpu.memory_space<vmem_shared>>)
    %dma_wait3A_665 = arith.constant 8 : i32
    %dma_wait3A_666 = arith.constant 1024 : i32
    %dma_wait3A_667 = tpu.memref_slice %arg8[%dma_wait3A_666] : memref<4096xf32, #tpu.memory_space<vmem>> -> memref<128xf32, #tpu.memory_space<vmem>>
    %dma_wait3A_668 = arith.constant 0 : i32
    %dma_wait3A_669 = tpu.memref_slice %arg6[%dma_wait3A_665, %dma_wait3A_668] : memref<32x128xi32, #tpu.memory_space<vmem>> -> memref<1x128xi32, #tpu.memory_space<vmem>>
    %dma_wait3A_670 = tpu.memref_squeeze %dma_wait3A_669 : memref<1x128xi32, #tpu.memory_space<vmem>> -> memref<128xi32, #tpu.memory_space<vmem>>
    %dma_wait3A_671 = arith.constant 0 : i32
    %dma_wait3A_672 = tpu.memref_slice %arg12[%dma_wait3A_671] : memref<65536xf32, #tpu.memory_space<vmem_shared>> -> memref<65536xf32, #tpu.memory_space<vmem_shared>>
    tpu.wait_indirect_dma semaphore(%arg14 : memref<!tpu.dma_semaphore, #tpu.memory_space<semaphore_mem>>) src(%dma_wait3A_667 : memref<128xf32, #tpu.memory_space<vmem>>) dst(%dma_wait3A_672 : memref<65536xf32, #tpu.memory_space<vmem_shared>>)
    %dma_wait3A_673 = arith.constant 9 : i32
    %dma_wait3A_674 = arith.constant 1152 : i32
    %dma_wait3A_675 = tpu.memref_slice %arg7[%dma_wait3A_674] : memref<4096xi32, #tpu.memory_space<vmem>> -> memref<128xi32, #tpu.memory_space<vmem>>
    %dma_wait3A_676 = arith.constant 0 : i32
    %dma_wait3A_677 = tpu.memref_slice %arg6[%dma_wait3A_673, %dma_wait3A_676] : memref<32x128xi32, #tpu.memory_space<vmem>> -> memref<1x128xi32, #tpu.memory_space<vmem>>
    %dma_wait3A_678 = tpu.memref_squeeze %dma_wait3A_677 : memref<1x128xi32, #tpu.memory_space<vmem>> -> memref<128xi32, #tpu.memory_space<vmem>>
    %dma_wait3A_679 = arith.constant 0 : i32
    %dma_wait3A_680 = tpu.memref_slice %arg11[%dma_wait3A_679] : memref<65536xi32, #tpu.memory_space<vmem_shared>> -> memref<65536xi32, #tpu.memory_space<vmem_shared>>
    tpu.wait_indirect_dma semaphore(%arg13 : memref<!tpu.dma_semaphore, #tpu.memory_space<semaphore_mem>>) src(%dma_wait3A_675 : memref<128xi32, #tpu.memory_space<vmem>>) dst(%dma_wait3A_680 : memref<65536xi32, #tpu.memory_space<vmem_shared>>)
    %dma_wait3A_681 = arith.constant 9 : i32
    %dma_wait3A_682 = arith.constant 1152 : i32
    %dma_wait3A_683 = tpu.memref_slice %arg8[%dma_wait3A_682] : memref<4096xf32, #tpu.memory_space<vmem>> -> memref<128xf32, #tpu.memory_space<vmem>>
    %dma_wait3A_684 = arith.constant 0 : i32
    %dma_wait3A_685 = tpu.memref_slice %arg6[%dma_wait3A_681, %dma_wait3A_684] : memref<32x128xi32, #tpu.memory_space<vmem>> -> memref<1x128xi32, #tpu.memory_space<vmem>>
    %dma_wait3A_686 = tpu.memref_squeeze %dma_wait3A_685 : memref<1x128xi32, #tpu.memory_space<vmem>> -> memref<128xi32, #tpu.memory_space<vmem>>
    %dma_wait3A_687 = arith.constant 0 : i32
    %dma_wait3A_688 = tpu.memref_slice %arg12[%dma_wait3A_687] : memref<65536xf32, #tpu.memory_space<vmem_shared>> -> memref<65536xf32, #tpu.memory_space<vmem_shared>>
    tpu.wait_indirect_dma semaphore(%arg14 : memref<!tpu.dma_semaphore, #tpu.memory_space<semaphore_mem>>) src(%dma_wait3A_683 : memref<128xf32, #tpu.memory_space<vmem>>) dst(%dma_wait3A_688 : memref<65536xf32, #tpu.memory_space<vmem_shared>>)
    %dma_wait3A_689 = arith.constant 10 : i32
    %dma_wait3A_690 = arith.constant 1280 : i32
    %dma_wait3A_691 = tpu.memref_slice %arg7[%dma_wait3A_690] : memref<4096xi32, #tpu.memory_space<vmem>> -> memref<128xi32, #tpu.memory_space<vmem>>
    %dma_wait3A_692 = arith.constant 0 : i32
    %dma_wait3A_693 = tpu.memref_slice %arg6[%dma_wait3A_689, %dma_wait3A_692] : memref<32x128xi32, #tpu.memory_space<vmem>> -> memref<1x128xi32, #tpu.memory_space<vmem>>
    %dma_wait3A_694 = tpu.memref_squeeze %dma_wait3A_693 : memref<1x128xi32, #tpu.memory_space<vmem>> -> memref<128xi32, #tpu.memory_space<vmem>>
    %dma_wait3A_695 = arith.constant 0 : i32
    %dma_wait3A_696 = tpu.memref_slice %arg11[%dma_wait3A_695] : memref<65536xi32, #tpu.memory_space<vmem_shared>> -> memref<65536xi32, #tpu.memory_space<vmem_shared>>
    tpu.wait_indirect_dma semaphore(%arg13 : memref<!tpu.dma_semaphore, #tpu.memory_space<semaphore_mem>>) src(%dma_wait3A_691 : memref<128xi32, #tpu.memory_space<vmem>>) dst(%dma_wait3A_696 : memref<65536xi32, #tpu.memory_space<vmem_shared>>)
    %dma_wait3A_697 = arith.constant 10 : i32
    %dma_wait3A_698 = arith.constant 1280 : i32
    %dma_wait3A_699 = tpu.memref_slice %arg8[%dma_wait3A_698] : memref<4096xf32, #tpu.memory_space<vmem>> -> memref<128xf32, #tpu.memory_space<vmem>>
    %dma_wait3A_700 = arith.constant 0 : i32
    %dma_wait3A_701 = tpu.memref_slice %arg6[%dma_wait3A_697, %dma_wait3A_700] : memref<32x128xi32, #tpu.memory_space<vmem>> -> memref<1x128xi32, #tpu.memory_space<vmem>>
    %dma_wait3A_702 = tpu.memref_squeeze %dma_wait3A_701 : memref<1x128xi32, #tpu.memory_space<vmem>> -> memref<128xi32, #tpu.memory_space<vmem>>
    %dma_wait3A_703 = arith.constant 0 : i32
    %dma_wait3A_704 = tpu.memref_slice %arg12[%dma_wait3A_703] : memref<65536xf32, #tpu.memory_space<vmem_shared>> -> memref<65536xf32, #tpu.memory_space<vmem_shared>>
    tpu.wait_indirect_dma semaphore(%arg14 : memref<!tpu.dma_semaphore, #tpu.memory_space<semaphore_mem>>) src(%dma_wait3A_699 : memref<128xf32, #tpu.memory_space<vmem>>) dst(%dma_wait3A_704 : memref<65536xf32, #tpu.memory_space<vmem_shared>>)
    %dma_wait3A_705 = arith.constant 11 : i32
    %dma_wait3A_706 = arith.constant 1408 : i32
    %dma_wait3A_707 = tpu.memref_slice %arg7[%dma_wait3A_706] : memref<4096xi32, #tpu.memory_space<vmem>> -> memref<128xi32, #tpu.memory_space<vmem>>
    %dma_wait3A_708 = arith.constant 0 : i32
    %dma_wait3A_709 = tpu.memref_slice %arg6[%dma_wait3A_705, %dma_wait3A_708] : memref<32x128xi32, #tpu.memory_space<vmem>> -> memref<1x128xi32, #tpu.memory_space<vmem>>
    %dma_wait3A_710 = tpu.memref_squeeze %dma_wait3A_709 : memref<1x128xi32, #tpu.memory_space<vmem>> -> memref<128xi32, #tpu.memory_space<vmem>>
    %dma_wait3A_711 = arith.constant 0 : i32
    %dma_wait3A_712 = tpu.memref_slice %arg11[%dma_wait3A_711] : memref<65536xi32, #tpu.memory_space<vmem_shared>> -> memref<65536xi32, #tpu.memory_space<vmem_shared>>
    tpu.wait_indirect_dma semaphore(%arg13 : memref<!tpu.dma_semaphore, #tpu.memory_space<semaphore_mem>>) src(%dma_wait3A_707 : memref<128xi32, #tpu.memory_space<vmem>>) dst(%dma_wait3A_712 : memref<65536xi32, #tpu.memory_space<vmem_shared>>)
    %dma_wait3A_713 = arith.constant 11 : i32
    %dma_wait3A_714 = arith.constant 1408 : i32
    %dma_wait3A_715 = tpu.memref_slice %arg8[%dma_wait3A_714] : memref<4096xf32, #tpu.memory_space<vmem>> -> memref<128xf32, #tpu.memory_space<vmem>>
    %dma_wait3A_716 = arith.constant 0 : i32
    %dma_wait3A_717 = tpu.memref_slice %arg6[%dma_wait3A_713, %dma_wait3A_716] : memref<32x128xi32, #tpu.memory_space<vmem>> -> memref<1x128xi32, #tpu.memory_space<vmem>>
    %dma_wait3A_718 = tpu.memref_squeeze %dma_wait3A_717 : memref<1x128xi32, #tpu.memory_space<vmem>> -> memref<128xi32, #tpu.memory_space<vmem>>
    %dma_wait3A_719 = arith.constant 0 : i32
    %dma_wait3A_720 = tpu.memref_slice %arg12[%dma_wait3A_719] : memref<65536xf32, #tpu.memory_space<vmem_shared>> -> memref<65536xf32, #tpu.memory_space<vmem_shared>>
    tpu.wait_indirect_dma semaphore(%arg14 : memref<!tpu.dma_semaphore, #tpu.memory_space<semaphore_mem>>) src(%dma_wait3A_715 : memref<128xf32, #tpu.memory_space<vmem>>) dst(%dma_wait3A_720 : memref<65536xf32, #tpu.memory_space<vmem_shared>>)
    %dma_wait3A_721 = arith.constant 12 : i32
    %dma_wait3A_722 = arith.constant 1536 : i32
    %dma_wait3A_723 = tpu.memref_slice %arg7[%dma_wait3A_722] : memref<4096xi32, #tpu.memory_space<vmem>> -> memref<128xi32, #tpu.memory_space<vmem>>
    %dma_wait3A_724 = arith.constant 0 : i32
    %dma_wait3A_725 = tpu.memref_slice %arg6[%dma_wait3A_721, %dma_wait3A_724] : memref<32x128xi32, #tpu.memory_space<vmem>> -> memref<1x128xi32, #tpu.memory_space<vmem>>
    %dma_wait3A_726 = tpu.memref_squeeze %dma_wait3A_725 : memref<1x128xi32, #tpu.memory_space<vmem>> -> memref<128xi32, #tpu.memory_space<vmem>>
    %dma_wait3A_727 = arith.constant 0 : i32
    %dma_wait3A_728 = tpu.memref_slice %arg11[%dma_wait3A_727] : memref<65536xi32, #tpu.memory_space<vmem_shared>> -> memref<65536xi32, #tpu.memory_space<vmem_shared>>
    tpu.wait_indirect_dma semaphore(%arg13 : memref<!tpu.dma_semaphore, #tpu.memory_space<semaphore_mem>>) src(%dma_wait3A_723 : memref<128xi32, #tpu.memory_space<vmem>>) dst(%dma_wait3A_728 : memref<65536xi32, #tpu.memory_space<vmem_shared>>)
    %dma_wait3A_729 = arith.constant 12 : i32
    %dma_wait3A_730 = arith.constant 1536 : i32
    %dma_wait3A_731 = tpu.memref_slice %arg8[%dma_wait3A_730] : memref<4096xf32, #tpu.memory_space<vmem>> -> memref<128xf32, #tpu.memory_space<vmem>>
    %dma_wait3A_732 = arith.constant 0 : i32
    %dma_wait3A_733 = tpu.memref_slice %arg6[%dma_wait3A_729, %dma_wait3A_732] : memref<32x128xi32, #tpu.memory_space<vmem>> -> memref<1x128xi32, #tpu.memory_space<vmem>>
    %dma_wait3A_734 = tpu.memref_squeeze %dma_wait3A_733 : memref<1x128xi32, #tpu.memory_space<vmem>> -> memref<128xi32, #tpu.memory_space<vmem>>
    %dma_wait3A_735 = arith.constant 0 : i32
    %dma_wait3A_736 = tpu.memref_slice %arg12[%dma_wait3A_735] : memref<65536xf32, #tpu.memory_space<vmem_shared>> -> memref<65536xf32, #tpu.memory_space<vmem_shared>>
    tpu.wait_indirect_dma semaphore(%arg14 : memref<!tpu.dma_semaphore, #tpu.memory_space<semaphore_mem>>) src(%dma_wait3A_731 : memref<128xf32, #tpu.memory_space<vmem>>) dst(%dma_wait3A_736 : memref<65536xf32, #tpu.memory_space<vmem_shared>>)
    %dma_wait3A_737 = arith.constant 13 : i32
    %dma_wait3A_738 = arith.constant 1664 : i32
    %dma_wait3A_739 = tpu.memref_slice %arg7[%dma_wait3A_738] : memref<4096xi32, #tpu.memory_space<vmem>> -> memref<128xi32, #tpu.memory_space<vmem>>
    %dma_wait3A_740 = arith.constant 0 : i32
    %dma_wait3A_741 = tpu.memref_slice %arg6[%dma_wait3A_737, %dma_wait3A_740] : memref<32x128xi32, #tpu.memory_space<vmem>> -> memref<1x128xi32, #tpu.memory_space<vmem>>
    %dma_wait3A_742 = tpu.memref_squeeze %dma_wait3A_741 : memref<1x128xi32, #tpu.memory_space<vmem>> -> memref<128xi32, #tpu.memory_space<vmem>>
    %dma_wait3A_743 = arith.constant 0 : i32
    %dma_wait3A_744 = tpu.memref_slice %arg11[%dma_wait3A_743] : memref<65536xi32, #tpu.memory_space<vmem_shared>> -> memref<65536xi32, #tpu.memory_space<vmem_shared>>
    tpu.wait_indirect_dma semaphore(%arg13 : memref<!tpu.dma_semaphore, #tpu.memory_space<semaphore_mem>>) src(%dma_wait3A_739 : memref<128xi32, #tpu.memory_space<vmem>>) dst(%dma_wait3A_744 : memref<65536xi32, #tpu.memory_space<vmem_shared>>)
    %dma_wait3A_745 = arith.constant 13 : i32
    %dma_wait3A_746 = arith.constant 1664 : i32
    %dma_wait3A_747 = tpu.memref_slice %arg8[%dma_wait3A_746] : memref<4096xf32, #tpu.memory_space<vmem>> -> memref<128xf32, #tpu.memory_space<vmem>>
    %dma_wait3A_748 = arith.constant 0 : i32
    %dma_wait3A_749 = tpu.memref_slice %arg6[%dma_wait3A_745, %dma_wait3A_748] : memref<32x128xi32, #tpu.memory_space<vmem>> -> memref<1x128xi32, #tpu.memory_space<vmem>>
    %dma_wait3A_750 = tpu.memref_squeeze %dma_wait3A_749 : memref<1x128xi32, #tpu.memory_space<vmem>> -> memref<128xi32, #tpu.memory_space<vmem>>
    %dma_wait3A_751 = arith.constant 0 : i32
    %dma_wait3A_752 = tpu.memref_slice %arg12[%dma_wait3A_751] : memref<65536xf32, #tpu.memory_space<vmem_shared>> -> memref<65536xf32, #tpu.memory_space<vmem_shared>>
    tpu.wait_indirect_dma semaphore(%arg14 : memref<!tpu.dma_semaphore, #tpu.memory_space<semaphore_mem>>) src(%dma_wait3A_747 : memref<128xf32, #tpu.memory_space<vmem>>) dst(%dma_wait3A_752 : memref<65536xf32, #tpu.memory_space<vmem_shared>>)
    %dma_wait3A_753 = arith.constant 14 : i32
    %dma_wait3A_754 = arith.constant 1792 : i32
    %dma_wait3A_755 = tpu.memref_slice %arg7[%dma_wait3A_754] : memref<4096xi32, #tpu.memory_space<vmem>> -> memref<128xi32, #tpu.memory_space<vmem>>
    %dma_wait3A_756 = arith.constant 0 : i32
    %dma_wait3A_757 = tpu.memref_slice %arg6[%dma_wait3A_753, %dma_wait3A_756] : memref<32x128xi32, #tpu.memory_space<vmem>> -> memref<1x128xi32, #tpu.memory_space<vmem>>
    %dma_wait3A_758 = tpu.memref_squeeze %dma_wait3A_757 : memref<1x128xi32, #tpu.memory_space<vmem>> -> memref<128xi32, #tpu.memory_space<vmem>>
    %dma_wait3A_759 = arith.constant 0 : i32
    %dma_wait3A_760 = tpu.memref_slice %arg11[%dma_wait3A_759] : memref<65536xi32, #tpu.memory_space<vmem_shared>> -> memref<65536xi32, #tpu.memory_space<vmem_shared>>
    tpu.wait_indirect_dma semaphore(%arg13 : memref<!tpu.dma_semaphore, #tpu.memory_space<semaphore_mem>>) src(%dma_wait3A_755 : memref<128xi32, #tpu.memory_space<vmem>>) dst(%dma_wait3A_760 : memref<65536xi32, #tpu.memory_space<vmem_shared>>)
    %dma_wait3A_761 = arith.constant 14 : i32
    %dma_wait3A_762 = arith.constant 1792 : i32
    %dma_wait3A_763 = tpu.memref_slice %arg8[%dma_wait3A_762] : memref<4096xf32, #tpu.memory_space<vmem>> -> memref<128xf32, #tpu.memory_space<vmem>>
    %dma_wait3A_764 = arith.constant 0 : i32
    %dma_wait3A_765 = tpu.memref_slice %arg6[%dma_wait3A_761, %dma_wait3A_764] : memref<32x128xi32, #tpu.memory_space<vmem>> -> memref<1x128xi32, #tpu.memory_space<vmem>>
    %dma_wait3A_766 = tpu.memref_squeeze %dma_wait3A_765 : memref<1x128xi32, #tpu.memory_space<vmem>> -> memref<128xi32, #tpu.memory_space<vmem>>
    %dma_wait3A_767 = arith.constant 0 : i32
    %dma_wait3A_768 = tpu.memref_slice %arg12[%dma_wait3A_767] : memref<65536xf32, #tpu.memory_space<vmem_shared>> -> memref<65536xf32, #tpu.memory_space<vmem_shared>>
    tpu.wait_indirect_dma semaphore(%arg14 : memref<!tpu.dma_semaphore, #tpu.memory_space<semaphore_mem>>) src(%dma_wait3A_763 : memref<128xf32, #tpu.memory_space<vmem>>) dst(%dma_wait3A_768 : memref<65536xf32, #tpu.memory_space<vmem_shared>>)
    %dma_wait3A_769 = arith.constant 15 : i32
    %dma_wait3A_770 = arith.constant 1920 : i32
    %dma_wait3A_771 = tpu.memref_slice %arg7[%dma_wait3A_770] : memref<4096xi32, #tpu.memory_space<vmem>> -> memref<128xi32, #tpu.memory_space<vmem>>
    %dma_wait3A_772 = arith.constant 0 : i32
    %dma_wait3A_773 = tpu.memref_slice %arg6[%dma_wait3A_769, %dma_wait3A_772] : memref<32x128xi32, #tpu.memory_space<vmem>> -> memref<1x128xi32, #tpu.memory_space<vmem>>
    %dma_wait3A_774 = tpu.memref_squeeze %dma_wait3A_773 : memref<1x128xi32, #tpu.memory_space<vmem>> -> memref<128xi32, #tpu.memory_space<vmem>>
    %dma_wait3A_775 = arith.constant 0 : i32
    %dma_wait3A_776 = tpu.memref_slice %arg11[%dma_wait3A_775] : memref<65536xi32, #tpu.memory_space<vmem_shared>> -> memref<65536xi32, #tpu.memory_space<vmem_shared>>
    tpu.wait_indirect_dma semaphore(%arg13 : memref<!tpu.dma_semaphore, #tpu.memory_space<semaphore_mem>>) src(%dma_wait3A_771 : memref<128xi32, #tpu.memory_space<vmem>>) dst(%dma_wait3A_776 : memref<65536xi32, #tpu.memory_space<vmem_shared>>)
    %dma_wait3A_777 = arith.constant 15 : i32
    %dma_wait3A_778 = arith.constant 1920 : i32
    %dma_wait3A_779 = tpu.memref_slice %arg8[%dma_wait3A_778] : memref<4096xf32, #tpu.memory_space<vmem>> -> memref<128xf32, #tpu.memory_space<vmem>>
    %dma_wait3A_780 = arith.constant 0 : i32
    %dma_wait3A_781 = tpu.memref_slice %arg6[%dma_wait3A_777, %dma_wait3A_780] : memref<32x128xi32, #tpu.memory_space<vmem>> -> memref<1x128xi32, #tpu.memory_space<vmem>>
    %dma_wait3A_782 = tpu.memref_squeeze %dma_wait3A_781 : memref<1x128xi32, #tpu.memory_space<vmem>> -> memref<128xi32, #tpu.memory_space<vmem>>
    %dma_wait3A_783 = arith.constant 0 : i32
    %dma_wait3A_784 = tpu.memref_slice %arg12[%dma_wait3A_783] : memref<65536xf32, #tpu.memory_space<vmem_shared>> -> memref<65536xf32, #tpu.memory_space<vmem_shared>>
    tpu.wait_indirect_dma semaphore(%arg14 : memref<!tpu.dma_semaphore, #tpu.memory_space<semaphore_mem>>) src(%dma_wait3A_779 : memref<128xf32, #tpu.memory_space<vmem>>) dst(%dma_wait3A_784 : memref<65536xf32, #tpu.memory_space<vmem_shared>>)
    %dma_wait3A_785 = arith.constant 16 : i32
    %dma_wait3A_786 = arith.constant 2048 : i32
    %dma_wait3A_787 = tpu.memref_slice %arg7[%dma_wait3A_786] : memref<4096xi32, #tpu.memory_space<vmem>> -> memref<128xi32, #tpu.memory_space<vmem>>
    %dma_wait3A_788 = arith.constant 0 : i32
    %dma_wait3A_789 = tpu.memref_slice %arg6[%dma_wait3A_785, %dma_wait3A_788] : memref<32x128xi32, #tpu.memory_space<vmem>> -> memref<1x128xi32, #tpu.memory_space<vmem>>
    %dma_wait3A_790 = tpu.memref_squeeze %dma_wait3A_789 : memref<1x128xi32, #tpu.memory_space<vmem>> -> memref<128xi32, #tpu.memory_space<vmem>>
    %dma_wait3A_791 = arith.constant 0 : i32
    %dma_wait3A_792 = tpu.memref_slice %arg11[%dma_wait3A_791] : memref<65536xi32, #tpu.memory_space<vmem_shared>> -> memref<65536xi32, #tpu.memory_space<vmem_shared>>
    tpu.wait_indirect_dma semaphore(%arg13 : memref<!tpu.dma_semaphore, #tpu.memory_space<semaphore_mem>>) src(%dma_wait3A_787 : memref<128xi32, #tpu.memory_space<vmem>>) dst(%dma_wait3A_792 : memref<65536xi32, #tpu.memory_space<vmem_shared>>)
    %dma_wait3A_793 = arith.constant 16 : i32
    %dma_wait3A_794 = arith.constant 2048 : i32
    %dma_wait3A_795 = tpu.memref_slice %arg8[%dma_wait3A_794] : memref<4096xf32, #tpu.memory_space<vmem>> -> memref<128xf32, #tpu.memory_space<vmem>>
    %dma_wait3A_796 = arith.constant 0 : i32
    %dma_wait3A_797 = tpu.memref_slice %arg6[%dma_wait3A_793, %dma_wait3A_796] : memref<32x128xi32, #tpu.memory_space<vmem>> -> memref<1x128xi32, #tpu.memory_space<vmem>>
    %dma_wait3A_798 = tpu.memref_squeeze %dma_wait3A_797 : memref<1x128xi32, #tpu.memory_space<vmem>> -> memref<128xi32, #tpu.memory_space<vmem>>
    %dma_wait3A_799 = arith.constant 0 : i32
    %dma_wait3A_800 = tpu.memref_slice %arg12[%dma_wait3A_799] : memref<65536xf32, #tpu.memory_space<vmem_shared>> -> memref<65536xf32, #tpu.memory_space<vmem_shared>>
    tpu.wait_indirect_dma semaphore(%arg14 : memref<!tpu.dma_semaphore, #tpu.memory_space<semaphore_mem>>) src(%dma_wait3A_795 : memref<128xf32, #tpu.memory_space<vmem>>) dst(%dma_wait3A_800 : memref<65536xf32, #tpu.memory_space<vmem_shared>>)
    %dma_wait3A_801 = arith.constant 17 : i32
    %dma_wait3A_802 = arith.constant 2176 : i32
    %dma_wait3A_803 = tpu.memref_slice %arg7[%dma_wait3A_802] : memref<4096xi32, #tpu.memory_space<vmem>> -> memref<128xi32, #tpu.memory_space<vmem>>
    %dma_wait3A_804 = arith.constant 0 : i32
    %dma_wait3A_805 = tpu.memref_slice %arg6[%dma_wait3A_801, %dma_wait3A_804] : memref<32x128xi32, #tpu.memory_space<vmem>> -> memref<1x128xi32, #tpu.memory_space<vmem>>
    %dma_wait3A_806 = tpu.memref_squeeze %dma_wait3A_805 : memref<1x128xi32, #tpu.memory_space<vmem>> -> memref<128xi32, #tpu.memory_space<vmem>>
    %dma_wait3A_807 = arith.constant 0 : i32
    %dma_wait3A_808 = tpu.memref_slice %arg11[%dma_wait3A_807] : memref<65536xi32, #tpu.memory_space<vmem_shared>> -> memref<65536xi32, #tpu.memory_space<vmem_shared>>
    tpu.wait_indirect_dma semaphore(%arg13 : memref<!tpu.dma_semaphore, #tpu.memory_space<semaphore_mem>>) src(%dma_wait3A_803 : memref<128xi32, #tpu.memory_space<vmem>>) dst(%dma_wait3A_808 : memref<65536xi32, #tpu.memory_space<vmem_shared>>)
    %dma_wait3A_809 = arith.constant 17 : i32
    %dma_wait3A_810 = arith.constant 2176 : i32
    %dma_wait3A_811 = tpu.memref_slice %arg8[%dma_wait3A_810] : memref<4096xf32, #tpu.memory_space<vmem>> -> memref<128xf32, #tpu.memory_space<vmem>>
    %dma_wait3A_812 = arith.constant 0 : i32
    %dma_wait3A_813 = tpu.memref_slice %arg6[%dma_wait3A_809, %dma_wait3A_812] : memref<32x128xi32, #tpu.memory_space<vmem>> -> memref<1x128xi32, #tpu.memory_space<vmem>>
    %dma_wait3A_814 = tpu.memref_squeeze %dma_wait3A_813 : memref<1x128xi32, #tpu.memory_space<vmem>> -> memref<128xi32, #tpu.memory_space<vmem>>
    %dma_wait3A_815 = arith.constant 0 : i32
    %dma_wait3A_816 = tpu.memref_slice %arg12[%dma_wait3A_815] : memref<65536xf32, #tpu.memory_space<vmem_shared>> -> memref<65536xf32, #tpu.memory_space<vmem_shared>>
    tpu.wait_indirect_dma semaphore(%arg14 : memref<!tpu.dma_semaphore, #tpu.memory_space<semaphore_mem>>) src(%dma_wait3A_811 : memref<128xf32, #tpu.memory_space<vmem>>) dst(%dma_wait3A_816 : memref<65536xf32, #tpu.memory_space<vmem_shared>>)
    %dma_wait3A_817 = arith.constant 18 : i32
    %dma_wait3A_818 = arith.constant 2304 : i32
    %dma_wait3A_819 = tpu.memref_slice %arg7[%dma_wait3A_818] : memref<4096xi32, #tpu.memory_space<vmem>> -> memref<128xi32, #tpu.memory_space<vmem>>
    %dma_wait3A_820 = arith.constant 0 : i32
    %dma_wait3A_821 = tpu.memref_slice %arg6[%dma_wait3A_817, %dma_wait3A_820] : memref<32x128xi32, #tpu.memory_space<vmem>> -> memref<1x128xi32, #tpu.memory_space<vmem>>
    %dma_wait3A_822 = tpu.memref_squeeze %dma_wait3A_821 : memref<1x128xi32, #tpu.memory_space<vmem>> -> memref<128xi32, #tpu.memory_space<vmem>>
    %dma_wait3A_823 = arith.constant 0 : i32
    %dma_wait3A_824 = tpu.memref_slice %arg11[%dma_wait3A_823] : memref<65536xi32, #tpu.memory_space<vmem_shared>> -> memref<65536xi32, #tpu.memory_space<vmem_shared>>
    tpu.wait_indirect_dma semaphore(%arg13 : memref<!tpu.dma_semaphore, #tpu.memory_space<semaphore_mem>>) src(%dma_wait3A_819 : memref<128xi32, #tpu.memory_space<vmem>>) dst(%dma_wait3A_824 : memref<65536xi32, #tpu.memory_space<vmem_shared>>)
    %dma_wait3A_825 = arith.constant 18 : i32
    %dma_wait3A_826 = arith.constant 2304 : i32
    %dma_wait3A_827 = tpu.memref_slice %arg8[%dma_wait3A_826] : memref<4096xf32, #tpu.memory_space<vmem>> -> memref<128xf32, #tpu.memory_space<vmem>>
    %dma_wait3A_828 = arith.constant 0 : i32
    %dma_wait3A_829 = tpu.memref_slice %arg6[%dma_wait3A_825, %dma_wait3A_828] : memref<32x128xi32, #tpu.memory_space<vmem>> -> memref<1x128xi32, #tpu.memory_space<vmem>>
    %dma_wait3A_830 = tpu.memref_squeeze %dma_wait3A_829 : memref<1x128xi32, #tpu.memory_space<vmem>> -> memref<128xi32, #tpu.memory_space<vmem>>
    %dma_wait3A_831 = arith.constant 0 : i32
    %dma_wait3A_832 = tpu.memref_slice %arg12[%dma_wait3A_831] : memref<65536xf32, #tpu.memory_space<vmem_shared>> -> memref<65536xf32, #tpu.memory_space<vmem_shared>>
    tpu.wait_indirect_dma semaphore(%arg14 : memref<!tpu.dma_semaphore, #tpu.memory_space<semaphore_mem>>) src(%dma_wait3A_827 : memref<128xf32, #tpu.memory_space<vmem>>) dst(%dma_wait3A_832 : memref<65536xf32, #tpu.memory_space<vmem_shared>>)
    %dma_wait3A_833 = arith.constant 19 : i32
    %dma_wait3A_834 = arith.constant 2432 : i32
    %dma_wait3A_835 = tpu.memref_slice %arg7[%dma_wait3A_834] : memref<4096xi32, #tpu.memory_space<vmem>> -> memref<128xi32, #tpu.memory_space<vmem>>
    %dma_wait3A_836 = arith.constant 0 : i32
    %dma_wait3A_837 = tpu.memref_slice %arg6[%dma_wait3A_833, %dma_wait3A_836] : memref<32x128xi32, #tpu.memory_space<vmem>> -> memref<1x128xi32, #tpu.memory_space<vmem>>
    %dma_wait3A_838 = tpu.memref_squeeze %dma_wait3A_837 : memref<1x128xi32, #tpu.memory_space<vmem>> -> memref<128xi32, #tpu.memory_space<vmem>>
    %dma_wait3A_839 = arith.constant 0 : i32
    %dma_wait3A_840 = tpu.memref_slice %arg11[%dma_wait3A_839] : memref<65536xi32, #tpu.memory_space<vmem_shared>> -> memref<65536xi32, #tpu.memory_space<vmem_shared>>
    tpu.wait_indirect_dma semaphore(%arg13 : memref<!tpu.dma_semaphore, #tpu.memory_space<semaphore_mem>>) src(%dma_wait3A_835 : memref<128xi32, #tpu.memory_space<vmem>>) dst(%dma_wait3A_840 : memref<65536xi32, #tpu.memory_space<vmem_shared>>)
    %dma_wait3A_841 = arith.constant 19 : i32
    %dma_wait3A_842 = arith.constant 2432 : i32
    %dma_wait3A_843 = tpu.memref_slice %arg8[%dma_wait3A_842] : memref<4096xf32, #tpu.memory_space<vmem>> -> memref<128xf32, #tpu.memory_space<vmem>>
    %dma_wait3A_844 = arith.constant 0 : i32
    %dma_wait3A_845 = tpu.memref_slice %arg6[%dma_wait3A_841, %dma_wait3A_844] : memref<32x128xi32, #tpu.memory_space<vmem>> -> memref<1x128xi32, #tpu.memory_space<vmem>>
    %dma_wait3A_846 = tpu.memref_squeeze %dma_wait3A_845 : memref<1x128xi32, #tpu.memory_space<vmem>> -> memref<128xi32, #tpu.memory_space<vmem>>
    %dma_wait3A_847 = arith.constant 0 : i32
    %dma_wait3A_848 = tpu.memref_slice %arg12[%dma_wait3A_847] : memref<65536xf32, #tpu.memory_space<vmem_shared>> -> memref<65536xf32, #tpu.memory_space<vmem_shared>>
    tpu.wait_indirect_dma semaphore(%arg14 : memref<!tpu.dma_semaphore, #tpu.memory_space<semaphore_mem>>) src(%dma_wait3A_843 : memref<128xf32, #tpu.memory_space<vmem>>) dst(%dma_wait3A_848 : memref<65536xf32, #tpu.memory_space<vmem_shared>>)
    %dma_wait3A_849 = arith.constant 20 : i32
    %dma_wait3A_850 = arith.constant 2560 : i32
    %dma_wait3A_851 = tpu.memref_slice %arg7[%dma_wait3A_850] : memref<4096xi32, #tpu.memory_space<vmem>> -> memref<128xi32, #tpu.memory_space<vmem>>
    %dma_wait3A_852 = arith.constant 0 : i32
    %dma_wait3A_853 = tpu.memref_slice %arg6[%dma_wait3A_849, %dma_wait3A_852] : memref<32x128xi32, #tpu.memory_space<vmem>> -> memref<1x128xi32, #tpu.memory_space<vmem>>
    %dma_wait3A_854 = tpu.memref_squeeze %dma_wait3A_853 : memref<1x128xi32, #tpu.memory_space<vmem>> -> memref<128xi32, #tpu.memory_space<vmem>>
    %dma_wait3A_855 = arith.constant 0 : i32
    %dma_wait3A_856 = tpu.memref_slice %arg11[%dma_wait3A_855] : memref<65536xi32, #tpu.memory_space<vmem_shared>> -> memref<65536xi32, #tpu.memory_space<vmem_shared>>
    tpu.wait_indirect_dma semaphore(%arg13 : memref<!tpu.dma_semaphore, #tpu.memory_space<semaphore_mem>>) src(%dma_wait3A_851 : memref<128xi32, #tpu.memory_space<vmem>>) dst(%dma_wait3A_856 : memref<65536xi32, #tpu.memory_space<vmem_shared>>)
    %dma_wait3A_857 = arith.constant 20 : i32
    %dma_wait3A_858 = arith.constant 2560 : i32
    %dma_wait3A_859 = tpu.memref_slice %arg8[%dma_wait3A_858] : memref<4096xf32, #tpu.memory_space<vmem>> -> memref<128xf32, #tpu.memory_space<vmem>>
    %dma_wait3A_860 = arith.constant 0 : i32
    %dma_wait3A_861 = tpu.memref_slice %arg6[%dma_wait3A_857, %dma_wait3A_860] : memref<32x128xi32, #tpu.memory_space<vmem>> -> memref<1x128xi32, #tpu.memory_space<vmem>>
    %dma_wait3A_862 = tpu.memref_squeeze %dma_wait3A_861 : memref<1x128xi32, #tpu.memory_space<vmem>> -> memref<128xi32, #tpu.memory_space<vmem>>
    %dma_wait3A_863 = arith.constant 0 : i32
    %dma_wait3A_864 = tpu.memref_slice %arg12[%dma_wait3A_863] : memref<65536xf32, #tpu.memory_space<vmem_shared>> -> memref<65536xf32, #tpu.memory_space<vmem_shared>>
    tpu.wait_indirect_dma semaphore(%arg14 : memref<!tpu.dma_semaphore, #tpu.memory_space<semaphore_mem>>) src(%dma_wait3A_859 : memref<128xf32, #tpu.memory_space<vmem>>) dst(%dma_wait3A_864 : memref<65536xf32, #tpu.memory_space<vmem_shared>>)
    %dma_wait3A_865 = arith.constant 21 : i32
    %dma_wait3A_866 = arith.constant 2688 : i32
    %dma_wait3A_867 = tpu.memref_slice %arg7[%dma_wait3A_866] : memref<4096xi32, #tpu.memory_space<vmem>> -> memref<128xi32, #tpu.memory_space<vmem>>
    %dma_wait3A_868 = arith.constant 0 : i32
    %dma_wait3A_869 = tpu.memref_slice %arg6[%dma_wait3A_865, %dma_wait3A_868] : memref<32x128xi32, #tpu.memory_space<vmem>> -> memref<1x128xi32, #tpu.memory_space<vmem>>
    %dma_wait3A_870 = tpu.memref_squeeze %dma_wait3A_869 : memref<1x128xi32, #tpu.memory_space<vmem>> -> memref<128xi32, #tpu.memory_space<vmem>>
    %dma_wait3A_871 = arith.constant 0 : i32
    %dma_wait3A_872 = tpu.memref_slice %arg11[%dma_wait3A_871] : memref<65536xi32, #tpu.memory_space<vmem_shared>> -> memref<65536xi32, #tpu.memory_space<vmem_shared>>
    tpu.wait_indirect_dma semaphore(%arg13 : memref<!tpu.dma_semaphore, #tpu.memory_space<semaphore_mem>>) src(%dma_wait3A_867 : memref<128xi32, #tpu.memory_space<vmem>>) dst(%dma_wait3A_872 : memref<65536xi32, #tpu.memory_space<vmem_shared>>)
    %dma_wait3A_873 = arith.constant 21 : i32
    %dma_wait3A_874 = arith.constant 2688 : i32
    %dma_wait3A_875 = tpu.memref_slice %arg8[%dma_wait3A_874] : memref<4096xf32, #tpu.memory_space<vmem>> -> memref<128xf32, #tpu.memory_space<vmem>>
    %dma_wait3A_876 = arith.constant 0 : i32
    %dma_wait3A_877 = tpu.memref_slice %arg6[%dma_wait3A_873, %dma_wait3A_876] : memref<32x128xi32, #tpu.memory_space<vmem>> -> memref<1x128xi32, #tpu.memory_space<vmem>>
    %dma_wait3A_878 = tpu.memref_squeeze %dma_wait3A_877 : memref<1x128xi32, #tpu.memory_space<vmem>> -> memref<128xi32, #tpu.memory_space<vmem>>
    %dma_wait3A_879 = arith.constant 0 : i32
    %dma_wait3A_880 = tpu.memref_slice %arg12[%dma_wait3A_879] : memref<65536xf32, #tpu.memory_space<vmem_shared>> -> memref<65536xf32, #tpu.memory_space<vmem_shared>>
    tpu.wait_indirect_dma semaphore(%arg14 : memref<!tpu.dma_semaphore, #tpu.memory_space<semaphore_mem>>) src(%dma_wait3A_875 : memref<128xf32, #tpu.memory_space<vmem>>) dst(%dma_wait3A_880 : memref<65536xf32, #tpu.memory_space<vmem_shared>>)
    %dma_wait3A_881 = arith.constant 22 : i32
    %dma_wait3A_882 = arith.constant 2816 : i32
    %dma_wait3A_883 = tpu.memref_slice %arg7[%dma_wait3A_882] : memref<4096xi32, #tpu.memory_space<vmem>> -> memref<128xi32, #tpu.memory_space<vmem>>
    %dma_wait3A_884 = arith.constant 0 : i32
    %dma_wait3A_885 = tpu.memref_slice %arg6[%dma_wait3A_881, %dma_wait3A_884] : memref<32x128xi32, #tpu.memory_space<vmem>> -> memref<1x128xi32, #tpu.memory_space<vmem>>
    %dma_wait3A_886 = tpu.memref_squeeze %dma_wait3A_885 : memref<1x128xi32, #tpu.memory_space<vmem>> -> memref<128xi32, #tpu.memory_space<vmem>>
    %dma_wait3A_887 = arith.constant 0 : i32
    %dma_wait3A_888 = tpu.memref_slice %arg11[%dma_wait3A_887] : memref<65536xi32, #tpu.memory_space<vmem_shared>> -> memref<65536xi32, #tpu.memory_space<vmem_shared>>
    tpu.wait_indirect_dma semaphore(%arg13 : memref<!tpu.dma_semaphore, #tpu.memory_space<semaphore_mem>>) src(%dma_wait3A_883 : memref<128xi32, #tpu.memory_space<vmem>>) dst(%dma_wait3A_888 : memref<65536xi32, #tpu.memory_space<vmem_shared>>)
    %dma_wait3A_889 = arith.constant 22 : i32
    %dma_wait3A_890 = arith.constant 2816 : i32
    %dma_wait3A_891 = tpu.memref_slice %arg8[%dma_wait3A_890] : memref<4096xf32, #tpu.memory_space<vmem>> -> memref<128xf32, #tpu.memory_space<vmem>>
    %dma_wait3A_892 = arith.constant 0 : i32
    %dma_wait3A_893 = tpu.memref_slice %arg6[%dma_wait3A_889, %dma_wait3A_892] : memref<32x128xi32, #tpu.memory_space<vmem>> -> memref<1x128xi32, #tpu.memory_space<vmem>>
    %dma_wait3A_894 = tpu.memref_squeeze %dma_wait3A_893 : memref<1x128xi32, #tpu.memory_space<vmem>> -> memref<128xi32, #tpu.memory_space<vmem>>
    %dma_wait3A_895 = arith.constant 0 : i32
    %dma_wait3A_896 = tpu.memref_slice %arg12[%dma_wait3A_895] : memref<65536xf32, #tpu.memory_space<vmem_shared>> -> memref<65536xf32, #tpu.memory_space<vmem_shared>>
    tpu.wait_indirect_dma semaphore(%arg14 : memref<!tpu.dma_semaphore, #tpu.memory_space<semaphore_mem>>) src(%dma_wait3A_891 : memref<128xf32, #tpu.memory_space<vmem>>) dst(%dma_wait3A_896 : memref<65536xf32, #tpu.memory_space<vmem_shared>>)
    %dma_wait3A_897 = arith.constant 23 : i32
    %dma_wait3A_898 = arith.constant 2944 : i32
    %dma_wait3A_899 = tpu.memref_slice %arg7[%dma_wait3A_898] : memref<4096xi32, #tpu.memory_space<vmem>> -> memref<128xi32, #tpu.memory_space<vmem>>
    %dma_wait3A_900 = arith.constant 0 : i32
    %dma_wait3A_901 = tpu.memref_slice %arg6[%dma_wait3A_897, %dma_wait3A_900] : memref<32x128xi32, #tpu.memory_space<vmem>> -> memref<1x128xi32, #tpu.memory_space<vmem>>
    %dma_wait3A_902 = tpu.memref_squeeze %dma_wait3A_901 : memref<1x128xi32, #tpu.memory_space<vmem>> -> memref<128xi32, #tpu.memory_space<vmem>>
    %dma_wait3A_903 = arith.constant 0 : i32
    %dma_wait3A_904 = tpu.memref_slice %arg11[%dma_wait3A_903] : memref<65536xi32, #tpu.memory_space<vmem_shared>> -> memref<65536xi32, #tpu.memory_space<vmem_shared>>
    tpu.wait_indirect_dma semaphore(%arg13 : memref<!tpu.dma_semaphore, #tpu.memory_space<semaphore_mem>>) src(%dma_wait3A_899 : memref<128xi32, #tpu.memory_space<vmem>>) dst(%dma_wait3A_904 : memref<65536xi32, #tpu.memory_space<vmem_shared>>)
    %dma_wait3A_905 = arith.constant 23 : i32
    %dma_wait3A_906 = arith.constant 2944 : i32
    %dma_wait3A_907 = tpu.memref_slice %arg8[%dma_wait3A_906] : memref<4096xf32, #tpu.memory_space<vmem>> -> memref<128xf32, #tpu.memory_space<vmem>>
    %dma_wait3A_908 = arith.constant 0 : i32
    %dma_wait3A_909 = tpu.memref_slice %arg6[%dma_wait3A_905, %dma_wait3A_908] : memref<32x128xi32, #tpu.memory_space<vmem>> -> memref<1x128xi32, #tpu.memory_space<vmem>>
    %dma_wait3A_910 = tpu.memref_squeeze %dma_wait3A_909 : memref<1x128xi32, #tpu.memory_space<vmem>> -> memref<128xi32, #tpu.memory_space<vmem>>
    %dma_wait3A_911 = arith.constant 0 : i32
    %dma_wait3A_912 = tpu.memref_slice %arg12[%dma_wait3A_911] : memref<65536xf32, #tpu.memory_space<vmem_shared>> -> memref<65536xf32, #tpu.memory_space<vmem_shared>>
    tpu.wait_indirect_dma semaphore(%arg14 : memref<!tpu.dma_semaphore, #tpu.memory_space<semaphore_mem>>) src(%dma_wait3A_907 : memref<128xf32, #tpu.memory_space<vmem>>) dst(%dma_wait3A_912 : memref<65536xf32, #tpu.memory_space<vmem_shared>>)
    %dma_wait3A_913 = arith.constant 24 : i32
    %dma_wait3A_914 = arith.constant 3072 : i32
    %dma_wait3A_915 = tpu.memref_slice %arg7[%dma_wait3A_914] : memref<4096xi32, #tpu.memory_space<vmem>> -> memref<128xi32, #tpu.memory_space<vmem>>
    %dma_wait3A_916 = arith.constant 0 : i32
    %dma_wait3A_917 = tpu.memref_slice %arg6[%dma_wait3A_913, %dma_wait3A_916] : memref<32x128xi32, #tpu.memory_space<vmem>> -> memref<1x128xi32, #tpu.memory_space<vmem>>
    %dma_wait3A_918 = tpu.memref_squeeze %dma_wait3A_917 : memref<1x128xi32, #tpu.memory_space<vmem>> -> memref<128xi32, #tpu.memory_space<vmem>>
    %dma_wait3A_919 = arith.constant 0 : i32
    %dma_wait3A_920 = tpu.memref_slice %arg11[%dma_wait3A_919] : memref<65536xi32, #tpu.memory_space<vmem_shared>> -> memref<65536xi32, #tpu.memory_space<vmem_shared>>
    tpu.wait_indirect_dma semaphore(%arg13 : memref<!tpu.dma_semaphore, #tpu.memory_space<semaphore_mem>>) src(%dma_wait3A_915 : memref<128xi32, #tpu.memory_space<vmem>>) dst(%dma_wait3A_920 : memref<65536xi32, #tpu.memory_space<vmem_shared>>)
    %dma_wait3A_921 = arith.constant 24 : i32
    %dma_wait3A_922 = arith.constant 3072 : i32
    %dma_wait3A_923 = tpu.memref_slice %arg8[%dma_wait3A_922] : memref<4096xf32, #tpu.memory_space<vmem>> -> memref<128xf32, #tpu.memory_space<vmem>>
    %dma_wait3A_924 = arith.constant 0 : i32
    %dma_wait3A_925 = tpu.memref_slice %arg6[%dma_wait3A_921, %dma_wait3A_924] : memref<32x128xi32, #tpu.memory_space<vmem>> -> memref<1x128xi32, #tpu.memory_space<vmem>>
    %dma_wait3A_926 = tpu.memref_squeeze %dma_wait3A_925 : memref<1x128xi32, #tpu.memory_space<vmem>> -> memref<128xi32, #tpu.memory_space<vmem>>
    %dma_wait3A_927 = arith.constant 0 : i32
    %dma_wait3A_928 = tpu.memref_slice %arg12[%dma_wait3A_927] : memref<65536xf32, #tpu.memory_space<vmem_shared>> -> memref<65536xf32, #tpu.memory_space<vmem_shared>>
    tpu.wait_indirect_dma semaphore(%arg14 : memref<!tpu.dma_semaphore, #tpu.memory_space<semaphore_mem>>) src(%dma_wait3A_923 : memref<128xf32, #tpu.memory_space<vmem>>) dst(%dma_wait3A_928 : memref<65536xf32, #tpu.memory_space<vmem_shared>>)
    %dma_wait3A_929 = arith.constant 25 : i32
    %dma_wait3A_930 = arith.constant 3200 : i32
    %dma_wait3A_931 = tpu.memref_slice %arg7[%dma_wait3A_930] : memref<4096xi32, #tpu.memory_space<vmem>> -> memref<128xi32, #tpu.memory_space<vmem>>
    %dma_wait3A_932 = arith.constant 0 : i32
    %dma_wait3A_933 = tpu.memref_slice %arg6[%dma_wait3A_929, %dma_wait3A_932] : memref<32x128xi32, #tpu.memory_space<vmem>> -> memref<1x128xi32, #tpu.memory_space<vmem>>
    %dma_wait3A_934 = tpu.memref_squeeze %dma_wait3A_933 : memref<1x128xi32, #tpu.memory_space<vmem>> -> memref<128xi32, #tpu.memory_space<vmem>>
    %dma_wait3A_935 = arith.constant 0 : i32
    %dma_wait3A_936 = tpu.memref_slice %arg11[%dma_wait3A_935] : memref<65536xi32, #tpu.memory_space<vmem_shared>> -> memref<65536xi32, #tpu.memory_space<vmem_shared>>
    tpu.wait_indirect_dma semaphore(%arg13 : memref<!tpu.dma_semaphore, #tpu.memory_space<semaphore_mem>>) src(%dma_wait3A_931 : memref<128xi32, #tpu.memory_space<vmem>>) dst(%dma_wait3A_936 : memref<65536xi32, #tpu.memory_space<vmem_shared>>)
    %dma_wait3A_937 = arith.constant 25 : i32
    %dma_wait3A_938 = arith.constant 3200 : i32
    %dma_wait3A_939 = tpu.memref_slice %arg8[%dma_wait3A_938] : memref<4096xf32, #tpu.memory_space<vmem>> -> memref<128xf32, #tpu.memory_space<vmem>>
    %dma_wait3A_940 = arith.constant 0 : i32
    %dma_wait3A_941 = tpu.memref_slice %arg6[%dma_wait3A_937, %dma_wait3A_940] : memref<32x128xi32, #tpu.memory_space<vmem>> -> memref<1x128xi32, #tpu.memory_space<vmem>>
    %dma_wait3A_942 = tpu.memref_squeeze %dma_wait3A_941 : memref<1x128xi32, #tpu.memory_space<vmem>> -> memref<128xi32, #tpu.memory_space<vmem>>
    %dma_wait3A_943 = arith.constant 0 : i32
    %dma_wait3A_944 = tpu.memref_slice %arg12[%dma_wait3A_943] : memref<65536xf32, #tpu.memory_space<vmem_shared>> -> memref<65536xf32, #tpu.memory_space<vmem_shared>>
    tpu.wait_indirect_dma semaphore(%arg14 : memref<!tpu.dma_semaphore, #tpu.memory_space<semaphore_mem>>) src(%dma_wait3A_939 : memref<128xf32, #tpu.memory_space<vmem>>) dst(%dma_wait3A_944 : memref<65536xf32, #tpu.memory_space<vmem_shared>>)
    %dma_wait3A_945 = arith.constant 26 : i32
    %dma_wait3A_946 = arith.constant 3328 : i32
    %dma_wait3A_947 = tpu.memref_slice %arg7[%dma_wait3A_946] : memref<4096xi32, #tpu.memory_space<vmem>> -> memref<128xi32, #tpu.memory_space<vmem>>
    %dma_wait3A_948 = arith.constant 0 : i32
    %dma_wait3A_949 = tpu.memref_slice %arg6[%dma_wait3A_945, %dma_wait3A_948] : memref<32x128xi32, #tpu.memory_space<vmem>> -> memref<1x128xi32, #tpu.memory_space<vmem>>
    %dma_wait3A_950 = tpu.memref_squeeze %dma_wait3A_949 : memref<1x128xi32, #tpu.memory_space<vmem>> -> memref<128xi32, #tpu.memory_space<vmem>>
    %dma_wait3A_951 = arith.constant 0 : i32
    %dma_wait3A_952 = tpu.memref_slice %arg11[%dma_wait3A_951] : memref<65536xi32, #tpu.memory_space<vmem_shared>> -> memref<65536xi32, #tpu.memory_space<vmem_shared>>
    tpu.wait_indirect_dma semaphore(%arg13 : memref<!tpu.dma_semaphore, #tpu.memory_space<semaphore_mem>>) src(%dma_wait3A_947 : memref<128xi32, #tpu.memory_space<vmem>>) dst(%dma_wait3A_952 : memref<65536xi32, #tpu.memory_space<vmem_shared>>)
    %dma_wait3A_953 = arith.constant 26 : i32
    %dma_wait3A_954 = arith.constant 3328 : i32
    %dma_wait3A_955 = tpu.memref_slice %arg8[%dma_wait3A_954] : memref<4096xf32, #tpu.memory_space<vmem>> -> memref<128xf32, #tpu.memory_space<vmem>>
    %dma_wait3A_956 = arith.constant 0 : i32
    %dma_wait3A_957 = tpu.memref_slice %arg6[%dma_wait3A_953, %dma_wait3A_956] : memref<32x128xi32, #tpu.memory_space<vmem>> -> memref<1x128xi32, #tpu.memory_space<vmem>>
    %dma_wait3A_958 = tpu.memref_squeeze %dma_wait3A_957 : memref<1x128xi32, #tpu.memory_space<vmem>> -> memref<128xi32, #tpu.memory_space<vmem>>
    %dma_wait3A_959 = arith.constant 0 : i32
    %dma_wait3A_960 = tpu.memref_slice %arg12[%dma_wait3A_959] : memref<65536xf32, #tpu.memory_space<vmem_shared>> -> memref<65536xf32, #tpu.memory_space<vmem_shared>>
    tpu.wait_indirect_dma semaphore(%arg14 : memref<!tpu.dma_semaphore, #tpu.memory_space<semaphore_mem>>) src(%dma_wait3A_955 : memref<128xf32, #tpu.memory_space<vmem>>) dst(%dma_wait3A_960 : memref<65536xf32, #tpu.memory_space<vmem_shared>>)
    %dma_wait3A_961 = arith.constant 27 : i32
    %dma_wait3A_962 = arith.constant 3456 : i32
    %dma_wait3A_963 = tpu.memref_slice %arg7[%dma_wait3A_962] : memref<4096xi32, #tpu.memory_space<vmem>> -> memref<128xi32, #tpu.memory_space<vmem>>
    %dma_wait3A_964 = arith.constant 0 : i32
    %dma_wait3A_965 = tpu.memref_slice %arg6[%dma_wait3A_961, %dma_wait3A_964] : memref<32x128xi32, #tpu.memory_space<vmem>> -> memref<1x128xi32, #tpu.memory_space<vmem>>
    %dma_wait3A_966 = tpu.memref_squeeze %dma_wait3A_965 : memref<1x128xi32, #tpu.memory_space<vmem>> -> memref<128xi32, #tpu.memory_space<vmem>>
    %dma_wait3A_967 = arith.constant 0 : i32
    %dma_wait3A_968 = tpu.memref_slice %arg11[%dma_wait3A_967] : memref<65536xi32, #tpu.memory_space<vmem_shared>> -> memref<65536xi32, #tpu.memory_space<vmem_shared>>
    tpu.wait_indirect_dma semaphore(%arg13 : memref<!tpu.dma_semaphore, #tpu.memory_space<semaphore_mem>>) src(%dma_wait3A_963 : memref<128xi32, #tpu.memory_space<vmem>>) dst(%dma_wait3A_968 : memref<65536xi32, #tpu.memory_space<vmem_shared>>)
    %dma_wait3A_969 = arith.constant 27 : i32
    %dma_wait3A_970 = arith.constant 3456 : i32
    %dma_wait3A_971 = tpu.memref_slice %arg8[%dma_wait3A_970] : memref<4096xf32, #tpu.memory_space<vmem>> -> memref<128xf32, #tpu.memory_space<vmem>>
    %dma_wait3A_972 = arith.constant 0 : i32
    %dma_wait3A_973 = tpu.memref_slice %arg6[%dma_wait3A_969, %dma_wait3A_972] : memref<32x128xi32, #tpu.memory_space<vmem>> -> memref<1x128xi32, #tpu.memory_space<vmem>>
    %dma_wait3A_974 = tpu.memref_squeeze %dma_wait3A_973 : memref<1x128xi32, #tpu.memory_space<vmem>> -> memref<128xi32, #tpu.memory_space<vmem>>
    %dma_wait3A_975 = arith.constant 0 : i32
    %dma_wait3A_976 = tpu.memref_slice %arg12[%dma_wait3A_975] : memref<65536xf32, #tpu.memory_space<vmem_shared>> -> memref<65536xf32, #tpu.memory_space<vmem_shared>>
    tpu.wait_indirect_dma semaphore(%arg14 : memref<!tpu.dma_semaphore, #tpu.memory_space<semaphore_mem>>) src(%dma_wait3A_971 : memref<128xf32, #tpu.memory_space<vmem>>) dst(%dma_wait3A_976 : memref<65536xf32, #tpu.memory_space<vmem_shared>>)
    %dma_wait3A_977 = arith.constant 28 : i32
    %dma_wait3A_978 = arith.constant 3584 : i32
    %dma_wait3A_979 = tpu.memref_slice %arg7[%dma_wait3A_978] : memref<4096xi32, #tpu.memory_space<vmem>> -> memref<128xi32, #tpu.memory_space<vmem>>
    %dma_wait3A_980 = arith.constant 0 : i32
    %dma_wait3A_981 = tpu.memref_slice %arg6[%dma_wait3A_977, %dma_wait3A_980] : memref<32x128xi32, #tpu.memory_space<vmem>> -> memref<1x128xi32, #tpu.memory_space<vmem>>
    %dma_wait3A_982 = tpu.memref_squeeze %dma_wait3A_981 : memref<1x128xi32, #tpu.memory_space<vmem>> -> memref<128xi32, #tpu.memory_space<vmem>>
    %dma_wait3A_983 = arith.constant 0 : i32
    %dma_wait3A_984 = tpu.memref_slice %arg11[%dma_wait3A_983] : memref<65536xi32, #tpu.memory_space<vmem_shared>> -> memref<65536xi32, #tpu.memory_space<vmem_shared>>
    tpu.wait_indirect_dma semaphore(%arg13 : memref<!tpu.dma_semaphore, #tpu.memory_space<semaphore_mem>>) src(%dma_wait3A_979 : memref<128xi32, #tpu.memory_space<vmem>>) dst(%dma_wait3A_984 : memref<65536xi32, #tpu.memory_space<vmem_shared>>)
    %dma_wait3A_985 = arith.constant 28 : i32
    %dma_wait3A_986 = arith.constant 3584 : i32
    %dma_wait3A_987 = tpu.memref_slice %arg8[%dma_wait3A_986] : memref<4096xf32, #tpu.memory_space<vmem>> -> memref<128xf32, #tpu.memory_space<vmem>>
    %dma_wait3A_988 = arith.constant 0 : i32
    %dma_wait3A_989 = tpu.memref_slice %arg6[%dma_wait3A_985, %dma_wait3A_988] : memref<32x128xi32, #tpu.memory_space<vmem>> -> memref<1x128xi32, #tpu.memory_space<vmem>>
    %dma_wait3A_990 = tpu.memref_squeeze %dma_wait3A_989 : memref<1x128xi32, #tpu.memory_space<vmem>> -> memref<128xi32, #tpu.memory_space<vmem>>
    %dma_wait3A_991 = arith.constant 0 : i32
    %dma_wait3A_992 = tpu.memref_slice %arg12[%dma_wait3A_991] : memref<65536xf32, #tpu.memory_space<vmem_shared>> -> memref<65536xf32, #tpu.memory_space<vmem_shared>>
    tpu.wait_indirect_dma semaphore(%arg14 : memref<!tpu.dma_semaphore, #tpu.memory_space<semaphore_mem>>) src(%dma_wait3A_987 : memref<128xf32, #tpu.memory_space<vmem>>) dst(%dma_wait3A_992 : memref<65536xf32, #tpu.memory_space<vmem_shared>>)
    %dma_wait3A_993 = arith.constant 29 : i32
    %dma_wait3A_994 = arith.constant 3712 : i32
    %dma_wait3A_995 = tpu.memref_slice %arg7[%dma_wait3A_994] : memref<4096xi32, #tpu.memory_space<vmem>> -> memref<128xi32, #tpu.memory_space<vmem>>
    %dma_wait3A_996 = arith.constant 0 : i32
    %dma_wait3A_997 = tpu.memref_slice %arg6[%dma_wait3A_993, %dma_wait3A_996] : memref<32x128xi32, #tpu.memory_space<vmem>> -> memref<1x128xi32, #tpu.memory_space<vmem>>
    %dma_wait3A_998 = tpu.memref_squeeze %dma_wait3A_997 : memref<1x128xi32, #tpu.memory_space<vmem>> -> memref<128xi32, #tpu.memory_space<vmem>>
    %dma_wait3A_999 = arith.constant 0 : i32
    %dma_wait3A_1000 = tpu.memref_slice %arg11[%dma_wait3A_999] : memref<65536xi32, #tpu.memory_space<vmem_shared>> -> memref<65536xi32, #tpu.memory_space<vmem_shared>>
    tpu.wait_indirect_dma semaphore(%arg13 : memref<!tpu.dma_semaphore, #tpu.memory_space<semaphore_mem>>) src(%dma_wait3A_995 : memref<128xi32, #tpu.memory_space<vmem>>) dst(%dma_wait3A_1000 : memref<65536xi32, #tpu.memory_space<vmem_shared>>)
    %dma_wait3A_1001 = arith.constant 29 : i32
    %dma_wait3A_1002 = arith.constant 3712 : i32
    %dma_wait3A_1003 = tpu.memref_slice %arg8[%dma_wait3A_1002] : memref<4096xf32, #tpu.memory_space<vmem>> -> memref<128xf32, #tpu.memory_space<vmem>>
    %dma_wait3A_1004 = arith.constant 0 : i32
    %dma_wait3A_1005 = tpu.memref_slice %arg6[%dma_wait3A_1001, %dma_wait3A_1004] : memref<32x128xi32, #tpu.memory_space<vmem>> -> memref<1x128xi32, #tpu.memory_space<vmem>>
    %dma_wait3A_1006 = tpu.memref_squeeze %dma_wait3A_1005 : memref<1x128xi32, #tpu.memory_space<vmem>> -> memref<128xi32, #tpu.memory_space<vmem>>
    %dma_wait3A_1007 = arith.constant 0 : i32
    %dma_wait3A_1008 = tpu.memref_slice %arg12[%dma_wait3A_1007] : memref<65536xf32, #tpu.memory_space<vmem_shared>> -> memref<65536xf32, #tpu.memory_space<vmem_shared>>
    tpu.wait_indirect_dma semaphore(%arg14 : memref<!tpu.dma_semaphore, #tpu.memory_space<semaphore_mem>>) src(%dma_wait3A_1003 : memref<128xf32, #tpu.memory_space<vmem>>) dst(%dma_wait3A_1008 : memref<65536xf32, #tpu.memory_space<vmem_shared>>)
    %dma_wait3A_1009 = arith.constant 30 : i32
    %dma_wait3A_1010 = arith.constant 3840 : i32
    %dma_wait3A_1011 = tpu.memref_slice %arg7[%dma_wait3A_1010] : memref<4096xi32, #tpu.memory_space<vmem>> -> memref<128xi32, #tpu.memory_space<vmem>>
    %dma_wait3A_1012 = arith.constant 0 : i32
    %dma_wait3A_1013 = tpu.memref_slice %arg6[%dma_wait3A_1009, %dma_wait3A_1012] : memref<32x128xi32, #tpu.memory_space<vmem>> -> memref<1x128xi32, #tpu.memory_space<vmem>>
    %dma_wait3A_1014 = tpu.memref_squeeze %dma_wait3A_1013 : memref<1x128xi32, #tpu.memory_space<vmem>> -> memref<128xi32, #tpu.memory_space<vmem>>
    %dma_wait3A_1015 = arith.constant 0 : i32
    %dma_wait3A_1016 = tpu.memref_slice %arg11[%dma_wait3A_1015] : memref<65536xi32, #tpu.memory_space<vmem_shared>> -> memref<65536xi32, #tpu.memory_space<vmem_shared>>
    tpu.wait_indirect_dma semaphore(%arg13 : memref<!tpu.dma_semaphore, #tpu.memory_space<semaphore_mem>>) src(%dma_wait3A_1011 : memref<128xi32, #tpu.memory_space<vmem>>) dst(%dma_wait3A_1016 : memref<65536xi32, #tpu.memory_space<vmem_shared>>)
    %dma_wait3A_1017 = arith.constant 30 : i32
    %dma_wait3A_1018 = arith.constant 3840 : i32
    %dma_wait3A_1019 = tpu.memref_slice %arg8[%dma_wait3A_1018] : memref<4096xf32, #tpu.memory_space<vmem>> -> memref<128xf32, #tpu.memory_space<vmem>>
    %dma_wait3A_1020 = arith.constant 0 : i32
    %dma_wait3A_1021 = tpu.memref_slice %arg6[%dma_wait3A_1017, %dma_wait3A_1020] : memref<32x128xi32, #tpu.memory_space<vmem>> -> memref<1x128xi32, #tpu.memory_space<vmem>>
    %dma_wait3A_1022 = tpu.memref_squeeze %dma_wait3A_1021 : memref<1x128xi32, #tpu.memory_space<vmem>> -> memref<128xi32, #tpu.memory_space<vmem>>
    %dma_wait3A_1023 = arith.constant 0 : i32
    %dma_wait3A_1024 = tpu.memref_slice %arg12[%dma_wait3A_1023] : memref<65536xf32, #tpu.memory_space<vmem_shared>> -> memref<65536xf32, #tpu.memory_space<vmem_shared>>
    tpu.wait_indirect_dma semaphore(%arg14 : memref<!tpu.dma_semaphore, #tpu.memory_space<semaphore_mem>>) src(%dma_wait3A_1019 : memref<128xf32, #tpu.memory_space<vmem>>) dst(%dma_wait3A_1024 : memref<65536xf32, #tpu.memory_space<vmem_shared>>)
    %dma_wait3A_1025 = arith.constant 31 : i32
    %dma_wait3A_1026 = arith.constant 3968 : i32
    %dma_wait3A_1027 = tpu.memref_slice %arg7[%dma_wait3A_1026] : memref<4096xi32, #tpu.memory_space<vmem>> -> memref<128xi32, #tpu.memory_space<vmem>>
    %dma_wait3A_1028 = arith.constant 0 : i32
    %dma_wait3A_1029 = tpu.memref_slice %arg6[%dma_wait3A_1025, %dma_wait3A_1028] : memref<32x128xi32, #tpu.memory_space<vmem>> -> memref<1x128xi32, #tpu.memory_space<vmem>>
    %dma_wait3A_1030 = tpu.memref_squeeze %dma_wait3A_1029 : memref<1x128xi32, #tpu.memory_space<vmem>> -> memref<128xi32, #tpu.memory_space<vmem>>
    %dma_wait3A_1031 = arith.constant 0 : i32
    %dma_wait3A_1032 = tpu.memref_slice %arg11[%dma_wait3A_1031] : memref<65536xi32, #tpu.memory_space<vmem_shared>> -> memref<65536xi32, #tpu.memory_space<vmem_shared>>
    tpu.wait_indirect_dma semaphore(%arg13 : memref<!tpu.dma_semaphore, #tpu.memory_space<semaphore_mem>>) src(%dma_wait3A_1027 : memref<128xi32, #tpu.memory_space<vmem>>) dst(%dma_wait3A_1032 : memref<65536xi32, #tpu.memory_space<vmem_shared>>)
    %dma_wait3A_1033 = arith.constant 31 : i32
    %dma_wait3A_1034 = arith.constant 3968 : i32
    %dma_wait3A_1035 = tpu.memref_slice %arg8[%dma_wait3A_1034] : memref<4096xf32, #tpu.memory_space<vmem>> -> memref<128xf32, #tpu.memory_space<vmem>>
    %dma_wait3A_1036 = arith.constant 0 : i32
    %dma_wait3A_1037 = tpu.memref_slice %arg6[%dma_wait3A_1033, %dma_wait3A_1036] : memref<32x128xi32, #tpu.memory_space<vmem>> -> memref<1x128xi32, #tpu.memory_space<vmem>>
    %dma_wait3A_1038 = tpu.memref_squeeze %dma_wait3A_1037 : memref<1x128xi32, #tpu.memory_space<vmem>> -> memref<128xi32, #tpu.memory_space<vmem>>
    %dma_wait3A_1039 = arith.constant 0 : i32
    %dma_wait3A_1040 = tpu.memref_slice %arg12[%dma_wait3A_1039] : memref<65536xf32, #tpu.memory_space<vmem_shared>> -> memref<65536xf32, #tpu.memory_space<vmem_shared>>
    tpu.wait_indirect_dma semaphore(%arg14 : memref<!tpu.dma_semaphore, #tpu.memory_space<semaphore_mem>>) src(%dma_wait3A_1035 : memref<128xf32, #tpu.memory_space<vmem>>) dst(%dma_wait3A_1040 : memref<65536xf32, #tpu.memory_space<vmem_shared>>)
    %barrier3A = arith.constant 0 : index
    tpu.barrier barrier_id(%barrier3A)
    %scan3A = arith.constant 0 : i32
    %scan3A_1041 = arith.constant 0 : i32
    %scan3A_1042 = arith.constant 16 : i32
    %scan3A_1043 = arith.addi %scan3A_1041, %scan3A_1042 : i32
    %scan3A_1044 = arith.constant 1 : i32
    %scan3A_1045 = scf.for %scan3A_1178 = %scan3A_1041 to %scan3A_1043 step %scan3A_1044 iter_args(%scan3A_1179 = %scan3A) -> (i32)  : i32 {
      %mul3A_1180 = arith.constant 4 : i32
      %mul3A_1181 = arith.muli %scan3A_1178, %mul3A_1180 : i32
      %mul3A_1182 = arith.constant 1024 : i32
      %mul3A_1183 = arith.muli %mul3A_1181, %mul3A_1182 : i32
      "tpu.region"() ({
        %run_scoped3A = tpu.sem_alloc : memref<!tpu.dma_semaphore, #tpu.memory_space<semaphore_mem>>
        %dma_start3A_1262 = tpu.memref_slice %arg11[%mul3A_1183] : memref<65536xi32, #tpu.memory_space<vmem_shared>> -> memref<4096xi32, #tpu.memory_space<vmem_shared>>
        %dma_start3A_1263 = tpu.memref_slice %arg11[%mul3A_1183] : memref<65536xi32, #tpu.memory_space<vmem_shared>> -> memref<4096xi32, #tpu.memory_space<vmem_shared>>
        tpu.enqueue_dma source(%dma_start3A_1263 : memref<4096xi32, #tpu.memory_space<vmem_shared>>) target(%arg7 : memref<4096xi32, #tpu.memory_space<vmem>>) target_semaphore(%run_scoped3A : memref<!tpu.dma_semaphore, #tpu.memory_space<semaphore_mem>>)
        %dma_wait3A_1264 = tpu.memref_slice %arg11[%mul3A_1183] : memref<65536xi32, #tpu.memory_space<vmem_shared>> -> memref<4096xi32, #tpu.memory_space<vmem_shared>>
        %dma_wait3A_1265 = tpu.memref_slice %arg11[%mul3A_1183] : memref<65536xi32, #tpu.memory_space<vmem_shared>> -> memref<4096xi32, #tpu.memory_space<vmem_shared>>
        tpu.wait_dma2 semaphore(%run_scoped3A : memref<!tpu.dma_semaphore, #tpu.memory_space<semaphore_mem>>) src(%dma_wait3A_1265 : memref<4096xi32, #tpu.memory_space<vmem_shared>>) dst(%arg7 : memref<4096xi32, #tpu.memory_space<vmem>>)
        tpu.yield
      }) : () -> ()
      "tpu.region"() ({
        %run_scoped3A = tpu.sem_alloc : memref<!tpu.dma_semaphore, #tpu.memory_space<semaphore_mem>>
        %dma_start3A_1262 = tpu.memref_slice %arg12[%mul3A_1183] : memref<65536xf32, #tpu.memory_space<vmem_shared>> -> memref<4096xf32, #tpu.memory_space<vmem_shared>>
        %dma_start3A_1263 = tpu.memref_slice %arg12[%mul3A_1183] : memref<65536xf32, #tpu.memory_space<vmem_shared>> -> memref<4096xf32, #tpu.memory_space<vmem_shared>>
        tpu.enqueue_dma source(%dma_start3A_1263 : memref<4096xf32, #tpu.memory_space<vmem_shared>>) target(%arg8 : memref<4096xf32, #tpu.memory_space<vmem>>) target_semaphore(%run_scoped3A : memref<!tpu.dma_semaphore, #tpu.memory_space<semaphore_mem>>)
        %dma_wait3A_1264 = tpu.memref_slice %arg12[%mul3A_1183] : memref<65536xf32, #tpu.memory_space<vmem_shared>> -> memref<4096xf32, #tpu.memory_space<vmem_shared>>
        %dma_wait3A_1265 = tpu.memref_slice %arg12[%mul3A_1183] : memref<65536xf32, #tpu.memory_space<vmem_shared>> -> memref<4096xf32, #tpu.memory_space<vmem_shared>>
        tpu.wait_dma2 semaphore(%run_scoped3A : memref<!tpu.dma_semaphore, #tpu.memory_space<semaphore_mem>>) src(%dma_wait3A_1265 : memref<4096xf32, #tpu.memory_space<vmem_shared>>) dst(%arg8 : memref<4096xf32, #tpu.memory_space<vmem>>)
        tpu.yield
      }) : () -> ()
      %mul3A_1184 = arith.constant 4 : i32
      %mul3A_1185 = arith.muli %scan3A_1178, %mul3A_1184 : i32
      %add3A_1186 = arith.constant 0 : i32
      %add3A_1187 = arith.addi %mul3A_1185, %add3A_1186 : i32
      %dma_wait3A_1188 = arith.constant 0 : i32
      %dma_wait3A_1189 = arith.constant 0 : i32
      %dma_wait3A_1190 = tpu.memref_slice %arg2[%dma_wait3A_1188, %dma_wait3A_1189] : memref<512x65536xf32, #tpu.memory_space<hbm>> -> memref<16x1024xf32, #tpu.memory_space<hbm>>
      %dma_wait3A_1191 = arith.constant 0 : i32
      %dma_wait3A_1192 = arith.constant 0 : i32
      %dma_wait3A_1193 = tpu.memref_slice %arg2[%dma_wait3A_1191, %dma_wait3A_1192] : memref<512x65536xf32, #tpu.memory_space<hbm>> -> memref<16x1024xf32, #tpu.memory_space<hbm>>
      tpu.wait_dma2 semaphore(%arg15 : memref<!tpu.dma_semaphore, #tpu.memory_space<semaphore_mem>>) src(%dma_wait3A_1193 : memref<16x1024xf32, #tpu.memory_space<hbm>>) dst(%arg9 : memref<16x1024xf32, #tpu.memory_space<vmem>>)
      %parallel_loop3A_1194 = arith.constant 0 : i32
      %parallel_loop3A_1195 = arith.constant 64 : i32
      %parallel_loop3A_1196 = arith.constant 1 : i32
      scf.for %parallel_loop3A_1262 = %parallel_loop3A_1194 to %parallel_loop3A_1195 step %parallel_loop3A_1196  : i32 {
        %parallel_loop3A_1263 = arith.constant 16 : i32
        %parallel_loop3A_1264 = arith.muli %parallel_loop3A_1262, %parallel_loop3A_1263 : i32
        %parallel_loop3A_1265 = arith.constant 0 : i32
        %parallel_loop3A_1266 = arith.addi %parallel_loop3A_1265, %parallel_loop3A_1264 : i32
        %parallel_loop3A_1267 = arith.index_cast %parallel_loop3A_1266 : i32 to index
        %parallel_loop3A_1268 = tpu.vector_load %arg7[%parallel_loop3A_1267] {strides = array<i32>} : memref<4096xi32, #tpu.memory_space<vmem>>, vector<16xi32>,
        %parallel_loop3A_1269 = arith.index_cast %parallel_loop3A_1266 : i32 to index
        %parallel_loop3A_1270 = tpu.vector_load %arg8[%parallel_loop3A_1269] {strides = array<i32>} : memref<4096xf32, #tpu.memory_space<vmem>>, vector<16xf32>,
        %parallel_loop3A_1271 = arith.constant -2147483648 : i32
        %parallel_loop3A_1272 = vector.broadcast %parallel_loop3A_1271 : i32 to vector<16xi32>
        %parallel_loop3A_1273 = arith.andi %parallel_loop3A_1268, %parallel_loop3A_1272 : vector<16xi32>
        %parallel_loop3A_1274 = arith.constant dense<-1> : vector<16xi32>
        %parallel_loop3A_1275 = arith.xori %parallel_loop3A_1273, %parallel_loop3A_1274 : vector<16xi32>
        %parallel_loop3A_1276 = arith.constant 2147483647 : i32
        %parallel_loop3A_1277 = vector.broadcast %parallel_loop3A_1276 : i32 to vector<16xi32>
        %parallel_loop3A_1278 = arith.andi %parallel_loop3A_1268, %parallel_loop3A_1277 : vector<16xi32>
        %parallel_loop3A_1279 = arith.constant 16 : i32
        %parallel_loop3A_1280 = arith.muli %parallel_loop3A_1262, %parallel_loop3A_1279 : i32
        %parallel_loop3A_1281 = arith.constant 0 : i32
        %parallel_loop3A_1282 = arith.index_cast %parallel_loop3A_1281 : i32 to index
        %parallel_loop3A_1283 = arith.index_cast %parallel_loop3A_1280 : i32 to index
        %parallel_loop3A_1284 = tpu.vector_load %arg9[%parallel_loop3A_1282, %parallel_loop3A_1283] {strides = array<i32>} : memref<16x1024xf32, #tpu.memory_space<vmem>>, vector<16xf32>,
        %parallel_loop3A_1285 = vector.bitcast %parallel_loop3A_1284 : vector<16xf32> to vector<16xi32>
        %parallel_loop3A_1286 = arith.andi %parallel_loop3A_1285, %parallel_loop3A_1275 : vector<16xi32>
        %parallel_loop3A_1287 = vector.bitcast %parallel_loop3A_1286 : vector<16xi32> to vector<16xf32>
        %parallel_loop3A_1288 = arith.mulf %parallel_loop3A_1270, %parallel_loop3A_1287 : vector<16xf32>
        tpu.vector_store_idx %arg17[%parallel_loop3A_1278], %parallel_loop3A_1288 {add = true} : memref<4096xf32, #tpu.memory_space<vmem>>[vector<16xi32>], vector<16xf32>,
        %parallel_loop3A_1289 = arith.constant 1 : i32
        %parallel_loop3A_1290 = arith.index_cast %parallel_loop3A_1289 : i32 to index
        %parallel_loop3A_1291 = arith.index_cast %parallel_loop3A_1280 : i32 to index
        %parallel_loop3A_1292 = tpu.vector_load %arg9[%parallel_loop3A_1290, %parallel_loop3A_1291] {strides = array<i32>} : memref<16x1024xf32, #tpu.memory_space<vmem>>, vector<16xf32>,
        %parallel_loop3A_1293 = vector.bitcast %parallel_loop3A_1292 : vector<16xf32> to vector<16xi32>
        %parallel_loop3A_1294 = arith.andi %parallel_loop3A_1293, %parallel_loop3A_1275 : vector<16xi32>
        %parallel_loop3A_1295 = vector.bitcast %parallel_loop3A_1294 : vector<16xi32> to vector<16xf32>
        %parallel_loop3A_1296 = arith.mulf %parallel_loop3A_1270, %parallel_loop3A_1295 : vector<16xf32>
        tpu.vector_store_idx %arg18[%parallel_loop3A_1278], %parallel_loop3A_1296 {add = true} : memref<4096xf32, #tpu.memory_space<vmem>>[vector<16xi32>], vector<16xf32>,
        %parallel_loop3A_1297 = arith.constant 2 : i32
        %parallel_loop3A_1298 = arith.index_cast %parallel_loop3A_1297 : i32 to index
        %parallel_loop3A_1299 = arith.index_cast %parallel_loop3A_1280 : i32 to index
        %parallel_loop3A_1300 = tpu.vector_load %arg9[%parallel_loop3A_1298, %parallel_loop3A_1299] {strides = array<i32>} : memref<16x1024xf32, #tpu.memory_space<vmem>>, vector<16xf32>,
        %parallel_loop3A_1301 = vector.bitcast %parallel_loop3A_1300 : vector<16xf32> to vector<16xi32>
        %parallel_loop3A_1302 = arith.andi %parallel_loop3A_1301, %parallel_loop3A_1275 : vector<16xi32>
        %parallel_loop3A_1303 = vector.bitcast %parallel_loop3A_1302 : vector<16xi32> to vector<16xf32>
        %parallel_loop3A_1304 = arith.mulf %parallel_loop3A_1270, %parallel_loop3A_1303 : vector<16xf32>
        tpu.vector_store_idx %arg19[%parallel_loop3A_1278], %parallel_loop3A_1304 {add = true} : memref<4096xf32, #tpu.memory_space<vmem>>[vector<16xi32>], vector<16xf32>,
        %parallel_loop3A_1305 = arith.constant 3 : i32
        %parallel_loop3A_1306 = arith.index_cast %parallel_loop3A_1305 : i32 to index
        %parallel_loop3A_1307 = arith.index_cast %parallel_loop3A_1280 : i32 to index
        %parallel_loop3A_1308 = tpu.vector_load %arg9[%parallel_loop3A_1306, %parallel_loop3A_1307] {strides = array<i32>} : memref<16x1024xf32, #tpu.memory_space<vmem>>, vector<16xf32>,
        %parallel_loop3A_1309 = vector.bitcast %parallel_loop3A_1308 : vector<16xf32> to vector<16xi32>
        %parallel_loop3A_1310 = arith.andi %parallel_loop3A_1309, %parallel_loop3A_1275 : vector<16xi32>
        %parallel_loop3A_1311 = vector.bitcast %parallel_loop3A_1310 : vector<16xi32> to vector<16xf32>
        %parallel_loop3A_1312 = arith.mulf %parallel_loop3A_1270, %parallel_loop3A_1311 : vector<16xf32>
        tpu.vector_store_idx %arg20[%parallel_loop3A_1278], %parallel_loop3A_1312 {add = true} : memref<4096xf32, #tpu.memory_space<vmem>>[vector<16xi32>], vector<16xf32>,
        %parallel_loop3A_1313 = arith.constant 4 : i32
        %parallel_loop3A_1314 = arith.index_cast %parallel_loop3A_1313 : i32 to index
        %parallel_loop3A_1315 = arith.index_cast %parallel_loop3A_1280 : i32 to index
        %parallel_loop3A_1316 = tpu.vector_load %arg9[%parallel_loop3A_1314, %parallel_loop3A_1315] {strides = array<i32>} : memref<16x1024xf32, #tpu.memory_space<vmem>>, vector<16xf32>,
        %parallel_loop3A_1317 = vector.bitcast %parallel_loop3A_1316 : vector<16xf32> to vector<16xi32>
        %parallel_loop3A_1318 = arith.andi %parallel_loop3A_1317, %parallel_loop3A_1275 : vector<16xi32>
        %parallel_loop3A_1319 = vector.bitcast %parallel_loop3A_1318 : vector<16xi32> to vector<16xf32>
        %parallel_loop3A_1320 = arith.mulf %parallel_loop3A_1270, %parallel_loop3A_1319 : vector<16xf32>
        tpu.vector_store_idx %arg21[%parallel_loop3A_1278], %parallel_loop3A_1320 {add = true} : memref<4096xf32, #tpu.memory_space<vmem>>[vector<16xi32>], vector<16xf32>,
        %parallel_loop3A_1321 = arith.constant 5 : i32
        %parallel_loop3A_1322 = arith.index_cast %parallel_loop3A_1321 : i32 to index
        %parallel_loop3A_1323 = arith.index_cast %parallel_loop3A_1280 : i32 to index
        %parallel_loop3A_1324 = tpu.vector_load %arg9[%parallel_loop3A_1322, %parallel_loop3A_1323] {strides = array<i32>} : memref<16x1024xf32, #tpu.memory_space<vmem>>, vector<16xf32>,
        %parallel_loop3A_1325 = vector.bitcast %parallel_loop3A_1324 : vector<16xf32> to vector<16xi32>
        %parallel_loop3A_1326 = arith.andi %parallel_loop3A_1325, %parallel_loop3A_1275 : vector<16xi32>
        %parallel_loop3A_1327 = vector.bitcast %parallel_loop3A_1326 : vector<16xi32> to vector<16xf32>
        %parallel_loop3A_1328 = arith.mulf %parallel_loop3A_1270, %parallel_loop3A_1327 : vector<16xf32>
        tpu.vector_store_idx %arg22[%parallel_loop3A_1278], %parallel_loop3A_1328 {add = true} : memref<4096xf32, #tpu.memory_space<vmem>>[vector<16xi32>], vector<16xf32>,
        %parallel_loop3A_1329 = arith.constant 6 : i32
        %parallel_loop3A_1330 = arith.index_cast %parallel_loop3A_1329 : i32 to index
        %parallel_loop3A_1331 = arith.index_cast %parallel_loop3A_1280 : i32 to index
        %parallel_loop3A_1332 = tpu.vector_load %arg9[%parallel_loop3A_1330, %parallel_loop3A_1331] {strides = array<i32>} : memref<16x1024xf32, #tpu.memory_space<vmem>>, vector<16xf32>,
        %parallel_loop3A_1333 = vector.bitcast %parallel_loop3A_1332 : vector<16xf32> to vector<16xi32>
        %parallel_loop3A_1334 = arith.andi %parallel_loop3A_1333, %parallel_loop3A_1275 : vector<16xi32>
        %parallel_loop3A_1335 = vector.bitcast %parallel_loop3A_1334 : vector<16xi32> to vector<16xf32>
        %parallel_loop3A_1336 = arith.mulf %parallel_loop3A_1270, %parallel_loop3A_1335 : vector<16xf32>
        tpu.vector_store_idx %arg23[%parallel_loop3A_1278], %parallel_loop3A_1336 {add = true} : memref<4096xf32, #tpu.memory_space<vmem>>[vector<16xi32>], vector<16xf32>,
        %parallel_loop3A_1337 = arith.constant 7 : i32
        %parallel_loop3A_1338 = arith.index_cast %parallel_loop3A_1337 : i32 to index
        %parallel_loop3A_1339 = arith.index_cast %parallel_loop3A_1280 : i32 to index
        %parallel_loop3A_1340 = tpu.vector_load %arg9[%parallel_loop3A_1338, %parallel_loop3A_1339] {strides = array<i32>} : memref<16x1024xf32, #tpu.memory_space<vmem>>, vector<16xf32>,
        %parallel_loop3A_1341 = vector.bitcast %parallel_loop3A_1340 : vector<16xf32> to vector<16xi32>
        %parallel_loop3A_1342 = arith.andi %parallel_loop3A_1341, %parallel_loop3A_1275 : vector<16xi32>
        %parallel_loop3A_1343 = vector.bitcast %parallel_loop3A_1342 : vector<16xi32> to vector<16xf32>
        %parallel_loop3A_1344 = arith.mulf %parallel_loop3A_1270, %parallel_loop3A_1343 : vector<16xf32>
        tpu.vector_store_idx %arg24[%parallel_loop3A_1278], %parallel_loop3A_1344 {add = true} : memref<4096xf32, #tpu.memory_space<vmem>>[vector<16xi32>], vector<16xf32>,
        %parallel_loop3A_1345 = arith.constant 8 : i32
        %parallel_loop3A_1346 = arith.index_cast %parallel_loop3A_1345 : i32 to index
        %parallel_loop3A_1347 = arith.index_cast %parallel_loop3A_1280 : i32 to index
        %parallel_loop3A_1348 = tpu.vector_load %arg9[%parallel_loop3A_1346, %parallel_loop3A_1347] {strides = array<i32>} : memref<16x1024xf32, #tpu.memory_space<vmem>>, vector<16xf32>,
        %parallel_loop3A_1349 = vector.bitcast %parallel_loop3A_1348 : vector<16xf32> to vector<16xi32>
        %parallel_loop3A_1350 = arith.andi %parallel_loop3A_1349, %parallel_loop3A_1275 : vector<16xi32>
        %parallel_loop3A_1351 = vector.bitcast %parallel_loop3A_1350 : vector<16xi32> to vector<16xf32>
        %parallel_loop3A_1352 = arith.mulf %parallel_loop3A_1270, %parallel_loop3A_1351 : vector<16xf32>
        tpu.vector_store_idx %arg25[%parallel_loop3A_1278], %parallel_loop3A_1352 {add = true} : memref<4096xf32, #tpu.memory_space<vmem>>[vector<16xi32>], vector<16xf32>,
        %parallel_loop3A_1353 = arith.constant 9 : i32
        %parallel_loop3A_1354 = arith.index_cast %parallel_loop3A_1353 : i32 to index
        %parallel_loop3A_1355 = arith.index_cast %parallel_loop3A_1280 : i32 to index
        %parallel_loop3A_1356 = tpu.vector_load %arg9[%parallel_loop3A_1354, %parallel_loop3A_1355] {strides = array<i32>} : memref<16x1024xf32, #tpu.memory_space<vmem>>, vector<16xf32>,
        %parallel_loop3A_1357 = vector.bitcast %parallel_loop3A_1356 : vector<16xf32> to vector<16xi32>
        %parallel_loop3A_1358 = arith.andi %parallel_loop3A_1357, %parallel_loop3A_1275 : vector<16xi32>
        %parallel_loop3A_1359 = vector.bitcast %parallel_loop3A_1358 : vector<16xi32> to vector<16xf32>
        %parallel_loop3A_1360 = arith.mulf %parallel_loop3A_1270, %parallel_loop3A_1359 : vector<16xf32>
        tpu.vector_store_idx %arg26[%parallel_loop3A_1278], %parallel_loop3A_1360 {add = true} : memref<4096xf32, #tpu.memory_space<vmem>>[vector<16xi32>], vector<16xf32>,
        %parallel_loop3A_1361 = arith.constant 10 : i32
        %parallel_loop3A_1362 = arith.index_cast %parallel_loop3A_1361 : i32 to index
        %parallel_loop3A_1363 = arith.index_cast %parallel_loop3A_1280 : i32 to index
        %parallel_loop3A_1364 = tpu.vector_load %arg9[%parallel_loop3A_1362, %parallel_loop3A_1363] {strides = array<i32>} : memref<16x1024xf32, #tpu.memory_space<vmem>>, vector<16xf32>,
        %parallel_loop3A_1365 = vector.bitcast %parallel_loop3A_1364 : vector<16xf32> to vector<16xi32>
        %parallel_loop3A_1366 = arith.andi %parallel_loop3A_1365, %parallel_loop3A_1275 : vector<16xi32>
        %parallel_loop3A_1367 = vector.bitcast %parallel_loop3A_1366 : vector<16xi32> to vector<16xf32>
        %parallel_loop3A_1368 = arith.mulf %parallel_loop3A_1270, %parallel_loop3A_1367 : vector<16xf32>
        tpu.vector_store_idx %arg27[%parallel_loop3A_1278], %parallel_loop3A_1368 {add = true} : memref<4096xf32, #tpu.memory_space<vmem>>[vector<16xi32>], vector<16xf32>,
        %parallel_loop3A_1369 = arith.constant 11 : i32
        %parallel_loop3A_1370 = arith.index_cast %parallel_loop3A_1369 : i32 to index
        %parallel_loop3A_1371 = arith.index_cast %parallel_loop3A_1280 : i32 to index
        %parallel_loop3A_1372 = tpu.vector_load %arg9[%parallel_loop3A_1370, %parallel_loop3A_1371] {strides = array<i32>} : memref<16x1024xf32, #tpu.memory_space<vmem>>, vector<16xf32>,
        %parallel_loop3A_1373 = vector.bitcast %parallel_loop3A_1372 : vector<16xf32> to vector<16xi32>
        %parallel_loop3A_1374 = arith.andi %parallel_loop3A_1373, %parallel_loop3A_1275 : vector<16xi32>
        %parallel_loop3A_1375 = vector.bitcast %parallel_loop3A_1374 : vector<16xi32> to vector<16xf32>
        %parallel_loop3A_1376 = arith.mulf %parallel_loop3A_1270, %parallel_loop3A_1375 : vector<16xf32>
        tpu.vector_store_idx %arg28[%parallel_loop3A_1278], %parallel_loop3A_1376 {add = true} : memref<4096xf32, #tpu.memory_space<vmem>>[vector<16xi32>], vector<16xf32>,
        %parallel_loop3A_1377 = arith.constant 12 : i32
        %parallel_loop3A_1378 = arith.index_cast %parallel_loop3A_1377 : i32 to index
        %parallel_loop3A_1379 = arith.index_cast %parallel_loop3A_1280 : i32 to index
        %parallel_loop3A_1380 = tpu.vector_load %arg9[%parallel_loop3A_1378, %parallel_loop3A_1379] {strides = array<i32>} : memref<16x1024xf32, #tpu.memory_space<vmem>>, vector<16xf32>,
        %parallel_loop3A_1381 = vector.bitcast %parallel_loop3A_1380 : vector<16xf32> to vector<16xi32>
        %parallel_loop3A_1382 = arith.andi %parallel_loop3A_1381, %parallel_loop3A_1275 : vector<16xi32>
        %parallel_loop3A_1383 = vector.bitcast %parallel_loop3A_1382 : vector<16xi32> to vector<16xf32>
        %parallel_loop3A_1384 = arith.mulf %parallel_loop3A_1270, %parallel_loop3A_1383 : vector<16xf32>
        tpu.vector_store_idx %arg29[%parallel_loop3A_1278], %parallel_loop3A_1384 {add = true} : memref<4096xf32, #tpu.memory_space<vmem>>[vector<16xi32>], vector<16xf32>,
        %parallel_loop3A_1385 = arith.constant 13 : i32
        %parallel_loop3A_1386 = arith.index_cast %parallel_loop3A_1385 : i32 to index
        %parallel_loop3A_1387 = arith.index_cast %parallel_loop3A_1280 : i32 to index
        %parallel_loop3A_1388 = tpu.vector_load %arg9[%parallel_loop3A_1386, %parallel_loop3A_1387] {strides = array<i32>} : memref<16x1024xf32, #tpu.memory_space<vmem>>, vector<16xf32>,
        %parallel_loop3A_1389 = vector.bitcast %parallel_loop3A_1388 : vector<16xf32> to vector<16xi32>
        %parallel_loop3A_1390 = arith.andi %parallel_loop3A_1389, %parallel_loop3A_1275 : vector<16xi32>
        %parallel_loop3A_1391 = vector.bitcast %parallel_loop3A_1390 : vector<16xi32> to vector<16xf32>
        %parallel_loop3A_1392 = arith.mulf %parallel_loop3A_1270, %parallel_loop3A_1391 : vector<16xf32>
        tpu.vector_store_idx %arg30[%parallel_loop3A_1278], %parallel_loop3A_1392 {add = true} : memref<4096xf32, #tpu.memory_space<vmem>>[vector<16xi32>], vector<16xf32>,
        %parallel_loop3A_1393 = arith.constant 14 : i32
        %parallel_loop3A_1394 = arith.index_cast %parallel_loop3A_1393 : i32 to index
        %parallel_loop3A_1395 = arith.index_cast %parallel_loop3A_1280 : i32 to index
        %parallel_loop3A_1396 = tpu.vector_load %arg9[%parallel_loop3A_1394, %parallel_loop3A_1395] {strides = array<i32>} : memref<16x1024xf32, #tpu.memory_space<vmem>>, vector<16xf32>,
        %parallel_loop3A_1397 = vector.bitcast %parallel_loop3A_1396 : vector<16xf32> to vector<16xi32>
        %parallel_loop3A_1398 = arith.andi %parallel_loop3A_1397, %parallel_loop3A_1275 : vector<16xi32>
        %parallel_loop3A_1399 = vector.bitcast %parallel_loop3A_1398 : vector<16xi32> to vector<16xf32>
        %parallel_loop3A_1400 = arith.mulf %parallel_loop3A_1270, %parallel_loop3A_1399 : vector<16xf32>
        tpu.vector_store_idx %arg31[%parallel_loop3A_1278], %parallel_loop3A_1400 {add = true} : memref<4096xf32, #tpu.memory_space<vmem>>[vector<16xi32>], vector<16xf32>,
        %parallel_loop3A_1401 = arith.constant 15 : i32
        %parallel_loop3A_1402 = arith.index_cast %parallel_loop3A_1401 : i32 to index
        %parallel_loop3A_1403 = arith.index_cast %parallel_loop3A_1280 : i32 to index
        %parallel_loop3A_1404 = tpu.vector_load %arg9[%parallel_loop3A_1402, %parallel_loop3A_1403] {strides = array<i32>} : memref<16x1024xf32, #tpu.memory_space<vmem>>, vector<16xf32>,
        %parallel_loop3A_1405 = vector.bitcast %parallel_loop3A_1404 : vector<16xf32> to vector<16xi32>
        %parallel_loop3A_1406 = arith.andi %parallel_loop3A_1405, %parallel_loop3A_1275 : vector<16xi32>
        %parallel_loop3A_1407 = vector.bitcast %parallel_loop3A_1406 : vector<16xi32> to vector<16xf32>
        %parallel_loop3A_1408 = arith.mulf %parallel_loop3A_1270, %parallel_loop3A_1407 : vector<16xf32>
        tpu.vector_store_idx %arg32[%parallel_loop3A_1278], %parallel_loop3A_1408 {add = true} : memref<4096xf32, #tpu.memory_space<vmem>>[vector<16xi32>], vector<16xf32>,
      } {sc.loop_unroll_factor = 4 : i64, sc.parallel_access}
      %add3A_1197 = arith.constant 2 : i32
      %add3A_1198 = arith.addi %add3A_1187, %add3A_1197 : i32
      %lt3A = arith.constant 64 : i32
      %lt3A_1199 = arith.cmpi slt, %add3A_1198, %lt3A : i32
      %convert_element_type3A = arith.extui %lt3A_1199 : i1 to i32
      %cond3A = arith.constant 0 : i32
      %cond3A_1200 = arith.cmpi ne, %convert_element_type3A, %cond3A : i32
      scf.if %cond3A_1200 {
        %add3A_1262 = arith.constant 2 : i32
        %add3A_1263 = arith.addi %add3A_1187, %add3A_1262 : i32
        %mul3A_1264 = arith.constant 1024 : i32
        %mul3A_1265 = arith.muli %add3A_1263, %mul3A_1264 : i32
        %dma_start3A_1266 = tpu.memref_slice %arg2[%mul3A_2, %mul3A_1265] : memref<512x65536xf32, #tpu.memory_space<hbm>> -> memref<16x1024xf32, #tpu.memory_space<hbm>>
        %dma_start3A_1267 = tpu.memref_slice %arg2[%mul3A_2, %mul3A_1265] : memref<512x65536xf32, #tpu.memory_space<hbm>> -> memref<16x1024xf32, #tpu.memory_space<hbm>>
        tpu.enqueue_dma source(%dma_start3A_1267 : memref<16x1024xf32, #tpu.memory_space<hbm>>) target(%arg9 : memref<16x1024xf32, #tpu.memory_space<vmem>>) target_semaphore(%arg15 : memref<!tpu.dma_semaphore, #tpu.memory_space<semaphore_mem>>)
      } else {
      }
      %mul3A_1201 = arith.constant 4 : i32
      %mul3A_1202 = arith.muli %scan3A_1178, %mul3A_1201 : i32
      %add3A_1203 = arith.constant 1 : i32
      %add3A_1204 = arith.addi %mul3A_1202, %add3A_1203 : i32
      %dma_wait3A_1205 = arith.constant 0 : i32
      %dma_wait3A_1206 = arith.constant 0 : i32
      %dma_wait3A_1207 = tpu.memref_slice %arg2[%dma_wait3A_1205, %dma_wait3A_1206] : memref<512x65536xf32, #tpu.memory_space<hbm>> -> memref<16x1024xf32, #tpu.memory_space<hbm>>
      %dma_wait3A_1208 = arith.constant 0 : i32
      %dma_wait3A_1209 = arith.constant 0 : i32
      %dma_wait3A_1210 = tpu.memref_slice %arg2[%dma_wait3A_1208, %dma_wait3A_1209] : memref<512x65536xf32, #tpu.memory_space<hbm>> -> memref<16x1024xf32, #tpu.memory_space<hbm>>
      tpu.wait_dma2 semaphore(%arg16 : memref<!tpu.dma_semaphore, #tpu.memory_space<semaphore_mem>>) src(%dma_wait3A_1210 : memref<16x1024xf32, #tpu.memory_space<hbm>>) dst(%arg10 : memref<16x1024xf32, #tpu.memory_space<vmem>>)
      %parallel_loop3A_1211 = arith.constant 0 : i32
      %parallel_loop3A_1212 = arith.constant 64 : i32
      %parallel_loop3A_1213 = arith.constant 1 : i32
      scf.for %parallel_loop3A_1262 = %parallel_loop3A_1211 to %parallel_loop3A_1212 step %parallel_loop3A_1213  : i32 {
        %parallel_loop3A_1263 = arith.constant 16 : i32
        %parallel_loop3A_1264 = arith.muli %parallel_loop3A_1262, %parallel_loop3A_1263 : i32
        %parallel_loop3A_1265 = arith.constant 1024 : i32
        %parallel_loop3A_1266 = arith.addi %parallel_loop3A_1265, %parallel_loop3A_1264 : i32
        %parallel_loop3A_1267 = arith.index_cast %parallel_loop3A_1266 : i32 to index
        %parallel_loop3A_1268 = tpu.vector_load %arg7[%parallel_loop3A_1267] {strides = array<i32>} : memref<4096xi32, #tpu.memory_space<vmem>>, vector<16xi32>,
        %parallel_loop3A_1269 = arith.index_cast %parallel_loop3A_1266 : i32 to index
        %parallel_loop3A_1270 = tpu.vector_load %arg8[%parallel_loop3A_1269] {strides = array<i32>} : memref<4096xf32, #tpu.memory_space<vmem>>, vector<16xf32>,
        %parallel_loop3A_1271 = arith.constant -2147483648 : i32
        %parallel_loop3A_1272 = vector.broadcast %parallel_loop3A_1271 : i32 to vector<16xi32>
        %parallel_loop3A_1273 = arith.andi %parallel_loop3A_1268, %parallel_loop3A_1272 : vector<16xi32>
        %parallel_loop3A_1274 = arith.constant dense<-1> : vector<16xi32>
        %parallel_loop3A_1275 = arith.xori %parallel_loop3A_1273, %parallel_loop3A_1274 : vector<16xi32>
        %parallel_loop3A_1276 = arith.constant 2147483647 : i32
        %parallel_loop3A_1277 = vector.broadcast %parallel_loop3A_1276 : i32 to vector<16xi32>
        %parallel_loop3A_1278 = arith.andi %parallel_loop3A_1268, %parallel_loop3A_1277 : vector<16xi32>
        %parallel_loop3A_1279 = arith.constant 16 : i32
        %parallel_loop3A_1280 = arith.muli %parallel_loop3A_1262, %parallel_loop3A_1279 : i32
        %parallel_loop3A_1281 = arith.constant 0 : i32
        %parallel_loop3A_1282 = arith.index_cast %parallel_loop3A_1281 : i32 to index
        %parallel_loop3A_1283 = arith.index_cast %parallel_loop3A_1280 : i32 to index
        %parallel_loop3A_1284 = tpu.vector_load %arg10[%parallel_loop3A_1282, %parallel_loop3A_1283] {strides = array<i32>} : memref<16x1024xf32, #tpu.memory_space<vmem>>, vector<16xf32>,
        %parallel_loop3A_1285 = vector.bitcast %parallel_loop3A_1284 : vector<16xf32> to vector<16xi32>
        %parallel_loop3A_1286 = arith.andi %parallel_loop3A_1285, %parallel_loop3A_1275 : vector<16xi32>
        %parallel_loop3A_1287 = vector.bitcast %parallel_loop3A_1286 : vector<16xi32> to vector<16xf32>
        %parallel_loop3A_1288 = arith.mulf %parallel_loop3A_1270, %parallel_loop3A_1287 : vector<16xf32>
        tpu.vector_store_idx %arg17[%parallel_loop3A_1278], %parallel_loop3A_1288 {add = true} : memref<4096xf32, #tpu.memory_space<vmem>>[vector<16xi32>], vector<16xf32>,
        %parallel_loop3A_1289 = arith.constant 1 : i32
        %parallel_loop3A_1290 = arith.index_cast %parallel_loop3A_1289 : i32 to index
        %parallel_loop3A_1291 = arith.index_cast %parallel_loop3A_1280 : i32 to index
        %parallel_loop3A_1292 = tpu.vector_load %arg10[%parallel_loop3A_1290, %parallel_loop3A_1291] {strides = array<i32>} : memref<16x1024xf32, #tpu.memory_space<vmem>>, vector<16xf32>,
        %parallel_loop3A_1293 = vector.bitcast %parallel_loop3A_1292 : vector<16xf32> to vector<16xi32>
        %parallel_loop3A_1294 = arith.andi %parallel_loop3A_1293, %parallel_loop3A_1275 : vector<16xi32>
        %parallel_loop3A_1295 = vector.bitcast %parallel_loop3A_1294 : vector<16xi32> to vector<16xf32>
        %parallel_loop3A_1296 = arith.mulf %parallel_loop3A_1270, %parallel_loop3A_1295 : vector<16xf32>
        tpu.vector_store_idx %arg18[%parallel_loop3A_1278], %parallel_loop3A_1296 {add = true} : memref<4096xf32, #tpu.memory_space<vmem>>[vector<16xi32>], vector<16xf32>,
        %parallel_loop3A_1297 = arith.constant 2 : i32
        %parallel_loop3A_1298 = arith.index_cast %parallel_loop3A_1297 : i32 to index
        %parallel_loop3A_1299 = arith.index_cast %parallel_loop3A_1280 : i32 to index
        %parallel_loop3A_1300 = tpu.vector_load %arg10[%parallel_loop3A_1298, %parallel_loop3A_1299] {strides = array<i32>} : memref<16x1024xf32, #tpu.memory_space<vmem>>, vector<16xf32>,
        %parallel_loop3A_1301 = vector.bitcast %parallel_loop3A_1300 : vector<16xf32> to vector<16xi32>
        %parallel_loop3A_1302 = arith.andi %parallel_loop3A_1301, %parallel_loop3A_1275 : vector<16xi32>
        %parallel_loop3A_1303 = vector.bitcast %parallel_loop3A_1302 : vector<16xi32> to vector<16xf32>
        %parallel_loop3A_1304 = arith.mulf %parallel_loop3A_1270, %parallel_loop3A_1303 : vector<16xf32>
        tpu.vector_store_idx %arg19[%parallel_loop3A_1278], %parallel_loop3A_1304 {add = true} : memref<4096xf32, #tpu.memory_space<vmem>>[vector<16xi32>], vector<16xf32>,
        %parallel_loop3A_1305 = arith.constant 3 : i32
        %parallel_loop3A_1306 = arith.index_cast %parallel_loop3A_1305 : i32 to index
        %parallel_loop3A_1307 = arith.index_cast %parallel_loop3A_1280 : i32 to index
        %parallel_loop3A_1308 = tpu.vector_load %arg10[%parallel_loop3A_1306, %parallel_loop3A_1307] {strides = array<i32>} : memref<16x1024xf32, #tpu.memory_space<vmem>>, vector<16xf32>,
        %parallel_loop3A_1309 = vector.bitcast %parallel_loop3A_1308 : vector<16xf32> to vector<16xi32>
        %parallel_loop3A_1310 = arith.andi %parallel_loop3A_1309, %parallel_loop3A_1275 : vector<16xi32>
        %parallel_loop3A_1311 = vector.bitcast %parallel_loop3A_1310 : vector<16xi32> to vector<16xf32>
        %parallel_loop3A_1312 = arith.mulf %parallel_loop3A_1270, %parallel_loop3A_1311 : vector<16xf32>
        tpu.vector_store_idx %arg20[%parallel_loop3A_1278], %parallel_loop3A_1312 {add = true} : memref<4096xf32, #tpu.memory_space<vmem>>[vector<16xi32>], vector<16xf32>,
        %parallel_loop3A_1313 = arith.constant 4 : i32
        %parallel_loop3A_1314 = arith.index_cast %parallel_loop3A_1313 : i32 to index
        %parallel_loop3A_1315 = arith.index_cast %parallel_loop3A_1280 : i32 to index
        %parallel_loop3A_1316 = tpu.vector_load %arg10[%parallel_loop3A_1314, %parallel_loop3A_1315] {strides = array<i32>} : memref<16x1024xf32, #tpu.memory_space<vmem>>, vector<16xf32>,
        %parallel_loop3A_1317 = vector.bitcast %parallel_loop3A_1316 : vector<16xf32> to vector<16xi32>
        %parallel_loop3A_1318 = arith.andi %parallel_loop3A_1317, %parallel_loop3A_1275 : vector<16xi32>
        %parallel_loop3A_1319 = vector.bitcast %parallel_loop3A_1318 : vector<16xi32> to vector<16xf32>
        %parallel_loop3A_1320 = arith.mulf %parallel_loop3A_1270, %parallel_loop3A_1319 : vector<16xf32>
        tpu.vector_store_idx %arg21[%parallel_loop3A_1278], %parallel_loop3A_1320 {add = true} : memref<4096xf32, #tpu.memory_space<vmem>>[vector<16xi32>], vector<16xf32>,
        %parallel_loop3A_1321 = arith.constant 5 : i32
        %parallel_loop3A_1322 = arith.index_cast %parallel_loop3A_1321 : i32 to index
        %parallel_loop3A_1323 = arith.index_cast %parallel_loop3A_1280 : i32 to index
        %parallel_loop3A_1324 = tpu.vector_load %arg10[%parallel_loop3A_1322, %parallel_loop3A_1323] {strides = array<i32>} : memref<16x1024xf32, #tpu.memory_space<vmem>>, vector<16xf32>,
        %parallel_loop3A_1325 = vector.bitcast %parallel_loop3A_1324 : vector<16xf32> to vector<16xi32>
        %parallel_loop3A_1326 = arith.andi %parallel_loop3A_1325, %parallel_loop3A_1275 : vector<16xi32>
        %parallel_loop3A_1327 = vector.bitcast %parallel_loop3A_1326 : vector<16xi32> to vector<16xf32>
        %parallel_loop3A_1328 = arith.mulf %parallel_loop3A_1270, %parallel_loop3A_1327 : vector<16xf32>
        tpu.vector_store_idx %arg22[%parallel_loop3A_1278], %parallel_loop3A_1328 {add = true} : memref<4096xf32, #tpu.memory_space<vmem>>[vector<16xi32>], vector<16xf32>,
        %parallel_loop3A_1329 = arith.constant 6 : i32
        %parallel_loop3A_1330 = arith.index_cast %parallel_loop3A_1329 : i32 to index
        %parallel_loop3A_1331 = arith.index_cast %parallel_loop3A_1280 : i32 to index
        %parallel_loop3A_1332 = tpu.vector_load %arg10[%parallel_loop3A_1330, %parallel_loop3A_1331] {strides = array<i32>} : memref<16x1024xf32, #tpu.memory_space<vmem>>, vector<16xf32>,
        %parallel_loop3A_1333 = vector.bitcast %parallel_loop3A_1332 : vector<16xf32> to vector<16xi32>
        %parallel_loop3A_1334 = arith.andi %parallel_loop3A_1333, %parallel_loop3A_1275 : vector<16xi32>
        %parallel_loop3A_1335 = vector.bitcast %parallel_loop3A_1334 : vector<16xi32> to vector<16xf32>
        %parallel_loop3A_1336 = arith.mulf %parallel_loop3A_1270, %parallel_loop3A_1335 : vector<16xf32>
        tpu.vector_store_idx %arg23[%parallel_loop3A_1278], %parallel_loop3A_1336 {add = true} : memref<4096xf32, #tpu.memory_space<vmem>>[vector<16xi32>], vector<16xf32>,
        %parallel_loop3A_1337 = arith.constant 7 : i32
        %parallel_loop3A_1338 = arith.index_cast %parallel_loop3A_1337 : i32 to index
        %parallel_loop3A_1339 = arith.index_cast %parallel_loop3A_1280 : i32 to index
        %parallel_loop3A_1340 = tpu.vector_load %arg10[%parallel_loop3A_1338, %parallel_loop3A_1339] {strides = array<i32>} : memref<16x1024xf32, #tpu.memory_space<vmem>>, vector<16xf32>,
        %parallel_loop3A_1341 = vector.bitcast %parallel_loop3A_1340 : vector<16xf32> to vector<16xi32>
        %parallel_loop3A_1342 = arith.andi %parallel_loop3A_1341, %parallel_loop3A_1275 : vector<16xi32>
        %parallel_loop3A_1343 = vector.bitcast %parallel_loop3A_1342 : vector<16xi32> to vector<16xf32>
        %parallel_loop3A_1344 = arith.mulf %parallel_loop3A_1270, %parallel_loop3A_1343 : vector<16xf32>
        tpu.vector_store_idx %arg24[%parallel_loop3A_1278], %parallel_loop3A_1344 {add = true} : memref<4096xf32, #tpu.memory_space<vmem>>[vector<16xi32>], vector<16xf32>,
        %parallel_loop3A_1345 = arith.constant 8 : i32
        %parallel_loop3A_1346 = arith.index_cast %parallel_loop3A_1345 : i32 to index
        %parallel_loop3A_1347 = arith.index_cast %parallel_loop3A_1280 : i32 to index
        %parallel_loop3A_1348 = tpu.vector_load %arg10[%parallel_loop3A_1346, %parallel_loop3A_1347] {strides = array<i32>} : memref<16x1024xf32, #tpu.memory_space<vmem>>, vector<16xf32>,
        %parallel_loop3A_1349 = vector.bitcast %parallel_loop3A_1348 : vector<16xf32> to vector<16xi32>
        %parallel_loop3A_1350 = arith.andi %parallel_loop3A_1349, %parallel_loop3A_1275 : vector<16xi32>
        %parallel_loop3A_1351 = vector.bitcast %parallel_loop3A_1350 : vector<16xi32> to vector<16xf32>
        %parallel_loop3A_1352 = arith.mulf %parallel_loop3A_1270, %parallel_loop3A_1351 : vector<16xf32>
        tpu.vector_store_idx %arg25[%parallel_loop3A_1278], %parallel_loop3A_1352 {add = true} : memref<4096xf32, #tpu.memory_space<vmem>>[vector<16xi32>], vector<16xf32>,
        %parallel_loop3A_1353 = arith.constant 9 : i32
        %parallel_loop3A_1354 = arith.index_cast %parallel_loop3A_1353 : i32 to index
        %parallel_loop3A_1355 = arith.index_cast %parallel_loop3A_1280 : i32 to index
        %parallel_loop3A_1356 = tpu.vector_load %arg10[%parallel_loop3A_1354, %parallel_loop3A_1355] {strides = array<i32>} : memref<16x1024xf32, #tpu.memory_space<vmem>>, vector<16xf32>,
        %parallel_loop3A_1357 = vector.bitcast %parallel_loop3A_1356 : vector<16xf32> to vector<16xi32>
        %parallel_loop3A_1358 = arith.andi %parallel_loop3A_1357, %parallel_loop3A_1275 : vector<16xi32>
        %parallel_loop3A_1359 = vector.bitcast %parallel_loop3A_1358 : vector<16xi32> to vector<16xf32>
        %parallel_loop3A_1360 = arith.mulf %parallel_loop3A_1270, %parallel_loop3A_1359 : vector<16xf32>
        tpu.vector_store_idx %arg26[%parallel_loop3A_1278], %parallel_loop3A_1360 {add = true} : memref<4096xf32, #tpu.memory_space<vmem>>[vector<16xi32>], vector<16xf32>,
        %parallel_loop3A_1361 = arith.constant 10 : i32
        %parallel_loop3A_1362 = arith.index_cast %parallel_loop3A_1361 : i32 to index
        %parallel_loop3A_1363 = arith.index_cast %parallel_loop3A_1280 : i32 to index
        %parallel_loop3A_1364 = tpu.vector_load %arg10[%parallel_loop3A_1362, %parallel_loop3A_1363] {strides = array<i32>} : memref<16x1024xf32, #tpu.memory_space<vmem>>, vector<16xf32>,
        %parallel_loop3A_1365 = vector.bitcast %parallel_loop3A_1364 : vector<16xf32> to vector<16xi32>
        %parallel_loop3A_1366 = arith.andi %parallel_loop3A_1365, %parallel_loop3A_1275 : vector<16xi32>
        %parallel_loop3A_1367 = vector.bitcast %parallel_loop3A_1366 : vector<16xi32> to vector<16xf32>
        %parallel_loop3A_1368 = arith.mulf %parallel_loop3A_1270, %parallel_loop3A_1367 : vector<16xf32>
        tpu.vector_store_idx %arg27[%parallel_loop3A_1278], %parallel_loop3A_1368 {add = true} : memref<4096xf32, #tpu.memory_space<vmem>>[vector<16xi32>], vector<16xf32>,
        %parallel_loop3A_1369 = arith.constant 11 : i32
        %parallel_loop3A_1370 = arith.index_cast %parallel_loop3A_1369 : i32 to index
        %parallel_loop3A_1371 = arith.index_cast %parallel_loop3A_1280 : i32 to index
        %parallel_loop3A_1372 = tpu.vector_load %arg10[%parallel_loop3A_1370, %parallel_loop3A_1371] {strides = array<i32>} : memref<16x1024xf32, #tpu.memory_space<vmem>>, vector<16xf32>,
        %parallel_loop3A_1373 = vector.bitcast %parallel_loop3A_1372 : vector<16xf32> to vector<16xi32>
        %parallel_loop3A_1374 = arith.andi %parallel_loop3A_1373, %parallel_loop3A_1275 : vector<16xi32>
        %parallel_loop3A_1375 = vector.bitcast %parallel_loop3A_1374 : vector<16xi32> to vector<16xf32>
        %parallel_loop3A_1376 = arith.mulf %parallel_loop3A_1270, %parallel_loop3A_1375 : vector<16xf32>
        tpu.vector_store_idx %arg28[%parallel_loop3A_1278], %parallel_loop3A_1376 {add = true} : memref<4096xf32, #tpu.memory_space<vmem>>[vector<16xi32>], vector<16xf32>,
        %parallel_loop3A_1377 = arith.constant 12 : i32
        %parallel_loop3A_1378 = arith.index_cast %parallel_loop3A_1377 : i32 to index
        %parallel_loop3A_1379 = arith.index_cast %parallel_loop3A_1280 : i32 to index
        %parallel_loop3A_1380 = tpu.vector_load %arg10[%parallel_loop3A_1378, %parallel_loop3A_1379] {strides = array<i32>} : memref<16x1024xf32, #tpu.memory_space<vmem>>, vector<16xf32>,
        %parallel_loop3A_1381 = vector.bitcast %parallel_loop3A_1380 : vector<16xf32> to vector<16xi32>
        %parallel_loop3A_1382 = arith.andi %parallel_loop3A_1381, %parallel_loop3A_1275 : vector<16xi32>
        %parallel_loop3A_1383 = vector.bitcast %parallel_loop3A_1382 : vector<16xi32> to vector<16xf32>
        %parallel_loop3A_1384 = arith.mulf %parallel_loop3A_1270, %parallel_loop3A_1383 : vector<16xf32>
        tpu.vector_store_idx %arg29[%parallel_loop3A_1278], %parallel_loop3A_1384 {add = true} : memref<4096xf32, #tpu.memory_space<vmem>>[vector<16xi32>], vector<16xf32>,
        %parallel_loop3A_1385 = arith.constant 13 : i32
        %parallel_loop3A_1386 = arith.index_cast %parallel_loop3A_1385 : i32 to index
        %parallel_loop3A_1387 = arith.index_cast %parallel_loop3A_1280 : i32 to index
        %parallel_loop3A_1388 = tpu.vector_load %arg10[%parallel_loop3A_1386, %parallel_loop3A_1387] {strides = array<i32>} : memref<16x1024xf32, #tpu.memory_space<vmem>>, vector<16xf32>,
        %parallel_loop3A_1389 = vector.bitcast %parallel_loop3A_1388 : vector<16xf32> to vector<16xi32>
        %parallel_loop3A_1390 = arith.andi %parallel_loop3A_1389, %parallel_loop3A_1275 : vector<16xi32>
        %parallel_loop3A_1391 = vector.bitcast %parallel_loop3A_1390 : vector<16xi32> to vector<16xf32>
        %parallel_loop3A_1392 = arith.mulf %parallel_loop3A_1270, %parallel_loop3A_1391 : vector<16xf32>
        tpu.vector_store_idx %arg30[%parallel_loop3A_1278], %parallel_loop3A_1392 {add = true} : memref<4096xf32, #tpu.memory_space<vmem>>[vector<16xi32>], vector<16xf32>,
        %parallel_loop3A_1393 = arith.constant 14 : i32
        %parallel_loop3A_1394 = arith.index_cast %parallel_loop3A_1393 : i32 to index
        %parallel_loop3A_1395 = arith.index_cast %parallel_loop3A_1280 : i32 to index
        %parallel_loop3A_1396 = tpu.vector_load %arg10[%parallel_loop3A_1394, %parallel_loop3A_1395] {strides = array<i32>} : memref<16x1024xf32, #tpu.memory_space<vmem>>, vector<16xf32>,
        %parallel_loop3A_1397 = vector.bitcast %parallel_loop3A_1396 : vector<16xf32> to vector<16xi32>
        %parallel_loop3A_1398 = arith.andi %parallel_loop3A_1397, %parallel_loop3A_1275 : vector<16xi32>
        %parallel_loop3A_1399 = vector.bitcast %parallel_loop3A_1398 : vector<16xi32> to vector<16xf32>
        %parallel_loop3A_1400 = arith.mulf %parallel_loop3A_1270, %parallel_loop3A_1399 : vector<16xf32>
        tpu.vector_store_idx %arg31[%parallel_loop3A_1278], %parallel_loop3A_1400 {add = true} : memref<4096xf32, #tpu.memory_space<vmem>>[vector<16xi32>], vector<16xf32>,
        %parallel_loop3A_1401 = arith.constant 15 : i32
        %parallel_loop3A_1402 = arith.index_cast %parallel_loop3A_1401 : i32 to index
        %parallel_loop3A_1403 = arith.index_cast %parallel_loop3A_1280 : i32 to index
        %parallel_loop3A_1404 = tpu.vector_load %arg10[%parallel_loop3A_1402, %parallel_loop3A_1403] {strides = array<i32>} : memref<16x1024xf32, #tpu.memory_space<vmem>>, vector<16xf32>,
        %parallel_loop3A_1405 = vector.bitcast %parallel_loop3A_1404 : vector<16xf32> to vector<16xi32>
        %parallel_loop3A_1406 = arith.andi %parallel_loop3A_1405, %parallel_loop3A_1275 : vector<16xi32>
        %parallel_loop3A_1407 = vector.bitcast %parallel_loop3A_1406 : vector<16xi32> to vector<16xf32>
        %parallel_loop3A_1408 = arith.mulf %parallel_loop3A_1270, %parallel_loop3A_1407 : vector<16xf32>
        tpu.vector_store_idx %arg32[%parallel_loop3A_1278], %parallel_loop3A_1408 {add = true} : memref<4096xf32, #tpu.memory_space<vmem>>[vector<16xi32>], vector<16xf32>,
      } {sc.loop_unroll_factor = 4 : i64, sc.parallel_access}
      %add3A_1214 = arith.constant 2 : i32
      %add3A_1215 = arith.addi %add3A_1204, %add3A_1214 : i32
      %lt3A_1216 = arith.constant 64 : i32
      %lt3A_1217 = arith.cmpi slt, %add3A_1215, %lt3A_1216 : i32
      %convert_element_type3A_1218 = arith.extui %lt3A_1217 : i1 to i32
      %cond3A_1219 = arith.constant 0 : i32
      %cond3A_1220 = arith.cmpi ne, %convert_element_type3A_1218, %cond3A_1219 : i32
      scf.if %cond3A_1220 {
        %add3A_1262 = arith.constant 2 : i32
        %add3A_1263 = arith.addi %add3A_1204, %add3A_1262 : i32
        %mul3A_1264 = arith.constant 1024 : i32
        %mul3A_1265 = arith.muli %add3A_1263, %mul3A_1264 : i32
        %dma_start3A_1266 = tpu.memref_slice %arg2[%mul3A_2, %mul3A_1265] : memref<512x65536xf32, #tpu.memory_space<hbm>> -> memref<16x1024xf32, #tpu.memory_space<hbm>>
        %dma_start3A_1267 = tpu.memref_slice %arg2[%mul3A_2, %mul3A_1265] : memref<512x65536xf32, #tpu.memory_space<hbm>> -> memref<16x1024xf32, #tpu.memory_space<hbm>>
        tpu.enqueue_dma source(%dma_start3A_1267 : memref<16x1024xf32, #tpu.memory_space<hbm>>) target(%arg10 : memref<16x1024xf32, #tpu.memory_space<vmem>>) target_semaphore(%arg16 : memref<!tpu.dma_semaphore, #tpu.memory_space<semaphore_mem>>)
      } else {
      }
      %mul3A_1221 = arith.constant 4 : i32
      %mul3A_1222 = arith.muli %scan3A_1178, %mul3A_1221 : i32
      %add3A_1223 = arith.constant 2 : i32
      %add3A_1224 = arith.addi %mul3A_1222, %add3A_1223 : i32
      %dma_wait3A_1225 = arith.constant 0 : i32
      %dma_wait3A_1226 = arith.constant 0 : i32
      %dma_wait3A_1227 = tpu.memref_slice %arg2[%dma_wait3A_1225, %dma_wait3A_1226] : memref<512x65536xf32, #tpu.memory_space<hbm>> -> memref<16x1024xf32, #tpu.memory_space<hbm>>
      %dma_wait3A_1228 = arith.constant 0 : i32
      %dma_wait3A_1229 = arith.constant 0 : i32
      %dma_wait3A_1230 = tpu.memref_slice %arg2[%dma_wait3A_1228, %dma_wait3A_1229] : memref<512x65536xf32, #tpu.memory_space<hbm>> -> memref<16x1024xf32, #tpu.memory_space<hbm>>
      tpu.wait_dma2 semaphore(%arg15 : memref<!tpu.dma_semaphore, #tpu.memory_space<semaphore_mem>>) src(%dma_wait3A_1230 : memref<16x1024xf32, #tpu.memory_space<hbm>>) dst(%arg9 : memref<16x1024xf32, #tpu.memory_space<vmem>>)
      %parallel_loop3A_1231 = arith.constant 0 : i32
      %parallel_loop3A_1232 = arith.constant 64 : i32
      %parallel_loop3A_1233 = arith.constant 1 : i32
      scf.for %parallel_loop3A_1262 = %parallel_loop3A_1231 to %parallel_loop3A_1232 step %parallel_loop3A_1233  : i32 {
        %parallel_loop3A_1263 = arith.constant 16 : i32
        %parallel_loop3A_1264 = arith.muli %parallel_loop3A_1262, %parallel_loop3A_1263 : i32
        %parallel_loop3A_1265 = arith.constant 2048 : i32
        %parallel_loop3A_1266 = arith.addi %parallel_loop3A_1265, %parallel_loop3A_1264 : i32
        %parallel_loop3A_1267 = arith.index_cast %parallel_loop3A_1266 : i32 to index
        %parallel_loop3A_1268 = tpu.vector_load %arg7[%parallel_loop3A_1267] {strides = array<i32>} : memref<4096xi32, #tpu.memory_space<vmem>>, vector<16xi32>,
        %parallel_loop3A_1269 = arith.index_cast %parallel_loop3A_1266 : i32 to index
        %parallel_loop3A_1270 = tpu.vector_load %arg8[%parallel_loop3A_1269] {strides = array<i32>} : memref<4096xf32, #tpu.memory_space<vmem>>, vector<16xf32>,
        %parallel_loop3A_1271 = arith.constant -2147483648 : i32
        %parallel_loop3A_1272 = vector.broadcast %parallel_loop3A_1271 : i32 to vector<16xi32>
        %parallel_loop3A_1273 = arith.andi %parallel_loop3A_1268, %parallel_loop3A_1272 : vector<16xi32>
        %parallel_loop3A_1274 = arith.constant dense<-1> : vector<16xi32>
        %parallel_loop3A_1275 = arith.xori %parallel_loop3A_1273, %parallel_loop3A_1274 : vector<16xi32>
        %parallel_loop3A_1276 = arith.constant 2147483647 : i32
        %parallel_loop3A_1277 = vector.broadcast %parallel_loop3A_1276 : i32 to vector<16xi32>
        %parallel_loop3A_1278 = arith.andi %parallel_loop3A_1268, %parallel_loop3A_1277 : vector<16xi32>
        %parallel_loop3A_1279 = arith.constant 16 : i32
        %parallel_loop3A_1280 = arith.muli %parallel_loop3A_1262, %parallel_loop3A_1279 : i32
        %parallel_loop3A_1281 = arith.constant 0 : i32
        %parallel_loop3A_1282 = arith.index_cast %parallel_loop3A_1281 : i32 to index
        %parallel_loop3A_1283 = arith.index_cast %parallel_loop3A_1280 : i32 to index
        %parallel_loop3A_1284 = tpu.vector_load %arg9[%parallel_loop3A_1282, %parallel_loop3A_1283] {strides = array<i32>} : memref<16x1024xf32, #tpu.memory_space<vmem>>, vector<16xf32>,
        %parallel_loop3A_1285 = vector.bitcast %parallel_loop3A_1284 : vector<16xf32> to vector<16xi32>
        %parallel_loop3A_1286 = arith.andi %parallel_loop3A_1285, %parallel_loop3A_1275 : vector<16xi32>
        %parallel_loop3A_1287 = vector.bitcast %parallel_loop3A_1286 : vector<16xi32> to vector<16xf32>
        %parallel_loop3A_1288 = arith.mulf %parallel_loop3A_1270, %parallel_loop3A_1287 : vector<16xf32>
        tpu.vector_store_idx %arg17[%parallel_loop3A_1278], %parallel_loop3A_1288 {add = true} : memref<4096xf32, #tpu.memory_space<vmem>>[vector<16xi32>], vector<16xf32>,
        %parallel_loop3A_1289 = arith.constant 1 : i32
        %parallel_loop3A_1290 = arith.index_cast %parallel_loop3A_1289 : i32 to index
        %parallel_loop3A_1291 = arith.index_cast %parallel_loop3A_1280 : i32 to index
        %parallel_loop3A_1292 = tpu.vector_load %arg9[%parallel_loop3A_1290, %parallel_loop3A_1291] {strides = array<i32>} : memref<16x1024xf32, #tpu.memory_space<vmem>>, vector<16xf32>,
        %parallel_loop3A_1293 = vector.bitcast %parallel_loop3A_1292 : vector<16xf32> to vector<16xi32>
        %parallel_loop3A_1294 = arith.andi %parallel_loop3A_1293, %parallel_loop3A_1275 : vector<16xi32>
        %parallel_loop3A_1295 = vector.bitcast %parallel_loop3A_1294 : vector<16xi32> to vector<16xf32>
        %parallel_loop3A_1296 = arith.mulf %parallel_loop3A_1270, %parallel_loop3A_1295 : vector<16xf32>
        tpu.vector_store_idx %arg18[%parallel_loop3A_1278], %parallel_loop3A_1296 {add = true} : memref<4096xf32, #tpu.memory_space<vmem>>[vector<16xi32>], vector<16xf32>,
        %parallel_loop3A_1297 = arith.constant 2 : i32
        %parallel_loop3A_1298 = arith.index_cast %parallel_loop3A_1297 : i32 to index
        %parallel_loop3A_1299 = arith.index_cast %parallel_loop3A_1280 : i32 to index
        %parallel_loop3A_1300 = tpu.vector_load %arg9[%parallel_loop3A_1298, %parallel_loop3A_1299] {strides = array<i32>} : memref<16x1024xf32, #tpu.memory_space<vmem>>, vector<16xf32>,
        %parallel_loop3A_1301 = vector.bitcast %parallel_loop3A_1300 : vector<16xf32> to vector<16xi32>
        %parallel_loop3A_1302 = arith.andi %parallel_loop3A_1301, %parallel_loop3A_1275 : vector<16xi32>
        %parallel_loop3A_1303 = vector.bitcast %parallel_loop3A_1302 : vector<16xi32> to vector<16xf32>
        %parallel_loop3A_1304 = arith.mulf %parallel_loop3A_1270, %parallel_loop3A_1303 : vector<16xf32>
        tpu.vector_store_idx %arg19[%parallel_loop3A_1278], %parallel_loop3A_1304 {add = true} : memref<4096xf32, #tpu.memory_space<vmem>>[vector<16xi32>], vector<16xf32>,
        %parallel_loop3A_1305 = arith.constant 3 : i32
        %parallel_loop3A_1306 = arith.index_cast %parallel_loop3A_1305 : i32 to index
        %parallel_loop3A_1307 = arith.index_cast %parallel_loop3A_1280 : i32 to index
        %parallel_loop3A_1308 = tpu.vector_load %arg9[%parallel_loop3A_1306, %parallel_loop3A_1307] {strides = array<i32>} : memref<16x1024xf32, #tpu.memory_space<vmem>>, vector<16xf32>,
        %parallel_loop3A_1309 = vector.bitcast %parallel_loop3A_1308 : vector<16xf32> to vector<16xi32>
        %parallel_loop3A_1310 = arith.andi %parallel_loop3A_1309, %parallel_loop3A_1275 : vector<16xi32>
        %parallel_loop3A_1311 = vector.bitcast %parallel_loop3A_1310 : vector<16xi32> to vector<16xf32>
        %parallel_loop3A_1312 = arith.mulf %parallel_loop3A_1270, %parallel_loop3A_1311 : vector<16xf32>
        tpu.vector_store_idx %arg20[%parallel_loop3A_1278], %parallel_loop3A_1312 {add = true} : memref<4096xf32, #tpu.memory_space<vmem>>[vector<16xi32>], vector<16xf32>,
        %parallel_loop3A_1313 = arith.constant 4 : i32
        %parallel_loop3A_1314 = arith.index_cast %parallel_loop3A_1313 : i32 to index
        %parallel_loop3A_1315 = arith.index_cast %parallel_loop3A_1280 : i32 to index
        %parallel_loop3A_1316 = tpu.vector_load %arg9[%parallel_loop3A_1314, %parallel_loop3A_1315] {strides = array<i32>} : memref<16x1024xf32, #tpu.memory_space<vmem>>, vector<16xf32>,
        %parallel_loop3A_1317 = vector.bitcast %parallel_loop3A_1316 : vector<16xf32> to vector<16xi32>
        %parallel_loop3A_1318 = arith.andi %parallel_loop3A_1317, %parallel_loop3A_1275 : vector<16xi32>
        %parallel_loop3A_1319 = vector.bitcast %parallel_loop3A_1318 : vector<16xi32> to vector<16xf32>
        %parallel_loop3A_1320 = arith.mulf %parallel_loop3A_1270, %parallel_loop3A_1319 : vector<16xf32>
        tpu.vector_store_idx %arg21[%parallel_loop3A_1278], %parallel_loop3A_1320 {add = true} : memref<4096xf32, #tpu.memory_space<vmem>>[vector<16xi32>], vector<16xf32>,
        %parallel_loop3A_1321 = arith.constant 5 : i32
        %parallel_loop3A_1322 = arith.index_cast %parallel_loop3A_1321 : i32 to index
        %parallel_loop3A_1323 = arith.index_cast %parallel_loop3A_1280 : i32 to index
        %parallel_loop3A_1324 = tpu.vector_load %arg9[%parallel_loop3A_1322, %parallel_loop3A_1323] {strides = array<i32>} : memref<16x1024xf32, #tpu.memory_space<vmem>>, vector<16xf32>,
        %parallel_loop3A_1325 = vector.bitcast %parallel_loop3A_1324 : vector<16xf32> to vector<16xi32>
        %parallel_loop3A_1326 = arith.andi %parallel_loop3A_1325, %parallel_loop3A_1275 : vector<16xi32>
        %parallel_loop3A_1327 = vector.bitcast %parallel_loop3A_1326 : vector<16xi32> to vector<16xf32>
        %parallel_loop3A_1328 = arith.mulf %parallel_loop3A_1270, %parallel_loop3A_1327 : vector<16xf32>
        tpu.vector_store_idx %arg22[%parallel_loop3A_1278], %parallel_loop3A_1328 {add = true} : memref<4096xf32, #tpu.memory_space<vmem>>[vector<16xi32>], vector<16xf32>,
        %parallel_loop3A_1329 = arith.constant 6 : i32
        %parallel_loop3A_1330 = arith.index_cast %parallel_loop3A_1329 : i32 to index
        %parallel_loop3A_1331 = arith.index_cast %parallel_loop3A_1280 : i32 to index
        %parallel_loop3A_1332 = tpu.vector_load %arg9[%parallel_loop3A_1330, %parallel_loop3A_1331] {strides = array<i32>} : memref<16x1024xf32, #tpu.memory_space<vmem>>, vector<16xf32>,
        %parallel_loop3A_1333 = vector.bitcast %parallel_loop3A_1332 : vector<16xf32> to vector<16xi32>
        %parallel_loop3A_1334 = arith.andi %parallel_loop3A_1333, %parallel_loop3A_1275 : vector<16xi32>
        %parallel_loop3A_1335 = vector.bitcast %parallel_loop3A_1334 : vector<16xi32> to vector<16xf32>
        %parallel_loop3A_1336 = arith.mulf %parallel_loop3A_1270, %parallel_loop3A_1335 : vector<16xf32>
        tpu.vector_store_idx %arg23[%parallel_loop3A_1278], %parallel_loop3A_1336 {add = true} : memref<4096xf32, #tpu.memory_space<vmem>>[vector<16xi32>], vector<16xf32>,
        %parallel_loop3A_1337 = arith.constant 7 : i32
        %parallel_loop3A_1338 = arith.index_cast %parallel_loop3A_1337 : i32 to index
        %parallel_loop3A_1339 = arith.index_cast %parallel_loop3A_1280 : i32 to index
        %parallel_loop3A_1340 = tpu.vector_load %arg9[%parallel_loop3A_1338, %parallel_loop3A_1339] {strides = array<i32>} : memref<16x1024xf32, #tpu.memory_space<vmem>>, vector<16xf32>,
        %parallel_loop3A_1341 = vector.bitcast %parallel_loop3A_1340 : vector<16xf32> to vector<16xi32>
        %parallel_loop3A_1342 = arith.andi %parallel_loop3A_1341, %parallel_loop3A_1275 : vector<16xi32>
        %parallel_loop3A_1343 = vector.bitcast %parallel_loop3A_1342 : vector<16xi32> to vector<16xf32>
        %parallel_loop3A_1344 = arith.mulf %parallel_loop3A_1270, %parallel_loop3A_1343 : vector<16xf32>
        tpu.vector_store_idx %arg24[%parallel_loop3A_1278], %parallel_loop3A_1344 {add = true} : memref<4096xf32, #tpu.memory_space<vmem>>[vector<16xi32>], vector<16xf32>,
        %parallel_loop3A_1345 = arith.constant 8 : i32
        %parallel_loop3A_1346 = arith.index_cast %parallel_loop3A_1345 : i32 to index
        %parallel_loop3A_1347 = arith.index_cast %parallel_loop3A_1280 : i32 to index
        %parallel_loop3A_1348 = tpu.vector_load %arg9[%parallel_loop3A_1346, %parallel_loop3A_1347] {strides = array<i32>} : memref<16x1024xf32, #tpu.memory_space<vmem>>, vector<16xf32>,
        %parallel_loop3A_1349 = vector.bitcast %parallel_loop3A_1348 : vector<16xf32> to vector<16xi32>
        %parallel_loop3A_1350 = arith.andi %parallel_loop3A_1349, %parallel_loop3A_1275 : vector<16xi32>
        %parallel_loop3A_1351 = vector.bitcast %parallel_loop3A_1350 : vector<16xi32> to vector<16xf32>
        %parallel_loop3A_1352 = arith.mulf %parallel_loop3A_1270, %parallel_loop3A_1351 : vector<16xf32>
        tpu.vector_store_idx %arg25[%parallel_loop3A_1278], %parallel_loop3A_1352 {add = true} : memref<4096xf32, #tpu.memory_space<vmem>>[vector<16xi32>], vector<16xf32>,
        %parallel_loop3A_1353 = arith.constant 9 : i32
        %parallel_loop3A_1354 = arith.index_cast %parallel_loop3A_1353 : i32 to index
        %parallel_loop3A_1355 = arith.index_cast %parallel_loop3A_1280 : i32 to index
        %parallel_loop3A_1356 = tpu.vector_load %arg9[%parallel_loop3A_1354, %parallel_loop3A_1355] {strides = array<i32>} : memref<16x1024xf32, #tpu.memory_space<vmem>>, vector<16xf32>,
        %parallel_loop3A_1357 = vector.bitcast %parallel_loop3A_1356 : vector<16xf32> to vector<16xi32>
        %parallel_loop3A_1358 = arith.andi %parallel_loop3A_1357, %parallel_loop3A_1275 : vector<16xi32>
        %parallel_loop3A_1359 = vector.bitcast %parallel_loop3A_1358 : vector<16xi32> to vector<16xf32>
        %parallel_loop3A_1360 = arith.mulf %parallel_loop3A_1270, %parallel_loop3A_1359 : vector<16xf32>
        tpu.vector_store_idx %arg26[%parallel_loop3A_1278], %parallel_loop3A_1360 {add = true} : memref<4096xf32, #tpu.memory_space<vmem>>[vector<16xi32>], vector<16xf32>,
        %parallel_loop3A_1361 = arith.constant 10 : i32
        %parallel_loop3A_1362 = arith.index_cast %parallel_loop3A_1361 : i32 to index
        %parallel_loop3A_1363 = arith.index_cast %parallel_loop3A_1280 : i32 to index
        %parallel_loop3A_1364 = tpu.vector_load %arg9[%parallel_loop3A_1362, %parallel_loop3A_1363] {strides = array<i32>} : memref<16x1024xf32, #tpu.memory_space<vmem>>, vector<16xf32>,
        %parallel_loop3A_1365 = vector.bitcast %parallel_loop3A_1364 : vector<16xf32> to vector<16xi32>
        %parallel_loop3A_1366 = arith.andi %parallel_loop3A_1365, %parallel_loop3A_1275 : vector<16xi32>
        %parallel_loop3A_1367 = vector.bitcast %parallel_loop3A_1366 : vector<16xi32> to vector<16xf32>
        %parallel_loop3A_1368 = arith.mulf %parallel_loop3A_1270, %parallel_loop3A_1367 : vector<16xf32>
        tpu.vector_store_idx %arg27[%parallel_loop3A_1278], %parallel_loop3A_1368 {add = true} : memref<4096xf32, #tpu.memory_space<vmem>>[vector<16xi32>], vector<16xf32>,
        %parallel_loop3A_1369 = arith.constant 11 : i32
        %parallel_loop3A_1370 = arith.index_cast %parallel_loop3A_1369 : i32 to index
        %parallel_loop3A_1371 = arith.index_cast %parallel_loop3A_1280 : i32 to index
        %parallel_loop3A_1372 = tpu.vector_load %arg9[%parallel_loop3A_1370, %parallel_loop3A_1371] {strides = array<i32>} : memref<16x1024xf32, #tpu.memory_space<vmem>>, vector<16xf32>,
        %parallel_loop3A_1373 = vector.bitcast %parallel_loop3A_1372 : vector<16xf32> to vector<16xi32>
        %parallel_loop3A_1374 = arith.andi %parallel_loop3A_1373, %parallel_loop3A_1275 : vector<16xi32>
        %parallel_loop3A_1375 = vector.bitcast %parallel_loop3A_1374 : vector<16xi32> to vector<16xf32>
        %parallel_loop3A_1376 = arith.mulf %parallel_loop3A_1270, %parallel_loop3A_1375 : vector<16xf32>
        tpu.vector_store_idx %arg28[%parallel_loop3A_1278], %parallel_loop3A_1376 {add = true} : memref<4096xf32, #tpu.memory_space<vmem>>[vector<16xi32>], vector<16xf32>,
        %parallel_loop3A_1377 = arith.constant 12 : i32
        %parallel_loop3A_1378 = arith.index_cast %parallel_loop3A_1377 : i32 to index
        %parallel_loop3A_1379 = arith.index_cast %parallel_loop3A_1280 : i32 to index
        %parallel_loop3A_1380 = tpu.vector_load %arg9[%parallel_loop3A_1378, %parallel_loop3A_1379] {strides = array<i32>} : memref<16x1024xf32, #tpu.memory_space<vmem>>, vector<16xf32>,
        %parallel_loop3A_1381 = vector.bitcast %parallel_loop3A_1380 : vector<16xf32> to vector<16xi32>
        %parallel_loop3A_1382 = arith.andi %parallel_loop3A_1381, %parallel_loop3A_1275 : vector<16xi32>
        %parallel_loop3A_1383 = vector.bitcast %parallel_loop3A_1382 : vector<16xi32> to vector<16xf32>
        %parallel_loop3A_1384 = arith.mulf %parallel_loop3A_1270, %parallel_loop3A_1383 : vector<16xf32>
        tpu.vector_store_idx %arg29[%parallel_loop3A_1278], %parallel_loop3A_1384 {add = true} : memref<4096xf32, #tpu.memory_space<vmem>>[vector<16xi32>], vector<16xf32>,
        %parallel_loop3A_1385 = arith.constant 13 : i32
        %parallel_loop3A_1386 = arith.index_cast %parallel_loop3A_1385 : i32 to index
        %parallel_loop3A_1387 = arith.index_cast %parallel_loop3A_1280 : i32 to index
        %parallel_loop3A_1388 = tpu.vector_load %arg9[%parallel_loop3A_1386, %parallel_loop3A_1387] {strides = array<i32>} : memref<16x1024xf32, #tpu.memory_space<vmem>>, vector<16xf32>,
        %parallel_loop3A_1389 = vector.bitcast %parallel_loop3A_1388 : vector<16xf32> to vector<16xi32>
        %parallel_loop3A_1390 = arith.andi %parallel_loop3A_1389, %parallel_loop3A_1275 : vector<16xi32>
        %parallel_loop3A_1391 = vector.bitcast %parallel_loop3A_1390 : vector<16xi32> to vector<16xf32>
        %parallel_loop3A_1392 = arith.mulf %parallel_loop3A_1270, %parallel_loop3A_1391 : vector<16xf32>
        tpu.vector_store_idx %arg30[%parallel_loop3A_1278], %parallel_loop3A_1392 {add = true} : memref<4096xf32, #tpu.memory_space<vmem>>[vector<16xi32>], vector<16xf32>,
        %parallel_loop3A_1393 = arith.constant 14 : i32
        %parallel_loop3A_1394 = arith.index_cast %parallel_loop3A_1393 : i32 to index
        %parallel_loop3A_1395 = arith.index_cast %parallel_loop3A_1280 : i32 to index
        %parallel_loop3A_1396 = tpu.vector_load %arg9[%parallel_loop3A_1394, %parallel_loop3A_1395] {strides = array<i32>} : memref<16x1024xf32, #tpu.memory_space<vmem>>, vector<16xf32>,
        %parallel_loop3A_1397 = vector.bitcast %parallel_loop3A_1396 : vector<16xf32> to vector<16xi32>
        %parallel_loop3A_1398 = arith.andi %parallel_loop3A_1397, %parallel_loop3A_1275 : vector<16xi32>
        %parallel_loop3A_1399 = vector.bitcast %parallel_loop3A_1398 : vector<16xi32> to vector<16xf32>
        %parallel_loop3A_1400 = arith.mulf %parallel_loop3A_1270, %parallel_loop3A_1399 : vector<16xf32>
        tpu.vector_store_idx %arg31[%parallel_loop3A_1278], %parallel_loop3A_1400 {add = true} : memref<4096xf32, #tpu.memory_space<vmem>>[vector<16xi32>], vector<16xf32>,
        %parallel_loop3A_1401 = arith.constant 15 : i32
        %parallel_loop3A_1402 = arith.index_cast %parallel_loop3A_1401 : i32 to index
        %parallel_loop3A_1403 = arith.index_cast %parallel_loop3A_1280 : i32 to index
        %parallel_loop3A_1404 = tpu.vector_load %arg9[%parallel_loop3A_1402, %parallel_loop3A_1403] {strides = array<i32>} : memref<16x1024xf32, #tpu.memory_space<vmem>>, vector<16xf32>,
        %parallel_loop3A_1405 = vector.bitcast %parallel_loop3A_1404 : vector<16xf32> to vector<16xi32>
        %parallel_loop3A_1406 = arith.andi %parallel_loop3A_1405, %parallel_loop3A_1275 : vector<16xi32>
        %parallel_loop3A_1407 = vector.bitcast %parallel_loop3A_1406 : vector<16xi32> to vector<16xf32>
        %parallel_loop3A_1408 = arith.mulf %parallel_loop3A_1270, %parallel_loop3A_1407 : vector<16xf32>
        tpu.vector_store_idx %arg32[%parallel_loop3A_1278], %parallel_loop3A_1408 {add = true} : memref<4096xf32, #tpu.memory_space<vmem>>[vector<16xi32>], vector<16xf32>,
      } {sc.loop_unroll_factor = 4 : i64, sc.parallel_access}
      %add3A_1234 = arith.constant 2 : i32
      %add3A_1235 = arith.addi %add3A_1224, %add3A_1234 : i32
      %lt3A_1236 = arith.constant 64 : i32
      %lt3A_1237 = arith.cmpi slt, %add3A_1235, %lt3A_1236 : i32
      %convert_element_type3A_1238 = arith.extui %lt3A_1237 : i1 to i32
      %cond3A_1239 = arith.constant 0 : i32
      %cond3A_1240 = arith.cmpi ne, %convert_element_type3A_1238, %cond3A_1239 : i32
      scf.if %cond3A_1240 {
        %add3A_1262 = arith.constant 2 : i32
        %add3A_1263 = arith.addi %add3A_1224, %add3A_1262 : i32
        %mul3A_1264 = arith.constant 1024 : i32
        %mul3A_1265 = arith.muli %add3A_1263, %mul3A_1264 : i32
        %dma_start3A_1266 = tpu.memref_slice %arg2[%mul3A_2, %mul3A_1265] : memref<512x65536xf32, #tpu.memory_space<hbm>> -> memref<16x1024xf32, #tpu.memory_space<hbm>>
        %dma_start3A_1267 = tpu.memref_slice %arg2[%mul3A_2, %mul3A_1265] : memref<512x65536xf32, #tpu.memory_space<hbm>> -> memref<16x1024xf32, #tpu.memory_space<hbm>>
        tpu.enqueue_dma source(%dma_start3A_1267 : memref<16x1024xf32, #tpu.memory_space<hbm>>) target(%arg9 : memref<16x1024xf32, #tpu.memory_space<vmem>>) target_semaphore(%arg15 : memref<!tpu.dma_semaphore, #tpu.memory_space<semaphore_mem>>)
      } else {
      }
      %mul3A_1241 = arith.constant 4 : i32
      %mul3A_1242 = arith.muli %scan3A_1178, %mul3A_1241 : i32
      %add3A_1243 = arith.constant 3 : i32
      %add3A_1244 = arith.addi %mul3A_1242, %add3A_1243 : i32
      %dma_wait3A_1245 = arith.constant 0 : i32
      %dma_wait3A_1246 = arith.constant 0 : i32
      %dma_wait3A_1247 = tpu.memref_slice %arg2[%dma_wait3A_1245, %dma_wait3A_1246] : memref<512x65536xf32, #tpu.memory_space<hbm>> -> memref<16x1024xf32, #tpu.memory_space<hbm>>
      %dma_wait3A_1248 = arith.constant 0 : i32
      %dma_wait3A_1249 = arith.constant 0 : i32
      %dma_wait3A_1250 = tpu.memref_slice %arg2[%dma_wait3A_1248, %dma_wait3A_1249] : memref<512x65536xf32, #tpu.memory_space<hbm>> -> memref<16x1024xf32, #tpu.memory_space<hbm>>
      tpu.wait_dma2 semaphore(%arg16 : memref<!tpu.dma_semaphore, #tpu.memory_space<semaphore_mem>>) src(%dma_wait3A_1250 : memref<16x1024xf32, #tpu.memory_space<hbm>>) dst(%arg10 : memref<16x1024xf32, #tpu.memory_space<vmem>>)
      %parallel_loop3A_1251 = arith.constant 0 : i32
      %parallel_loop3A_1252 = arith.constant 64 : i32
      %parallel_loop3A_1253 = arith.constant 1 : i32
      scf.for %parallel_loop3A_1262 = %parallel_loop3A_1251 to %parallel_loop3A_1252 step %parallel_loop3A_1253  : i32 {
        %parallel_loop3A_1263 = arith.constant 16 : i32
        %parallel_loop3A_1264 = arith.muli %parallel_loop3A_1262, %parallel_loop3A_1263 : i32
        %parallel_loop3A_1265 = arith.constant 3072 : i32
        %parallel_loop3A_1266 = arith.addi %parallel_loop3A_1265, %parallel_loop3A_1264 : i32
        %parallel_loop3A_1267 = arith.index_cast %parallel_loop3A_1266 : i32 to index
        %parallel_loop3A_1268 = tpu.vector_load %arg7[%parallel_loop3A_1267] {strides = array<i32>} : memref<4096xi32, #tpu.memory_space<vmem>>, vector<16xi32>,
        %parallel_loop3A_1269 = arith.index_cast %parallel_loop3A_1266 : i32 to index
        %parallel_loop3A_1270 = tpu.vector_load %arg8[%parallel_loop3A_1269] {strides = array<i32>} : memref<4096xf32, #tpu.memory_space<vmem>>, vector<16xf32>,
        %parallel_loop3A_1271 = arith.constant -2147483648 : i32
        %parallel_loop3A_1272 = vector.broadcast %parallel_loop3A_1271 : i32 to vector<16xi32>
        %parallel_loop3A_1273 = arith.andi %parallel_loop3A_1268, %parallel_loop3A_1272 : vector<16xi32>
        %parallel_loop3A_1274 = arith.constant dense<-1> : vector<16xi32>
        %parallel_loop3A_1275 = arith.xori %parallel_loop3A_1273, %parallel_loop3A_1274 : vector<16xi32>
        %parallel_loop3A_1276 = arith.constant 2147483647 : i32
        %parallel_loop3A_1277 = vector.broadcast %parallel_loop3A_1276 : i32 to vector<16xi32>
        %parallel_loop3A_1278 = arith.andi %parallel_loop3A_1268, %parallel_loop3A_1277 : vector<16xi32>
        %parallel_loop3A_1279 = arith.constant 16 : i32
        %parallel_loop3A_1280 = arith.muli %parallel_loop3A_1262, %parallel_loop3A_1279 : i32
        %parallel_loop3A_1281 = arith.constant 0 : i32
        %parallel_loop3A_1282 = arith.index_cast %parallel_loop3A_1281 : i32 to index
        %parallel_loop3A_1283 = arith.index_cast %parallel_loop3A_1280 : i32 to index
        %parallel_loop3A_1284 = tpu.vector_load %arg10[%parallel_loop3A_1282, %parallel_loop3A_1283] {strides = array<i32>} : memref<16x1024xf32, #tpu.memory_space<vmem>>, vector<16xf32>,
        %parallel_loop3A_1285 = vector.bitcast %parallel_loop3A_1284 : vector<16xf32> to vector<16xi32>
        %parallel_loop3A_1286 = arith.andi %parallel_loop3A_1285, %parallel_loop3A_1275 : vector<16xi32>
        %parallel_loop3A_1287 = vector.bitcast %parallel_loop3A_1286 : vector<16xi32> to vector<16xf32>
        %parallel_loop3A_1288 = arith.mulf %parallel_loop3A_1270, %parallel_loop3A_1287 : vector<16xf32>
        tpu.vector_store_idx %arg17[%parallel_loop3A_1278], %parallel_loop3A_1288 {add = true} : memref<4096xf32, #tpu.memory_space<vmem>>[vector<16xi32>], vector<16xf32>,
        %parallel_loop3A_1289 = arith.constant 1 : i32
        %parallel_loop3A_1290 = arith.index_cast %parallel_loop3A_1289 : i32 to index
        %parallel_loop3A_1291 = arith.index_cast %parallel_loop3A_1280 : i32 to index
        %parallel_loop3A_1292 = tpu.vector_load %arg10[%parallel_loop3A_1290, %parallel_loop3A_1291] {strides = array<i32>} : memref<16x1024xf32, #tpu.memory_space<vmem>>, vector<16xf32>,
        %parallel_loop3A_1293 = vector.bitcast %parallel_loop3A_1292 : vector<16xf32> to vector<16xi32>
        %parallel_loop3A_1294 = arith.andi %parallel_loop3A_1293, %parallel_loop3A_1275 : vector<16xi32>
        %parallel_loop3A_1295 = vector.bitcast %parallel_loop3A_1294 : vector<16xi32> to vector<16xf32>
        %parallel_loop3A_1296 = arith.mulf %parallel_loop3A_1270, %parallel_loop3A_1295 : vector<16xf32>
        tpu.vector_store_idx %arg18[%parallel_loop3A_1278], %parallel_loop3A_1296 {add = true} : memref<4096xf32, #tpu.memory_space<vmem>>[vector<16xi32>], vector<16xf32>,
        %parallel_loop3A_1297 = arith.constant 2 : i32
        %parallel_loop3A_1298 = arith.index_cast %parallel_loop3A_1297 : i32 to index
        %parallel_loop3A_1299 = arith.index_cast %parallel_loop3A_1280 : i32 to index
        %parallel_loop3A_1300 = tpu.vector_load %arg10[%parallel_loop3A_1298, %parallel_loop3A_1299] {strides = array<i32>} : memref<16x1024xf32, #tpu.memory_space<vmem>>, vector<16xf32>,
        %parallel_loop3A_1301 = vector.bitcast %parallel_loop3A_1300 : vector<16xf32> to vector<16xi32>
        %parallel_loop3A_1302 = arith.andi %parallel_loop3A_1301, %parallel_loop3A_1275 : vector<16xi32>
        %parallel_loop3A_1303 = vector.bitcast %parallel_loop3A_1302 : vector<16xi32> to vector<16xf32>
        %parallel_loop3A_1304 = arith.mulf %parallel_loop3A_1270, %parallel_loop3A_1303 : vector<16xf32>
        tpu.vector_store_idx %arg19[%parallel_loop3A_1278], %parallel_loop3A_1304 {add = true} : memref<4096xf32, #tpu.memory_space<vmem>>[vector<16xi32>], vector<16xf32>,
        %parallel_loop3A_1305 = arith.constant 3 : i32
        %parallel_loop3A_1306 = arith.index_cast %parallel_loop3A_1305 : i32 to index
        %parallel_loop3A_1307 = arith.index_cast %parallel_loop3A_1280 : i32 to index
        %parallel_loop3A_1308 = tpu.vector_load %arg10[%parallel_loop3A_1306, %parallel_loop3A_1307] {strides = array<i32>} : memref<16x1024xf32, #tpu.memory_space<vmem>>, vector<16xf32>,
        %parallel_loop3A_1309 = vector.bitcast %parallel_loop3A_1308 : vector<16xf32> to vector<16xi32>
        %parallel_loop3A_1310 = arith.andi %parallel_loop3A_1309, %parallel_loop3A_1275 : vector<16xi32>
        %parallel_loop3A_1311 = vector.bitcast %parallel_loop3A_1310 : vector<16xi32> to vector<16xf32>
        %parallel_loop3A_1312 = arith.mulf %parallel_loop3A_1270, %parallel_loop3A_1311 : vector<16xf32>
        tpu.vector_store_idx %arg20[%parallel_loop3A_1278], %parallel_loop3A_1312 {add = true} : memref<4096xf32, #tpu.memory_space<vmem>>[vector<16xi32>], vector<16xf32>,
        %parallel_loop3A_1313 = arith.constant 4 : i32
        %parallel_loop3A_1314 = arith.index_cast %parallel_loop3A_1313 : i32 to index
        %parallel_loop3A_1315 = arith.index_cast %parallel_loop3A_1280 : i32 to index
        %parallel_loop3A_1316 = tpu.vector_load %arg10[%parallel_loop3A_1314, %parallel_loop3A_1315] {strides = array<i32>} : memref<16x1024xf32, #tpu.memory_space<vmem>>, vector<16xf32>,
        %parallel_loop3A_1317 = vector.bitcast %parallel_loop3A_1316 : vector<16xf32> to vector<16xi32>
        %parallel_loop3A_1318 = arith.andi %parallel_loop3A_1317, %parallel_loop3A_1275 : vector<16xi32>
        %parallel_loop3A_1319 = vector.bitcast %parallel_loop3A_1318 : vector<16xi32> to vector<16xf32>
        %parallel_loop3A_1320 = arith.mulf %parallel_loop3A_1270, %parallel_loop3A_1319 : vector<16xf32>
        tpu.vector_store_idx %arg21[%parallel_loop3A_1278], %parallel_loop3A_1320 {add = true} : memref<4096xf32, #tpu.memory_space<vmem>>[vector<16xi32>], vector<16xf32>,
        %parallel_loop3A_1321 = arith.constant 5 : i32
        %parallel_loop3A_1322 = arith.index_cast %parallel_loop3A_1321 : i32 to index
        %parallel_loop3A_1323 = arith.index_cast %parallel_loop3A_1280 : i32 to index
        %parallel_loop3A_1324 = tpu.vector_load %arg10[%parallel_loop3A_1322, %parallel_loop3A_1323] {strides = array<i32>} : memref<16x1024xf32, #tpu.memory_space<vmem>>, vector<16xf32>,
        %parallel_loop3A_1325 = vector.bitcast %parallel_loop3A_1324 : vector<16xf32> to vector<16xi32>
        %parallel_loop3A_1326 = arith.andi %parallel_loop3A_1325, %parallel_loop3A_1275 : vector<16xi32>
        %parallel_loop3A_1327 = vector.bitcast %parallel_loop3A_1326 : vector<16xi32> to vector<16xf32>
        %parallel_loop3A_1328 = arith.mulf %parallel_loop3A_1270, %parallel_loop3A_1327 : vector<16xf32>
        tpu.vector_store_idx %arg22[%parallel_loop3A_1278], %parallel_loop3A_1328 {add = true} : memref<4096xf32, #tpu.memory_space<vmem>>[vector<16xi32>], vector<16xf32>,
        %parallel_loop3A_1329 = arith.constant 6 : i32
        %parallel_loop3A_1330 = arith.index_cast %parallel_loop3A_1329 : i32 to index
        %parallel_loop3A_1331 = arith.index_cast %parallel_loop3A_1280 : i32 to index
        %parallel_loop3A_1332 = tpu.vector_load %arg10[%parallel_loop3A_1330, %parallel_loop3A_1331] {strides = array<i32>} : memref<16x1024xf32, #tpu.memory_space<vmem>>, vector<16xf32>,
        %parallel_loop3A_1333 = vector.bitcast %parallel_loop3A_1332 : vector<16xf32> to vector<16xi32>
        %parallel_loop3A_1334 = arith.andi %parallel_loop3A_1333, %parallel_loop3A_1275 : vector<16xi32>
        %parallel_loop3A_1335 = vector.bitcast %parallel_loop3A_1334 : vector<16xi32> to vector<16xf32>
        %parallel_loop3A_1336 = arith.mulf %parallel_loop3A_1270, %parallel_loop3A_1335 : vector<16xf32>
        tpu.vector_store_idx %arg23[%parallel_loop3A_1278], %parallel_loop3A_1336 {add = true} : memref<4096xf32, #tpu.memory_space<vmem>>[vector<16xi32>], vector<16xf32>,
        %parallel_loop3A_1337 = arith.constant 7 : i32
        %parallel_loop3A_1338 = arith.index_cast %parallel_loop3A_1337 : i32 to index
        %parallel_loop3A_1339 = arith.index_cast %parallel_loop3A_1280 : i32 to index
        %parallel_loop3A_1340 = tpu.vector_load %arg10[%parallel_loop3A_1338, %parallel_loop3A_1339] {strides = array<i32>} : memref<16x1024xf32, #tpu.memory_space<vmem>>, vector<16xf32>,
        %parallel_loop3A_1341 = vector.bitcast %parallel_loop3A_1340 : vector<16xf32> to vector<16xi32>
        %parallel_loop3A_1342 = arith.andi %parallel_loop3A_1341, %parallel_loop3A_1275 : vector<16xi32>
        %parallel_loop3A_1343 = vector.bitcast %parallel_loop3A_1342 : vector<16xi32> to vector<16xf32>
        %parallel_loop3A_1344 = arith.mulf %parallel_loop3A_1270, %parallel_loop3A_1343 : vector<16xf32>
        tpu.vector_store_idx %arg24[%parallel_loop3A_1278], %parallel_loop3A_1344 {add = true} : memref<4096xf32, #tpu.memory_space<vmem>>[vector<16xi32>], vector<16xf32>,
        %parallel_loop3A_1345 = arith.constant 8 : i32
        %parallel_loop3A_1346 = arith.index_cast %parallel_loop3A_1345 : i32 to index
        %parallel_loop3A_1347 = arith.index_cast %parallel_loop3A_1280 : i32 to index
        %parallel_loop3A_1348 = tpu.vector_load %arg10[%parallel_loop3A_1346, %parallel_loop3A_1347] {strides = array<i32>} : memref<16x1024xf32, #tpu.memory_space<vmem>>, vector<16xf32>,
        %parallel_loop3A_1349 = vector.bitcast %parallel_loop3A_1348 : vector<16xf32> to vector<16xi32>
        %parallel_loop3A_1350 = arith.andi %parallel_loop3A_1349, %parallel_loop3A_1275 : vector<16xi32>
        %parallel_loop3A_1351 = vector.bitcast %parallel_loop3A_1350 : vector<16xi32> to vector<16xf32>
        %parallel_loop3A_1352 = arith.mulf %parallel_loop3A_1270, %parallel_loop3A_1351 : vector<16xf32>
        tpu.vector_store_idx %arg25[%parallel_loop3A_1278], %parallel_loop3A_1352 {add = true} : memref<4096xf32, #tpu.memory_space<vmem>>[vector<16xi32>], vector<16xf32>,
        %parallel_loop3A_1353 = arith.constant 9 : i32
        %parallel_loop3A_1354 = arith.index_cast %parallel_loop3A_1353 : i32 to index
        %parallel_loop3A_1355 = arith.index_cast %parallel_loop3A_1280 : i32 to index
        %parallel_loop3A_1356 = tpu.vector_load %arg10[%parallel_loop3A_1354, %parallel_loop3A_1355] {strides = array<i32>} : memref<16x1024xf32, #tpu.memory_space<vmem>>, vector<16xf32>,
        %parallel_loop3A_1357 = vector.bitcast %parallel_loop3A_1356 : vector<16xf32> to vector<16xi32>
        %parallel_loop3A_1358 = arith.andi %parallel_loop3A_1357, %parallel_loop3A_1275 : vector<16xi32>
        %parallel_loop3A_1359 = vector.bitcast %parallel_loop3A_1358 : vector<16xi32> to vector<16xf32>
        %parallel_loop3A_1360 = arith.mulf %parallel_loop3A_1270, %parallel_loop3A_1359 : vector<16xf32>
        tpu.vector_store_idx %arg26[%parallel_loop3A_1278], %parallel_loop3A_1360 {add = true} : memref<4096xf32, #tpu.memory_space<vmem>>[vector<16xi32>], vector<16xf32>,
        %parallel_loop3A_1361 = arith.constant 10 : i32
        %parallel_loop3A_1362 = arith.index_cast %parallel_loop3A_1361 : i32 to index
        %parallel_loop3A_1363 = arith.index_cast %parallel_loop3A_1280 : i32 to index
        %parallel_loop3A_1364 = tpu.vector_load %arg10[%parallel_loop3A_1362, %parallel_loop3A_1363] {strides = array<i32>} : memref<16x1024xf32, #tpu.memory_space<vmem>>, vector<16xf32>,
        %parallel_loop3A_1365 = vector.bitcast %parallel_loop3A_1364 : vector<16xf32> to vector<16xi32>
        %parallel_loop3A_1366 = arith.andi %parallel_loop3A_1365, %parallel_loop3A_1275 : vector<16xi32>
        %parallel_loop3A_1367 = vector.bitcast %parallel_loop3A_1366 : vector<16xi32> to vector<16xf32>
        %parallel_loop3A_1368 = arith.mulf %parallel_loop3A_1270, %parallel_loop3A_1367 : vector<16xf32>
        tpu.vector_store_idx %arg27[%parallel_loop3A_1278], %parallel_loop3A_1368 {add = true} : memref<4096xf32, #tpu.memory_space<vmem>>[vector<16xi32>], vector<16xf32>,
        %parallel_loop3A_1369 = arith.constant 11 : i32
        %parallel_loop3A_1370 = arith.index_cast %parallel_loop3A_1369 : i32 to index
        %parallel_loop3A_1371 = arith.index_cast %parallel_loop3A_1280 : i32 to index
        %parallel_loop3A_1372 = tpu.vector_load %arg10[%parallel_loop3A_1370, %parallel_loop3A_1371] {strides = array<i32>} : memref<16x1024xf32, #tpu.memory_space<vmem>>, vector<16xf32>,
        %parallel_loop3A_1373 = vector.bitcast %parallel_loop3A_1372 : vector<16xf32> to vector<16xi32>
        %parallel_loop3A_1374 = arith.andi %parallel_loop3A_1373, %parallel_loop3A_1275 : vector<16xi32>
        %parallel_loop3A_1375 = vector.bitcast %parallel_loop3A_1374 : vector<16xi32> to vector<16xf32>
        %parallel_loop3A_1376 = arith.mulf %parallel_loop3A_1270, %parallel_loop3A_1375 : vector<16xf32>
        tpu.vector_store_idx %arg28[%parallel_loop3A_1278], %parallel_loop3A_1376 {add = true} : memref<4096xf32, #tpu.memory_space<vmem>>[vector<16xi32>], vector<16xf32>,
        %parallel_loop3A_1377 = arith.constant 12 : i32
        %parallel_loop3A_1378 = arith.index_cast %parallel_loop3A_1377 : i32 to index
        %parallel_loop3A_1379 = arith.index_cast %parallel_loop3A_1280 : i32 to index
        %parallel_loop3A_1380 = tpu.vector_load %arg10[%parallel_loop3A_1378, %parallel_loop3A_1379] {strides = array<i32>} : memref<16x1024xf32, #tpu.memory_space<vmem>>, vector<16xf32>,
        %parallel_loop3A_1381 = vector.bitcast %parallel_loop3A_1380 : vector<16xf32> to vector<16xi32>
        %parallel_loop3A_1382 = arith.andi %parallel_loop3A_1381, %parallel_loop3A_1275 : vector<16xi32>
        %parallel_loop3A_1383 = vector.bitcast %parallel_loop3A_1382 : vector<16xi32> to vector<16xf32>
        %parallel_loop3A_1384 = arith.mulf %parallel_loop3A_1270, %parallel_loop3A_1383 : vector<16xf32>
        tpu.vector_store_idx %arg29[%parallel_loop3A_1278], %parallel_loop3A_1384 {add = true} : memref<4096xf32, #tpu.memory_space<vmem>>[vector<16xi32>], vector<16xf32>,
        %parallel_loop3A_1385 = arith.constant 13 : i32
        %parallel_loop3A_1386 = arith.index_cast %parallel_loop3A_1385 : i32 to index
        %parallel_loop3A_1387 = arith.index_cast %parallel_loop3A_1280 : i32 to index
        %parallel_loop3A_1388 = tpu.vector_load %arg10[%parallel_loop3A_1386, %parallel_loop3A_1387] {strides = array<i32>} : memref<16x1024xf32, #tpu.memory_space<vmem>>, vector<16xf32>,
        %parallel_loop3A_1389 = vector.bitcast %parallel_loop3A_1388 : vector<16xf32> to vector<16xi32>
        %parallel_loop3A_1390 = arith.andi %parallel_loop3A_1389, %parallel_loop3A_1275 : vector<16xi32>
        %parallel_loop3A_1391 = vector.bitcast %parallel_loop3A_1390 : vector<16xi32> to vector<16xf32>
        %parallel_loop3A_1392 = arith.mulf %parallel_loop3A_1270, %parallel_loop3A_1391 : vector<16xf32>
        tpu.vector_store_idx %arg30[%parallel_loop3A_1278], %parallel_loop3A_1392 {add = true} : memref<4096xf32, #tpu.memory_space<vmem>>[vector<16xi32>], vector<16xf32>,
        %parallel_loop3A_1393 = arith.constant 14 : i32
        %parallel_loop3A_1394 = arith.index_cast %parallel_loop3A_1393 : i32 to index
        %parallel_loop3A_1395 = arith.index_cast %parallel_loop3A_1280 : i32 to index
        %parallel_loop3A_1396 = tpu.vector_load %arg10[%parallel_loop3A_1394, %parallel_loop3A_1395] {strides = array<i32>} : memref<16x1024xf32, #tpu.memory_space<vmem>>, vector<16xf32>,
        %parallel_loop3A_1397 = vector.bitcast %parallel_loop3A_1396 : vector<16xf32> to vector<16xi32>
        %parallel_loop3A_1398 = arith.andi %parallel_loop3A_1397, %parallel_loop3A_1275 : vector<16xi32>
        %parallel_loop3A_1399 = vector.bitcast %parallel_loop3A_1398 : vector<16xi32> to vector<16xf32>
        %parallel_loop3A_1400 = arith.mulf %parallel_loop3A_1270, %parallel_loop3A_1399 : vector<16xf32>
        tpu.vector_store_idx %arg31[%parallel_loop3A_1278], %parallel_loop3A_1400 {add = true} : memref<4096xf32, #tpu.memory_space<vmem>>[vector<16xi32>], vector<16xf32>,
        %parallel_loop3A_1401 = arith.constant 15 : i32
        %parallel_loop3A_1402 = arith.index_cast %parallel_loop3A_1401 : i32 to index
        %parallel_loop3A_1403 = arith.index_cast %parallel_loop3A_1280 : i32 to index
        %parallel_loop3A_1404 = tpu.vector_load %arg10[%parallel_loop3A_1402, %parallel_loop3A_1403] {strides = array<i32>} : memref<16x1024xf32, #tpu.memory_space<vmem>>, vector<16xf32>,
        %parallel_loop3A_1405 = vector.bitcast %parallel_loop3A_1404 : vector<16xf32> to vector<16xi32>
        %parallel_loop3A_1406 = arith.andi %parallel_loop3A_1405, %parallel_loop3A_1275 : vector<16xi32>
        %parallel_loop3A_1407 = vector.bitcast %parallel_loop3A_1406 : vector<16xi32> to vector<16xf32>
        %parallel_loop3A_1408 = arith.mulf %parallel_loop3A_1270, %parallel_loop3A_1407 : vector<16xf32>
        tpu.vector_store_idx %arg32[%parallel_loop3A_1278], %parallel_loop3A_1408 {add = true} : memref<4096xf32, #tpu.memory_space<vmem>>[vector<16xi32>], vector<16xf32>,
      } {sc.loop_unroll_factor = 4 : i64, sc.parallel_access}
      %add3A_1254 = arith.constant 2 : i32
      %add3A_1255 = arith.addi %add3A_1244, %add3A_1254 : i32
      %lt3A_1256 = arith.constant 64 : i32
      %lt3A_1257 = arith.cmpi slt, %add3A_1255, %lt3A_1256 : i32
      %convert_element_type3A_1258 = arith.extui %lt3A_1257 : i1 to i32
      %cond3A_1259 = arith.constant 0 : i32
      %cond3A_1260 = arith.cmpi ne, %convert_element_type3A_1258, %cond3A_1259 : i32
      scf.if %cond3A_1260 {
        %add3A_1262 = arith.constant 2 : i32
        %add3A_1263 = arith.addi %add3A_1244, %add3A_1262 : i32
        %mul3A_1264 = arith.constant 1024 : i32
        %mul3A_1265 = arith.muli %add3A_1263, %mul3A_1264 : i32
        %dma_start3A_1266 = tpu.memref_slice %arg2[%mul3A_2, %mul3A_1265] : memref<512x65536xf32, #tpu.memory_space<hbm>> -> memref<16x1024xf32, #tpu.memory_space<hbm>>
        %dma_start3A_1267 = tpu.memref_slice %arg2[%mul3A_2, %mul3A_1265] : memref<512x65536xf32, #tpu.memory_space<hbm>> -> memref<16x1024xf32, #tpu.memory_space<hbm>>
        tpu.enqueue_dma source(%dma_start3A_1267 : memref<16x1024xf32, #tpu.memory_space<hbm>>) target(%arg10 : memref<16x1024xf32, #tpu.memory_space<vmem>>) target_semaphore(%arg16 : memref<!tpu.dma_semaphore, #tpu.memory_space<semaphore_mem>>)
      } else {
      }
      %scan3A_1261 = arith.constant 0 : i32
      scf.yield %scan3A_1261 : i32
    }
    %scan3A_1046 = arith.constant 16 : i32
    %parallel_loop3A_1047 = arith.constant 0 : i32
    %parallel_loop3A_1048 = arith.constant 256 : i32
    %parallel_loop3A_1049 = arith.constant 1 : i32
    scf.for %parallel_loop3A_1178 = %parallel_loop3A_1047 to %parallel_loop3A_1048 step %parallel_loop3A_1049  : i32 {
      %parallel_loop3A_1179 = arith.constant 16 : i32
      %parallel_loop3A_1180 = arith.muli %parallel_loop3A_1178, %parallel_loop3A_1179 : i32
      %parallel_loop3A_1181 = arith.constant 16 : i32
      %parallel_loop3A_1182 = arith.muli %parallel_loop3A_1178, %parallel_loop3A_1181 : i32
      %parallel_loop3A_1183 = tpu.iota {dimensions = array<i32: 0>} : vector<16xi32>
      %parallel_loop3A_1184 = vector.broadcast %parallel_loop3A_1182 : i32 to vector<16xi32>
      %parallel_loop3A_1185 = arith.addi %parallel_loop3A_1184, %parallel_loop3A_1183 : vector<16xi32>
      %parallel_loop3A_1186 = arith.constant 3 : i32
      %parallel_loop3A_1187 = vector.broadcast %parallel_loop3A_1186 : i32 to vector<16xi32>
      %parallel_loop3A_1188 = arith.remsi %parallel_loop3A_1185, %parallel_loop3A_1187 : vector<16xi32>
      %parallel_loop3A_1189 = arith.constant 1 : i32
      %parallel_loop3A_1190 = vector.broadcast %parallel_loop3A_1189 : i32 to vector<16xi32>
      %parallel_loop3A_1191 = arith.cmpi eq, %parallel_loop3A_1188, %parallel_loop3A_1190 : vector<16xi32>
      %parallel_loop3A_1192 = arith.index_cast %parallel_loop3A_1180 : i32 to index
      %parallel_loop3A_1193 = tpu.vector_load %arg17[%parallel_loop3A_1192] {strides = array<i32>} : memref<4096xf32, #tpu.memory_space<vmem>>, vector<16xf32>,
      %parallel_loop3A_1194 = arith.constant 0.000000e+00 : f32
      %parallel_loop3A_1195 = vector.broadcast %parallel_loop3A_1194 : f32 to vector<16xf32>
      %parallel_loop3A_1196 = arith.cmpf ogt, %parallel_loop3A_1193, %parallel_loop3A_1195 : vector<16xf32>
      %parallel_loop3A_1197 = arith.constant 1.000000e+00 : f32
      %parallel_loop3A_1198 = arith.constant 0.000000e+00 : f32
      %parallel_loop3A_1199 = vector.broadcast %parallel_loop3A_1197 : f32 to vector<16xf32>
      %parallel_loop3A_1200 = vector.broadcast %parallel_loop3A_1198 : f32 to vector<16xf32>
      %parallel_loop3A_1201 = arith.select %parallel_loop3A_1196, %parallel_loop3A_1199, %parallel_loop3A_1200 : vector<16xi1>, vector<16xf32>
      %parallel_loop3A_1202 = arith.select %parallel_loop3A_1191, %parallel_loop3A_1201, %parallel_loop3A_1193 : vector<16xi1>, vector<16xf32>
      %parallel_loop3A_1203 = arith.index_cast %parallel_loop3A_1180 : i32 to index
      %parallel_loop3A_1204 = tpu.vector_load %arg17[%parallel_loop3A_1203] {strides = array<i32>} : memref<4096xf32, #tpu.memory_space<vmem>>, vector<16xf32>,
      tpu.vector_store %arg17[%parallel_loop3A_1203], %parallel_loop3A_1202 {strides = array<i32>} : memref<4096xf32, #tpu.memory_space<vmem>>, vector<16xf32>,
      %parallel_loop3A_1205 = arith.index_cast %parallel_loop3A_1180 : i32 to index
      %parallel_loop3A_1206 = tpu.vector_load %arg18[%parallel_loop3A_1205] {strides = array<i32>} : memref<4096xf32, #tpu.memory_space<vmem>>, vector<16xf32>,
      %parallel_loop3A_1207 = arith.constant 0.000000e+00 : f32
      %parallel_loop3A_1208 = vector.broadcast %parallel_loop3A_1207 : f32 to vector<16xf32>
      %parallel_loop3A_1209 = arith.cmpf ogt, %parallel_loop3A_1206, %parallel_loop3A_1208 : vector<16xf32>
      %parallel_loop3A_1210 = arith.constant 1.000000e+00 : f32
      %parallel_loop3A_1211 = arith.constant 0.000000e+00 : f32
      %parallel_loop3A_1212 = vector.broadcast %parallel_loop3A_1210 : f32 to vector<16xf32>
      %parallel_loop3A_1213 = vector.broadcast %parallel_loop3A_1211 : f32 to vector<16xf32>
      %parallel_loop3A_1214 = arith.select %parallel_loop3A_1209, %parallel_loop3A_1212, %parallel_loop3A_1213 : vector<16xi1>, vector<16xf32>
      %parallel_loop3A_1215 = arith.select %parallel_loop3A_1191, %parallel_loop3A_1214, %parallel_loop3A_1206 : vector<16xi1>, vector<16xf32>
      %parallel_loop3A_1216 = arith.index_cast %parallel_loop3A_1180 : i32 to index
      %parallel_loop3A_1217 = tpu.vector_load %arg18[%parallel_loop3A_1216] {strides = array<i32>} : memref<4096xf32, #tpu.memory_space<vmem>>, vector<16xf32>,
      tpu.vector_store %arg18[%parallel_loop3A_1216], %parallel_loop3A_1215 {strides = array<i32>} : memref<4096xf32, #tpu.memory_space<vmem>>, vector<16xf32>,
      %parallel_loop3A_1218 = arith.index_cast %parallel_loop3A_1180 : i32 to index
      %parallel_loop3A_1219 = tpu.vector_load %arg19[%parallel_loop3A_1218] {strides = array<i32>} : memref<4096xf32, #tpu.memory_space<vmem>>, vector<16xf32>,
      %parallel_loop3A_1220 = arith.constant 0.000000e+00 : f32
      %parallel_loop3A_1221 = vector.broadcast %parallel_loop3A_1220 : f32 to vector<16xf32>
      %parallel_loop3A_1222 = arith.cmpf ogt, %parallel_loop3A_1219, %parallel_loop3A_1221 : vector<16xf32>
      %parallel_loop3A_1223 = arith.constant 1.000000e+00 : f32
      %parallel_loop3A_1224 = arith.constant 0.000000e+00 : f32
      %parallel_loop3A_1225 = vector.broadcast %parallel_loop3A_1223 : f32 to vector<16xf32>
      %parallel_loop3A_1226 = vector.broadcast %parallel_loop3A_1224 : f32 to vector<16xf32>
      %parallel_loop3A_1227 = arith.select %parallel_loop3A_1222, %parallel_loop3A_1225, %parallel_loop3A_1226 : vector<16xi1>, vector<16xf32>
      %parallel_loop3A_1228 = arith.select %parallel_loop3A_1191, %parallel_loop3A_1227, %parallel_loop3A_1219 : vector<16xi1>, vector<16xf32>
      %parallel_loop3A_1229 = arith.index_cast %parallel_loop3A_1180 : i32 to index
      %parallel_loop3A_1230 = tpu.vector_load %arg19[%parallel_loop3A_1229] {strides = array<i32>} : memref<4096xf32, #tpu.memory_space<vmem>>, vector<16xf32>,
      tpu.vector_store %arg19[%parallel_loop3A_1229], %parallel_loop3A_1228 {strides = array<i32>} : memref<4096xf32, #tpu.memory_space<vmem>>, vector<16xf32>,
      %parallel_loop3A_1231 = arith.index_cast %parallel_loop3A_1180 : i32 to index
      %parallel_loop3A_1232 = tpu.vector_load %arg20[%parallel_loop3A_1231] {strides = array<i32>} : memref<4096xf32, #tpu.memory_space<vmem>>, vector<16xf32>,
      %parallel_loop3A_1233 = arith.constant 0.000000e+00 : f32
      %parallel_loop3A_1234 = vector.broadcast %parallel_loop3A_1233 : f32 to vector<16xf32>
      %parallel_loop3A_1235 = arith.cmpf ogt, %parallel_loop3A_1232, %parallel_loop3A_1234 : vector<16xf32>
      %parallel_loop3A_1236 = arith.constant 1.000000e+00 : f32
      %parallel_loop3A_1237 = arith.constant 0.000000e+00 : f32
      %parallel_loop3A_1238 = vector.broadcast %parallel_loop3A_1236 : f32 to vector<16xf32>
      %parallel_loop3A_1239 = vector.broadcast %parallel_loop3A_1237 : f32 to vector<16xf32>
      %parallel_loop3A_1240 = arith.select %parallel_loop3A_1235, %parallel_loop3A_1238, %parallel_loop3A_1239 : vector<16xi1>, vector<16xf32>
      %parallel_loop3A_1241 = arith.select %parallel_loop3A_1191, %parallel_loop3A_1240, %parallel_loop3A_1232 : vector<16xi1>, vector<16xf32>
      %parallel_loop3A_1242 = arith.index_cast %parallel_loop3A_1180 : i32 to index
      %parallel_loop3A_1243 = tpu.vector_load %arg20[%parallel_loop3A_1242] {strides = array<i32>} : memref<4096xf32, #tpu.memory_space<vmem>>, vector<16xf32>,
      tpu.vector_store %arg20[%parallel_loop3A_1242], %parallel_loop3A_1241 {strides = array<i32>} : memref<4096xf32, #tpu.memory_space<vmem>>, vector<16xf32>,
      %parallel_loop3A_1244 = arith.index_cast %parallel_loop3A_1180 : i32 to index
      %parallel_loop3A_1245 = tpu.vector_load %arg21[%parallel_loop3A_1244] {strides = array<i32>} : memref<4096xf32, #tpu.memory_space<vmem>>, vector<16xf32>,
      %parallel_loop3A_1246 = arith.constant 0.000000e+00 : f32
      %parallel_loop3A_1247 = vector.broadcast %parallel_loop3A_1246 : f32 to vector<16xf32>
      %parallel_loop3A_1248 = arith.cmpf ogt, %parallel_loop3A_1245, %parallel_loop3A_1247 : vector<16xf32>
      %parallel_loop3A_1249 = arith.constant 1.000000e+00 : f32
      %parallel_loop3A_1250 = arith.constant 0.000000e+00 : f32
      %parallel_loop3A_1251 = vector.broadcast %parallel_loop3A_1249 : f32 to vector<16xf32>
      %parallel_loop3A_1252 = vector.broadcast %parallel_loop3A_1250 : f32 to vector<16xf32>
      %parallel_loop3A_1253 = arith.select %parallel_loop3A_1248, %parallel_loop3A_1251, %parallel_loop3A_1252 : vector<16xi1>, vector<16xf32>
      %parallel_loop3A_1254 = arith.select %parallel_loop3A_1191, %parallel_loop3A_1253, %parallel_loop3A_1245 : vector<16xi1>, vector<16xf32>
      %parallel_loop3A_1255 = arith.index_cast %parallel_loop3A_1180 : i32 to index
      %parallel_loop3A_1256 = tpu.vector_load %arg21[%parallel_loop3A_1255] {strides = array<i32>} : memref<4096xf32, #tpu.memory_space<vmem>>, vector<16xf32>,
      tpu.vector_store %arg21[%parallel_loop3A_1255], %parallel_loop3A_1254 {strides = array<i32>} : memref<4096xf32, #tpu.memory_space<vmem>>, vector<16xf32>,
      %parallel_loop3A_1257 = arith.index_cast %parallel_loop3A_1180 : i32 to index
      %parallel_loop3A_1258 = tpu.vector_load %arg22[%parallel_loop3A_1257] {strides = array<i32>} : memref<4096xf32, #tpu.memory_space<vmem>>, vector<16xf32>,
      %parallel_loop3A_1259 = arith.constant 0.000000e+00 : f32
      %parallel_loop3A_1260 = vector.broadcast %parallel_loop3A_1259 : f32 to vector<16xf32>
      %parallel_loop3A_1261 = arith.cmpf ogt, %parallel_loop3A_1258, %parallel_loop3A_1260 : vector<16xf32>
      %parallel_loop3A_1262 = arith.constant 1.000000e+00 : f32
      %parallel_loop3A_1263 = arith.constant 0.000000e+00 : f32
      %parallel_loop3A_1264 = vector.broadcast %parallel_loop3A_1262 : f32 to vector<16xf32>
      %parallel_loop3A_1265 = vector.broadcast %parallel_loop3A_1263 : f32 to vector<16xf32>
      %parallel_loop3A_1266 = arith.select %parallel_loop3A_1261, %parallel_loop3A_1264, %parallel_loop3A_1265 : vector<16xi1>, vector<16xf32>
      %parallel_loop3A_1267 = arith.select %parallel_loop3A_1191, %parallel_loop3A_1266, %parallel_loop3A_1258 : vector<16xi1>, vector<16xf32>
      %parallel_loop3A_1268 = arith.index_cast %parallel_loop3A_1180 : i32 to index
      %parallel_loop3A_1269 = tpu.vector_load %arg22[%parallel_loop3A_1268] {strides = array<i32>} : memref<4096xf32, #tpu.memory_space<vmem>>, vector<16xf32>,
      tpu.vector_store %arg22[%parallel_loop3A_1268], %parallel_loop3A_1267 {strides = array<i32>} : memref<4096xf32, #tpu.memory_space<vmem>>, vector<16xf32>,
      %parallel_loop3A_1270 = arith.index_cast %parallel_loop3A_1180 : i32 to index
      %parallel_loop3A_1271 = tpu.vector_load %arg23[%parallel_loop3A_1270] {strides = array<i32>} : memref<4096xf32, #tpu.memory_space<vmem>>, vector<16xf32>,
      %parallel_loop3A_1272 = arith.constant 0.000000e+00 : f32
      %parallel_loop3A_1273 = vector.broadcast %parallel_loop3A_1272 : f32 to vector<16xf32>
      %parallel_loop3A_1274 = arith.cmpf ogt, %parallel_loop3A_1271, %parallel_loop3A_1273 : vector<16xf32>
      %parallel_loop3A_1275 = arith.constant 1.000000e+00 : f32
      %parallel_loop3A_1276 = arith.constant 0.000000e+00 : f32
      %parallel_loop3A_1277 = vector.broadcast %parallel_loop3A_1275 : f32 to vector<16xf32>
      %parallel_loop3A_1278 = vector.broadcast %parallel_loop3A_1276 : f32 to vector<16xf32>
      %parallel_loop3A_1279 = arith.select %parallel_loop3A_1274, %parallel_loop3A_1277, %parallel_loop3A_1278 : vector<16xi1>, vector<16xf32>
      %parallel_loop3A_1280 = arith.select %parallel_loop3A_1191, %parallel_loop3A_1279, %parallel_loop3A_1271 : vector<16xi1>, vector<16xf32>
      %parallel_loop3A_1281 = arith.index_cast %parallel_loop3A_1180 : i32 to index
      %parallel_loop3A_1282 = tpu.vector_load %arg23[%parallel_loop3A_1281] {strides = array<i32>} : memref<4096xf32, #tpu.memory_space<vmem>>, vector<16xf32>,
      tpu.vector_store %arg23[%parallel_loop3A_1281], %parallel_loop3A_1280 {strides = array<i32>} : memref<4096xf32, #tpu.memory_space<vmem>>, vector<16xf32>,
      %parallel_loop3A_1283 = arith.index_cast %parallel_loop3A_1180 : i32 to index
      %parallel_loop3A_1284 = tpu.vector_load %arg24[%parallel_loop3A_1283] {strides = array<i32>} : memref<4096xf32, #tpu.memory_space<vmem>>, vector<16xf32>,
      %parallel_loop3A_1285 = arith.constant 0.000000e+00 : f32
      %parallel_loop3A_1286 = vector.broadcast %parallel_loop3A_1285 : f32 to vector<16xf32>
      %parallel_loop3A_1287 = arith.cmpf ogt, %parallel_loop3A_1284, %parallel_loop3A_1286 : vector<16xf32>
      %parallel_loop3A_1288 = arith.constant 1.000000e+00 : f32
      %parallel_loop3A_1289 = arith.constant 0.000000e+00 : f32
      %parallel_loop3A_1290 = vector.broadcast %parallel_loop3A_1288 : f32 to vector<16xf32>
      %parallel_loop3A_1291 = vector.broadcast %parallel_loop3A_1289 : f32 to vector<16xf32>
      %parallel_loop3A_1292 = arith.select %parallel_loop3A_1287, %parallel_loop3A_1290, %parallel_loop3A_1291 : vector<16xi1>, vector<16xf32>
      %parallel_loop3A_1293 = arith.select %parallel_loop3A_1191, %parallel_loop3A_1292, %parallel_loop3A_1284 : vector<16xi1>, vector<16xf32>
      %parallel_loop3A_1294 = arith.index_cast %parallel_loop3A_1180 : i32 to index
      %parallel_loop3A_1295 = tpu.vector_load %arg24[%parallel_loop3A_1294] {strides = array<i32>} : memref<4096xf32, #tpu.memory_space<vmem>>, vector<16xf32>,
      tpu.vector_store %arg24[%parallel_loop3A_1294], %parallel_loop3A_1293 {strides = array<i32>} : memref<4096xf32, #tpu.memory_space<vmem>>, vector<16xf32>,
      %parallel_loop3A_1296 = arith.index_cast %parallel_loop3A_1180 : i32 to index
      %parallel_loop3A_1297 = tpu.vector_load %arg25[%parallel_loop3A_1296] {strides = array<i32>} : memref<4096xf32, #tpu.memory_space<vmem>>, vector<16xf32>,
      %parallel_loop3A_1298 = arith.constant 0.000000e+00 : f32
      %parallel_loop3A_1299 = vector.broadcast %parallel_loop3A_1298 : f32 to vector<16xf32>
      %parallel_loop3A_1300 = arith.cmpf ogt, %parallel_loop3A_1297, %parallel_loop3A_1299 : vector<16xf32>
      %parallel_loop3A_1301 = arith.constant 1.000000e+00 : f32
      %parallel_loop3A_1302 = arith.constant 0.000000e+00 : f32
      %parallel_loop3A_1303 = vector.broadcast %parallel_loop3A_1301 : f32 to vector<16xf32>
      %parallel_loop3A_1304 = vector.broadcast %parallel_loop3A_1302 : f32 to vector<16xf32>
      %parallel_loop3A_1305 = arith.select %parallel_loop3A_1300, %parallel_loop3A_1303, %parallel_loop3A_1304 : vector<16xi1>, vector<16xf32>
      %parallel_loop3A_1306 = arith.select %parallel_loop3A_1191, %parallel_loop3A_1305, %parallel_loop3A_1297 : vector<16xi1>, vector<16xf32>
      %parallel_loop3A_1307 = arith.index_cast %parallel_loop3A_1180 : i32 to index
      %parallel_loop3A_1308 = tpu.vector_load %arg25[%parallel_loop3A_1307] {strides = array<i32>} : memref<4096xf32, #tpu.memory_space<vmem>>, vector<16xf32>,
      tpu.vector_store %arg25[%parallel_loop3A_1307], %parallel_loop3A_1306 {strides = array<i32>} : memref<4096xf32, #tpu.memory_space<vmem>>, vector<16xf32>,
      %parallel_loop3A_1309 = arith.index_cast %parallel_loop3A_1180 : i32 to index
      %parallel_loop3A_1310 = tpu.vector_load %arg26[%parallel_loop3A_1309] {strides = array<i32>} : memref<4096xf32, #tpu.memory_space<vmem>>, vector<16xf32>,
      %parallel_loop3A_1311 = arith.constant 0.000000e+00 : f32
      %parallel_loop3A_1312 = vector.broadcast %parallel_loop3A_1311 : f32 to vector<16xf32>
      %parallel_loop3A_1313 = arith.cmpf ogt, %parallel_loop3A_1310, %parallel_loop3A_1312 : vector<16xf32>
      %parallel_loop3A_1314 = arith.constant 1.000000e+00 : f32
      %parallel_loop3A_1315 = arith.constant 0.000000e+00 : f32
      %parallel_loop3A_1316 = vector.broadcast %parallel_loop3A_1314 : f32 to vector<16xf32>
      %parallel_loop3A_1317 = vector.broadcast %parallel_loop3A_1315 : f32 to vector<16xf32>
      %parallel_loop3A_1318 = arith.select %parallel_loop3A_1313, %parallel_loop3A_1316, %parallel_loop3A_1317 : vector<16xi1>, vector<16xf32>
      %parallel_loop3A_1319 = arith.select %parallel_loop3A_1191, %parallel_loop3A_1318, %parallel_loop3A_1310 : vector<16xi1>, vector<16xf32>
      %parallel_loop3A_1320 = arith.index_cast %parallel_loop3A_1180 : i32 to index
      %parallel_loop3A_1321 = tpu.vector_load %arg26[%parallel_loop3A_1320] {strides = array<i32>} : memref<4096xf32, #tpu.memory_space<vmem>>, vector<16xf32>,
      tpu.vector_store %arg26[%parallel_loop3A_1320], %parallel_loop3A_1319 {strides = array<i32>} : memref<4096xf32, #tpu.memory_space<vmem>>, vector<16xf32>,
      %parallel_loop3A_1322 = arith.index_cast %parallel_loop3A_1180 : i32 to index
      %parallel_loop3A_1323 = tpu.vector_load %arg27[%parallel_loop3A_1322] {strides = array<i32>} : memref<4096xf32, #tpu.memory_space<vmem>>, vector<16xf32>,
      %parallel_loop3A_1324 = arith.constant 0.000000e+00 : f32
      %parallel_loop3A_1325 = vector.broadcast %parallel_loop3A_1324 : f32 to vector<16xf32>
      %parallel_loop3A_1326 = arith.cmpf ogt, %parallel_loop3A_1323, %parallel_loop3A_1325 : vector<16xf32>
      %parallel_loop3A_1327 = arith.constant 1.000000e+00 : f32
      %parallel_loop3A_1328 = arith.constant 0.000000e+00 : f32
      %parallel_loop3A_1329 = vector.broadcast %parallel_loop3A_1327 : f32 to vector<16xf32>
      %parallel_loop3A_1330 = vector.broadcast %parallel_loop3A_1328 : f32 to vector<16xf32>
      %parallel_loop3A_1331 = arith.select %parallel_loop3A_1326, %parallel_loop3A_1329, %parallel_loop3A_1330 : vector<16xi1>, vector<16xf32>
      %parallel_loop3A_1332 = arith.select %parallel_loop3A_1191, %parallel_loop3A_1331, %parallel_loop3A_1323 : vector<16xi1>, vector<16xf32>
      %parallel_loop3A_1333 = arith.index_cast %parallel_loop3A_1180 : i32 to index
      %parallel_loop3A_1334 = tpu.vector_load %arg27[%parallel_loop3A_1333] {strides = array<i32>} : memref<4096xf32, #tpu.memory_space<vmem>>, vector<16xf32>,
      tpu.vector_store %arg27[%parallel_loop3A_1333], %parallel_loop3A_1332 {strides = array<i32>} : memref<4096xf32, #tpu.memory_space<vmem>>, vector<16xf32>,
      %parallel_loop3A_1335 = arith.index_cast %parallel_loop3A_1180 : i32 to index
      %parallel_loop3A_1336 = tpu.vector_load %arg28[%parallel_loop3A_1335] {strides = array<i32>} : memref<4096xf32, #tpu.memory_space<vmem>>, vector<16xf32>,
      %parallel_loop3A_1337 = arith.constant 0.000000e+00 : f32
      %parallel_loop3A_1338 = vector.broadcast %parallel_loop3A_1337 : f32 to vector<16xf32>
      %parallel_loop3A_1339 = arith.cmpf ogt, %parallel_loop3A_1336, %parallel_loop3A_1338 : vector<16xf32>
      %parallel_loop3A_1340 = arith.constant 1.000000e+00 : f32
      %parallel_loop3A_1341 = arith.constant 0.000000e+00 : f32
      %parallel_loop3A_1342 = vector.broadcast %parallel_loop3A_1340 : f32 to vector<16xf32>
      %parallel_loop3A_1343 = vector.broadcast %parallel_loop3A_1341 : f32 to vector<16xf32>
      %parallel_loop3A_1344 = arith.select %parallel_loop3A_1339, %parallel_loop3A_1342, %parallel_loop3A_1343 : vector<16xi1>, vector<16xf32>
      %parallel_loop3A_1345 = arith.select %parallel_loop3A_1191, %parallel_loop3A_1344, %parallel_loop3A_1336 : vector<16xi1>, vector<16xf32>
      %parallel_loop3A_1346 = arith.index_cast %parallel_loop3A_1180 : i32 to index
      %parallel_loop3A_1347 = tpu.vector_load %arg28[%parallel_loop3A_1346] {strides = array<i32>} : memref<4096xf32, #tpu.memory_space<vmem>>, vector<16xf32>,
      tpu.vector_store %arg28[%parallel_loop3A_1346], %parallel_loop3A_1345 {strides = array<i32>} : memref<4096xf32, #tpu.memory_space<vmem>>, vector<16xf32>,
      %parallel_loop3A_1348 = arith.index_cast %parallel_loop3A_1180 : i32 to index
      %parallel_loop3A_1349 = tpu.vector_load %arg29[%parallel_loop3A_1348] {strides = array<i32>} : memref<4096xf32, #tpu.memory_space<vmem>>, vector<16xf32>,
      %parallel_loop3A_1350 = arith.constant 0.000000e+00 : f32
      %parallel_loop3A_1351 = vector.broadcast %parallel_loop3A_1350 : f32 to vector<16xf32>
      %parallel_loop3A_1352 = arith.cmpf ogt, %parallel_loop3A_1349, %parallel_loop3A_1351 : vector<16xf32>
      %parallel_loop3A_1353 = arith.constant 1.000000e+00 : f32
      %parallel_loop3A_1354 = arith.constant 0.000000e+00 : f32
      %parallel_loop3A_1355 = vector.broadcast %parallel_loop3A_1353 : f32 to vector<16xf32>
      %parallel_loop3A_1356 = vector.broadcast %parallel_loop3A_1354 : f32 to vector<16xf32>
      %parallel_loop3A_1357 = arith.select %parallel_loop3A_1352, %parallel_loop3A_1355, %parallel_loop3A_1356 : vector<16xi1>, vector<16xf32>
      %parallel_loop3A_1358 = arith.select %parallel_loop3A_1191, %parallel_loop3A_1357, %parallel_loop3A_1349 : vector<16xi1>, vector<16xf32>
      %parallel_loop3A_1359 = arith.index_cast %parallel_loop3A_1180 : i32 to index
      %parallel_loop3A_1360 = tpu.vector_load %arg29[%parallel_loop3A_1359] {strides = array<i32>} : memref<4096xf32, #tpu.memory_space<vmem>>, vector<16xf32>,
      tpu.vector_store %arg29[%parallel_loop3A_1359], %parallel_loop3A_1358 {strides = array<i32>} : memref<4096xf32, #tpu.memory_space<vmem>>, vector<16xf32>,
      %parallel_loop3A_1361 = arith.index_cast %parallel_loop3A_1180 : i32 to index
      %parallel_loop3A_1362 = tpu.vector_load %arg30[%parallel_loop3A_1361] {strides = array<i32>} : memref<4096xf32, #tpu.memory_space<vmem>>, vector<16xf32>,
      %parallel_loop3A_1363 = arith.constant 0.000000e+00 : f32
      %parallel_loop3A_1364 = vector.broadcast %parallel_loop3A_1363 : f32 to vector<16xf32>
      %parallel_loop3A_1365 = arith.cmpf ogt, %parallel_loop3A_1362, %parallel_loop3A_1364 : vector<16xf32>
      %parallel_loop3A_1366 = arith.constant 1.000000e+00 : f32
      %parallel_loop3A_1367 = arith.constant 0.000000e+00 : f32
      %parallel_loop3A_1368 = vector.broadcast %parallel_loop3A_1366 : f32 to vector<16xf32>
      %parallel_loop3A_1369 = vector.broadcast %parallel_loop3A_1367 : f32 to vector<16xf32>
      %parallel_loop3A_1370 = arith.select %parallel_loop3A_1365, %parallel_loop3A_1368, %parallel_loop3A_1369 : vector<16xi1>, vector<16xf32>
      %parallel_loop3A_1371 = arith.select %parallel_loop3A_1191, %parallel_loop3A_1370, %parallel_loop3A_1362 : vector<16xi1>, vector<16xf32>
      %parallel_loop3A_1372 = arith.index_cast %parallel_loop3A_1180 : i32 to index
      %parallel_loop3A_1373 = tpu.vector_load %arg30[%parallel_loop3A_1372] {strides = array<i32>} : memref<4096xf32, #tpu.memory_space<vmem>>, vector<16xf32>,
      tpu.vector_store %arg30[%parallel_loop3A_1372], %parallel_loop3A_1371 {strides = array<i32>} : memref<4096xf32, #tpu.memory_space<vmem>>, vector<16xf32>,
      %parallel_loop3A_1374 = arith.index_cast %parallel_loop3A_1180 : i32 to index
      %parallel_loop3A_1375 = tpu.vector_load %arg31[%parallel_loop3A_1374] {strides = array<i32>} : memref<4096xf32, #tpu.memory_space<vmem>>, vector<16xf32>,
      %parallel_loop3A_1376 = arith.constant 0.000000e+00 : f32
      %parallel_loop3A_1377 = vector.broadcast %parallel_loop3A_1376 : f32 to vector<16xf32>
      %parallel_loop3A_1378 = arith.cmpf ogt, %parallel_loop3A_1375, %parallel_loop3A_1377 : vector<16xf32>
      %parallel_loop3A_1379 = arith.constant 1.000000e+00 : f32
      %parallel_loop3A_1380 = arith.constant 0.000000e+00 : f32
      %parallel_loop3A_1381 = vector.broadcast %parallel_loop3A_1379 : f32 to vector<16xf32>
      %parallel_loop3A_1382 = vector.broadcast %parallel_loop3A_1380 : f32 to vector<16xf32>
      %parallel_loop3A_1383 = arith.select %parallel_loop3A_1378, %parallel_loop3A_1381, %parallel_loop3A_1382 : vector<16xi1>, vector<16xf32>
      %parallel_loop3A_1384 = arith.select %parallel_loop3A_1191, %parallel_loop3A_1383, %parallel_loop3A_1375 : vector<16xi1>, vector<16xf32>
      %parallel_loop3A_1385 = arith.index_cast %parallel_loop3A_1180 : i32 to index
      %parallel_loop3A_1386 = tpu.vector_load %arg31[%parallel_loop3A_1385] {strides = array<i32>} : memref<4096xf32, #tpu.memory_space<vmem>>, vector<16xf32>,
      tpu.vector_store %arg31[%parallel_loop3A_1385], %parallel_loop3A_1384 {strides = array<i32>} : memref<4096xf32, #tpu.memory_space<vmem>>, vector<16xf32>,
      %parallel_loop3A_1387 = arith.index_cast %parallel_loop3A_1180 : i32 to index
      %parallel_loop3A_1388 = tpu.vector_load %arg32[%parallel_loop3A_1387] {strides = array<i32>} : memref<4096xf32, #tpu.memory_space<vmem>>, vector<16xf32>,
      %parallel_loop3A_1389 = arith.constant 0.000000e+00 : f32
      %parallel_loop3A_1390 = vector.broadcast %parallel_loop3A_1389 : f32 to vector<16xf32>
      %parallel_loop3A_1391 = arith.cmpf ogt, %parallel_loop3A_1388, %parallel_loop3A_1390 : vector<16xf32>
      %parallel_loop3A_1392 = arith.constant 1.000000e+00 : f32
      %parallel_loop3A_1393 = arith.constant 0.000000e+00 : f32
      %parallel_loop3A_1394 = vector.broadcast %parallel_loop3A_1392 : f32 to vector<16xf32>
      %parallel_loop3A_1395 = vector.broadcast %parallel_loop3A_1393 : f32 to vector<16xf32>
      %parallel_loop3A_1396 = arith.select %parallel_loop3A_1391, %parallel_loop3A_1394, %parallel_loop3A_1395 : vector<16xi1>, vector<16xf32>
      %parallel_loop3A_1397 = arith.select %parallel_loop3A_1191, %parallel_loop3A_1396, %parallel_loop3A_1388 : vector<16xi1>, vector<16xf32>
      %parallel_loop3A_1398 = arith.index_cast %parallel_loop3A_1180 : i32 to index
      %parallel_loop3A_1399 = tpu.vector_load %arg32[%parallel_loop3A_1398] {strides = array<i32>} : memref<4096xf32, #tpu.memory_space<vmem>>, vector<16xf32>,
      tpu.vector_store %arg32[%parallel_loop3A_1398], %parallel_loop3A_1397 {strides = array<i32>} : memref<4096xf32, #tpu.memory_space<vmem>>, vector<16xf32>,
    } {sc.loop_unroll_factor = 1 : i64, sc.parallel_access}
    %add3A_1050 = arith.constant 0 : i32
    %add3A_1051 = arith.addi %mul3A_2, %add3A_1050 : i32
    %mul3A_1052 = arith.constant 4096 : i32
    %mul3A_1053 = arith.muli %add3A_1051, %mul3A_1052 : i32
    %dma_start3A_1054 = tpu.memref_slice %arg5[%mul3A_1053] : memref<2097152xf32, #tpu.memory_space<hbm>> -> memref<4096xf32, #tpu.memory_space<hbm>>
    %dma_start3A_1055 = tpu.memref_slice %arg5[%mul3A_1053] : memref<2097152xf32, #tpu.memory_space<hbm>> -> memref<4096xf32, #tpu.memory_space<hbm>>
    tpu.enqueue_dma source(%arg17 : memref<4096xf32, #tpu.memory_space<vmem>>) target(%dma_start3A_1055 : memref<4096xf32, #tpu.memory_space<hbm>>) target_semaphore(%arg13 : memref<!tpu.dma_semaphore, #tpu.memory_space<semaphore_mem>>)
    %add3A_1056 = arith.constant 1 : i32
    %add3A_1057 = arith.addi %mul3A_2, %add3A_1056 : i32
    %mul3A_1058 = arith.constant 4096 : i32
    %mul3A_1059 = arith.muli %add3A_1057, %mul3A_1058 : i32
    %dma_start3A_1060 = tpu.memref_slice %arg5[%mul3A_1059] : memref<2097152xf32, #tpu.memory_space<hbm>> -> memref<4096xf32, #tpu.memory_space<hbm>>
    %dma_start3A_1061 = tpu.memref_slice %arg5[%mul3A_1059] : memref<2097152xf32, #tpu.memory_space<hbm>> -> memref<4096xf32, #tpu.memory_space<hbm>>
    tpu.enqueue_dma source(%arg18 : memref<4096xf32, #tpu.memory_space<vmem>>) target(%dma_start3A_1061 : memref<4096xf32, #tpu.memory_space<hbm>>) target_semaphore(%arg13 : memref<!tpu.dma_semaphore, #tpu.memory_space<semaphore_mem>>)
    %add3A_1062 = arith.constant 2 : i32
    %add3A_1063 = arith.addi %mul3A_2, %add3A_1062 : i32
    %mul3A_1064 = arith.constant 4096 : i32
    %mul3A_1065 = arith.muli %add3A_1063, %mul3A_1064 : i32
    %dma_start3A_1066 = tpu.memref_slice %arg5[%mul3A_1065] : memref<2097152xf32, #tpu.memory_space<hbm>> -> memref<4096xf32, #tpu.memory_space<hbm>>
    %dma_start3A_1067 = tpu.memref_slice %arg5[%mul3A_1065] : memref<2097152xf32, #tpu.memory_space<hbm>> -> memref<4096xf32, #tpu.memory_space<hbm>>
    tpu.enqueue_dma source(%arg19 : memref<4096xf32, #tpu.memory_space<vmem>>) target(%dma_start3A_1067 : memref<4096xf32, #tpu.memory_space<hbm>>) target_semaphore(%arg13 : memref<!tpu.dma_semaphore, #tpu.memory_space<semaphore_mem>>)
    %add3A_1068 = arith.constant 3 : i32
    %add3A_1069 = arith.addi %mul3A_2, %add3A_1068 : i32
    %mul3A_1070 = arith.constant 4096 : i32
    %mul3A_1071 = arith.muli %add3A_1069, %mul3A_1070 : i32
    %dma_start3A_1072 = tpu.memref_slice %arg5[%mul3A_1071] : memref<2097152xf32, #tpu.memory_space<hbm>> -> memref<4096xf32, #tpu.memory_space<hbm>>
    %dma_start3A_1073 = tpu.memref_slice %arg5[%mul3A_1071] : memref<2097152xf32, #tpu.memory_space<hbm>> -> memref<4096xf32, #tpu.memory_space<hbm>>
    tpu.enqueue_dma source(%arg20 : memref<4096xf32, #tpu.memory_space<vmem>>) target(%dma_start3A_1073 : memref<4096xf32, #tpu.memory_space<hbm>>) target_semaphore(%arg13 : memref<!tpu.dma_semaphore, #tpu.memory_space<semaphore_mem>>)
    %add3A_1074 = arith.constant 4 : i32
    %add3A_1075 = arith.addi %mul3A_2, %add3A_1074 : i32
    %mul3A_1076 = arith.constant 4096 : i32
    %mul3A_1077 = arith.muli %add3A_1075, %mul3A_1076 : i32
    %dma_start3A_1078 = tpu.memref_slice %arg5[%mul3A_1077] : memref<2097152xf32, #tpu.memory_space<hbm>> -> memref<4096xf32, #tpu.memory_space<hbm>>
    %dma_start3A_1079 = tpu.memref_slice %arg5[%mul3A_1077] : memref<2097152xf32, #tpu.memory_space<hbm>> -> memref<4096xf32, #tpu.memory_space<hbm>>
    tpu.enqueue_dma source(%arg21 : memref<4096xf32, #tpu.memory_space<vmem>>) target(%dma_start3A_1079 : memref<4096xf32, #tpu.memory_space<hbm>>) target_semaphore(%arg13 : memref<!tpu.dma_semaphore, #tpu.memory_space<semaphore_mem>>)
    %add3A_1080 = arith.constant 5 : i32
    %add3A_1081 = arith.addi %mul3A_2, %add3A_1080 : i32
    %mul3A_1082 = arith.constant 4096 : i32
    %mul3A_1083 = arith.muli %add3A_1081, %mul3A_1082 : i32
    %dma_start3A_1084 = tpu.memref_slice %arg5[%mul3A_1083] : memref<2097152xf32, #tpu.memory_space<hbm>> -> memref<4096xf32, #tpu.memory_space<hbm>>
    %dma_start3A_1085 = tpu.memref_slice %arg5[%mul3A_1083] : memref<2097152xf32, #tpu.memory_space<hbm>> -> memref<4096xf32, #tpu.memory_space<hbm>>
    tpu.enqueue_dma source(%arg22 : memref<4096xf32, #tpu.memory_space<vmem>>) target(%dma_start3A_1085 : memref<4096xf32, #tpu.memory_space<hbm>>) target_semaphore(%arg13 : memref<!tpu.dma_semaphore, #tpu.memory_space<semaphore_mem>>)
    %add3A_1086 = arith.constant 6 : i32
    %add3A_1087 = arith.addi %mul3A_2, %add3A_1086 : i32
    %mul3A_1088 = arith.constant 4096 : i32
    %mul3A_1089 = arith.muli %add3A_1087, %mul3A_1088 : i32
    %dma_start3A_1090 = tpu.memref_slice %arg5[%mul3A_1089] : memref<2097152xf32, #tpu.memory_space<hbm>> -> memref<4096xf32, #tpu.memory_space<hbm>>
    %dma_start3A_1091 = tpu.memref_slice %arg5[%mul3A_1089] : memref<2097152xf32, #tpu.memory_space<hbm>> -> memref<4096xf32, #tpu.memory_space<hbm>>
    tpu.enqueue_dma source(%arg23 : memref<4096xf32, #tpu.memory_space<vmem>>) target(%dma_start3A_1091 : memref<4096xf32, #tpu.memory_space<hbm>>) target_semaphore(%arg13 : memref<!tpu.dma_semaphore, #tpu.memory_space<semaphore_mem>>)
    %add3A_1092 = arith.constant 7 : i32
    %add3A_1093 = arith.addi %mul3A_2, %add3A_1092 : i32
    %mul3A_1094 = arith.constant 4096 : i32
    %mul3A_1095 = arith.muli %add3A_1093, %mul3A_1094 : i32
    %dma_start3A_1096 = tpu.memref_slice %arg5[%mul3A_1095] : memref<2097152xf32, #tpu.memory_space<hbm>> -> memref<4096xf32, #tpu.memory_space<hbm>>
    %dma_start3A_1097 = tpu.memref_slice %arg5[%mul3A_1095] : memref<2097152xf32, #tpu.memory_space<hbm>> -> memref<4096xf32, #tpu.memory_space<hbm>>
    tpu.enqueue_dma source(%arg24 : memref<4096xf32, #tpu.memory_space<vmem>>) target(%dma_start3A_1097 : memref<4096xf32, #tpu.memory_space<hbm>>) target_semaphore(%arg13 : memref<!tpu.dma_semaphore, #tpu.memory_space<semaphore_mem>>)
    %add3A_1098 = arith.constant 8 : i32
    %add3A_1099 = arith.addi %mul3A_2, %add3A_1098 : i32
    %mul3A_1100 = arith.constant 4096 : i32
    %mul3A_1101 = arith.muli %add3A_1099, %mul3A_1100 : i32
    %dma_start3A_1102 = tpu.memref_slice %arg5[%mul3A_1101] : memref<2097152xf32, #tpu.memory_space<hbm>> -> memref<4096xf32, #tpu.memory_space<hbm>>
    %dma_start3A_1103 = tpu.memref_slice %arg5[%mul3A_1101] : memref<2097152xf32, #tpu.memory_space<hbm>> -> memref<4096xf32, #tpu.memory_space<hbm>>
    tpu.enqueue_dma source(%arg25 : memref<4096xf32, #tpu.memory_space<vmem>>) target(%dma_start3A_1103 : memref<4096xf32, #tpu.memory_space<hbm>>) target_semaphore(%arg13 : memref<!tpu.dma_semaphore, #tpu.memory_space<semaphore_mem>>)
    %add3A_1104 = arith.constant 9 : i32
    %add3A_1105 = arith.addi %mul3A_2, %add3A_1104 : i32
    %mul3A_1106 = arith.constant 4096 : i32
    %mul3A_1107 = arith.muli %add3A_1105, %mul3A_1106 : i32
    %dma_start3A_1108 = tpu.memref_slice %arg5[%mul3A_1107] : memref<2097152xf32, #tpu.memory_space<hbm>> -> memref<4096xf32, #tpu.memory_space<hbm>>
    %dma_start3A_1109 = tpu.memref_slice %arg5[%mul3A_1107] : memref<2097152xf32, #tpu.memory_space<hbm>> -> memref<4096xf32, #tpu.memory_space<hbm>>
    tpu.enqueue_dma source(%arg26 : memref<4096xf32, #tpu.memory_space<vmem>>) target(%dma_start3A_1109 : memref<4096xf32, #tpu.memory_space<hbm>>) target_semaphore(%arg13 : memref<!tpu.dma_semaphore, #tpu.memory_space<semaphore_mem>>)
    %add3A_1110 = arith.constant 10 : i32
    %add3A_1111 = arith.addi %mul3A_2, %add3A_1110 : i32
    %mul3A_1112 = arith.constant 4096 : i32
    %mul3A_1113 = arith.muli %add3A_1111, %mul3A_1112 : i32
    %dma_start3A_1114 = tpu.memref_slice %arg5[%mul3A_1113] : memref<2097152xf32, #tpu.memory_space<hbm>> -> memref<4096xf32, #tpu.memory_space<hbm>>
    %dma_start3A_1115 = tpu.memref_slice %arg5[%mul3A_1113] : memref<2097152xf32, #tpu.memory_space<hbm>> -> memref<4096xf32, #tpu.memory_space<hbm>>
    tpu.enqueue_dma source(%arg27 : memref<4096xf32, #tpu.memory_space<vmem>>) target(%dma_start3A_1115 : memref<4096xf32, #tpu.memory_space<hbm>>) target_semaphore(%arg13 : memref<!tpu.dma_semaphore, #tpu.memory_space<semaphore_mem>>)
    %add3A_1116 = arith.constant 11 : i32
    %add3A_1117 = arith.addi %mul3A_2, %add3A_1116 : i32
    %mul3A_1118 = arith.constant 4096 : i32
    %mul3A_1119 = arith.muli %add3A_1117, %mul3A_1118 : i32
    %dma_start3A_1120 = tpu.memref_slice %arg5[%mul3A_1119] : memref<2097152xf32, #tpu.memory_space<hbm>> -> memref<4096xf32, #tpu.memory_space<hbm>>
    %dma_start3A_1121 = tpu.memref_slice %arg5[%mul3A_1119] : memref<2097152xf32, #tpu.memory_space<hbm>> -> memref<4096xf32, #tpu.memory_space<hbm>>
    tpu.enqueue_dma source(%arg28 : memref<4096xf32, #tpu.memory_space<vmem>>) target(%dma_start3A_1121 : memref<4096xf32, #tpu.memory_space<hbm>>) target_semaphore(%arg13 : memref<!tpu.dma_semaphore, #tpu.memory_space<semaphore_mem>>)
    %add3A_1122 = arith.constant 12 : i32
    %add3A_1123 = arith.addi %mul3A_2, %add3A_1122 : i32
    %mul3A_1124 = arith.constant 4096 : i32
    %mul3A_1125 = arith.muli %add3A_1123, %mul3A_1124 : i32
    %dma_start3A_1126 = tpu.memref_slice %arg5[%mul3A_1125] : memref<2097152xf32, #tpu.memory_space<hbm>> -> memref<4096xf32, #tpu.memory_space<hbm>>
    %dma_start3A_1127 = tpu.memref_slice %arg5[%mul3A_1125] : memref<2097152xf32, #tpu.memory_space<hbm>> -> memref<4096xf32, #tpu.memory_space<hbm>>
    tpu.enqueue_dma source(%arg29 : memref<4096xf32, #tpu.memory_space<vmem>>) target(%dma_start3A_1127 : memref<4096xf32, #tpu.memory_space<hbm>>) target_semaphore(%arg13 : memref<!tpu.dma_semaphore, #tpu.memory_space<semaphore_mem>>)
    %add3A_1128 = arith.constant 13 : i32
    %add3A_1129 = arith.addi %mul3A_2, %add3A_1128 : i32
    %mul3A_1130 = arith.constant 4096 : i32
    %mul3A_1131 = arith.muli %add3A_1129, %mul3A_1130 : i32
    %dma_start3A_1132 = tpu.memref_slice %arg5[%mul3A_1131] : memref<2097152xf32, #tpu.memory_space<hbm>> -> memref<4096xf32, #tpu.memory_space<hbm>>
    %dma_start3A_1133 = tpu.memref_slice %arg5[%mul3A_1131] : memref<2097152xf32, #tpu.memory_space<hbm>> -> memref<4096xf32, #tpu.memory_space<hbm>>
    tpu.enqueue_dma source(%arg30 : memref<4096xf32, #tpu.memory_space<vmem>>) target(%dma_start3A_1133 : memref<4096xf32, #tpu.memory_space<hbm>>) target_semaphore(%arg13 : memref<!tpu.dma_semaphore, #tpu.memory_space<semaphore_mem>>)
    %add3A_1134 = arith.constant 14 : i32
    %add3A_1135 = arith.addi %mul3A_2, %add3A_1134 : i32
    %mul3A_1136 = arith.constant 4096 : i32
    %mul3A_1137 = arith.muli %add3A_1135, %mul3A_1136 : i32
    %dma_start3A_1138 = tpu.memref_slice %arg5[%mul3A_1137] : memref<2097152xf32, #tpu.memory_space<hbm>> -> memref<4096xf32, #tpu.memory_space<hbm>>
    %dma_start3A_1139 = tpu.memref_slice %arg5[%mul3A_1137] : memref<2097152xf32, #tpu.memory_space<hbm>> -> memref<4096xf32, #tpu.memory_space<hbm>>
    tpu.enqueue_dma source(%arg31 : memref<4096xf32, #tpu.memory_space<vmem>>) target(%dma_start3A_1139 : memref<4096xf32, #tpu.memory_space<hbm>>) target_semaphore(%arg13 : memref<!tpu.dma_semaphore, #tpu.memory_space<semaphore_mem>>)
    %add3A_1140 = arith.constant 15 : i32
    %add3A_1141 = arith.addi %mul3A_2, %add3A_1140 : i32
    %mul3A_1142 = arith.constant 4096 : i32
    %mul3A_1143 = arith.muli %add3A_1141, %mul3A_1142 : i32
    %dma_start3A_1144 = tpu.memref_slice %arg5[%mul3A_1143] : memref<2097152xf32, #tpu.memory_space<hbm>> -> memref<4096xf32, #tpu.memory_space<hbm>>
    %dma_start3A_1145 = tpu.memref_slice %arg5[%mul3A_1143] : memref<2097152xf32, #tpu.memory_space<hbm>> -> memref<4096xf32, #tpu.memory_space<hbm>>
    tpu.enqueue_dma source(%arg32 : memref<4096xf32, #tpu.memory_space<vmem>>) target(%dma_start3A_1145 : memref<4096xf32, #tpu.memory_space<hbm>>) target_semaphore(%arg13 : memref<!tpu.dma_semaphore, #tpu.memory_space<semaphore_mem>>)
    %dma_wait3A_1146 = tpu.memref_slice %arg5[%mul3A_1053] : memref<2097152xf32, #tpu.memory_space<hbm>> -> memref<4096xf32, #tpu.memory_space<hbm>>
    %dma_wait3A_1147 = tpu.memref_slice %arg5[%mul3A_1053] : memref<2097152xf32, #tpu.memory_space<hbm>> -> memref<4096xf32, #tpu.memory_space<hbm>>
    tpu.wait_dma2 semaphore(%arg13 : memref<!tpu.dma_semaphore, #tpu.memory_space<semaphore_mem>>) src(%arg17 : memref<4096xf32, #tpu.memory_space<vmem>>) dst(%dma_wait3A_1147 : memref<4096xf32, #tpu.memory_space<hbm>>)
    %dma_wait3A_1148 = tpu.memref_slice %arg5[%mul3A_1059] : memref<2097152xf32, #tpu.memory_space<hbm>> -> memref<4096xf32, #tpu.memory_space<hbm>>
    %dma_wait3A_1149 = tpu.memref_slice %arg5[%mul3A_1059] : memref<2097152xf32, #tpu.memory_space<hbm>> -> memref<4096xf32, #tpu.memory_space<hbm>>
    tpu.wait_dma2 semaphore(%arg13 : memref<!tpu.dma_semaphore, #tpu.memory_space<semaphore_mem>>) src(%arg18 : memref<4096xf32, #tpu.memory_space<vmem>>) dst(%dma_wait3A_1149 : memref<4096xf32, #tpu.memory_space<hbm>>)
    %dma_wait3A_1150 = tpu.memref_slice %arg5[%mul3A_1065] : memref<2097152xf32, #tpu.memory_space<hbm>> -> memref<4096xf32, #tpu.memory_space<hbm>>
    %dma_wait3A_1151 = tpu.memref_slice %arg5[%mul3A_1065] : memref<2097152xf32, #tpu.memory_space<hbm>> -> memref<4096xf32, #tpu.memory_space<hbm>>
    tpu.wait_dma2 semaphore(%arg13 : memref<!tpu.dma_semaphore, #tpu.memory_space<semaphore_mem>>) src(%arg19 : memref<4096xf32, #tpu.memory_space<vmem>>) dst(%dma_wait3A_1151 : memref<4096xf32, #tpu.memory_space<hbm>>)
    %dma_wait3A_1152 = tpu.memref_slice %arg5[%mul3A_1071] : memref<2097152xf32, #tpu.memory_space<hbm>> -> memref<4096xf32, #tpu.memory_space<hbm>>
    %dma_wait3A_1153 = tpu.memref_slice %arg5[%mul3A_1071] : memref<2097152xf32, #tpu.memory_space<hbm>> -> memref<4096xf32, #tpu.memory_space<hbm>>
    tpu.wait_dma2 semaphore(%arg13 : memref<!tpu.dma_semaphore, #tpu.memory_space<semaphore_mem>>) src(%arg20 : memref<4096xf32, #tpu.memory_space<vmem>>) dst(%dma_wait3A_1153 : memref<4096xf32, #tpu.memory_space<hbm>>)
    %dma_wait3A_1154 = tpu.memref_slice %arg5[%mul3A_1077] : memref<2097152xf32, #tpu.memory_space<hbm>> -> memref<4096xf32, #tpu.memory_space<hbm>>
    %dma_wait3A_1155 = tpu.memref_slice %arg5[%mul3A_1077] : memref<2097152xf32, #tpu.memory_space<hbm>> -> memref<4096xf32, #tpu.memory_space<hbm>>
    tpu.wait_dma2 semaphore(%arg13 : memref<!tpu.dma_semaphore, #tpu.memory_space<semaphore_mem>>) src(%arg21 : memref<4096xf32, #tpu.memory_space<vmem>>) dst(%dma_wait3A_1155 : memref<4096xf32, #tpu.memory_space<hbm>>)
    %dma_wait3A_1156 = tpu.memref_slice %arg5[%mul3A_1083] : memref<2097152xf32, #tpu.memory_space<hbm>> -> memref<4096xf32, #tpu.memory_space<hbm>>
    %dma_wait3A_1157 = tpu.memref_slice %arg5[%mul3A_1083] : memref<2097152xf32, #tpu.memory_space<hbm>> -> memref<4096xf32, #tpu.memory_space<hbm>>
    tpu.wait_dma2 semaphore(%arg13 : memref<!tpu.dma_semaphore, #tpu.memory_space<semaphore_mem>>) src(%arg22 : memref<4096xf32, #tpu.memory_space<vmem>>) dst(%dma_wait3A_1157 : memref<4096xf32, #tpu.memory_space<hbm>>)
    %dma_wait3A_1158 = tpu.memref_slice %arg5[%mul3A_1089] : memref<2097152xf32, #tpu.memory_space<hbm>> -> memref<4096xf32, #tpu.memory_space<hbm>>
    %dma_wait3A_1159 = tpu.memref_slice %arg5[%mul3A_1089] : memref<2097152xf32, #tpu.memory_space<hbm>> -> memref<4096xf32, #tpu.memory_space<hbm>>
    tpu.wait_dma2 semaphore(%arg13 : memref<!tpu.dma_semaphore, #tpu.memory_space<semaphore_mem>>) src(%arg23 : memref<4096xf32, #tpu.memory_space<vmem>>) dst(%dma_wait3A_1159 : memref<4096xf32, #tpu.memory_space<hbm>>)
    %dma_wait3A_1160 = tpu.memref_slice %arg5[%mul3A_1095] : memref<2097152xf32, #tpu.memory_space<hbm>> -> memref<4096xf32, #tpu.memory_space<hbm>>
    %dma_wait3A_1161 = tpu.memref_slice %arg5[%mul3A_1095] : memref<2097152xf32, #tpu.memory_space<hbm>> -> memref<4096xf32, #tpu.memory_space<hbm>>
    tpu.wait_dma2 semaphore(%arg13 : memref<!tpu.dma_semaphore, #tpu.memory_space<semaphore_mem>>) src(%arg24 : memref<4096xf32, #tpu.memory_space<vmem>>) dst(%dma_wait3A_1161 : memref<4096xf32, #tpu.memory_space<hbm>>)
    %dma_wait3A_1162 = tpu.memref_slice %arg5[%mul3A_1101] : memref<2097152xf32, #tpu.memory_space<hbm>> -> memref<4096xf32, #tpu.memory_space<hbm>>
    %dma_wait3A_1163 = tpu.memref_slice %arg5[%mul3A_1101] : memref<2097152xf32, #tpu.memory_space<hbm>> -> memref<4096xf32, #tpu.memory_space<hbm>>
    tpu.wait_dma2 semaphore(%arg13 : memref<!tpu.dma_semaphore, #tpu.memory_space<semaphore_mem>>) src(%arg25 : memref<4096xf32, #tpu.memory_space<vmem>>) dst(%dma_wait3A_1163 : memref<4096xf32, #tpu.memory_space<hbm>>)
    %dma_wait3A_1164 = tpu.memref_slice %arg5[%mul3A_1107] : memref<2097152xf32, #tpu.memory_space<hbm>> -> memref<4096xf32, #tpu.memory_space<hbm>>
    %dma_wait3A_1165 = tpu.memref_slice %arg5[%mul3A_1107] : memref<2097152xf32, #tpu.memory_space<hbm>> -> memref<4096xf32, #tpu.memory_space<hbm>>
    tpu.wait_dma2 semaphore(%arg13 : memref<!tpu.dma_semaphore, #tpu.memory_space<semaphore_mem>>) src(%arg26 : memref<4096xf32, #tpu.memory_space<vmem>>) dst(%dma_wait3A_1165 : memref<4096xf32, #tpu.memory_space<hbm>>)
    %dma_wait3A_1166 = tpu.memref_slice %arg5[%mul3A_1113] : memref<2097152xf32, #tpu.memory_space<hbm>> -> memref<4096xf32, #tpu.memory_space<hbm>>
    %dma_wait3A_1167 = tpu.memref_slice %arg5[%mul3A_1113] : memref<2097152xf32, #tpu.memory_space<hbm>> -> memref<4096xf32, #tpu.memory_space<hbm>>
    tpu.wait_dma2 semaphore(%arg13 : memref<!tpu.dma_semaphore, #tpu.memory_space<semaphore_mem>>) src(%arg27 : memref<4096xf32, #tpu.memory_space<vmem>>) dst(%dma_wait3A_1167 : memref<4096xf32, #tpu.memory_space<hbm>>)
    %dma_wait3A_1168 = tpu.memref_slice %arg5[%mul3A_1119] : memref<2097152xf32, #tpu.memory_space<hbm>> -> memref<4096xf32, #tpu.memory_space<hbm>>
    %dma_wait3A_1169 = tpu.memref_slice %arg5[%mul3A_1119] : memref<2097152xf32, #tpu.memory_space<hbm>> -> memref<4096xf32, #tpu.memory_space<hbm>>
    tpu.wait_dma2 semaphore(%arg13 : memref<!tpu.dma_semaphore, #tpu.memory_space<semaphore_mem>>) src(%arg28 : memref<4096xf32, #tpu.memory_space<vmem>>) dst(%dma_wait3A_1169 : memref<4096xf32, #tpu.memory_space<hbm>>)
    %dma_wait3A_1170 = tpu.memref_slice %arg5[%mul3A_1125] : memref<2097152xf32, #tpu.memory_space<hbm>> -> memref<4096xf32, #tpu.memory_space<hbm>>
    %dma_wait3A_1171 = tpu.memref_slice %arg5[%mul3A_1125] : memref<2097152xf32, #tpu.memory_space<hbm>> -> memref<4096xf32, #tpu.memory_space<hbm>>
    tpu.wait_dma2 semaphore(%arg13 : memref<!tpu.dma_semaphore, #tpu.memory_space<semaphore_mem>>) src(%arg29 : memref<4096xf32, #tpu.memory_space<vmem>>) dst(%dma_wait3A_1171 : memref<4096xf32, #tpu.memory_space<hbm>>)
    %dma_wait3A_1172 = tpu.memref_slice %arg5[%mul3A_1131] : memref<2097152xf32, #tpu.memory_space<hbm>> -> memref<4096xf32, #tpu.memory_space<hbm>>
    %dma_wait3A_1173 = tpu.memref_slice %arg5[%mul3A_1131] : memref<2097152xf32, #tpu.memory_space<hbm>> -> memref<4096xf32, #tpu.memory_space<hbm>>
    tpu.wait_dma2 semaphore(%arg13 : memref<!tpu.dma_semaphore, #tpu.memory_space<semaphore_mem>>) src(%arg30 : memref<4096xf32, #tpu.memory_space<vmem>>) dst(%dma_wait3A_1173 : memref<4096xf32, #tpu.memory_space<hbm>>)
    %dma_wait3A_1174 = tpu.memref_slice %arg5[%mul3A_1137] : memref<2097152xf32, #tpu.memory_space<hbm>> -> memref<4096xf32, #tpu.memory_space<hbm>>
    %dma_wait3A_1175 = tpu.memref_slice %arg5[%mul3A_1137] : memref<2097152xf32, #tpu.memory_space<hbm>> -> memref<4096xf32, #tpu.memory_space<hbm>>
    tpu.wait_dma2 semaphore(%arg13 : memref<!tpu.dma_semaphore, #tpu.memory_space<semaphore_mem>>) src(%arg31 : memref<4096xf32, #tpu.memory_space<vmem>>) dst(%dma_wait3A_1175 : memref<4096xf32, #tpu.memory_space<hbm>>)
    %dma_wait3A_1176 = tpu.memref_slice %arg5[%mul3A_1143] : memref<2097152xf32, #tpu.memory_space<hbm>> -> memref<4096xf32, #tpu.memory_space<hbm>>
    %dma_wait3A_1177 = tpu.memref_slice %arg5[%mul3A_1143] : memref<2097152xf32, #tpu.memory_space<hbm>> -> memref<4096xf32, #tpu.memory_space<hbm>>
    tpu.wait_dma2 semaphore(%arg13 : memref<!tpu.dma_semaphore, #tpu.memory_space<semaphore_mem>>) src(%arg32 : memref<4096xf32, #tpu.memory_space<vmem>>) dst(%dma_wait3A_1177 : memref<4096xf32, #tpu.memory_space<hbm>>)
    return
  }
}

</mosaic_0001>

<sc_bundles>
// kernel: _sc_call.3.cloned.1.call-start
scs
__scs_entry_jumppad:
0x0: {  	(pc) =	sbr.rel $0x88, $3  }
0x1: {  	(tag) =	ssettag $0x0;
	lr =	simm.s32 $0x1  }
0x2: {  	[smem:$0x3F9E] =	sst lr;
	_ =	strace $0xD0000000  }
0x3: {  	_ = 	snop  }
0x4: {  	_ = 	snop  }
0x5: {  	_ = 	snop  }
0x6: {  	_ = 	snop  }
0x7: {  	_ = 	snop  }
__scs_overlays_trampoline_lowered:
0x8: {  	[smem:$0x3FAD] =	sst s0  }
0x9: {  	[smem:$0x3FAE] =	sst s1  }
0xa: {  	[smem:$0x3FAF] =	sst s2  }
0xb: {  	[smem:$0x3FB0] =	sst s3  }
0xc: {  	[smem:$0x3FB1] =	sst s4  }
0xd: {  	[smem:$0x3FB2] =	sst s5  }
0xe: {  	[smem:$0x3FB3] =	sst s6  }
0xf: {  	[smem:$0x3FB4] =	sst s7  }
0x10: {  	[smem:$0x3FB5] =	sst s8  }
0x11: {  	[smem:$0x3FB6] =	sst s9;
	s0 =	simm.s32 @!p0 $0x0  }
0x12: {  	s1 =	sld [smem:$0x3F9C];
	s0 =	simm.s32 @p0 $0x1  }
0x13: {  	[smem:$0x3FB7] =	sst s0;
	s0 =	simm.s32 @!p1 $0x0  }
0x14: {  	s2 =	sld [smem:$0x3F9B];
	s0 =	simm.s32 @p1 $0x1  }
0x15: {  	[smem:$0x3FB8] =	sst s0;
	s0 =	simm.s32 @!p2 $0x0  }
0x16: {  	s3 =	sld [smem:$0x3FDB];
	s0 =	simm.s32 @p2 $0x1  }
0x17: {  	s4 =	simm.s32 $0x1BF5;
	[smem:$0x3FBA] =	sst s0  }
0x18: {  	s0 =	sld [smem:$0x3F9D];
	_ =	swait.ge [sflag:s4], $0x0  }
0x19: {  	s7 =	sld [smem:$0x3F9E]  }
0x1a: {  	s8 =	sadd.s32 $0xFFFFE003, lr  }
0x1b: {  	s9 =	sadd.s32 $0xFFFFFEF7, lr;
	s5 =	simm.s32 $0xFFFFFFFF;
	p2 =	slt.u32 s8, $0xFFFFF086  }
0x1c: {  	p1 =	slt.u32 s9, $0xF7A;
	s5 =	simm.s32 @!p2 $0x0  }
0x1d: {  	s5 =	simm.s32 @p1 $0x1;
	p0 =	seq.s32 s7, s2  }
0x1e: {  	s7 =	smul.u32 @!p0 $0xF7A, s2;
	p2 =	seq.s32 @!p0 s5, $0x0  }
0x1f: {  	s9 =	smul.u32 $0xF7A, s1;
	s8 =	simm.s32 @!p0 $0x1BF5;
	p2 =	por !p2, p0  }
0x20: {  	[sflag:s8] =	ssyncset.s32 @!p0 $0xFFFFF086;
	s6 =	sadd.s32 @!p0 s3, s7;
	s7 =	simm.s32 @!p0 $0x108  }
0x21: {  	s3 =	sadd.s32 s3, s9;
	s6 =	sadd.s32 @!p0 $0x88, s6;
	s7 =	simm.s32 @p2 $0x1082  }
0x22: {  	[simem:s7], [sflag:s8] =	dma.local @!p0 [hbm:s6], $0xF7A  }
0x23: {  	s9 =	sor.u32 $0xD0000000, s2;
	s6 =	simm.s32 $0x108;
	_ =	swait.ge @!p0 [sflag:s8], $0x0  }
0x24: {  	s3 =	sadd.s32 $0x88, s3;
	s6 =	simm.s32 @!p1 $0x1082;
	[sflag:s4] =	ssyncset.s32 $0xFFFFF086  }
0x25: {  	[simem:s6], [sflag:s4] =	dma.local [hbm:s3], $0xF7A  }
0x26: {  	[smem:$0x3F9E] =	sst s1;
	(tag) =	ssettag s2;
	_ =	strace s9  }
0x27: {  	s1 =	sld [smem:$0x3FAE]  }
0x28: {  	s2 =	sld [smem:$0x3FAF]  }
0x29: {  	s4 =	sld [smem:$0x3FB1]  }
0x2a: {  	p0 =	seq.s32 s5, $0x0;
	s5 =	sld [smem:$0x3FB2]  }
0x2b: {  	s6 =	sld [smem:$0x3FB3]  }
0x2c: {  	s7 =	sld [smem:$0x3FB4]  }
0x2d: {  	s3 =	simm.s32 $0x108;
	s8 =	sld [smem:$0x3FB5]  }
0x2e: {  	s3 =	simm.s32 @!p0 $0x1082;
	s9 =	sld [smem:$0x3FB6]  }
0x2f: {  	lr =	sadd.s32 s0, s3;
	s0 =	sld [smem:$0x3FAD]  }
0x30: {  	s3 =	sld [smem:$0x3FB0]  }
0x31: {  	[smem:$0x3FB9] =	sst s10  }
0x32: {  	s10 =	sld [smem:$0x3FB7];
	_ =	sdelay $0x3  }
0x33: {  	p0 =	seq.s32 s10, $0x1;
	s10 =	sld [smem:$0x3FB9];
	_ =	sdelay $0x3  }
0x34: {  	[smem:$0x3FB9] =	sst s10  }
0x35: {  	s10 =	sld [smem:$0x3FB8];
	_ =	sdelay $0x3  }
0x36: {  	p1 =	seq.s32 s10, $0x1;
	s10 =	sld [smem:$0x3FB9];
	_ =	sdelay $0x3  }
0x37: {  	[smem:$0x3FB9] =	sst s10  }
0x38: {  	s10 =	sld [smem:$0x3FBA]  }
0x39: {  	_ = 	snop;
	(pc) =	sbr.ind lr, $3  }
0x3a: {  	_ = 	snop  }
0x3b: {  	_ = 	snop  }
0x3c: {  	p2 =	seq.s32 s10, $0x1;
	s10 =	sld [smem:$0x3FB9]  }
0x3d: {  	_ =	shalt  }
0x3e: {  	_ =	shalt  }
0x3f: {  	_ =	shalt  }
0x40: {  	_ =	shalt  }
0x41: {  	_ =	shalt  }
0x42: {  	_ =	shalt  }
0x43: {  	_ =	shalt  }
0x44: {  	_ =	shalt  }
0x45: {  	_ =	shalt  }
0x46: {  	_ =	shalt  }
0x47: {  	_ =	shalt  }
0x48: {  	_ =	shalt  }
0x49: {  	_ =	shalt  }
0x4a: {  	_ =	shalt  }
0x4b: {  	_ =	shalt  }
0x4c: {  	_ =	shalt  }
0x4d: {  	_ =	shalt  }
0x4e: {  	_ =	shalt  }
0x4f: {  	_ =	shalt  }
0x50: {  	_ =	shalt  }
0x51: {  	_ =	shalt  }
0x52: {  	_ =	shalt  }
0x53: {  	_ =	shalt  }
0x54: {  	_ =	shalt  }
0x55: {  	_ =	shalt  }
0x56: {  	_ =	shalt  }
0x57: {  	_ =	shalt  }
0x58: {  	_ =	shalt  }
0x59: {  	_ =	shalt  }
0x5a: {  	_ =	shalt  }
0x5b: {  	_ =	shalt  }
0x5c: {  	_ =	shalt  }
0x5d: {  	_ =	shalt  }
0x5e: {  	_ =	shalt  }
0x5f: {  	_ =	shalt  }
0x60: {  	_ =	shalt  }
0x61: {  	_ =	shalt  }
0x62: {  	_ =	shalt  }
0x63: {  	_ =	shalt  }
0x64: {  	_ =	shalt  }
0x65: {  	_ =	shalt  }
0x66: {  	_ =	shalt  }
0x67: {  	_ =	shalt  }
0x68: {  	_ =	shalt  }
0x69: {  	_ =	shalt  }
0x6a: {  	_ =	shalt  }
0x6b: {  	_ =	shalt  }
0x6c: {  	_ =	shalt  }
0x6d: {  	_ =	shalt  }
0x6e: {  	_ =	shalt  }
0x6f: {  	_ =	shalt  }
0x70: {  	_ =	shalt  }
0x71: {  	_ =	shalt  }
0x72: {  	_ =	shalt  }
0x73: {  	_ =	shalt  }
0x74: {  	_ =	shalt  }
0x75: {  	_ =	shalt  }
0x76: {  	_ =	shalt  }
0x77: {  	_ =	shalt  }
0x78: {  	_ =	shalt  }
0x79: {  	_ =	shalt  }
0x7a: {  	_ =	shalt  }
0x7b: {  	_ =	shalt  }
0x7c: {  	_ =	shalt  }
0x7d: {  	_ =	shalt  }
0x7e: {  	_ =	shalt  }
0x7f: {  	_ =	shalt  }
0x80: {  	_ =	shalt  }
0x81: {  	_ =	shalt  }
0x82: {  	_ =	shalt  }
0x83: {  	_ =	shalt  }
0x84: {  	_ =	shalt  }
0x85: {  	_ =	shalt  }
0x86: {  	_ =	shalt  }
0x87: {  	_ =	shalt  }
.Lfunc_end0:
.L_simem_size_0:
called_computation_lowered:
.L_overlay_start_0:
0x88: {  	s2 =	sld [smem:$0x3FD9]  }
0x89: {  	s3 =	sld [smem:$0x3FFE];
	_ =	sdelay $0x1  }
0x8a: {  	s1 =	srdreg.scid  }
0x8b: {  	s0 =	sand.u32 $0x1, s1  }
0x8c: {  	s18 =	sshll.u32 s0, $0xA;
	s2 =	sadd.s32 s3, s2  }
0x8d: {  	s2 =	sadd.s32 s2, s18  }
0x8e: {  	[smem:$0x3FC5] =	sst s2  }
0x8f: {  	_ = 	snop  }
0x90: {  	s2 =	sld [smem:$0x3FC9]  }
0x91: {  	s19 =	sld [smem:$0x3FC8]  }
0x92: {  	s4 =	sld [smem:$0x3FC7]  }
0x93: {  	s5 =	sld [smem:$0x3FD0];
	(tm) =	ssettm $0x1  }
0x94: {  	s6 =	sld [smem:$0x3FFB];
	_ =	sdelay $0x3  }
0x95: {  	_ =	strace s6  }
0x96: {  	s6 =	sld [smem:$0x3FFC];
	_ =	sdelay $0x3  }
0x97: {  	_ =	strace s6  }
0x98: {  	s6 =	sld [smem:$0x3FFD];
	_ =	sdelay $0x3  }
0x99: {  	_ =	strace s6  }
0x9a: {  	_ =	strace $0x8FFFFFFF  }
0x9b: {  	s20 =	sld [smem:$0x3FDB];
	_ =	sdelay $0x1  }
0x9c: {  	s7 =	simm.s32 $_scs_section_size  }
0x9d: {  	s8 =	simm.s32 $_size__tile_overlayer_lowered;
	s9 =	simm.s32 $_tile_overlayer_lowered  }
0x9e: {  	s23 =	simm.s32 $0x1BFF;
	s22 =	sshll.u32 s9, $0x1;
	s6 =	sadd.s32 s7, s20  }
0x9f: {  	s10 =	simm.s32 $0x0;
	s21 =	sshll.u32 s8, $0x1;
	s8 =	sadd.s32 s22, s6  }
0xa0: {  	[timem:s10], [sflag:s23] =	dma.local [hbm:s8], s21  }
0xa1: {  	_ =	swait.ge [sflag:s23], s21  }
0xa2: {  	s7 =	ssub.s32 $0x0, s21;
	[sflag:s23] =	ssyncset.done $0x0  }
0xa3: {  	[sflag:s23] =	ssyncadd.s32 s7;
	_ =	sdelay $0x1  }
0xa4: {  	s24 =	simm.s32 $0x1B8B  }
0xa5: {  	_ =	swait.ge [sflag:s24], $0x1  }
0xa6: {  	[sflag:s24] =	ssyncset.done $0x0  }
0xa7: {  	s25 =	simm.s32 $0x1B8E;
	[sflag:s24] =	ssyncadd.s32 $0xFFFFFFFF  }
0xa8: {  	s26 =	simm.s32 $execute0_lowered;
	[smem:$0x3FD2] =	sst s25  }
0xa9: {  	s7 =	sshll.u32 s26, $0x1;
	_ =	strace $0x80000046;
	[dreg:$0x1] =	wrdreg $0xFFFFFFFF  }
0xaa: {  	s28 =	simm.s32 $_size_execute0_lowered;
	s6 =	sadd.s32 s6, s7;
	[dreg:$0x0] =	wrdreg $0x0  }
0xab: {  	s7 =	sshll.u32 s28, $0x1;
	[dreg:$0x2] =	wrdreg s6  }
0xac: {  	[dreg:$0x3] =	wrdreg s7  }
0xad: {  	[dreg:$0x4] =	wrdreg $0xC0  }
0xae: {  	_ =	task [dreg:s10], $0x5FFFF  }
0xaf: {  	[dreg:$0x1] =	wrdreg $0xFFFFFFFF  }
0xb0: {  	[dreg:$0x0] =	wrdreg $0x60  }
0xb1: {  	[dreg:$0x2] =	wrdreg s2  }
0xb2: {  	[dreg:$0x3] =	wrdreg s19  }
0xb3: {  	[dreg:$0x4] =	wrdreg s4  }
0xb4: {  	[dreg:$0x5] =	wrdreg s5  }
0xb5: {  	[dreg:$0x6] =	wrdreg $0xB0000  }
0xb6: {  	[dreg:$0x7] =	wrdreg $0xC0000  }
0xb7: {  	[dreg:$0x8] =	wrdreg $0x9  }
0xb8: {  	_ =	task.clear_ibuf [dreg:s10], $0x9FFFF;
	_ =	strace $0x90000046  }
0xb9: {  	s29 =	simm.s32 $0x9;
	_ =	strace $0x80000048  }
0xba: {  	_ =	swait.ge [sflag:s29], $0x1  }
0xbb: {  	[sflag:s29] =	ssyncadd.s32 $0xFFFFFFFF  }
0xbc: {  	_ =	strace $0x90000048  }
0xbd: {  	_ =	sfence  }
0xbe: {  	s30 =	sld [smem:$0x0];
	_ =	sdelay $0x2  }
0xbf: {  	s31 =	sshll.u32 s1, $0xD;
	s1 =	sshrl.u32 s1, $0x2  }
0xc0: {  	s3 =	sand.u32 $0x4000, s31;
	s1 =	sadd.s32 s1, s30  }
0xc1: {  	s0 =	sor.u32 s3, s0;
	s1 =	sshll.u32 s1, $0x11  }
0xc2: {  	s0 =	sor.u32 s1, s0  }
0xc3: {  	s0 =	sadd.s32 $0x8F2B, s0  }
0xc4: {  	[sflag:s0] =	ssyncadd.remote.s32 $0x1  }
0xc5: {  	_ =	sfence.sel $0xFFFF  }
0xc6: {  	[dreg:$0x0] =	wrdreg $0xFFFFFFFF;
	(pc) =	sbr.abs _section_cstart, $3  }
0xc7: {  	[dreg:$0x1] =	wrdreg $0xFFFFFFFF  }
0xc8: {  	_ =	task.clear_ibuf [dreg:s10], $0x2FFFF;
	_ =	strace $0x9FFFFFFF  }
0xc9: {  	(tm) =	ssettm $0x7FFFFFFF  }
tec
execute0_lowered:
.L_overlay_start_1:
0x0: {  	(tag) =	ssettag $0x1  }
0x1: {  	s7 =	rddreg [dreg:$0x0]  }
0x2: {  	s0 =	rddreg [dreg:$0x1]  }
0x3: {  	s1 =	rddreg [dreg:$0x2]  }
0x4: {  	s2 =	rddreg [dreg:$0x3];
	s3 =	srdreg.scid  }
0x5: {  	s8 =	simm.s32 $0x0;
	s6 =	stileid.u32;
	s3 =	sand.u32 $0x1, s3  }
0x6: {  	s24 =	sshll.u32 s6, $0x1;
	s25 =	sshll.u32 s6, $0xC;
	s6 =	sshll.u32 s6, $0x9  }
0x7: {  	[smem:$0x7FF] =	sst s8;
	s4 =	ssub.s32 $0x2, s3;
	s0 =	sadd.s32 s0, s6  }
0x8: {  	_ =	strace $0x80000047;
	s26 =	sadd.s32 s1, s6;
	[smem:$0x7E5] =	sst s0  }
0x9: {  	s3 =	sor.u32 s3, s24;
	s24 =	sor.u32 $0x10, s25;
	[smem:$0x7E6] =	sst s26  }
0xa: {  	s28 =	sshll.u32 s3, $0x11;
	s31 =	sshll.u32 s3, $0x14;
	[smem:$0x7F7] =	sst s24  }
0xb: {  	s9 =	sadd.s32 s7, s28;
	[smem:$0x7EA] =	sst s31  }
0xc: {  	s12 =	sor.u32 $0x8000, s31;
	[smem:$0x7E7] =	sst s9  }
0xd: {  	s10 =	sshll.u32 s3, $0xD;
	s1 =	sor.u32 $0xA000, s31;
	[smem:$0x7E9] =	sst s12  }
0xe: {  	s0 =	sadd.s32 s2, s10;
	[smem:$0x7EB] =	sst s1  }
0xf: {  	s11 =	sadd.s32 $0x400, s9;
	[smem:$0x7FC] =	sst s0  }
0x10: {  	s13 =	sadd.s32 $0x200, s0;
	[smem:$0x7E8] =	sst s11  }
0x11: {  	s14 =	sadd.s32 $0x400, s0;
	[smem:$0x7EC] =	sst s13  }
0x12: {  	s15 =	sadd.s32 $0x600, s0;
	[smem:$0x7ED] =	sst s14  }
0x13: {  	s16 =	sadd.s32 $0x800, s0;
	[smem:$0x7EE] =	sst s15  }
0x14: {  	s17 =	sadd.s32 $0xA00, s0;
	[smem:$0x7EF] =	sst s16  }
0x15: {  	s18 =	sadd.s32 $0xC00, s0;
	[smem:$0x7F0] =	sst s17  }
0x16: {  	s19 =	sadd.s32 $0xE00, s0;
	[smem:$0x7F1] =	sst s18  }
0x17: {  	s30 =	simm.s32 $0x11000;
	s20 =	sadd.s32 $0x1000, s0;
	[smem:$0x7F2] =	sst s19  }
0x18: {  	s5 =	sshrl.u32 s4, $0x1;
	s21 =	sadd.s32 $0x1200, s0;
	[smem:$0x7F3] =	sst s20  }
0x19: {  	s4 =	ssub.s32 s4, s5;
	s22 =	sadd.s32 $0x1400, s0;
	[smem:$0x7F4] =	sst s21  }
0x1a: {  	s29 =	simm.s32 $0x13000;
	s23 =	smax.u32 s4, $0x1;
	[smem:$0x7F5] =	sst s22  }
0x1b: {  	s6 =	simm.s32 $0x1;
	s25 =	sadd.s32 $0x1600, s0;
	[smem:$0x7F6] =	sst s23  }
0x1c: {  	s24 =	simm.s32 $0xD000;
	s26 =	sadd.s32 $0x1800, s0;
	[smem:$0x7F8] =	sst s25  }
0x1d: {  	s10 =	simm.s32 $0xF000;
	s28 =	sadd.s32 $0x1A00, s0;
	[smem:$0x7F9] =	sst s26  }
0x1e: {  	s31 =	sadd.s32 $0x1C00, s0;
	s0 =	sadd.s32 $0x1E00, s0;
	[smem:$0x7FA] =	sst s28  }
0x1f: {  	s12 =	simm.s32 $0x10000;
	s1 =	simm.s32 $0x0;
	[smem:$0x7FB] =	sst s31  }
0x20: {  	[smem:$0x7FD] =	sst s0;
	s25 =	simm.s32 $0xE000;
	s13 =	simm.s32 $0x12000  }
0x21: {  	s14 =	simm.s32 $0x14000;
	s22 =	simm.s32 $0x15000;
	s23 =	simm.s32 $0x16000  }
0x22: {  	v0 =	vimm.f32 $0.0e+00;
	v1 =	vlaneseq.u32;
	v2 =	vimm.s32 $0x1;
	s15 =	simm.s32 $0x17000;
	s16 =	simm.s32 $0x18000;
	s18 =	simm.s32 $0x19000  }
.LBB2_1:
0x23: {  	s0 =	sld [smem:$0x7E5];
	_ =	sdelay $0x1  }
0x24: {  	[smem:$0x7E4] =	sst s1;
	s2 =	simm.s32 $0x5  }
0x25: {  	[tilespmem:s8], [sflag:$0x5] =	stream.linear.gather [hbm4b:s0+s8], $0x1000, $0x38;
	[tilespmem:$0x1D000] =	vst v63  }
0x26: {  	_ =	swait.ge [sflag:s2], $0x1000  }
0x27: {  	s26 =	sld [smem:$0x7F7];
	_ =	sdelay $0x2  }
0x28: {  	s31 =	sld [smem:$0x7E6];
	s28 =	sadd.s32 $0xFFFFFFF0, s26  }
0x29: {  	[sflag:s2] =	ssyncset.done $0x0;
	v3 =	vmov s28  }
0x2a: {  	s3 =	simm.s32 $0x2000;
	[sflag:s2] =	ssyncadd.s32 $0xFFFFF000;
	v4 =	vmov s26;
	v3 =	vshra.s32 v3, $0x4  }
0x2b: {  	[tilespmem:s3], [sflag:$0x5] =	stream.linear.gather [hbm4b:s31+s8], $0x1000, $0x38;
	v4 =	vshra.s32 v4, $0x4;
	v5 =	vbroadcast v3, $0x0;
	[tilespmem:$0x1D000] =	vst v63  }
0x2c: {  	_ =	swait.ge [sflag:s2], $0x1000;
	v8 =	vbroadcast v4, $0x0  }
0x2d: {  	[sflag:s2] =	ssyncset.done $0x0;
	v3 =	vmulhi.u32 $0xAAAAAAAB, v5  }
0x2e: {  	s0 =	simm.s32 $0x2010;
	s4 =	sadd.s32 $0x20, s26;
	[sflag:s2] =	ssyncadd.s32 $0xFFFFF000;
	v4 =	vmulhi.u32 $0xAAAAAAAB, v8  }
0x2f: {  	v7 =	vmov s4;
	v6 =	vld [tilespmem:s0+$0xFFFFFFF0];
	v3 =	vshrl.u32 v3, $0x1  }
0x30: {  	s1 =	sadd.s32 $0xFFFFFFF0, s4;
	v7 =	vshra.s32 v7, $0x4;
	v9 =	vmul.u32 $0x3, v3;
	v3 =	vshrl.u32 v4, $0x1  }
0x31: {  	v11 =	vor.u32 $0x80000000, v8;
	v4 =	vmov s1;
	v10 =	vmul.u32 $0x3, v3  }
0x32: {  	v12 =	vld [tilespmem:s0+$0x0];
	v4 =	vshra.s32 v4, $0x4;
	v3 =	vbroadcast v7, $0x0;
	v7 =	vsub.s32 v5, v9  }
0x33: {  	v4 =	vbroadcast v4, $0x0;
	vm0 =	veq.s32 v7, $0x2;
	v9 =	vsub.s32 v8, v10  }
0x34: {  	vm1 =	veq.s32 v7, $0x1;
	v7 =	vor.u32 $0x80000000, v5;
	v6 =	vnsel vm0, $0x3F800000, v6  }
0x35: {  	v10 =	vmulhi.u32 $0xAAAAAAAB, v4;
	v13 =	vsel vm1, v7, v5;
	vm14 =	veq.s32 v9, $0x1  }
0x36: {  	s2 =	simm.s32 $0x1010;
	s1 =	simm.s32 $0x2030;
	v7 =	vmulhi.u32 $0xAAAAAAAB, v3;
	v5 =	vor.u32 $0x80000000, v3;
	vm15 =	veq.s32 v9, $0x2;
	[tilespmem:s0+$0xFFFFFFF0] =	vst v6  }
0x37: {  	s3 =	simm.s32 $0x2;
	s4 =	sadd.s32 $0x20, s4;
	v6 =	vld [tilespmem:s1+$0xFFFFFFF0];
	v9 =	vnsel vm15, $0x3F800000, v12;
	v8 =	vsel vm14, v11, v8;
	[tilespmem:s2+$0xFFFFFFF0] =	vst v13;
	v10 =	vshrl.u32 v10, $0x1  }
.LBB2_2:
0x38: {  	s5 =	sadd.s32 $0xFFFFFFF0, s4;
	v11 =	vmov s4;
	v10 =	vmul.u32 $0x3, v10;
	v7 =	vshrl.u32 v7, $0x1;
	v12 =	vld [tilespmem:s1+$0x0];
	[tilespmem:s0+$0x0] =	vst v9;
	s0 =	smov.u32 s1  }
0x39: {  	s3 =	sadd.s32 $0x2, s3;
	v9 =	vmov s5;
	v11 =	vshra.s32 v11, $0x4;
	v7 =	vmul.u32 $0x3, v7;
	[tilespmem:s2+$0x0] =	vst v8  }
0x3a: {  	p0 =	slt.u32 s3, $0xFE;
	v8 =	vshra.s32 v9, $0x4;
	v11 =	vbroadcast v11, $0x0;
	v9 =	vsub.s32 v4, v10  }
.Ltmp0:
0x3b: {  	v8 =	vbroadcast v8, $0x0;
	vm0 =	veq.s32 v9, $0x2;
	v10 =	vsub.s32 v3, v7;
	(pc) =	sbr.rel @p0 .LBB2_2-.Ltmp0, $4  }
0x3c: {  	vm1 =	veq.s32 v9, $0x1;
	v7 =	vor.u32 $0x80000000, v4;
	v6 =	vnsel vm0, $0x3F800000, v6  }
0x3d: {  	s2 =	sadd.s32 $0x20, s2;
	vm0 =	veq.s32 v10, $0x1;
	v9 =	vmulhi.u32 $0xAAAAAAAB, v8;
	[tilespmem:s1+$0xFFFFFFF0] =	vst v6;
	v6 =	vsel vm1, v7, v4;
	v4 =	vmovc v8  }
0x3e: {  	v13 =	vor.u32 $0x80000000, v11;
	v7 =	vmulhi.u32 $0xAAAAAAAB, v11;
	vm1 =	veq.s32 v10, $0x2;
	s1 =	sadd.s32 $0x20, s1;
	[tilespmem:s2+$0xFFFFFFF0] =	vst v6  }
0x3f: {  	s4 =	sadd.s32 $0x20, s4;
	v8 =	vsel vm0, v5, v3;
	v3 =	vmovc v11;
	v5 =	vmovc v13;
	v10 =	vshrl.u32 v9, $0x1;
	v6 =	vld [tilespmem:s1+$0xFFFFFFF0];
	v9 =	vnsel vm1, $0x3F800000, v12  }
0x40: {  	v10 =	vmul.u32 $0x3, v10  }
0x41: {  	v7 =	vshrl.u32 v7, $0x1;
	v11 =	vld [tilespmem:s1+$0x0]  }
0x42: {  	v7 =	vmul.u32 $0x3, v7;
	v10 =	vsub.s32 v4, v10  }
0x43: {  	[tilespmem:s0+$0x0] =	vst v9;
	v62 =	vor.u32 $0x80000000, v4;
	vm0 =	veq.s32 v10, $0x2  }
0x44: {  	[tilespmem:s2+$0x0] =	vst v8;
	v7 =	vsub.s32 v3, v7;
	vm1 =	veq.s32 v10, $0x1;
	v6 =	vnsel vm0, $0x3F800000, v6  }
0x45: {  	s7 =	sadd.s32 $0x20, s2;
	v4 =	vsel vm1, v62, v4;
	vm14 =	veq.s32 v7, $0x2;
	[tilespmem:s1+$0xFFFFFFF0] =	vst v6  }
0x46: {  	vm15 =	veq.s32 v7, $0x1;
	v63 =	vnsel vm14, $0x3F800000, v11;
	[tilespmem:s7+$0xFFFFFFF0] =	vst v4  }
0x47: {  	s8 =	simm.s32 $0x0;
	v3 =	vsel vm15, v5, v3;
	[tilespmem:s1+$0x0] =	vst v63  }
0x48: {  	s4 =	simm.s32 $0x80;
	s9 =	simm.s32 $0x1000;
	s1 =	rddreg [dreg:$0x4];
	[tilespmem:s7+$0x0] =	vst v3  }
0x49: {  	[spmem:s1] =	stream.indirect.scatter [tilespmem:s9], [sflag:$0x1], $0x1, s8, s4, $0xb8;
	[tilespmem:$0x1D000] =	vst v63  }
0x4a: {  	s3 =	simm.s32 $0x2000;
	s2 =	rddreg [dreg:$0x5]  }
0x4b: {  	[spmem:s2] =	stream.indirect.scatter [tilespmem:s3], [sflag:$0x2], $0x1, s8, s4, $0xb8;
	[tilespmem:$0x1D000] =	vst v63  }
0x4c: {  	s11 =	simm.s32 $0x1080  }
0x4d: {  	[spmem:s1] =	stream.indirect.scatter [tilespmem:s11], [sflag:$0x1], $0x1, s4, s4, $0xb8;
	[tilespmem:$0x1D000] =	vst v63  }
0x4e: {  	s17 =	simm.s32 $0x2080  }
0x4f: {  	[spmem:s2] =	stream.indirect.scatter [tilespmem:s17], [sflag:$0x2], $0x1, s4, s4, $0xb8;
	[tilespmem:$0x1D000] =	vst v63  }
0x50: {  	s19 =	simm.s32 $0x100;
	s5 =	simm.s32 $0x1100  }
0x51: {  	[spmem:s1] =	stream.indirect.scatter [tilespmem:s5], [sflag:$0x1], $0x1, s19, s4, $0xb8;
	[tilespmem:$0x1D000] =	vst v63  }
0x52: {  	s20 =	simm.s32 $0x2100  }
0x53: {  	[spmem:s2] =	stream.indirect.scatter [tilespmem:s20], [sflag:$0x2], $0x1, s19, s4, $0xb8;
	[tilespmem:$0x1D000] =	vst v63  }
0x54: {  	s21 =	simm.s32 $0x180;
	s26 =	simm.s32 $0x1180  }
0x55: {  	[spmem:s1] =	stream.indirect.scatter [tilespmem:s26], [sflag:$0x1], $0x1, s21, s4, $0xb8;
	[tilespmem:$0x1D000] =	vst v63  }
0x56: {  	s28 =	simm.s32 $0x2180  }
0x57: {  	[spmem:s2] =	stream.indirect.scatter [tilespmem:s28], [sflag:$0x2], $0x1, s21, s4, $0xb8;
	[tilespmem:$0x1D000] =	vst v63  }
0x58: {  	s31 =	simm.s32 $0x200;
	s7 =	simm.s32 $0x1200  }
0x59: {  	[spmem:s1] =	stream.indirect.scatter [tilespmem:s7], [sflag:$0x1], $0x1, s31, s4, $0xb8;
	[tilespmem:$0x1D000] =	vst v63  }
0x5a: {  	s8 =	simm.s32 $0x2200  }
0x5b: {  	[spmem:s2] =	stream.indirect.scatter [tilespmem:s8], [sflag:$0x2], $0x1, s31, s4, $0xb8;
	[tilespmem:$0x1D000] =	vst v63  }
0x5c: {  	s9 =	simm.s32 $0x280;
	s11 =	simm.s32 $0x1280  }
0x5d: {  	[spmem:s1] =	stream.indirect.scatter [tilespmem:s11], [sflag:$0x1], $0x1, s9, s4, $0xb8;
	[tilespmem:$0x1D000] =	vst v63  }
0x5e: {  	s17 =	simm.s32 $0x2280  }
0x5f: {  	[spmem:s2] =	stream.indirect.scatter [tilespmem:s17], [sflag:$0x2], $0x1, s9, s4, $0xb8;
	[tilespmem:$0x1D000] =	vst v63  }
0x60: {  	s19 =	simm.s32 $0x300;
	s20 =	simm.s32 $0x1300  }
0x61: {  	[spmem:s1] =	stream.indirect.scatter [tilespmem:s20], [sflag:$0x1], $0x1, s19, s4, $0xb8;
	[tilespmem:$0x1D000] =	vst v63  }
0x62: {  	s21 =	simm.s32 $0x2300  }
0x63: {  	[spmem:s2] =	stream.indirect.scatter [tilespmem:s21], [sflag:$0x2], $0x1, s19, s4, $0xb8;
	[tilespmem:$0x1D000] =	vst v63  }
0x64: {  	s26 =	simm.s32 $0x380;
	s28 =	simm.s32 $0x1380  }
0x65: {  	[spmem:s1] =	stream.indirect.scatter [tilespmem:s28], [sflag:$0x1], $0x1, s26, s4, $0xb8;
	[tilespmem:$0x1D000] =	vst v63  }
0x66: {  	s31 =	simm.s32 $0x2380  }
0x67: {  	[spmem:s2] =	stream.indirect.scatter [tilespmem:s31], [sflag:$0x2], $0x1, s26, s4, $0xb8;
	[tilespmem:$0x1D000] =	vst v63  }
0x68: {  	s7 =	simm.s32 $0x400;
	s8 =	simm.s32 $0x1400  }
0x69: {  	[spmem:s1] =	stream.indirect.scatter [tilespmem:s8], [sflag:$0x1], $0x1, s7, s4, $0xb8;
	[tilespmem:$0x1D000] =	vst v63  }
0x6a: {  	s9 =	simm.s32 $0x2400  }
0x6b: {  	[spmem:s2] =	stream.indirect.scatter [tilespmem:s9], [sflag:$0x2], $0x1, s7, s4, $0xb8;
	[tilespmem:$0x1D000] =	vst v63  }
0x6c: {  	s11 =	simm.s32 $0x480;
	s17 =	simm.s32 $0x1480  }
0x6d: {  	[spmem:s1] =	stream.indirect.scatter [tilespmem:s17], [sflag:$0x1], $0x1, s11, s4, $0xb8;
	[tilespmem:$0x1D000] =	vst v63  }
0x6e: {  	s19 =	simm.s32 $0x2480  }
0x6f: {  	[spmem:s2] =	stream.indirect.scatter [tilespmem:s19], [sflag:$0x2], $0x1, s11, s4, $0xb8;
	[tilespmem:$0x1D000] =	vst v63  }
0x70: {  	s20 =	simm.s32 $0x500;
	s21 =	simm.s32 $0x1500  }
0x71: {  	[spmem:s1] =	stream.indirect.scatter [tilespmem:s21], [sflag:$0x1], $0x1, s20, s4, $0xb8;
	[tilespmem:$0x1D000] =	vst v63  }
0x72: {  	s26 =	simm.s32 $0x2500  }
0x73: {  	[spmem:s2] =	stream.indirect.scatter [tilespmem:s26], [sflag:$0x2], $0x1, s20, s4, $0xb8;
	[tilespmem:$0x1D000] =	vst v63  }
0x74: {  	s28 =	simm.s32 $0x580;
	s31 =	simm.s32 $0x1580  }
0x75: {  	[spmem:s1] =	stream.indirect.scatter [tilespmem:s31], [sflag:$0x1], $0x1, s28, s4, $0xb8;
	[tilespmem:$0x1D000] =	vst v63  }
0x76: {  	s7 =	simm.s32 $0x2580  }
0x77: {  	[spmem:s2] =	stream.indirect.scatter [tilespmem:s7], [sflag:$0x2], $0x1, s28, s4, $0xb8;
	[tilespmem:$0x1D000] =	vst v63  }
0x78: {  	s8 =	simm.s32 $0x600;
	s9 =	simm.s32 $0x1600  }
0x79: {  	[spmem:s1] =	stream.indirect.scatter [tilespmem:s9], [sflag:$0x1], $0x1, s8, s4, $0xb8;
	[tilespmem:$0x1D000] =	vst v63  }
0x7a: {  	s11 =	simm.s32 $0x2600  }
0x7b: {  	[spmem:s2] =	stream.indirect.scatter [tilespmem:s11], [sflag:$0x2], $0x1, s8, s4, $0xb8;
	[tilespmem:$0x1D000] =	vst v63  }
0x7c: {  	s17 =	simm.s32 $0x680;
	s19 =	simm.s32 $0x1680  }
0x7d: {  	[spmem:s1] =	stream.indirect.scatter [tilespmem:s19], [sflag:$0x1], $0x1, s17, s4, $0xb8;
	[tilespmem:$0x1D000] =	vst v63  }
0x7e: {  	s20 =	simm.s32 $0x2680  }
0x7f: {  	[spmem:s2] =	stream.indirect.scatter [tilespmem:s20], [sflag:$0x2], $0x1, s17, s4, $0xb8;
	[tilespmem:$0x1D000] =	vst v63  }
0x80: {  	s21 =	simm.s32 $0x700;
	s26 =	simm.s32 $0x1700  }
0x81: {  	[spmem:s1] =	stream.indirect.scatter [tilespmem:s26], [sflag:$0x1], $0x1, s21, s4, $0xb8;
	[tilespmem:$0x1D000] =	vst v63  }
0x82: {  	s28 =	simm.s32 $0x2700  }
0x83: {  	[spmem:s2] =	stream.indirect.scatter [tilespmem:s28], [sflag:$0x2], $0x1, s21, s4, $0xb8;
	[tilespmem:$0x1D000] =	vst v63  }
0x84: {  	s31 =	simm.s32 $0x780;
	s7 =	simm.s32 $0x1780  }
0x85: {  	[spmem:s1] =	stream.indirect.scatter [tilespmem:s7], [sflag:$0x1], $0x1, s31, s4, $0xb8;
	[tilespmem:$0x1D000] =	vst v63  }
0x86: {  	s8 =	simm.s32 $0x2780  }
0x87: {  	[spmem:s2] =	stream.indirect.scatter [tilespmem:s8], [sflag:$0x2], $0x1, s31, s4, $0xb8;
	[tilespmem:$0x1D000] =	vst v63  }
0x88: {  	s9 =	simm.s32 $0x800;
	s11 =	simm.s32 $0x1800  }
0x89: {  	[spmem:s1] =	stream.indirect.scatter [tilespmem:s11], [sflag:$0x1], $0x1, s9, s4, $0xb8;
	[tilespmem:$0x1D000] =	vst v63  }
0x8a: {  	s17 =	simm.s32 $0x2800  }
0x8b: {  	[spmem:s2] =	stream.indirect.scatter [tilespmem:s17], [sflag:$0x2], $0x1, s9, s4, $0xb8;
	[tilespmem:$0x1D000] =	vst v63  }
0x8c: {  	s19 =	simm.s32 $0x880;
	s20 =	simm.s32 $0x1880  }
0x8d: {  	[spmem:s1] =	stream.indirect.scatter [tilespmem:s20], [sflag:$0x1], $0x1, s19, s4, $0xb8;
	[tilespmem:$0x1D000] =	vst v63  }
0x8e: {  	s21 =	simm.s32 $0x2880  }
0x8f: {  	[spmem:s2] =	stream.indirect.scatter [tilespmem:s21], [sflag:$0x2], $0x1, s19, s4, $0xb8;
	[tilespmem:$0x1D000] =	vst v63  }
0x90: {  	s26 =	simm.s32 $0x900;
	s28 =	simm.s32 $0x1900  }
0x91: {  	[spmem:s1] =	stream.indirect.scatter [tilespmem:s28], [sflag:$0x1], $0x1, s26, s4, $0xb8;
	[tilespmem:$0x1D000] =	vst v63  }
0x92: {  	s31 =	simm.s32 $0x2900  }
0x93: {  	[spmem:s2] =	stream.indirect.scatter [tilespmem:s31], [sflag:$0x2], $0x1, s26, s4, $0xb8;
	[tilespmem:$0x1D000] =	vst v63  }
0x94: {  	s7 =	simm.s32 $0x980;
	s8 =	simm.s32 $0x1980  }
0x95: {  	[spmem:s1] =	stream.indirect.scatter [tilespmem:s8], [sflag:$0x1], $0x1, s7, s4, $0xb8;
	[tilespmem:$0x1D000] =	vst v63  }
0x96: {  	s9 =	simm.s32 $0x2980  }
0x97: {  	[spmem:s2] =	stream.indirect.scatter [tilespmem:s9], [sflag:$0x2], $0x1, s7, s4, $0xb8;
	[tilespmem:$0x1D000] =	vst v63  }
0x98: {  	s11 =	simm.s32 $0xA00;
	s17 =	simm.s32 $0x1A00  }
0x99: {  	[spmem:s1] =	stream.indirect.scatter [tilespmem:s17], [sflag:$0x1], $0x1, s11, s4, $0xb8;
	[tilespmem:$0x1D000] =	vst v63  }
0x9a: {  	s19 =	simm.s32 $0x2A00  }
0x9b: {  	[spmem:s2] =	stream.indirect.scatter [tilespmem:s19], [sflag:$0x2], $0x1, s11, s4, $0xb8;
	[tilespmem:$0x1D000] =	vst v63  }
0x9c: {  	s20 =	simm.s32 $0xA80;
	s21 =	simm.s32 $0x1A80  }
0x9d: {  	[spmem:s1] =	stream.indirect.scatter [tilespmem:s21], [sflag:$0x1], $0x1, s20, s4, $0xb8;
	[tilespmem:$0x1D000] =	vst v63  }
0x9e: {  	s26 =	simm.s32 $0x2A80  }
0x9f: {  	[spmem:s2] =	stream.indirect.scatter [tilespmem:s26], [sflag:$0x2], $0x1, s20, s4, $0xb8;
	[tilespmem:$0x1D000] =	vst v63  }
0xa0: {  	s28 =	simm.s32 $0xB00;
	s31 =	simm.s32 $0x1B00  }
0xa1: {  	[spmem:s1] =	stream.indirect.scatter [tilespmem:s31], [sflag:$0x1], $0x1, s28, s4, $0xb8;
	[tilespmem:$0x1D000] =	vst v63  }
0xa2: {  	s7 =	simm.s32 $0x2B00  }
0xa3: {  	[spmem:s2] =	stream.indirect.scatter [tilespmem:s7], [sflag:$0x2], $0x1, s28, s4, $0xb8;
	[tilespmem:$0x1D000] =	vst v63  }
0xa4: {  	s8 =	simm.s32 $0xB80;
	s9 =	simm.s32 $0x1B80  }
0xa5: {  	[spmem:s1] =	stream.indirect.scatter [tilespmem:s9], [sflag:$0x1], $0x1, s8, s4, $0xb8;
	[tilespmem:$0x1D000] =	vst v63  }
0xa6: {  	s11 =	simm.s32 $0x2B80  }
0xa7: {  	[spmem:s2] =	stream.indirect.scatter [tilespmem:s11], [sflag:$0x2], $0x1, s8, s4, $0xb8;
	[tilespmem:$0x1D000] =	vst v63  }
0xa8: {  	s17 =	simm.s32 $0xC00;
	s19 =	simm.s32 $0x1C00  }
0xa9: {  	[spmem:s1] =	stream.indirect.scatter [tilespmem:s19], [sflag:$0x1], $0x1, s17, s4, $0xb8;
	[tilespmem:$0x1D000] =	vst v63  }
0xaa: {  	s20 =	simm.s32 $0x2C00  }
0xab: {  	[spmem:s2] =	stream.indirect.scatter [tilespmem:s20], [sflag:$0x2], $0x1, s17, s4, $0xb8;
	[tilespmem:$0x1D000] =	vst v63  }
0xac: {  	s21 =	simm.s32 $0xC80;
	s26 =	simm.s32 $0x1C80  }
0xad: {  	[spmem:s1] =	stream.indirect.scatter [tilespmem:s26], [sflag:$0x1], $0x1, s21, s4, $0xb8;
	[tilespmem:$0x1D000] =	vst v63  }
0xae: {  	s28 =	simm.s32 $0x2C80  }
0xaf: {  	[spmem:s2] =	stream.indirect.scatter [tilespmem:s28], [sflag:$0x2], $0x1, s21, s4, $0xb8;
	[tilespmem:$0x1D000] =	vst v63  }
0xb0: {  	s31 =	simm.s32 $0xD00;
	s7 =	simm.s32 $0x1D00  }
0xb1: {  	[spmem:s1] =	stream.indirect.scatter [tilespmem:s7], [sflag:$0x1], $0x1, s31, s4, $0xb8;
	[tilespmem:$0x1D000] =	vst v63  }
0xb2: {  	s8 =	simm.s32 $0x2D00  }
0xb3: {  	[spmem:s2] =	stream.indirect.scatter [tilespmem:s8], [sflag:$0x2], $0x1, s31, s4, $0xb8;
	[tilespmem:$0x1D000] =	vst v63  }
0xb4: {  	s9 =	simm.s32 $0xD80;
	s11 =	simm.s32 $0x1D80  }
0xb5: {  	[spmem:s1] =	stream.indirect.scatter [tilespmem:s11], [sflag:$0x1], $0x1, s9, s4, $0xb8;
	[tilespmem:$0x1D000] =	vst v63  }
0xb6: {  	s17 =	simm.s32 $0x2D80  }
0xb7: {  	[spmem:s2] =	stream.indirect.scatter [tilespmem:s17], [sflag:$0x2], $0x1, s9, s4, $0xb8;
	[tilespmem:$0x1D000] =	vst v63  }
0xb8: {  	s19 =	simm.s32 $0xE00;
	s20 =	simm.s32 $0x1E00  }
0xb9: {  	[spmem:s1] =	stream.indirect.scatter [tilespmem:s20], [sflag:$0x1], $0x1, s19, s4, $0xb8;
	[tilespmem:$0x1D000] =	vst v63  }
0xba: {  	s21 =	simm.s32 $0x2E00  }
0xbb: {  	[spmem:s2] =	stream.indirect.scatter [tilespmem:s21], [sflag:$0x2], $0x1, s19, s4, $0xb8;
	[tilespmem:$0x1D000] =	vst v63  }
0xbc: {  	s26 =	simm.s32 $0xE80;
	s28 =	simm.s32 $0x1E80  }
0xbd: {  	[spmem:s1] =	stream.indirect.scatter [tilespmem:s28], [sflag:$0x1], $0x1, s26, s4, $0xb8;
	[tilespmem:$0x1D000] =	vst v63  }
0xbe: {  	s31 =	simm.s32 $0x2E80  }
0xbf: {  	[spmem:s2] =	stream.indirect.scatter [tilespmem:s31], [sflag:$0x2], $0x1, s26, s4, $0xb8;
	[tilespmem:$0x1D000] =	vst v63  }
0xc0: {  	s7 =	simm.s32 $0xF00;
	s8 =	simm.s32 $0x1F00  }
0xc1: {  	[spmem:s1] =	stream.indirect.scatter [tilespmem:s8], [sflag:$0x1], $0x1, s7, s4, $0xb8;
	[tilespmem:$0x1D000] =	vst v63  }
0xc2: {  	s9 =	simm.s32 $0x2F00  }
0xc3: {  	[spmem:s2] =	stream.indirect.scatter [tilespmem:s9], [sflag:$0x2], $0x1, s7, s4, $0xb8;
	[tilespmem:$0x1D000] =	vst v63  }
0xc4: {  	s11 =	simm.s32 $0xF80;
	s17 =	simm.s32 $0x1F80  }
0xc5: {  	[spmem:s1] =	stream.indirect.scatter [tilespmem:s17], [sflag:$0x1], $0x1, s11, s4, $0xb8;
	[tilespmem:$0x1D000] =	vst v63  }
0xc6: {  	s20 =	sld [smem:$0x7E7];
	s19 =	simm.s32 $0x2F80  }
0xc7: {  	[spmem:s2] =	stream.indirect.scatter [tilespmem:s19], [sflag:$0x2], $0x1, s11, s4, $0xb8;
	[tilespmem:$0x1D000] =	vst v63  }
0xc8: {  	s21 =	simm.s32 $0x80000;
	s28 =	sld [smem:$0x7E8];
	s26 =	simm.s32 $0x3000  }
0xc9: {  	[tilespmem:s26], [sflag:$0x3] =	stream.strided.gather [hbm4b:s20+s3], $0x4000, s21, s3, $0x38;
	[tilespmem:$0x1D000] =	vst v63  }
0xca: {  	s0 =	simm.s32 $0x0;
	s31 =	simm.s32 $0x7000;
	s1 =	simm.s32 $0x40  }
0xcb: {  	[tilespmem:s31], [sflag:$0x4] =	stream.strided.gather [hbm4b:s28+s3], $0x4000, s21, s3, $0x38;
	[tilespmem:$0x1D000] =	vst v63  }
.LBB2_4:
0xcc: {  	p0 =	sne.s32 s1, $0x3FC0;
	[tilespmem:s0+$0x1C000] =	vst v0  }
0xcd: {  	[tilespmem:s0+$0xD000] =	vst v0  }
0xce: {  	[tilespmem:s0+$0xE000] =	vst v0  }
0xcf: {  	[tilespmem:s0+$0xF000] =	vst v0  }
0xd0: {  	[tilespmem:s0+$0x10000] =	vst v0  }
0xd1: {  	[tilespmem:s0+$0x11000] =	vst v0  }
0xd2: {  	[tilespmem:s0+$0x12000] =	vst v0  }
0xd3: {  	[tilespmem:s0+$0x13000] =	vst v0  }
0xd4: {  	[tilespmem:s0+$0x14000] =	vst v0  }
0xd5: {  	[tilespmem:s0+$0x15000] =	vst v0  }
0xd6: {  	[tilespmem:s0+$0x16000] =	vst v0  }
.Ltmp1:
0xd7: {  	[tilespmem:s0+$0x17000] =	vst v0;
	(pc) =	sbr.rel @p0 .LBB2_4-.Ltmp1, $4  }
0xd8: {  	[tilespmem:s0+$0x18000] =	vst v0  }
0xd9: {  	[tilespmem:s0+$0x19000] =	vst v0  }
0xda: {  	[tilespmem:s0+$0x1A000] =	vst v0  }
0xdb: {  	[tilespmem:s0+$0x1B000] =	vst v0;
	s0 =	sshra.s32 s1, $0x2;
	s1 =	sadd.s32 $0x40, s1  }
0xdc: {  	[tilespmem:s0+$0x1C000] =	vst v0  }
0xdd: {  	[tilespmem:s0+$0xD000] =	vst v0  }
0xde: {  	[tilespmem:s0+$0xE000] =	vst v0  }
0xdf: {  	[tilespmem:s0+$0xF000] =	vst v0  }
0xe0: {  	[tilespmem:s0+$0x10000] =	vst v0  }
0xe1: {  	[tilespmem:s0+$0x11000] =	vst v0  }
0xe2: {  	[tilespmem:s0+$0x12000] =	vst v0  }
0xe3: {  	[tilespmem:s0+$0x13000] =	vst v0  }
0xe4: {  	[tilespmem:s0+$0x14000] =	vst v0  }
0xe5: {  	[tilespmem:s0+$0x15000] =	vst v0  }
0xe6: {  	[tilespmem:s0+$0x16000] =	vst v0  }
0xe7: {  	[tilespmem:s0+$0x17000] =	vst v0  }
0xe8: {  	[tilespmem:s0+$0x18000] =	vst v0  }
0xe9: {  	[tilespmem:s0+$0x19000] =	vst v0  }
0xea: {  	[tilespmem:s0+$0x1A000] =	vst v0  }
0xeb: {  	[tilespmem:s0+$0x1B000] =	vst v0  }
0xec: {  	_ =	swait.ge [sflag:s6], $0x80  }
0xed: {  	[sflag:s6] =	ssyncset.done $0x0  }
0xee: {  	s31 =	simm.s32 $0x2;
	[sflag:s6] =	ssyncadd.s32 $0xFFFFFF80  }
0xef: {  	_ =	swait.ge [sflag:s31], $0x80  }
0xf0: {  	[sflag:s31] =	ssyncset.done $0x0  }
0xf1: {  	[sflag:s31] =	ssyncadd.s32 $0xFFFFFF80  }
0xf2: {  	_ =	swait.ge [sflag:s6], $0x80  }
0xf3: {  	[sflag:s6] =	ssyncset.done $0x0  }
0xf4: {  	[sflag:s6] =	ssyncadd.s32 $0xFFFFFF80  }
0xf5: {  	_ =	swait.ge [sflag:s31], $0x80  }
0xf6: {  	[sflag:s31] =	ssyncset.done $0x0  }
0xf7: {  	[sflag:s31] =	ssyncadd.s32 $0xFFFFFF80  }
0xf8: {  	_ =	swait.ge [sflag:s6], $0x80  }
0xf9: {  	[sflag:s6] =	ssyncset.done $0x0  }
0xfa: {  	[sflag:s6] =	ssyncadd.s32 $0xFFFFFF80  }
0xfb: {  	_ =	swait.ge [sflag:s31], $0x80  }
0xfc: {  	[sflag:s31] =	ssyncset.done $0x0  }
0xfd: {  	[sflag:s31] =	ssyncadd.s32 $0xFFFFFF80  }
0xfe: {  	_ =	swait.ge [sflag:s6], $0x80  }
0xff: {  	[sflag:s6] =	ssyncset.done $0x0  }
0x100: {  	[sflag:s6] =	ssyncadd.s32 $0xFFFFFF80  }
0x101: {  	_ =	swait.ge [sflag:s31], $0x80  }
0x102: {  	[sflag:s31] =	ssyncset.done $0x0  }
0x103: {  	[sflag:s31] =	ssyncadd.s32 $0xFFFFFF80  }
0x104: {  	_ =	swait.ge [sflag:s6], $0x80  }
0x105: {  	[sflag:s6] =	ssyncset.done $0x0  }
0x106: {  	[sflag:s6] =	ssyncadd.s32 $0xFFFFFF80  }
0x107: {  	_ =	swait.ge [sflag:s31], $0x80  }
0x108: {  	[sflag:s31] =	ssyncset.done $0x0  }
0x109: {  	[sflag:s31] =	ssyncadd.s32 $0xFFFFFF80  }
0x10a: {  	_ =	swait.ge [sflag:s6], $0x80  }
0x10b: {  	[sflag:s6] =	ssyncset.done $0x0  }
0x10c: {  	[sflag:s6] =	ssyncadd.s32 $0xFFFFFF80  }
0x10d: {  	_ =	swait.ge [sflag:s31], $0x80  }
0x10e: {  	[sflag:s31] =	ssyncset.done $0x0  }
0x10f: {  	[sflag:s31] =	ssyncadd.s32 $0xFFFFFF80  }
0x110: {  	_ =	swait.ge [sflag:s6], $0x80  }
0x111: {  	[sflag:s6] =	ssyncset.done $0x0  }
0x112: {  	[sflag:s6] =	ssyncadd.s32 $0xFFFFFF80  }
0x113: {  	_ =	swait.ge [sflag:s31], $0x80  }
0x114: {  	[sflag:s31] =	ssyncset.done $0x0  }
0x115: {  	[sflag:s31] =	ssyncadd.s32 $0xFFFFFF80  }
0x116: {  	_ =	swait.ge [sflag:s6], $0x80  }
0x117: {  	[sflag:s6] =	ssyncset.done $0x0  }
0x118: {  	[sflag:s6] =	ssyncadd.s32 $0xFFFFFF80  }
0x119: {  	_ =	swait.ge [sflag:s31], $0x80  }
0x11a: {  	[sflag:s31] =	ssyncset.done $0x0  }
0x11b: {  	[sflag:s31] =	ssyncadd.s32 $0xFFFFFF80  }
0x11c: {  	_ =	swait.ge [sflag:s6], $0x80  }
0x11d: {  	[sflag:s6] =	ssyncset.done $0x0  }
0x11e: {  	[sflag:s6] =	ssyncadd.s32 $0xFFFFFF80  }
0x11f: {  	_ =	swait.ge [sflag:s31], $0x80  }
0x120: {  	[sflag:s31] =	ssyncset.done $0x0  }
0x121: {  	[sflag:s31] =	ssyncadd.s32 $0xFFFFFF80  }
0x122: {  	_ =	swait.ge [sflag:s6], $0x80  }
0x123: {  	[sflag:s6] =	ssyncset.done $0x0  }
0x124: {  	[sflag:s6] =	ssyncadd.s32 $0xFFFFFF80  }
0x125: {  	_ =	swait.ge [sflag:s31], $0x80  }
0x126: {  	[sflag:s31] =	ssyncset.done $0x0  }
0x127: {  	[sflag:s31] =	ssyncadd.s32 $0xFFFFFF80  }
0x128: {  	_ =	swait.ge [sflag:s6], $0x80  }
0x129: {  	[sflag:s6] =	ssyncset.done $0x0  }
0x12a: {  	[sflag:s6] =	ssyncadd.s32 $0xFFFFFF80  }
0x12b: {  	_ =	swait.ge [sflag:s31], $0x80  }
0x12c: {  	[sflag:s31] =	ssyncset.done $0x0  }
0x12d: {  	[sflag:s31] =	ssyncadd.s32 $0xFFFFFF80  }
0x12e: {  	_ =	swait.ge [sflag:s6], $0x80  }
0x12f: {  	[sflag:s6] =	ssyncset.done $0x0  }
0x130: {  	[sflag:s6] =	ssyncadd.s32 $0xFFFFFF80  }
0x131: {  	_ =	swait.ge [sflag:s31], $0x80  }
0x132: {  	[sflag:s31] =	ssyncset.done $0x0  }
0x133: {  	[sflag:s31] =	ssyncadd.s32 $0xFFFFFF80  }
0x134: {  	_ =	swait.ge [sflag:s6], $0x80  }
0x135: {  	[sflag:s6] =	ssyncset.done $0x0  }
0x136: {  	[sflag:s6] =	ssyncadd.s32 $0xFFFFFF80  }
0x137: {  	_ =	swait.ge [sflag:s31], $0x80  }
0x138: {  	[sflag:s31] =	ssyncset.done $0x0  }
0x139: {  	[sflag:s31] =	ssyncadd.s32 $0xFFFFFF80  }
0x13a: {  	_ =	swait.ge [sflag:s6], $0x80  }
0x13b: {  	[sflag:s6] =	ssyncset.done $0x0  }
0x13c: {  	[sflag:s6] =	ssyncadd.s32 $0xFFFFFF80  }
0x13d: {  	_ =	swait.ge [sflag:s31], $0x80  }
0x13e: {  	[sflag:s31] =	ssyncset.done $0x0  }
0x13f: {  	[sflag:s31] =	ssyncadd.s32 $0xFFFFFF80  }
0x140: {  	_ =	swait.ge [sflag:s6], $0x80  }
0x141: {  	[sflag:s6] =	ssyncset.done $0x0  }
0x142: {  	[sflag:s6] =	ssyncadd.s32 $0xFFFFFF80  }
0x143: {  	_ =	swait.ge [sflag:s31], $0x80  }
0x144: {  	[sflag:s31] =	ssyncset.done $0x0  }
0x145: {  	[sflag:s31] =	ssyncadd.s32 $0xFFFFFF80  }
0x146: {  	_ =	swait.ge [sflag:s6], $0x80  }
0x147: {  	[sflag:s6] =	ssyncset.done $0x0  }
0x148: {  	[sflag:s6] =	ssyncadd.s32 $0xFFFFFF80  }
0x149: {  	_ =	swait.ge [sflag:s31], $0x80  }
0x14a: {  	[sflag:s31] =	ssyncset.done $0x0  }
0x14b: {  	[sflag:s31] =	ssyncadd.s32 $0xFFFFFF80  }
0x14c: {  	_ =	swait.ge [sflag:s6], $0x80  }
0x14d: {  	[sflag:s6] =	ssyncset.done $0x0  }
0x14e: {  	[sflag:s6] =	ssyncadd.s32 $0xFFFFFF80  }
0x14f: {  	_ =	swait.ge [sflag:s31], $0x80  }
0x150: {  	[sflag:s31] =	ssyncset.done $0x0  }
0x151: {  	[sflag:s31] =	ssyncadd.s32 $0xFFFFFF80  }
0x152: {  	_ =	swait.ge [sflag:s6], $0x80  }
0x153: {  	[sflag:s6] =	ssyncset.done $0x0  }
0x154: {  	[sflag:s6] =	ssyncadd.s32 $0xFFFFFF80  }
0x155: {  	_ =	swait.ge [sflag:s31], $0x80  }
0x156: {  	[sflag:s31] =	ssyncset.done $0x0  }
0x157: {  	[sflag:s31] =	ssyncadd.s32 $0xFFFFFF80  }
0x158: {  	_ =	swait.ge [sflag:s6], $0x80  }
0x159: {  	[sflag:s6] =	ssyncset.done $0x0  }
0x15a: {  	[sflag:s6] =	ssyncadd.s32 $0xFFFFFF80  }
0x15b: {  	_ =	swait.ge [sflag:s31], $0x80  }
0x15c: {  	[sflag:s31] =	ssyncset.done $0x0  }
0x15d: {  	[sflag:s31] =	ssyncadd.s32 $0xFFFFFF80  }
0x15e: {  	_ =	swait.ge [sflag:s6], $0x80  }
0x15f: {  	[sflag:s6] =	ssyncset.done $0x0  }
0x160: {  	[sflag:s6] =	ssyncadd.s32 $0xFFFFFF80  }
0x161: {  	_ =	swait.ge [sflag:s31], $0x80  }
0x162: {  	[sflag:s31] =	ssyncset.done $0x0  }
0x163: {  	[sflag:s31] =	ssyncadd.s32 $0xFFFFFF80  }
0x164: {  	_ =	swait.ge [sflag:s6], $0x80  }
0x165: {  	[sflag:s6] =	ssyncset.done $0x0  }
0x166: {  	[sflag:s6] =	ssyncadd.s32 $0xFFFFFF80  }
0x167: {  	_ =	swait.ge [sflag:s31], $0x80  }
0x168: {  	[sflag:s31] =	ssyncset.done $0x0  }
0x169: {  	[sflag:s31] =	ssyncadd.s32 $0xFFFFFF80  }
0x16a: {  	_ =	swait.ge [sflag:s6], $0x80  }
0x16b: {  	[sflag:s6] =	ssyncset.done $0x0  }
0x16c: {  	[sflag:s6] =	ssyncadd.s32 $0xFFFFFF80  }
0x16d: {  	_ =	swait.ge [sflag:s31], $0x80  }
0x16e: {  	[sflag:s31] =	ssyncset.done $0x0  }
0x16f: {  	[sflag:s31] =	ssyncadd.s32 $0xFFFFFF80  }
0x170: {  	_ =	swait.ge [sflag:s6], $0x80  }
0x171: {  	[sflag:s6] =	ssyncset.done $0x0  }
0x172: {  	[sflag:s6] =	ssyncadd.s32 $0xFFFFFF80  }
0x173: {  	_ =	swait.ge [sflag:s31], $0x80  }
0x174: {  	[sflag:s31] =	ssyncset.done $0x0  }
0x175: {  	[sflag:s31] =	ssyncadd.s32 $0xFFFFFF80  }
0x176: {  	_ =	swait.ge [sflag:s6], $0x80  }
0x177: {  	[sflag:s6] =	ssyncset.done $0x0  }
0x178: {  	[sflag:s6] =	ssyncadd.s32 $0xFFFFFF80  }
0x179: {  	_ =	swait.ge [sflag:s31], $0x80  }
0x17a: {  	[sflag:s31] =	ssyncset.done $0x0  }
0x17b: {  	[sflag:s31] =	ssyncadd.s32 $0xFFFFFF80  }
0x17c: {  	_ =	swait.ge [sflag:s6], $0x80  }
0x17d: {  	[sflag:s6] =	ssyncset.done $0x0  }
0x17e: {  	[sflag:s6] =	ssyncadd.s32 $0xFFFFFF80  }
0x17f: {  	_ =	swait.ge [sflag:s31], $0x80  }
0x180: {  	[sflag:s31] =	ssyncset.done $0x0  }
0x181: {  	[sflag:s31] =	ssyncadd.s32 $0xFFFFFF80  }
0x182: {  	_ =	swait.ge [sflag:s6], $0x80  }
0x183: {  	[sflag:s6] =	ssyncset.done $0x0  }
0x184: {  	[sflag:s6] =	ssyncadd.s32 $0xFFFFFF80  }
0x185: {  	_ =	swait.ge [sflag:s31], $0x80  }
0x186: {  	[sflag:s31] =	ssyncset.done $0x0  }
0x187: {  	[sflag:s31] =	ssyncadd.s32 $0xFFFFFF80  }
0x188: {  	_ =	swait.ge [sflag:s6], $0x80  }
0x189: {  	[sflag:s6] =	ssyncset.done $0x0  }
0x18a: {  	[sflag:s6] =	ssyncadd.s32 $0xFFFFFF80  }
0x18b: {  	_ =	swait.ge [sflag:s31], $0x80  }
0x18c: {  	[sflag:s31] =	ssyncset.done $0x0  }
0x18d: {  	[sflag:s31] =	ssyncadd.s32 $0xFFFFFF80  }
0x18e: {  	_ =	swait.ge [sflag:s6], $0x80  }
0x18f: {  	[sflag:s6] =	ssyncset.done $0x0  }
0x190: {  	[sflag:s6] =	ssyncadd.s32 $0xFFFFFF80  }
0x191: {  	_ =	swait.ge [sflag:s31], $0x80  }
0x192: {  	[sflag:s31] =	ssyncset.done $0x0  }
0x193: {  	[sflag:s31] =	ssyncadd.s32 $0xFFFFFF80  }
0x194: {  	_ =	swait.ge [sflag:s6], $0x80  }
0x195: {  	[sflag:s6] =	ssyncset.done $0x0  }
0x196: {  	[sflag:s6] =	ssyncadd.s32 $0xFFFFFF80  }
0x197: {  	_ =	swait.ge [sflag:s31], $0x80  }
0x198: {  	[sflag:s31] =	ssyncset.done $0x0  }
0x199: {  	[sflag:s31] =	ssyncadd.s32 $0xFFFFFF80  }
0x19a: {  	_ =	swait.ge [sflag:s6], $0x80  }
0x19b: {  	[sflag:s6] =	ssyncset.done $0x0  }
0x19c: {  	[sflag:s6] =	ssyncadd.s32 $0xFFFFFF80  }
0x19d: {  	_ =	swait.ge [sflag:s31], $0x80  }
0x19e: {  	[sflag:s31] =	ssyncset.done $0x0  }
0x19f: {  	[sflag:s31] =	ssyncadd.s32 $0xFFFFFF80  }
0x1a0: {  	_ =	swait.ge [sflag:s6], $0x80  }
0x1a1: {  	[sflag:s6] =	ssyncset.done $0x0  }
0x1a2: {  	[sflag:s6] =	ssyncadd.s32 $0xFFFFFF80  }
0x1a3: {  	_ =	swait.ge [sflag:s31], $0x80  }
0x1a4: {  	[sflag:s31] =	ssyncset.done $0x0  }
0x1a5: {  	[sflag:s31] =	ssyncadd.s32 $0xFFFFFF80  }
0x1a6: {  	_ =	swait.ge [sflag:s6], $0x80  }
0x1a7: {  	[sflag:s6] =	ssyncset.done $0x0  }
0x1a8: {  	[sflag:s6] =	ssyncadd.s32 $0xFFFFFF80  }
0x1a9: {  	_ =	swait.ge [sflag:s31], $0x80  }
0x1aa: {  	[sflag:s31] =	ssyncset.done $0x0  }
0x1ab: {  	[sflag:s31] =	ssyncadd.s32 $0xFFFFFF80  }
0x1ac: {  	s0 =	simm.s32 $0x0;
	[bflag:$0x0] =	sbarrier.arrive $0xFFFF  }
.LBB2_6:
0x1ad: {  	[smem:$0x7E3] =	sst s0  }
0x1ae: {  	s1 =	sshll.u32 s0, $0xC;
	s21 =	rddreg [dreg:$0x4]  }
0x1af: {  	s5 =	simm.s32 $0x1000;
	s3 =	simm.s32 $0x5;
	s2 =	sadd.s32 s1, s21  }
0x1b0: {  	[tilespmem:s5], [sflag:$0x5] =	stream.linear.gather [spmem:s2], $0x1000, $0x38;
	[tilespmem:$0x1D000] =	vst v63  }
0x1b1: {  	_ =	swait.ge [sflag:s3], $0x1000  }
0x1b2: {  	[sflag:s3] =	ssyncset.done $0x0  }
0x1b3: {  	[sflag:s3] =	ssyncadd.s32 $0xFFFFF000  }
0x1b4: {  	s26 =	rddreg [dreg:$0x5]  }
0x1b5: {  	s31 =	simm.s32 $0x2000;
	s1 =	sadd.s32 s1, s26  }
0x1b6: {  	[tilespmem:s31], [sflag:$0x5] =	stream.linear.gather [spmem:s1], $0x1000, $0x38;
	[tilespmem:$0x1D000] =	vst v63  }
0x1b7: {  	_ =	swait.ge [sflag:s3], $0x1000  }
0x1b8: {  	[sflag:s3] =	ssyncset.done $0x0  }
0x1b9: {  	s19 =	simm.s32 $0x0;
	s1 =	simm.s32 $0x3;
	[sflag:s3] =	ssyncadd.s32 $0xFFFFF000  }
0x1ba: {  	s17 =	sand.u32 $0x40, s19;
	_ =	swait.ge [sflag:s1], $0x4000  }
0x1bb: {  	s26 =	sor.u32 $0x30, s17;
	s3 =	sand.u32 $0x380, s19;
	[sflag:s1] =	ssyncset.done $0x0  }
0x1bc: {  	s8 =	sand.u32 $0x1C00, s19;
	s4 =	sor.u32 s3, s26;
	[sflag:s1] =	ssyncadd.s32 $0xFFFFC000  }
0x1bd: {  	s7 =	sadd.s32 $0x3000, s8;
	v4 =	vld [tilespmem:s4+$0x1000]  }
0x1be: {  	s9 =	sor.u32 s26, s7  }
0x1bf: {  	v7 =	vld [tilespmem:s9+$0x0]  }
0x1c0: {  	v5 =	vld [tilespmem:s4+$0x2000];
	_ =	sdelay $0x1  }
0x1c1: {  	v3 =	vand.u32 $0x7FFFFFFF, v4  }
0x1c2: {  	v6 =	vand.u32 $0x80000000, v4  }
0x1c3: {  	v4 =	vandn.u32 v7, v6  }
0x1c4: {  	v4 =	vmul.f32 v4, v5;
	_ =	sdelay $0x1  }
0x1c5: {  	[tilespmem:v3+s24+$0x0] =	vst.idx.add.f32.msk $0xffff, v4  }
0x1c6: {  	s4 =	simm.s32 $0x1000;
	v7 =	vld [tilespmem:s9+$0x80]  }
0x1c7: {  	v4 =	vld [tilespmem:s31+$0x0];
	[dreg:$0x7] =	wrdreg s4  }
0x1c8: {  	s6 =	sor.u32 $0x20, s17;
	s20 =	sor.u32 s17, s7;
	v8 =	vld [tilespmem:s5+$0x0]  }
0x1c9: {  	s11 =	sor.u32 $0x10, s17;
	s1 =	sor.u32 s3, s6;
	v9 =	vld [tilespmem:s20+$0x0]  }
0x1ca: {  	s5 =	sor.u32 s3, s11;
	v14 =	vld [tilespmem:s1+$0x1000]  }
0x1cb: {  	s21 =	sor.u32 s11, s7;
	v11 =	vld [tilespmem:s5+$0x1000];
	v7 =	vandn.u32 v7, v6  }
0x1cc: {  	v15 =	vld [tilespmem:s21+$0x0];
	v12 =	vmul.f32 v7, v5  }
0x1cd: {  	v10 =	vld [tilespmem:s5+$0x2000];
	v7 =	vand.u32 $0x7FFFFFFF, v8  }
0x1ce: {  	v8 =	vand.u32 $0x80000000, v8;
	[tilespmem:v3+s25+$0x0] =	vst.idx.add.f32.msk $0xffff, v12  }
0x1cf: {  	s31 =	sor.u32 s6, s7;
	v12 =	vandn.u32 v9, v8;
	v16 =	vld [tilespmem:s9+$0x100]  }
0x1d0: {  	v17 =	vld [tilespmem:s31+$0x0];
	v9 =	vand.u32 $0x7FFFFFFF, v11;
	v18 =	vmul.f32 v12, v4  }
0x1d1: {  	v13 =	vand.u32 $0x80000000, v11;
	v12 =	vld [tilespmem:s1+$0x2000]  }
0x1d2: {  	v11 =	vandn.u32 v15, v13;
	[tilespmem:v7+s24+$0x0] =	vst.idx.add.f32.msk $0xffff, v18  }
0x1d3: {  	v18 =	vmul.f32 v11, v10;
	v15 =	vld [tilespmem:s20+$0x80]  }
0x1d4: {  	v11 =	vand.u32 $0x7FFFFFFF, v14;
	v16 =	vandn.u32 v16, v6  }
0x1d5: {  	v14 =	vand.u32 $0x80000000, v14;
	[tilespmem:v9+s24+$0x0] =	vst.idx.add.f32.msk $0xffff, v18;
	v16 =	vmul.f32 v16, v5  }
0x1d6: {  	v17 =	vandn.u32 v17, v14;
	v18 =	vld [tilespmem:s21+$0x80]  }
0x1d7: {  	v17 =	vmul.f32 v17, v12;
	[tilespmem:v3+s10+$0x0] =	vst.idx.add.f32.msk $0xffff, v16  }
0x1d8: {  	v15 =	vandn.u32 v15, v8;
	v16 =	vld [tilespmem:s9+$0x180]  }
0x1d9: {  	[tilespmem:v11+s24+$0x0] =	vst.idx.add.f32.msk $0xffff, v17;
	v15 =	vmul.f32 v15, v4  }
0x1da: {  	v17 =	vld [tilespmem:s31+$0x80]  }
0x1db: {  	p0 =	por $0x0, $0x0;
	s1 =	simm.s32 $0x1;
	[tilespmem:v7+s25+$0x0] =	vst.idx.add.f32.msk $0xffff, v15;
	v15 =	vandn.u32 v18, v13  }
0x1dc: {  	s1 =	simm.s32 @!p0 $0x0;
	v18 =	vld [tilespmem:s20+$0x100];
	v15 =	vmul.f32 v15, v10  }
0x1dd: {  	s1 =	sshll.u32 s1, $0x6;
	v16 =	vandn.u32 v16, v6  }
0x1de: {  	s1 =	sadd.s32 $0x0, s1;
	[tilespmem:v9+s25+$0x0] =	vst.idx.add.f32.msk $0xffff, v15;
	v15 =	vmul.f32 v16, v5  }
0x1df: {  	s0 =	sadd.s32 $0x30, s1;
	v16 =	vandn.u32 v17, v14;
	v17 =	vld [tilespmem:s21+$0x100]  }
0x1e0: {  	s3 =	sor.u32 $0x200, s0;
	v16 =	vmul.f32 v16, v12;
	[tilespmem:v3+s12+$0x0] =	vst.idx.add.f32.msk $0xffff, v15  }
0x1e1: {  	v15 =	vandn.u32 v18, v8;
	v18 =	vld [tilespmem:s3+$0x3000]  }
0x1e2: {  	v15 =	vmul.f32 v15, v4;
	[tilespmem:v11+s25+$0x0] =	vst.idx.add.f32.msk $0xffff, v16  }
0x1e3: {  	v16 =	vld [tilespmem:s31+$0x100]  }
0x1e4: {  	[tilespmem:v7+s10+$0x0] =	vst.idx.add.f32.msk $0xffff, v15;
	v15 =	vandn.u32 v17, v13  }
0x1e5: {  	v17 =	vld [tilespmem:s20+$0x180];
	v15 =	vmul.f32 v15, v10  }
0x1e6: {  	v18 =	vandn.u32 v18, v6  }
0x1e7: {  	[tilespmem:v9+s10+$0x0] =	vst.idx.add.f32.msk $0xffff, v15;
	v15 =	vmul.f32 v18, v5  }
0x1e8: {  	v16 =	vandn.u32 v16, v14;
	v18 =	vld [tilespmem:s21+$0x180]  }
0x1e9: {  	s9 =	sor.u32 $0x280, s0;
	v16 =	vmul.f32 v16, v12;
	[tilespmem:v3+s30+$0x0] =	vst.idx.add.f32.msk $0xffff, v15  }
0x1ea: {  	v15 =	vandn.u32 v17, v8;
	v17 =	vld [tilespmem:s9+$0x3000]  }
0x1eb: {  	v15 =	vmul.f32 v15, v4;
	[tilespmem:v11+s10+$0x0] =	vst.idx.add.f32.msk $0xffff, v16  }
0x1ec: {  	v16 =	vld [tilespmem:s31+$0x180]  }
0x1ed: {  	s10 =	sor.u32 $0x200, s1;
	[tilespmem:v7+s12+$0x0] =	vst.idx.add.f32.msk $0xffff, v15;
	v15 =	vandn.u32 v18, v13  }
0x1ee: {  	v18 =	vld [tilespmem:s10+$0x3000];
	v15 =	vmul.f32 v15, v10  }
0x1ef: {  	s4 =	sadd.s32 $0x10, s1;
	v17 =	vandn.u32 v17, v6  }
0x1f0: {  	s20 =	sor.u32 $0x200, s4;
	[tilespmem:v9+s12+$0x0] =	vst.idx.add.f32.msk $0xffff, v15;
	v15 =	vmul.f32 v17, v5  }
0x1f1: {  	v16 =	vandn.u32 v16, v14;
	v17 =	vld [tilespmem:s20+$0x3000]  }
0x1f2: {  	s21 =	sor.u32 $0x300, s0;
	v16 =	vmul.f32 v16, v12;
	[tilespmem:v3+s13+$0x0] =	vst.idx.add.f32.msk $0xffff, v15  }
0x1f3: {  	s2 =	sadd.s32 $0x20, s1;
	v15 =	vandn.u32 v18, v8;
	v18 =	vld [tilespmem:s21+$0x3000]  }
0x1f4: {  	s24 =	sor.u32 $0x200, s2;
	[tilespmem:v11+s12+$0x0] =	vst.idx.add.f32.msk $0xffff, v16;
	v15 =	vmul.f32 v15, v4  }
0x1f5: {  	v16 =	vld [tilespmem:s24+$0x3000]  }
0x1f6: {  	s25 =	sor.u32 $0x280, s1;
	[tilespmem:v7+s30+$0x0] =	vst.idx.add.f32.msk $0xffff, v15;
	v15 =	vandn.u32 v17, v13  }
0x1f7: {  	v17 =	vld [tilespmem:s25+$0x3000];
	v15 =	vmul.f32 v15, v10  }
0x1f8: {  	v18 =	vandn.u32 v18, v6  }
0x1f9: {  	s31 =	sor.u32 $0x280, s4;
	[tilespmem:v9+s30+$0x0] =	vst.idx.add.f32.msk $0xffff, v15;
	v15 =	vmul.f32 v18, v5  }
0x1fa: {  	v16 =	vandn.u32 v16, v14;
	v18 =	vld [tilespmem:s31+$0x3000]  }
0x1fb: {  	s0 =	sor.u32 $0x380, s0;
	v16 =	vmul.f32 v16, v12;
	[tilespmem:v3+s29+$0x0] =	vst.idx.add.f32.msk $0xffff, v15  }
0x1fc: {  	v15 =	vandn.u32 v17, v8;
	v17 =	vld [tilespmem:s0+$0x3000]  }
0x1fd: {  	s3 =	sor.u32 $0x280, s2;
	[tilespmem:v11+s30+$0x0] =	vst.idx.add.f32.msk $0xffff, v16;
	v15 =	vmul.f32 v15, v4  }
0x1fe: {  	v16 =	vld [tilespmem:s3+$0x3000]  }
0x1ff: {  	s1 =	sor.u32 $0x300, s1;
	[tilespmem:v7+s13+$0x0] =	vst.idx.add.f32.msk $0xffff, v15;
	v15 =	vandn.u32 v18, v13  }
0x200: {  	v18 =	vld [tilespmem:s1+$0x3000];
	v15 =	vmul.f32 v15, v10  }
0x201: {  	v17 =	vandn.u32 v17, v6  }
0x202: {  	s7 =	sor.u32 $0x300, s4;
	[tilespmem:v9+s13+$0x0] =	vst.idx.add.f32.msk $0xffff, v15;
	v15 =	vmul.f32 v17, v5  }
0x203: {  	s9 =	sadd.s32 $0x5000, s8;
	v16 =	vandn.u32 v16, v14;
	v17 =	vld [tilespmem:s7+$0x3000]  }
0x204: {  	s10 =	sor.u32 s26, s9;
	v16 =	vmul.f32 v16, v12;
	[tilespmem:v3+s14+$0x0] =	vst.idx.add.f32.msk $0xffff, v15  }
0x205: {  	v15 =	vandn.u32 v18, v8;
	v18 =	vld [tilespmem:s10+$0x0]  }
0x206: {  	s12 =	sor.u32 $0x300, s2;
	v15 =	vmul.f32 v15, v4;
	[tilespmem:v11+s13+$0x0] =	vst.idx.add.f32.msk $0xffff, v16  }
0x207: {  	s13 =	sor.u32 s19, s19;
	v16 =	vld [tilespmem:s12+$0x3000]  }
0x208: {  	s19 =	sor.u32 $0x380, s13;
	[tilespmem:v7+s29+$0x0] =	vst.idx.add.f32.msk $0xffff, v15;
	v15 =	vandn.u32 v17, v13  }
0x209: {  	v17 =	vld [tilespmem:s19+$0x3000];
	v15 =	vmul.f32 v15, v10  }
0x20a: {  	v18 =	vandn.u32 v18, v6  }
0x20b: {  	s20 =	sor.u32 $0x380, s4;
	[tilespmem:v9+s29+$0x0] =	vst.idx.add.f32.msk $0xffff, v15;
	v15 =	vmul.f32 v18, v5  }
0x20c: {  	s21 =	sadd.s32 $0x5080, s8;
	v18 =	vld [tilespmem:s20+$0x3000];
	v16 =	vandn.u32 v16, v14  }
0x20d: {  	s24 =	sor.u32 s26, s21;
	v16 =	vmul.f32 v16, v12;
	[tilespmem:v3+s22+$0x0] =	vst.idx.add.f32.msk $0xffff, v15  }
0x20e: {  	v15 =	vandn.u32 v17, v8;
	v17 =	vld [tilespmem:s24+$0x0]  }
0x20f: {  	s25 =	sor.u32 $0x380, s2;
	v15 =	vmul.f32 v15, v4;
	[tilespmem:v11+s29+$0x0] =	vst.idx.add.f32.msk $0xffff, v16  }
0x210: {  	v16 =	vld [tilespmem:s25+$0x3000]  }
0x211: {  	s30 =	sor.u32 s17, s9;
	[tilespmem:v7+s14+$0x0] =	vst.idx.add.f32.msk $0xffff, v15;
	v15 =	vandn.u32 v18, v13  }
0x212: {  	v18 =	vld [tilespmem:s30+$0x0];
	v15 =	vmul.f32 v15, v10  }
0x213: {  	v17 =	vandn.u32 v17, v6  }
0x214: {  	s31 =	sor.u32 s11, s9;
	[tilespmem:v9+s14+$0x0] =	vst.idx.add.f32.msk $0xffff, v15;
	v15 =	vmul.f32 v17, v5  }
0x215: {  	s0 =	sadd.s32 $0x5100, s8;
	v17 =	vld [tilespmem:s31+$0x0];
	v16 =	vandn.u32 v16, v14  }
0x216: {  	s3 =	sor.u32 s26, s0;
	v16 =	vmul.f32 v16, v12;
	[tilespmem:v3+s23+$0x0] =	vst.idx.add.f32.msk $0xffff, v15  }
0x217: {  	v15 =	vandn.u32 v18, v8;
	v18 =	vld [tilespmem:s3+$0x0]  }
0x218: {  	s5 =	sor.u32 s6, s9;
	v15 =	vmul.f32 v15, v4;
	[tilespmem:v11+s14+$0x0] =	vst.idx.add.f32.msk $0xffff, v16  }
0x219: {  	v16 =	vld [tilespmem:s5+$0x0]  }
0x21a: {  	s7 =	sor.u32 s17, s21;
	[tilespmem:v7+s22+$0x0] =	vst.idx.add.f32.msk $0xffff, v15;
	v15 =	vandn.u32 v17, v13  }
0x21b: {  	v17 =	vld [tilespmem:s7+$0x0];
	v15 =	vmul.f32 v15, v10  }
0x21c: {  	v18 =	vandn.u32 v18, v6  }
0x21d: {  	s9 =	sor.u32 s11, s21;
	[tilespmem:v9+s22+$0x0] =	vst.idx.add.f32.msk $0xffff, v15;
	v15 =	vmul.f32 v18, v5  }
0x21e: {  	s10 =	sadd.s32 $0x5180, s8;
	v18 =	vld [tilespmem:s9+$0x0];
	v16 =	vandn.u32 v16, v14  }
0x21f: {  	s12 =	sor.u32 s26, s10;
	v16 =	vmul.f32 v16, v12;
	[tilespmem:v3+s15+$0x0] =	vst.idx.add.f32.msk $0xffff, v15  }
0x220: {  	v15 =	vandn.u32 v17, v8;
	v17 =	vld [tilespmem:s12+$0x0]  }
0x221: {  	s13 =	sor.u32 s6, s21;
	v15 =	vmul.f32 v15, v4;
	[tilespmem:v11+s22+$0x0] =	vst.idx.add.f32.msk $0xffff, v16  }
0x222: {  	v16 =	vld [tilespmem:s13+$0x0]  }
0x223: {  	s14 =	sor.u32 s17, s0;
	[tilespmem:v7+s23+$0x0] =	vst.idx.add.f32.msk $0xffff, v15;
	v15 =	vandn.u32 v18, v13  }
0x224: {  	v18 =	vld [tilespmem:s14+$0x0];
	v15 =	vmul.f32 v15, v10  }
0x225: {  	v17 =	vandn.u32 v17, v6  }
0x226: {  	s19 =	sor.u32 s11, s0;
	[tilespmem:v9+s23+$0x0] =	vst.idx.add.f32.msk $0xffff, v15;
	v15 =	vmul.f32 v17, v5  }
0x227: {  	s20 =	sadd.s32 $0x5200, s8;
	v17 =	vld [tilespmem:s19+$0x0];
	v16 =	vandn.u32 v16, v14  }
0x228: {  	s21 =	sor.u32 s26, s20;
	v16 =	vmul.f32 v16, v12;
	[tilespmem:v3+s16+$0x0] =	vst.idx.add.f32.msk $0xffff, v15  }
0x229: {  	v15 =	vandn.u32 v18, v8;
	v18 =	vld [tilespmem:s21+$0x0]  }
0x22a: {  	s22 =	sor.u32 s6, s0;
	v15 =	vmul.f32 v15, v4;
	[tilespmem:v11+s23+$0x0] =	vst.idx.add.f32.msk $0xffff, v16  }
0x22b: {  	v16 =	vld [tilespmem:s22+$0x0]  }
0x22c: {  	s23 =	sor.u32 s17, s10;
	[tilespmem:v7+s15+$0x0] =	vst.idx.add.f32.msk $0xffff, v15;
	v15 =	vandn.u32 v17, v13  }
0x22d: {  	v17 =	vld [tilespmem:s23+$0x0];
	v15 =	vmul.f32 v15, v10  }
0x22e: {  	v18 =	vandn.u32 v18, v6  }
0x22f: {  	s24 =	sor.u32 s11, s10;
	[tilespmem:v9+s15+$0x0] =	vst.idx.add.f32.msk $0xffff, v15;
	v15 =	vmul.f32 v18, v5  }
0x230: {  	s25 =	sadd.s32 $0x5280, s8;
	v19 =	vld [tilespmem:s24+$0x0];
	v16 =	vandn.u32 v16, v14  }
0x231: {  	s29 =	sor.u32 s26, s25;
	v18 =	vmul.f32 v16, v12;
	[tilespmem:v3+s18+$0x0] =	vst.idx.add.f32.msk $0xffff, v15  }
0x232: {  	v15 =	vandn.u32 v17, v8;
	v16 =	vld [tilespmem:s29+$0x0]  }
0x233: {  	s28 =	simm.s32 $0x0;
	s30 =	sor.u32 s6, s10;
	v15 =	vmul.f32 v15, v4;
	[tilespmem:v11+s15+$0x0] =	vst.idx.add.f32.msk $0xffff, v18  }
0x234: {  	s4 =	simm.s32 $0x0;
	s1 =	sor.u32 s6, s20;
	s2 =	sor.u32 s17, s25;
	v18 =	vld [tilespmem:s30+$0x0]  }
0x235: {  	s31 =	sor.u32 s17, s20;
	s5 =	sor.u32 s11, s20;
	s14 =	sor.u32 s6, s25;
	[tilespmem:v7+s16+$0x0] =	vst.idx.add.f32.msk $0xffff, v15;
	v15 =	vandn.u32 v19, v13  }
0x236: {  	s19 =	sor.u32 s11, s25;
	s10 =	simm.s32 $0x2040;
	s15 =	simm.s32 $0x0;
	v17 =	vld [tilespmem:s31+$0x0];
	v19 =	vmul.f32 v15, v10  }
.LBB2_7:
0x237: {  	_ = 	snop  }
0x238: {  	v15 =	vld [tilespmem:s10+$0x0];
	v16 =	vandn.u32 v16, v6  }
0x239: {  	[tilespmem:v9+s16+$0x0] =	vst.idx.add.f32.msk $0xffff, v19;
	v18 =	vandn.u32 v18, v14;
	v16 =	vmul.f32 v16, v5  }
0x23a: {  	s7 =	simm.s32 $0x1A000;
	v19 =	vld [tilespmem:s5+$0x0];
	v18 =	vmul.f32 v18, v12  }
0x23b: {  	s9 =	sadd.s32 $0x5300, s8;
	[tilespmem:v3+s7+$0x0] =	vst.idx.add.f32.msk $0xffff, v16  }
0x23c: {  	s15 =	sadd.s32 $0x40, s15;
	s3 =	sor.u32 s26, s9;
	v16 =	vandn.u32 v17, v8;
	[tilespmem:v11+s16+$0x0] =	vst.idx.add.f32.msk $0xffff, v18  }
0x23d: {  	s5 =	sand.u32 $0x40, s15;
	v17 =	vld [tilespmem:s3+$0x0];
	v16 =	vmul.f32 v16, v4  }
0x23e: {  	s13 =	simm.s32 $0x19000;
	s20 =	sand.u32 $0x380, s15;
	s25 =	sor.u32 $0x20, s5;
	v18 =	vld [tilespmem:s1+$0x0]  }
0x23f: {  	s30 =	sor.u32 s20, s25;
	[tilespmem:v7+s13+$0x0] =	vst.idx.add.f32.msk $0xffff, v16;
	v16 =	vandn.u32 v19, v13  }
0x240: {  	s12 =	sor.u32 s6, s9;
	v23 =	vld [tilespmem:s30+$0x1000];
	v16 =	vmul.f32 v16, v10  }
0x241: {  	[dreg:$0x1f] =	wrdreg s12;
	s12 =	sor.u32 $0x30, s5;
	s3 =	simm.s32 $0x19000;
	v19 =	vld [tilespmem:s2+$0x0]  }
0x242: {  	s23 =	sor.u32 $0x10, s5;
	s2 =	sor.u32 s20, s12;
	v17 =	vandn.u32 v17, v6;
	[tilespmem:v9+s3+$0x0] =	vst.idx.add.f32.msk $0xffff, v16  }
0x243: {  	s28 =	sadd.s32 $0x200, s28;
	s29 =	sor.u32 s20, s23;
	v16 =	vmul.f32 v17, v5;
	v17 =	vld [tilespmem:s2+$0x1000]  }
0x244: {  	s24 =	sadd.s32 $0x5380, s8;
	s21 =	simm.s32 $0x1B000;
	s8 =	sand.u32 $0x1C00, s28;
	v21 =	vld [tilespmem:s29+$0x1000]  }
0x245: {  	s22 =	sor.u32 s26, s24;
	s13 =	sadd.s32 $0x3000, s8;
	v18 =	vandn.u32 v18, v14;
	[tilespmem:v3+s21+$0x0] =	vst.idx.add.f32.msk $0xffff, v16  }
0x246: {  	s0 =	sor.u32 s17, s9;
	s18 =	sor.u32 s11, s9;
	s9 =	sor.u32 s12, s13;
	v25 =	vmul.f32 v18, v12;
	v18 =	vld [tilespmem:s22+$0x0]  }
0x247: {  	s16 =	rddreg [dreg:$0x7];
	v16 =	vandn.u32 v19, v8;
	v19 =	vld [tilespmem:s9+$0x0]  }
0x248: {  	[dreg:$0x1c] =	wrdreg s0;
	s0 =	sadd.s32 $0x40, s16;
	v24 =	vmul.f32 v16, v4;
	v16 =	vld [tilespmem:s2+$0x2000]  }
0x249: {  	v20 =	vld [tilespmem:s0+$0x0];
	s20 =	sor.u32 s25, s13  }
0x24a: {  	v29 =	vld [tilespmem:s20+$0x0];
	v26 =	vand.u32 $0x7FFFFFFF, v17  }
0x24b: {  	v37 =	vld [tilespmem:s19+$0x0];
	s22 =	sor.u32 s5, s13;
	v18 =	vandn.u32 v18, v6;
	v6 =	vand.u32 $0x80000000, v17  }
0x24c: {  	s26 =	sor.u32 s28, s15;
	s21 =	sor.u32 s23, s13;
	v27 =	vld [tilespmem:s22+$0x0];
	v17 =	vandn.u32 v19, v6;
	v19 =	vmul.f32 v18, v5  }
0x24d: {  	s13 =	sor.u32 $0x380, s26;
	s26 =	smov.u32 s12;
	s12 =	simm.s32 $0x1C000;
	v22 =	vand.u32 $0x80000000, v21;
	v18 =	vand.u32 $0x7FFFFFFF, v21;
	v21 =	vld [tilespmem:s30+$0x2000];
	v30 =	vmul.f32 v17, v16  }
0x24e: {  	s16 =	sor.u32 s11, s24;
	s11 =	smov.u32 s23;
	s23 =	simm.s32 $0xD000;
	[tilespmem:v3+s12+$0x0] =	vst.idx.add.f32.msk $0xffff, v19  }
0x24f: {  	[tilespmem:v26+s23+$0x0] =	vst.idx.add.f32.msk $0xffff, v30  }
0x250: {  	v5 =	vmov v16;
	v16 =	vand.u32 $0x7FFFFFFF, v20;
	v3 =	vmov v26;
	v26 =	vld [tilespmem:s9+$0x80]  }
0x251: {  	[dreg:$0x7] =	wrdreg s0;
	s0 =	simm.s32 $0x19000;
	v28 =	vld [tilespmem:s21+$0x0];
	v19 =	vand.u32 $0x80000000, v20  }
0x252: {  	[tilespmem:v11+s0+$0x0] =	vst.idx.add.f32.msk $0xffff, v25;
	v17 =	vand.u32 $0x7FFFFFFF, v23;
	v35 =	vandn.u32 v27, v19  }
0x253: {  	v20 =	vand.u32 $0x80000000, v23;
	v23 =	vld [tilespmem:s29+$0x2000];
	v27 =	vmul.f32 v35, v15  }
0x254: {  	v38 =	vld [tilespmem:s14+$0x0];
	v29 =	vandn.u32 v29, v20  }
0x255: {  	v29 =	vmul.f32 v29, v21;
	[tilespmem:v16+s23+$0x0] =	vst.idx.add.f32.msk $0xffff, v27;
	v26 =	vandn.u32 v26, v6  }
0x256: {  	v27 =	vld [tilespmem:s22+$0x80];
	v26 =	vmul.f32 v26, v5  }
0x257: {  	s3 =	sor.u32 s17, s24;
	s2 =	sor.u32 s6, s24;
	s24 =	simm.s32 $0xE000;
	v28 =	vandn.u32 v28, v22;
	[tilespmem:v17+s23+$0x0] =	vst.idx.add.f32.msk $0xffff, v29  }
0x258: {  	v36 =	vmul.f32 v28, v23;
	[tilespmem:v3+s24+$0x0] =	vst.idx.add.f32.msk $0xffff, v26  }
0x259: {  	v40 =	vld [tilespmem:s9+$0x100]  }
0x25a: {  	v43 =	vandn.u32 v38, v14;
	[tilespmem:v18+s23+$0x0] =	vst.idx.add.f32.msk $0xffff, v36  }
0x25b: {  	v41 =	vandn.u32 v37, v13;
	v29 =	vmul.f32 v43, v12;
	v42 =	vld [tilespmem:s21+$0x80]  }
0x25c: {  	v25 =	vmul.f32 v41, v10;
	v44 =	vld [tilespmem:s20+$0x80];
	v39 =	vandn.u32 v27, v19  }
0x25d: {  	[tilespmem:v11+s7+$0x0] =	vst.idx.add.f32.msk $0xffff, v29;
	v26 =	vmul.f32 v39, v15  }
0x25e: {  	[tilespmem:v9+s7+$0x0] =	vst.idx.add.f32.msk $0xffff, v25;
	v45 =	vandn.u32 v40, v6  }
0x25f: {  	[tilespmem:v16+s24+$0x0] =	vst.idx.add.f32.msk $0xffff, v26;
	v26 =	vmul.f32 v45, v5  }
0x260: {  	s1 =	simm.s32 $0xF000;
	v47 =	vandn.u32 v42, v22;
	v46 =	vld [tilespmem:s22+$0x100]  }
0x261: {  	v25 =	vmul.f32 v47, v23;
	[tilespmem:v3+s1+$0x0] =	vst.idx.add.f32.msk $0xffff, v26  }
0x262: {  	v49 =	vld [tilespmem:s9+$0x180]  }
0x263: {  	v48 =	vandn.u32 v44, v20;
	[tilespmem:v18+s24+$0x0] =	vst.idx.add.f32.msk $0xffff, v25  }
0x264: {  	v51 =	vld [tilespmem:s21+$0x100];
	v26 =	vmul.f32 v48, v21  }
0x265: {  	p0 =	por !p0, !p0;
	s17 =	smov.u32 s5;
	s5 =	simm.s32 $0x1;
	v58 =	vld [tilespmem:s18+$0x0];
	v27 =	vandn.u32 v46, v19  }
0x266: {  	s5 =	simm.s32 @!p0 $0x0;
	v50 =	vmul.f32 v27, v15;
	[tilespmem:v17+s24+$0x0] =	vst.idx.add.f32.msk $0xffff, v26  }
0x267: {  	s5 =	sshll.u32 s5, $0x6;
	v52 =	vld [tilespmem:s20+$0x100];
	v28 =	vandn.u32 v49, v6  }
0x268: {  	s12 =	sadd.s32 s5, s28;
	[tilespmem:v16+s1+$0x0] =	vst.idx.add.f32.msk $0xffff, v50;
	v53 =	vmul.f32 v28, v5  }
0x269: {  	[dreg:$0x15] =	wrdreg s3;
	s3 =	simm.s32 $0x10000;
	s9 =	sadd.s32 $0x30, s12;
	v54 =	vld [tilespmem:s22+$0x180]  }
0x26a: {  	s6 =	smov.u32 s25;
	s25 =	sor.u32 $0x200, s9;
	v55 =	vandn.u32 v51, v22;
	[tilespmem:v3+s3+$0x0] =	vst.idx.add.f32.msk $0xffff, v53  }
0x26b: {  	v25 =	vmul.f32 v55, v23;
	v56 =	vld [tilespmem:s25+$0x3000]  }
0x26c: {  	[tilespmem:v7+s7+$0x0] =	vst.idx.add.f32.msk $0xffff, v24;
	v27 =	vandn.u32 v52, v20  }
0x26d: {  	[tilespmem:v18+s1+$0x0] =	vst.idx.add.f32.msk $0xffff, v25;
	v57 =	vmul.f32 v27, v21  }
0x26e: {  	v60 =	vld [tilespmem:s21+$0x180];
	v28 =	vandn.u32 v54, v19  }
0x26f: {  	v59 =	vmul.f32 v28, v15;
	[tilespmem:v17+s1+$0x0] =	vst.idx.add.f32.msk $0xffff, v57  }
0x270: {  	v61 =	vld [tilespmem:s20+$0x180];
	v26 =	vandn.u32 v56, v6  }
0x271: {  	s0 =	sor.u32 $0x200, s12;
	[tilespmem:v16+s3+$0x0] =	vst.idx.add.f32.msk $0xffff, v59;
	v26 =	vmul.f32 v26, v5  }
0x272: {  	s21 =	simm.s32 $0x11000;
	v63 =	vld [tilespmem:s0+$0x3000]  }
0x273: {  	s1 =	sor.u32 $0x280, s9;
	[tilespmem:v3+s21+$0x0] =	vst.idx.add.f32.msk $0xffff, v26  }
0x274: {  	s7 =	rddreg [dreg:$0x1f];
	v24 =	vandn.u32 v60, v22;
	v26 =	vld [tilespmem:s1+$0x3000]  }
0x275: {  	s18 =	rddreg [dreg:$0x1c];
	v29 =	vld [tilespmem:s7+$0x0];
	v24 =	vmul.f32 v24, v23  }
0x276: {  	s14 =	sadd.s32 $0x10, s12;
	v33 =	vld [tilespmem:s18+$0x0];
	v28 =	vandn.u32 v61, v20  }
0x277: {  	s31 =	sor.u32 $0x200, s14;
	[tilespmem:v18+s3+$0x0] =	vst.idx.add.f32.msk $0xffff, v24;
	v28 =	vmul.f32 v28, v21  }
0x278: {  	s30 =	sadd.s32 $0x20, s12;
	v36 =	vld [tilespmem:s31+$0x3000];
	v35 =	vandn.u32 v63, v19  }
0x279: {  	s29 =	sor.u32 $0x200, s30;
	[tilespmem:v17+s3+$0x0] =	vst.idx.add.f32.msk $0xffff, v28;
	v34 =	vandn.u32 v26, v6;
	v26 =	vmul.f32 v35, v15  }
0x27a: {  	v28 =	vld [tilespmem:s29+$0x3000];
	v24 =	vmul.f32 v34, v5  }
0x27b: {  	s20 =	simm.s32 $0x12000;
	[tilespmem:v16+s21+$0x0] =	vst.idx.add.f32.msk $0xffff, v26  }
0x27c: {  	v62 =	vandn.u32 v58, v13;
	s25 =	sor.u32 $0x280, s12;
	[tilespmem:v3+s20+$0x0] =	vst.idx.add.f32.msk $0xffff, v24  }
0x27d: {  	v25 =	vmul.f32 v62, v10;
	v29 =	vandn.u32 v29, v14;
	s1 =	sor.u32 $0x300, s9;
	v26 =	vld [tilespmem:s25+$0x3000]  }
0x27e: {  	v29 =	vmul.f32 v29, v12;
	s3 =	simm.s32 $0x1B000;
	v27 =	vandn.u32 v36, v22;
	v38 =	vld [tilespmem:s1+$0x3000]  }
0x27f: {  	[tilespmem:v9+s3+$0x0] =	vst.idx.add.f32.msk $0xffff, v25;
	v27 =	vmul.f32 v27, v23  }
0x280: {  	[tilespmem:v11+s3+$0x0] =	vst.idx.add.f32.msk $0xffff, v29;
	v28 =	vandn.u32 v28, v20  }
0x281: {  	s24 =	sor.u32 $0x280, s14;
	[tilespmem:v18+s21+$0x0] =	vst.idx.add.f32.msk $0xffff, v27;
	v39 =	vmul.f32 v28, v21  }
0x282: {  	v42 =	vld [tilespmem:s24+$0x3000];
	v26 =	vandn.u32 v26, v19  }
0x283: {  	s5 =	sor.u32 $0x280, s30;
	[tilespmem:v17+s21+$0x0] =	vst.idx.add.f32.msk $0xffff, v39;
	v40 =	vandn.u32 v38, v6;
	v26 =	vmul.f32 v26, v15  }
0x284: {  	v43 =	vld [tilespmem:s5+$0x3000];
	v41 =	vmul.f32 v40, v5  }
0x285: {  	s18 =	simm.s32 $0x13000;
	[tilespmem:v16+s20+$0x0] =	vst.idx.add.f32.msk $0xffff, v26  }
0x286: {  	s12 =	sor.u32 $0x300, s12;
	[tilespmem:v3+s18+$0x0] =	vst.idx.add.f32.msk $0xffff, v41  }
0x287: {  	s24 =	sor.u32 $0x380, s9;
	v27 =	vandn.u32 v42, v22;
	v26 =	vld [tilespmem:s12+$0x3000]  }
0x288: {  	v27 =	vmul.f32 v27, v23;
	v25 =	vld [tilespmem:s24+$0x3000]  }
0x289: {  	v37 =	vandn.u32 v33, v8;
	v45 =	vld [tilespmem:s16+$0x0]  }
0x28a: {  	s23 =	sor.u32 $0x300, s14;
	v24 =	vmul.f32 v37, v4;
	[tilespmem:v18+s20+$0x0] =	vst.idx.add.f32.msk $0xffff, v27;
	v46 =	vandn.u32 v43, v20  }
0x28b: {  	s7 =	simm.s32 $0x1B000;
	v47 =	vld [tilespmem:s23+$0x3000];
	v27 =	vmul.f32 v46, v21  }
0x28c: {  	[tilespmem:v7+s7+$0x0] =	vst.idx.add.f32.msk $0xffff, v24;
	v26 =	vandn.u32 v26, v19  }
0x28d: {  	s22 =	sor.u32 $0x300, s30;
	[tilespmem:v17+s20+$0x0] =	vst.idx.add.f32.msk $0xffff, v27;
	v44 =	vandn.u32 v25, v6;
	v48 =	vmul.f32 v26, v15  }
0x28e: {  	v50 =	vld [tilespmem:s22+$0x3000];
	v24 =	vmul.f32 v44, v5  }
0x28f: {  	s19 =	sor.u32 $0x380, s14;
	s14 =	sor.u32 $0x380, s30;
	s30 =	simm.s32 $0x14000;
	[tilespmem:v16+s18+$0x0] =	vst.idx.add.f32.msk $0xffff, v48  }
0x290: {  	s25 =	sadd.s32 $0x5000, s8;
	[tilespmem:v3+s30+$0x0] =	vst.idx.add.f32.msk $0xffff, v24  }
0x291: {  	s3 =	sor.u32 s26, s25;
	v25 =	vandn.u32 v45, v13;
	v13 =	vmov v22;
	v24 =	vld [tilespmem:s13+$0x3000]  }
0x292: {  	v25 =	vmul.f32 v25, v10;
	v10 =	vmov v23;
	v51 =	vandn.u32 v47, v13;
	v49 =	vld [tilespmem:s3+$0x0]  }
0x293: {  	v27 =	vld [tilespmem:s2+$0x0];
	v23 =	vmul.f32 v51, v10  }
0x294: {  	v22 =	vandn.u32 v50, v20  }
0x295: {  	v22 =	vmul.f32 v22, v21;
	[tilespmem:v18+s18+$0x0] =	vst.idx.add.f32.msk $0xffff, v23  }
0x296: {  	v53 =	vld [tilespmem:s19+$0x3000];
	v54 =	vandn.u32 v24, v19  }
0x297: {  	[tilespmem:v17+s18+$0x0] =	vst.idx.add.f32.msk $0xffff, v22;
	v26 =	vandn.u32 v49, v6;
	v23 =	vmul.f32 v54, v15  }
0x298: {  	v56 =	vandn.u32 v27, v14;
	v14 =	vmov v20;
	v20 =	vld [tilespmem:s14+$0x3000];
	v52 =	vmul.f32 v26, v5  }
0x299: {  	s22 =	simm.s32 $0x15000;
	[tilespmem:v16+s30+$0x0] =	vst.idx.add.f32.msk $0xffff, v23  }
0x29a: {  	s16 =	sadd.s32 $0x5080, s8;
	s29 =	sor.u32 s17, s25;
	[tilespmem:v3+s22+$0x0] =	vst.idx.add.f32.msk $0xffff, v52  }
0x29b: {  	s19 =	sor.u32 s26, s16;
	v23 =	vld [tilespmem:s29+$0x0]  }
0x29c: {  	s24 =	rddreg [dreg:$0x15];
	v57 =	vandn.u32 v53, v13;
	v55 =	vld [tilespmem:s19+$0x0]  }
0x29d: {  	v22 =	vmul.f32 v56, v12;
	v12 =	vmov v21;
	v21 =	vmul.f32 v57, v10;
	v58 =	vld [tilespmem:s24+$0x0]  }
0x29e: {  	v20 =	vandn.u32 v20, v14  }
0x29f: {  	s1 =	sor.u32 s11, s25;
	v20 =	vmul.f32 v20, v12;
	[tilespmem:v18+s30+$0x0] =	vst.idx.add.f32.msk $0xffff, v21  }
0x2a0: {  	v60 =	vld [tilespmem:s1+$0x0];
	v61 =	vandn.u32 v23, v19  }
0x2a1: {  	s5 =	sor.u32 s6, s25;
	[tilespmem:v17+s30+$0x0] =	vst.idx.add.f32.msk $0xffff, v20;
	v24 =	vandn.u32 v55, v6;
	v21 =	vmul.f32 v61, v15  }
0x2a2: {  	v20 =	vandn.u32 v58, v8;
	v8 =	vmov v19;
	v19 =	vld [tilespmem:s5+$0x0];
	v59 =	vmul.f32 v24, v5  }
0x2a3: {  	s25 =	sadd.s32 $0x5100, s8;
	s23 =	simm.s32 $0x16000;
	[tilespmem:v16+s22+$0x0] =	vst.idx.add.f32.msk $0xffff, v21  }
0x2a4: {  	s3 =	sor.u32 s26, s25;
	[tilespmem:v3+s23+$0x0] =	vst.idx.add.f32.msk $0xffff, v59  }
0x2a5: {  	s13 =	sor.u32 s17, s16;
	v20 =	vmul.f32 v20, v4;
	v4 =	vmov v15;
	v15 =	vandn.u32 v60, v13;
	v62 =	vld [tilespmem:s3+$0x0]  }
0x2a6: {  	v15 =	vmul.f32 v15, v10;
	v21 =	vld [tilespmem:s13+$0x0];
	s13 =	simm.s32 $0x1C000  }
0x2a7: {  	[tilespmem:v9+s13+$0x0] =	vst.idx.add.f32.msk $0xffff, v25;
	v19 =	vandn.u32 v19, v14  }
0x2a8: {  	s9 =	sor.u32 s11, s16;
	[tilespmem:v18+s22+$0x0] =	vst.idx.add.f32.msk $0xffff, v15;
	v19 =	vmul.f32 v19, v12  }
0x2a9: {  	v9 =	vmov v18;
	v18 =	vld [tilespmem:s9+$0x0]  }
0x2aa: {  	s2 =	sor.u32 s6, s16;
	[tilespmem:v17+s22+$0x0] =	vst.idx.add.f32.msk $0xffff, v19;
	v23 =	vandn.u32 v62, v6  }
0x2ab: {  	v19 =	vld [tilespmem:s2+$0x0];
	v15 =	vmul.f32 v23, v5  }
0x2ac: {  	s31 =	simm.s32 $0x17000;
	s7 =	sor.u32 s6, s25;
	s19 =	sadd.s32 $0x5180, s8;
	[tilespmem:v11+s13+$0x0] =	vst.idx.add.f32.msk $0xffff, v22  }
0x2ad: {  	s29 =	sor.u32 s17, s25;
	s1 =	sor.u32 s11, s25;
	s25 =	sor.u32 s26, s19;
	[tilespmem:v3+s31+$0x0] =	vst.idx.add.f32.msk $0xffff, v15  }
0x2ae: {  	v11 =	vmov v17;
	v15 =	vandn.u32 v21, v8;
	v63 =	vld [tilespmem:s25+$0x0]  }
0x2af: {  	v15 =	vmul.f32 v15, v4  }
0x2b0: {  	v19 =	vandn.u32 v19, v14  }
0x2b1: {  	v19 =	vmul.f32 v19, v12;
	[tilespmem:v16+s23+$0x0] =	vst.idx.add.f32.msk $0xffff, v15;
	v15 =	vandn.u32 v18, v13  }
0x2b2: {  	v18 =	vld [tilespmem:s29+$0x0];
	v15 =	vmul.f32 v15, v10  }
0x2b3: {  	[tilespmem:v11+s23+$0x0] =	vst.idx.add.f32.msk $0xffff, v19;
	v21 =	vandn.u32 v63, v6  }
0x2b4: {  	[tilespmem:v9+s23+$0x0] =	vst.idx.add.f32.msk $0xffff, v15;
	v15 =	vmul.f32 v21, v5  }
0x2b5: {  	s16 =	simm.s32 $0x18000;
	s24 =	sor.u32 s17, s19;
	s2 =	sadd.s32 $0x5200, s8;
	v17 =	vld [tilespmem:s1+$0x0]  }
0x2b6: {  	s14 =	sor.u32 s11, s19;
	s9 =	sor.u32 s6, s19;
	s19 =	sor.u32 s26, s2;
	[tilespmem:v3+s16+$0x0] =	vst.idx.add.f32.msk $0xffff, v15  }
0x2b7: {  	v15 =	vandn.u32 v18, v8;
	v18 =	vld [tilespmem:s19+$0x0]  }
0x2b8: {  	v19 =	vld [tilespmem:s7+$0x0];
	v15 =	vmul.f32 v15, v4;
	_ =	sdelay $0x1  }
0x2b9: {  	[tilespmem:v16+s31+$0x0] =	vst.idx.add.f32.msk $0xffff, v15;
	v15 =	vandn.u32 v17, v13  }
0x2ba: {  	s29 =	simm.s32 $0x1C000;
	v17 =	vld [tilespmem:s24+$0x0];
	v15 =	vmul.f32 v15, v10  }
0x2bb: {  	[tilespmem:v7+s29+$0x0] =	vst.idx.add.f32.msk $0xffff, v20;
	v18 =	vandn.u32 v18, v6  }
0x2bc: {  	v7 =	vmov v16;
	v16 =	vandn.u32 v19, v14;
	[tilespmem:v9+s31+$0x0] =	vst.idx.add.f32.msk $0xffff, v15;
	v15 =	vmul.f32 v18, v5  }
0x2bd: {  	s4 =	sadd.s32 $0x4, s4;
	s25 =	simm.s32 $0x19000;
	v20 =	vld [tilespmem:s14+$0x0];
	v18 =	vmul.f32 v16, v12  }
0x2be: {  	p1 =	slt.u32 s4, $0x3C;
	s24 =	sadd.s32 $0x5280, s8;
	[tilespmem:v3+s25+$0x0] =	vst.idx.add.f32.msk $0xffff, v15  }
.Ltmp2:
0x2bf: {  	s29 =	sor.u32 s26, s24;
	v15 =	vandn.u32 v17, v8;
	[tilespmem:v11+s31+$0x0] =	vst.idx.add.f32.msk $0xffff, v18;
	(pc) =	sbr.rel @p1 .LBB2_7-.Ltmp2, $4  }
0x2c0: {  	v16 =	vld [tilespmem:s29+$0x0];
	v15 =	vmul.f32 v15, v4  }
0x2c1: {  	s10 =	sadd.s32 $0x40, s10;
	v18 =	vld [tilespmem:s9+$0x0]  }
0x2c2: {  	s12 =	sor.u32 s17, s2;
	s5 =	sor.u32 s11, s2;
	s1 =	sor.u32 s6, s2;
	[tilespmem:v7+s16+$0x0] =	vst.idx.add.f32.msk $0xffff, v15;
	v15 =	vandn.u32 v20, v13  }
0x2c3: {  	s2 =	sor.u32 s17, s24;
	s19 =	sor.u32 s11, s24;
	s14 =	sor.u32 s6, s24;
	v17 =	vld [tilespmem:s12+$0x0];
	v19 =	vmul.f32 v15, v10  }
0x2c4: {  	_ =	sdelay $0x2  }
0x2c5: {  	v15 =	vandn.u32 v18, v14  }
0x2c6: {  	[tilespmem:v9+s16+$0x0] =	vst.idx.add.f32.msk $0xffff, v19;
	v15 =	vmul.f32 v15, v12  }
0x2c7: {  	v18 =	vld [tilespmem:s5+$0x0]  }
0x2c8: {  	[tilespmem:v11+s16+$0x0] =	vst.idx.add.f32.msk $0xffff, v15  }
0x2c9: {  	v15 =	vld [tilespmem:s1+$0x0];
	_ =	sdelay $0x1  }
0x2ca: {  	v17 =	vandn.u32 v17, v8  }
0x2cb: {  	v17 =	vmul.f32 v17, v4;
	v18 =	vandn.u32 v18, v13  }
0x2cc: {  	s13 =	simm.s32 $0x19000;
	v18 =	vmul.f32 v18, v10  }
0x2cd: {  	[tilespmem:v7+s13+$0x0] =	vst.idx.add.f32.msk $0xffff, v17;
	v15 =	vandn.u32 v15, v14  }
0x2ce: {  	[tilespmem:v9+s13+$0x0] =	vst.idx.add.f32.msk $0xffff, v18;
	v15 =	vmul.f32 v15, v12  }
0x2cf: {  	v18 =	vld [tilespmem:s2+$0x0]  }
0x2d0: {  	[tilespmem:v11+s13+$0x0] =	vst.idx.add.f32.msk $0xffff, v15  }
0x2d1: {  	v15 =	vld [tilespmem:s19+$0x0]  }
0x2d2: {  	v17 =	vld [tilespmem:s14+$0x0]  }
0x2d3: {  	v16 =	vandn.u32 v16, v6  }
0x2d4: {  	v16 =	vmul.f32 v16, v5  }
0x2d5: {  	s0 =	sadd.s32 $0x5300, s8;
	s12 =	simm.s32 $0x1A000;
	v18 =	vandn.u32 v18, v8  }
0x2d6: {  	s15 =	sor.u32 s26, s0;
	[tilespmem:v3+s12+$0x0] =	vst.idx.add.f32.msk $0xffff, v16;
	v18 =	vmul.f32 v18, v4  }
0x2d7: {  	v15 =	vandn.u32 v15, v13;
	v16 =	vandn.u32 v17, v14;
	v17 =	vld [tilespmem:s15+$0x0]  }
0x2d8: {  	s24 =	sor.u32 s6, s0;
	s19 =	sor.u32 s11, s0;
	s0 =	sor.u32 s17, s0;
	[tilespmem:v7+s12+$0x0] =	vst.idx.add.f32.msk $0xffff, v18;
	v15 =	vmul.f32 v15, v10  }
0x2d9: {  	v18 =	vld [tilespmem:s0+$0x0]  }
0x2da: {  	v16 =	vmul.f32 v16, v12;
	[tilespmem:v9+s12+$0x0] =	vst.idx.add.f32.msk $0xffff, v15  }
0x2db: {  	v15 =	vld [tilespmem:s19+$0x0]  }
0x2dc: {  	[tilespmem:v11+s12+$0x0] =	vst.idx.add.f32.msk $0xffff, v16;
	v17 =	vandn.u32 v17, v6  }
0x2dd: {  	v16 =	vld [tilespmem:s24+$0x0];
	v17 =	vmul.f32 v17, v5  }
0x2de: {  	s25 =	sadd.s32 $0x5380, s8;
	s3 =	simm.s32 $0x1B000;
	v18 =	vandn.u32 v18, v8  }
0x2df: {  	s4 =	sor.u32 s26, s25;
	v18 =	vmul.f32 v18, v4;
	[tilespmem:v3+s3+$0x0] =	vst.idx.add.f32.msk $0xffff, v17  }
0x2e0: {  	v15 =	vandn.u32 v15, v13;
	v17 =	vld [tilespmem:s4+$0x0]  }
0x2e1: {  	s0 =	sor.u32 s17, s25;
	[tilespmem:v7+s3+$0x0] =	vst.idx.add.f32.msk $0xffff, v18;
	v15 =	vmul.f32 v15, v10  }
0x2e2: {  	v18 =	vld [tilespmem:s0+$0x0];
	v16 =	vandn.u32 v16, v14  }
0x2e3: {  	s5 =	sor.u32 s11, s25;
	v16 =	vmul.f32 v16, v12;
	[tilespmem:v9+s3+$0x0] =	vst.idx.add.f32.msk $0xffff, v15  }
0x2e4: {  	v15 =	vld [tilespmem:s5+$0x0]  }
0x2e5: {  	s7 =	sor.u32 s6, s25;
	[tilespmem:v11+s3+$0x0] =	vst.idx.add.f32.msk $0xffff, v16;
	v6 =	vandn.u32 v17, v6  }
0x2e6: {  	v16 =	vld [tilespmem:s7+$0x0];
	v5 =	vmul.f32 v6, v5  }
0x2e7: {  	s10 =	simm.s32 $0x1C000;
	s8 =	sld [smem:$0x7E3]  }
0x2e8: {  	[tilespmem:v3+s10+$0x0] =	vst.idx.add.f32.msk $0xffff, v5  }
0x2e9: {  	v6 =	vandn.u32 v15, v13;
	s11 =	sld [smem:$0x7EA]  }
0x2ea: {  	s9 =	sshll.u32 s8, $0xF;
	v5 =	vandn.u32 v18, v8;
	v6 =	vmul.f32 v6, v10  }
0x2eb: {  	v10 =	vandn.u32 v16, v14;
	[smem:$0x7E1] =	sst s9;
	v4 =	vmul.f32 v5, v4  }
0x2ec: {  	v3 =	vmul.f32 v10, v12;
	[tilespmem:v9+s10+$0x0] =	vst.idx.add.f32.msk $0xffff, v6;
	s0 =	sor.u32 s9, s11  }
0x2ed: {  	s14 =	rddreg [dreg:$0x0];
	s17 =	simm.s32 $0x80000;
	[tilespmem:v7+s10+$0x0] =	vst.idx.add.f32.msk $0xffff, v4;
	s0 =	sshrl.u32 s0, $0x3  }
0x2ee: {  	s15 =	simm.s32 $0x2000;
	s19 =	simm.s32 $0x4;
	[tilespmem:v11+s10+$0x0] =	vst.idx.add.f32.msk $0xffff, v3;
	s0 =	sadd.s32 s0, s14  }
0x2ef: {  	s3 =	simm.s32 $0x3000;
	[smem:$0x7E2] =	sst s0;
	s0 =	sadd.s32 $0x800, s0  }
0x2f0: {  	[tilespmem:s3], [sflag:$0x3] =	stream.strided.gather [hbm4b:s0+s15], $0x4000, s17, s15, $0x38;
	[tilespmem:$0x1D000] =	vst v63  }
0x2f1: {  	_ =	swait.ge [sflag:s19], $0x4000  }
0x2f2: {  	s28 =	simm.s32 $0x1430;
	s1 =	simm.s32 $0x0;
	[sflag:s19] =	ssyncset.done $0x0  }
0x2f3: {  	s4 =	sand.u32 $0x1C00, s1;
	s8 =	sand.u32 $0x40, s1;
	[sflag:s19] =	ssyncadd.s32 $0xFFFFC000  }
0x2f4: {  	s24 =	sadd.s32 $0x7000, s4;
	s6 =	sor.u32 $0x30, s8;
	v5 =	vld [tilespmem:s28+$0x0]  }
0x2f5: {  	s7 =	sor.u32 s6, s24  }
0x2f6: {  	s9 =	simm.s32 $0x2430;
	v6 =	vld [tilespmem:s7+$0x0]  }
0x2f7: {  	v4 =	vld [tilespmem:s9+$0x0];
	_ =	sdelay $0x1  }
0x2f8: {  	v3 =	vand.u32 $0x7FFFFFFF, v5  }
0x2f9: {  	v5 =	vand.u32 $0x80000000, v5  }
0x2fa: {  	v6 =	vandn.u32 v6, v5  }
0x2fb: {  	v6 =	vmul.f32 v6, v4  }
0x2fc: {  	s25 =	simm.s32 $0xD000  }
0x2fd: {  	[tilespmem:v3+s25+$0x0] =	vst.idx.add.f32.msk $0xffff, v6  }
0x2fe: {  	v6 =	vld [tilespmem:s7+$0x80];
	_ =	sdelay $0x4  }
0x2ff: {  	v6 =	vandn.u32 v6, v5  }
0x300: {  	v6 =	vmul.f32 v6, v4  }
0x301: {  	s15 =	simm.s32 $0xE000  }
0x302: {  	[tilespmem:v3+s15+$0x0] =	vst.idx.add.f32.msk $0xffff, v6  }
0x303: {  	v6 =	vld [tilespmem:s7+$0x100];
	_ =	sdelay $0x1  }
0x304: {  	v8 =	vld [tilespmem:s28+$0xFFFFFFD0]  }
0x305: {  	s26 =	sor.u32 $0x10, s8;
	s5 =	sor.u32 s8, s24;
	v11 =	vld [tilespmem:s28+$0xFFFFFFE0]  }
0x306: {  	s3 =	sor.u32 s26, s24;
	v12 =	vld [tilespmem:s5+$0x0]  }
0x307: {  	v13 =	vld [tilespmem:s3+$0x0];
	v6 =	vandn.u32 v6, v5  }
0x308: {  	v7 =	vld [tilespmem:s9+$0xFFFFFFD0];
	v10 =	vmul.f32 v6, v4  }
0x309: {  	s14 =	simm.s32 $0xF000;
	v9 =	vld [tilespmem:s9+$0xFFFFFFE0]  }
0x30a: {  	v6 =	vand.u32 $0x7FFFFFFF, v8;
	[tilespmem:v3+s14+$0x0] =	vst.idx.add.f32.msk $0xffff, v10  }
0x30b: {  	s0 =	sor.u32 $0x20, s8;
	v10 =	vand.u32 $0x80000000, v8;
	v14 =	vld [tilespmem:s7+$0x180]  }
0x30c: {  	s19 =	simm.s32 $0x2430;
	v15 =	vld [tilespmem:s28+$0xFFFFFFF0];
	v8 =	vand.u32 $0x7FFFFFFF, v11;
	s7 =	sor.u32 s0, s24;
	v12 =	vandn.u32 v12, v10  }
0x30d: {  	v11 =	vand.u32 $0x80000000, v11;
	v16 =	vld [tilespmem:s7+$0x0];
	v17 =	vmul.f32 v12, v7;
	[dreg:$0xa] =	wrdreg s19  }
0x30e: {  	p0 =	por $0x0, $0x0;
	s2 =	simm.s32 $0x1;
	v13 =	vandn.u32 v13, v11;
	v12 =	vld [tilespmem:s9+$0xFFFFFFF0]  }
0x30f: {  	s2 =	simm.s32 @!p0 $0x0;
	v18 =	vmul.f32 v13, v9;
	[tilespmem:v6+s25+$0x0] =	vst.idx.add.f32.msk $0xffff, v17  }
0x310: {  	s2 =	sshll.u32 s2, $0x6;
	v17 =	vld [tilespmem:s5+$0x80];
	v14 =	vandn.u32 v14, v5  }
0x311: {  	s2 =	sadd.s32 $0x0, s2;
	v13 =	vand.u32 $0x7FFFFFFF, v15;
	[tilespmem:v8+s25+$0x0] =	vst.idx.add.f32.msk $0xffff, v18;
	v18 =	vmul.f32 v14, v4  }
0x312: {  	s10 =	simm.s32 $0x10000;
	s9 =	sadd.s32 $0x30, s2;
	v14 =	vand.u32 $0x80000000, v15;
	v15 =	vld [tilespmem:s3+$0x80]  }
0x313: {  	s24 =	sor.u32 $0x200, s9;
	v16 =	vandn.u32 v16, v14;
	[tilespmem:v3+s10+$0x0] =	vst.idx.add.f32.msk $0xffff, v18  }
0x314: {  	v16 =	vmul.f32 v16, v12;
	v18 =	vld [tilespmem:s24+$0x7000]  }
0x315: {  	v17 =	vandn.u32 v17, v10  }
0x316: {  	[tilespmem:v13+s25+$0x0] =	vst.idx.add.f32.msk $0xffff, v16;
	v16 =	vmul.f32 v17, v7  }
0x317: {  	v17 =	vld [tilespmem:s7+$0x80];
	v15 =	vandn.u32 v15, v11  }
0x318: {  	v15 =	vmul.f32 v15, v9;
	[tilespmem:v6+s15+$0x0] =	vst.idx.add.f32.msk $0xffff, v16  }
0x319: {  	v16 =	vld [tilespmem:s5+$0x100];
	v18 =	vandn.u32 v18, v5  }
0x31a: {  	[tilespmem:v8+s15+$0x0] =	vst.idx.add.f32.msk $0xffff, v15;
	v15 =	vmul.f32 v18, v4  }
0x31b: {  	v18 =	vld [tilespmem:s3+$0x100]  }
0x31c: {  	s25 =	sor.u32 $0x280, s9;
	v17 =	vandn.u32 v17, v14;
	[tilespmem:v3+s21+$0x0] =	vst.idx.add.f32.msk $0xffff, v15  }
0x31d: {  	v15 =	vmul.f32 v17, v12;
	v17 =	vld [tilespmem:s25+$0x7000]  }
0x31e: {  	v16 =	vandn.u32 v16, v10  }
0x31f: {  	[tilespmem:v13+s15+$0x0] =	vst.idx.add.f32.msk $0xffff, v15;
	v15 =	vmul.f32 v16, v7  }
0x320: {  	v16 =	vld [tilespmem:s7+$0x100];
	v18 =	vandn.u32 v18, v11  }
0x321: {  	v18 =	vmul.f32 v18, v9;
	[tilespmem:v6+s14+$0x0] =	vst.idx.add.f32.msk $0xffff, v15  }
0x322: {  	v15 =	vld [tilespmem:s5+$0x180];
	v17 =	vandn.u32 v17, v5  }
0x323: {  	[tilespmem:v8+s14+$0x0] =	vst.idx.add.f32.msk $0xffff, v18;
	v17 =	vmul.f32 v17, v4  }
0x324: {  	v18 =	vld [tilespmem:s3+$0x180]  }
0x325: {  	s15 =	sor.u32 $0x300, s9;
	v16 =	vandn.u32 v16, v14;
	[tilespmem:v3+s20+$0x0] =	vst.idx.add.f32.msk $0xffff, v17  }
0x326: {  	v16 =	vmul.f32 v16, v12;
	v17 =	vld [tilespmem:s15+$0x7000]  }
0x327: {  	v15 =	vandn.u32 v15, v10  }
0x328: {  	[tilespmem:v13+s14+$0x0] =	vst.idx.add.f32.msk $0xffff, v16;
	v15 =	vmul.f32 v15, v7  }
0x329: {  	v16 =	vld [tilespmem:s7+$0x180];
	v18 =	vandn.u32 v18, v11  }
0x32a: {  	s17 =	sor.u32 $0x200, s2;
	[tilespmem:v6+s10+$0x0] =	vst.idx.add.f32.msk $0xffff, v15;
	v15 =	vmul.f32 v18, v9  }
0x32b: {  	s5 =	sadd.s32 $0x10, s2;
	v18 =	vld [tilespmem:s17+$0x7000];
	v17 =	vandn.u32 v17, v5  }
0x32c: {  	s19 =	sor.u32 $0x200, s5;
	[tilespmem:v8+s10+$0x0] =	vst.idx.add.f32.msk $0xffff, v15;
	v15 =	vmul.f32 v17, v4  }
0x32d: {  	v17 =	vld [tilespmem:s19+$0x7000]  }
0x32e: {  	s24 =	sor.u32 $0x380, s9;
	v16 =	vandn.u32 v16, v14;
	[tilespmem:v3+s18+$0x0] =	vst.idx.add.f32.msk $0xffff, v15  }
0x32f: {  	v15 =	vmul.f32 v16, v12;
	v16 =	vld [tilespmem:s24+$0x7000]  }
0x330: {  	s7 =	sadd.s32 $0x20, s2;
	v18 =	vandn.u32 v18, v10  }
0x331: {  	s25 =	sor.u32 $0x200, s7;
	[tilespmem:v13+s10+$0x0] =	vst.idx.add.f32.msk $0xffff, v15;
	v15 =	vmul.f32 v18, v7  }
0x332: {  	v18 =	vld [tilespmem:s25+$0x7000];
	v17 =	vandn.u32 v17, v11  }
0x333: {  	s9 =	sor.u32 $0x280, s2;
	[tilespmem:v6+s21+$0x0] =	vst.idx.add.f32.msk $0xffff, v15;
	v15 =	vmul.f32 v17, v9  }
0x334: {  	v17 =	vld [tilespmem:s9+$0x7000];
	v16 =	vandn.u32 v16, v5  }
0x335: {  	s10 =	sor.u32 $0x280, s5;
	[tilespmem:v8+s21+$0x0] =	vst.idx.add.f32.msk $0xffff, v15;
	v15 =	vmul.f32 v16, v4  }
0x336: {  	s3 =	sadd.s32 $0x9000, s4;
	v16 =	vld [tilespmem:s10+$0x7000]  }
0x337: {  	s11 =	sor.u32 s6, s3;
	v18 =	vandn.u32 v18, v14;
	[tilespmem:v3+s30+$0x0] =	vst.idx.add.f32.msk $0xffff, v15  }
0x338: {  	v15 =	vmul.f32 v18, v12;
	v18 =	vld [tilespmem:s11+$0x0]  }
0x339: {  	v17 =	vandn.u32 v17, v10  }
0x33a: {  	s14 =	sor.u32 $0x280, s7;
	[tilespmem:v13+s21+$0x0] =	vst.idx.add.f32.msk $0xffff, v15;
	v15 =	vmul.f32 v17, v7  }
0x33b: {  	v17 =	vld [tilespmem:s14+$0x7000];
	v16 =	vandn.u32 v16, v11  }
0x33c: {  	s2 =	sor.u32 $0x300, s2;
	[tilespmem:v6+s20+$0x0] =	vst.idx.add.f32.msk $0xffff, v15;
	v15 =	vmul.f32 v16, v9  }
0x33d: {  	v16 =	vld [tilespmem:s2+$0x7000];
	v18 =	vandn.u32 v18, v5  }
0x33e: {  	s15 =	sor.u32 $0x300, s5;
	[tilespmem:v8+s20+$0x0] =	vst.idx.add.f32.msk $0xffff, v15;
	v15 =	vmul.f32 v18, v4  }
0x33f: {  	s2 =	sadd.s32 $0x9080, s4;
	v18 =	vld [tilespmem:s15+$0x7000]  }
0x340: {  	s17 =	sor.u32 s6, s2;
	v17 =	vandn.u32 v17, v14;
	[tilespmem:v3+s22+$0x0] =	vst.idx.add.f32.msk $0xffff, v15  }
0x341: {  	v15 =	vmul.f32 v17, v12;
	v17 =	vld [tilespmem:s17+$0x0]  }
0x342: {  	v16 =	vandn.u32 v16, v10  }
0x343: {  	s19 =	sor.u32 $0x300, s7;
	v16 =	vmul.f32 v16, v7;
	[tilespmem:v13+s20+$0x0] =	vst.idx.add.f32.msk $0xffff, v15  }
0x344: {  	s1 =	sor.u32 s1, s1;
	v15 =	vld [tilespmem:s19+$0x7000];
	v18 =	vandn.u32 v18, v11  }
0x345: {  	s1 =	sor.u32 $0x380, s1;
	[tilespmem:v6+s18+$0x0] =	vst.idx.add.f32.msk $0xffff, v16;
	v16 =	vmul.f32 v18, v9  }
0x346: {  	v18 =	vld [tilespmem:s1+$0x7000];
	v17 =	vandn.u32 v17, v5  }
0x347: {  	s21 =	sor.u32 $0x380, s5;
	[tilespmem:v8+s18+$0x0] =	vst.idx.add.f32.msk $0xffff, v16;
	v16 =	vmul.f32 v17, v4  }
0x348: {  	s24 =	sadd.s32 $0x9100, s4;
	v17 =	vld [tilespmem:s21+$0x7000]  }
0x349: {  	s10 =	sor.u32 s6, s24;
	v15 =	vandn.u32 v15, v14;
	[tilespmem:v3+s23+$0x0] =	vst.idx.add.f32.msk $0xffff, v16  }
0x34a: {  	v15 =	vmul.f32 v15, v12;
	v16 =	vld [tilespmem:s10+$0x0]  }
0x34b: {  	v18 =	vandn.u32 v18, v10  }
0x34c: {  	s11 =	sor.u32 $0x380, s7;
	[tilespmem:v13+s18+$0x0] =	vst.idx.add.f32.msk $0xffff, v15;
	v15 =	vmul.f32 v18, v7  }
0x34d: {  	v18 =	vld [tilespmem:s11+$0x7000];
	v17 =	vandn.u32 v17, v11  }
0x34e: {  	s14 =	sor.u32 s8, s3;
	[tilespmem:v6+s30+$0x0] =	vst.idx.add.f32.msk $0xffff, v15;
	v15 =	vmul.f32 v17, v9  }
0x34f: {  	v17 =	vld [tilespmem:s14+$0x0];
	v16 =	vandn.u32 v16, v5  }
0x350: {  	s15 =	sor.u32 s26, s3;
	[tilespmem:v8+s30+$0x0] =	vst.idx.add.f32.msk $0xffff, v15;
	v15 =	vmul.f32 v16, v4  }
0x351: {  	s17 =	sadd.s32 $0x9180, s4;
	v16 =	vld [tilespmem:s15+$0x0]  }
0x352: {  	s25 =	sor.u32 s6, s17;
	v18 =	vandn.u32 v18, v14;
	[tilespmem:v3+s31+$0x0] =	vst.idx.add.f32.msk $0xffff, v15  }
0x353: {  	v15 =	vmul.f32 v18, v12;
	v18 =	vld [tilespmem:s25+$0x0]  }
0x354: {  	v17 =	vandn.u32 v17, v10  }
0x355: {  	s3 =	sor.u32 s0, s3;
	[tilespmem:v13+s30+$0x0] =	vst.idx.add.f32.msk $0xffff, v15;
	v15 =	vmul.f32 v17, v7  }
0x356: {  	v17 =	vld [tilespmem:s3+$0x0];
	v16 =	vandn.u32 v16, v11  }
0x357: {  	s30 =	sor.u32 s8, s2;
	[tilespmem:v6+s22+$0x0] =	vst.idx.add.f32.msk $0xffff, v15;
	v15 =	vmul.f32 v16, v9  }
0x358: {  	v16 =	vld [tilespmem:s30+$0x0];
	v18 =	vandn.u32 v18, v5  }
0x359: {  	s7 =	sor.u32 s26, s2;
	[tilespmem:v8+s22+$0x0] =	vst.idx.add.f32.msk $0xffff, v15;
	v15 =	vmul.f32 v18, v4  }
0x35a: {  	s9 =	sadd.s32 $0x9200, s4;
	v18 =	vld [tilespmem:s7+$0x0]  }
0x35b: {  	s10 =	sor.u32 s6, s9;
	v17 =	vandn.u32 v17, v14;
	[tilespmem:v3+s16+$0x0] =	vst.idx.add.f32.msk $0xffff, v15  }
0x35c: {  	v15 =	vmul.f32 v17, v12;
	v17 =	vld [tilespmem:s10+$0x0]  }
0x35d: {  	v16 =	vandn.u32 v16, v10  }
0x35e: {  	s2 =	sor.u32 s0, s2;
	v16 =	vmul.f32 v16, v7;
	[tilespmem:v13+s22+$0x0] =	vst.idx.add.f32.msk $0xffff, v15  }
0x35f: {  	v15 =	vld [tilespmem:s2+$0x0];
	v18 =	vandn.u32 v18, v11  }
0x360: {  	s11 =	sor.u32 s8, s24;
	[tilespmem:v6+s23+$0x0] =	vst.idx.add.f32.msk $0xffff, v16;
	v16 =	vmul.f32 v18, v9  }
0x361: {  	v18 =	vld [tilespmem:s11+$0x0];
	v17 =	vandn.u32 v17, v5  }
0x362: {  	s14 =	sor.u32 s26, s24;
	[tilespmem:v8+s23+$0x0] =	vst.idx.add.f32.msk $0xffff, v16;
	v16 =	vmul.f32 v17, v4  }
0x363: {  	s15 =	sadd.s32 $0x9280, s4;
	v17 =	vld [tilespmem:s14+$0x0]  }
0x364: {  	s18 =	sor.u32 s6, s15;
	v15 =	vandn.u32 v15, v14;
	[tilespmem:v3+s13+$0x0] =	vst.idx.add.f32.msk $0xffff, v16  }
0x365: {  	v15 =	vmul.f32 v15, v12;
	v16 =	vld [tilespmem:s18+$0x0]  }
0x366: {  	v18 =	vandn.u32 v18, v10  }
0x367: {  	s19 =	sor.u32 s0, s24;
	v18 =	vmul.f32 v18, v7;
	[tilespmem:v13+s23+$0x0] =	vst.idx.add.f32.msk $0xffff, v15  }
0x368: {  	v15 =	vld [tilespmem:s19+$0x0];
	v17 =	vandn.u32 v17, v11  }
0x369: {  	s20 =	sor.u32 s8, s17;
	[tilespmem:v6+s31+$0x0] =	vst.idx.add.f32.msk $0xffff, v18;
	v17 =	vmul.f32 v17, v9  }
0x36a: {  	v18 =	vld [tilespmem:s20+$0x0];
	v16 =	vandn.u32 v16, v5  }
0x36b: {  	s21 =	sor.u32 s26, s17;
	[tilespmem:v8+s31+$0x0] =	vst.idx.add.f32.msk $0xffff, v17;
	v16 =	vmul.f32 v16, v4  }
0x36c: {  	s22 =	sadd.s32 $0x9300, s4;
	v17 =	vld [tilespmem:s21+$0x0]  }
0x36d: {  	s24 =	sor.u32 s6, s22;
	v15 =	vandn.u32 v15, v14;
	[tilespmem:v3+s12+$0x0] =	vst.idx.add.f32.msk $0xffff, v16  }
0x36e: {  	s29 =	simm.s32 $0x40;
	v15 =	vmul.f32 v15, v12;
	v16 =	vld [tilespmem:s24+$0x0]  }
0x36f: {  	s1 =	sor.u32 s0, s17;
	s17 =	sor.u32 s8, s15;
	s25 =	sor.u32 s8, s9;
	v18 =	vandn.u32 v18, v10  }
0x370: {  	s7 =	sor.u32 s0, s15;
	s30 =	sor.u32 s8, s22;
	s13 =	simm.s32 $0x200;
	v19 =	vmul.f32 v18, v7;
	[tilespmem:v13+s31+$0x0] =	vst.idx.add.f32.msk $0xffff, v15  }
0x371: {  	s18 =	sor.u32 s26, s9;
	s23 =	simm.s32 $0x0;
	v18 =	vld [tilespmem:s1+$0x0];
	[dreg:$0x14] =	wrdreg s30  }
0x372: {  	s19 =	sor.u32 s0, s9;
	s9 =	sor.u32 s26, s22;
	s12 =	sor.u32 s0, s22;
	v15 =	vandn.u32 v17, v11;
	[tilespmem:v6+s16+$0x0] =	vst.idx.add.f32.msk $0xffff, v19  }
0x373: {  	s24 =	simm.s32 $0xD000;
	s31 =	sor.u32 s26, s15;
	v19 =	vmul.f32 v15, v9;
	v17 =	vld [tilespmem:s25+$0x0];
	s25 =	simm.s32 $0xE000;
	v16 =	vandn.u32 v16, v5  }
.LBB2_9:
0x374: {  	_ = 	snop  }
0x375: {  	[dreg:$0x19] =	wrdreg s9;
	s2 =	sand.u32 $0x40, s29;
	v15 =	vmul.f32 v16, v4;
	s15 =	sadd.s32 $0x40, s28;
	[tilespmem:v8+s16+$0x0] =	vst.idx.add.f32.msk $0xffff, v19  }
0x376: {  	s5 =	sand.u32 $0x1C00, s13;
	s4 =	sadd.s32 $0x9380, s4;
	s3 =	simm.s32 $0x1B000;
	v16 =	vld [tilespmem:s15+$0x0]  }
0x377: {  	s1 =	sadd.s32 $0x7000, s5;
	s11 =	sor.u32 s6, s4;
	s6 =	sor.u32 $0x30, s2;
	[tilespmem:v3+s3+$0x0] =	vst.idx.add.f32.msk $0xffff, v15  }
0x378: {  	s22 =	rddreg [dreg:$0xa];
	s9 =	sor.u32 s6, s1;
	v18 =	vandn.u32 v18, v14;
	v15 =	vandn.u32 v17, v10;
	v17 =	vld [tilespmem:s11+$0x0]  }
0x379: {  	s3 =	sadd.s32 $0x40, s22;
	v24 =	vmul.f32 v18, v12;
	v18 =	vld [tilespmem:s9+$0x0]  }
0x37a: {  	v25 =	vmul.f32 v15, v7;
	v15 =	vld [tilespmem:s3+$0x0]  }
0x37b: {  	v19 =	vld [tilespmem:s15+$0xFFFFFFD0]  }
0x37c: {  	v23 =	vld [tilespmem:s15+$0xFFFFFFF0];
	v21 =	vand.u32 $0x7FFFFFFF, v16  }
0x37d: {  	s16 =	sor.u32 $0x20, s2;
	v20 =	vld [tilespmem:s15+$0xFFFFFFE0];
	v17 =	vandn.u32 v17, v5;
	v5 =	vand.u32 $0x80000000, v16  }
0x37e: {  	s0 =	sor.u32 s0, s4;
	s21 =	sor.u32 s2, s1;
	s14 =	sor.u32 s16, s1;
	v46 =	vld [tilespmem:s18+$0x0];
	v16 =	vandn.u32 v18, v5;
	v18 =	vmul.f32 v17, v4  }
0x37f: {  	[dreg:$0xb] =	wrdreg s0;
	s0 =	smov.u32 s16;
	s16 =	simm.s32 $0x1C000;
	v26 =	vld [tilespmem:s21+$0x0];
	v28 =	vmul.f32 v16, v15  }
0x380: {  	[tilespmem:v3+s16+$0x0] =	vst.idx.add.f32.msk $0xffff, v18  }
0x381: {  	[dreg:$0x18] =	wrdreg s12;
	s12 =	sor.u32 $0x10, s2;
	[tilespmem:v21+s24+$0x0] =	vst.idx.add.f32.msk $0xffff, v28  }
0x382: {  	s20 =	sor.u32 s12, s1;
	v28 =	vld [tilespmem:s9+$0x80]  }
0x383: {  	v27 =	vld [tilespmem:s20+$0x0]  }
0x384: {  	v29 =	vld [tilespmem:s14+$0x0];
	v22 =	vand.u32 $0x80000000, v19  }
0x385: {  	v17 =	vand.u32 $0x7FFFFFFF, v19;
	v19 =	vand.u32 $0x80000000, v20;
	v16 =	vand.u32 $0x7FFFFFFF, v20;
	v20 =	vld [tilespmem:s3+$0xFFFFFFE0];
	v3 =	vmovc v21  }
0x386: {  	s22 =	sor.u32 s13, s29;
	v4 =	vmov v15;
	v15 =	vand.u32 $0x7FFFFFFF, v23;
	v18 =	vand.u32 $0x80000000, v23;
	v23 =	vld [tilespmem:s3+$0xFFFFFFD0]  }
0x387: {  	s11 =	sor.u32 $0x380, s22;
	s22 =	simm.s32 $0x18000;
	v21 =	vld [tilespmem:s3+$0xFFFFFFF0];
	v28 =	vandn.u32 v28, v5  }
0x388: {  	[tilespmem:v13+s22+$0x0] =	vst.idx.add.f32.msk $0xffff, v24;
	v28 =	vmul.f32 v28, v4  }
0x389: {  	v27 =	vandn.u32 v27, v19;
	v30 =	vld [tilespmem:s19+$0x0]  }
0x38a: {  	v26 =	vandn.u32 v26, v22;
	v27 =	vmul.f32 v27, v20;
	[tilespmem:v3+s25+$0x0] =	vst.idx.add.f32.msk $0xffff, v28  }
0x38b: {  	v26 =	vmul.f32 v26, v23;
	v28 =	vld [tilespmem:s9+$0x100]  }
0x38c: {  	v45 =	vandn.u32 v29, v18;
	[tilespmem:v16+s24+$0x0] =	vst.idx.add.f32.msk $0xffff, v27  }
0x38d: {  	v24 =	vmul.f32 v45, v21;
	[tilespmem:v17+s24+$0x0] =	vst.idx.add.f32.msk $0xffff, v26  }
0x38e: {  	v51 =	vld [tilespmem:s20+$0x80]  }
0x38f: {  	[tilespmem:v15+s24+$0x0] =	vst.idx.add.f32.msk $0xffff, v24  }
0x390: {  	v50 =	vld [tilespmem:s21+$0x80];
	v28 =	vandn.u32 v28, v5  }
0x391: {  	s24 =	simm.s32 $0x19000;
	v52 =	vld [tilespmem:s14+$0x80];
	v28 =	vmul.f32 v28, v4  }
0x392: {  	s28 =	simm.s32 $0xF000;
	v47 =	vandn.u32 v46, v11;
	[tilespmem:v6+s24+$0x0] =	vst.idx.add.f32.msk $0xffff, v25  }
0x393: {  	v48 =	vmul.f32 v47, v9;
	v49 =	vandn.u32 v30, v14;
	[tilespmem:v3+s28+$0x0] =	vst.idx.add.f32.msk $0xffff, v28  }
0x394: {  	v26 =	vmul.f32 v49, v12;
	v55 =	vandn.u32 v51, v19;
	v54 =	vld [tilespmem:s9+$0x180]  }
0x395: {  	[tilespmem:v8+s24+$0x0] =	vst.idx.add.f32.msk $0xffff, v48;
	v53 =	vandn.u32 v50, v22;
	v56 =	vmul.f32 v55, v20  }
0x396: {  	p0 =	por !p0, !p0;
	s8 =	sor.u32 s8, s4;
	[tilespmem:v13+s24+$0x0] =	vst.idx.add.f32.msk $0xffff, v26;
	v25 =	vmul.f32 v53, v23  }
0x397: {  	[dreg:$0x11] =	wrdreg s8;
	s8 =	smov.u32 s2;
	s2 =	simm.s32 $0x1;
	v57 =	vandn.u32 v52, v18;
	[tilespmem:v16+s25+$0x0] =	vst.idx.add.f32.msk $0xffff, v56  }
0x398: {  	s2 =	simm.s32 @!p0 $0x0;
	v58 =	vmul.f32 v57, v21;
	[tilespmem:v17+s25+$0x0] =	vst.idx.add.f32.msk $0xffff, v25  }
0x399: {  	s2 =	sshll.u32 s2, $0x6;
	v61 =	vld [tilespmem:s20+$0x100];
	v59 =	vandn.u32 v54, v5  }
0x39a: {  	s10 =	sor.u32 s26, s4;
	s4 =	smov.u32 s5;
	[tilespmem:v15+s25+$0x0] =	vst.idx.add.f32.msk $0xffff, v58;
	s25 =	sadd.s32 s2, s13;
	v24 =	vmul.f32 v59, v4  }
0x39b: {  	[dreg:$0xe] =	wrdreg s10;
	s10 =	simm.s32 $0x10000;
	v60 =	vld [tilespmem:s21+$0x100];
	s5 =	sadd.s32 $0x30, s25  }
0x39c: {  	s1 =	sor.u32 $0x200, s5;
	[tilespmem:v3+s10+$0x0] =	vst.idx.add.f32.msk $0xffff, v24  }
0x39d: {  	v24 =	vld [tilespmem:s1+$0x7000]  }
0x39e: {  	v33 =	vld [tilespmem:s31+$0x0]  }
0x39f: {  	v63 =	vld [tilespmem:s17+$0x0];
	v26 =	vandn.u32 v61, v19  }
0x3a0: {  	v62 =	vld [tilespmem:s14+$0x100];
	v25 =	vandn.u32 v60, v22;
	v26 =	vmul.f32 v26, v20  }
0x3a1: {  	v34 =	vld [tilespmem:s7+$0x0];
	v25 =	vmul.f32 v25, v23  }
0x3a2: {  	[tilespmem:v16+s28+$0x0] =	vst.idx.add.f32.msk $0xffff, v26;
	v24 =	vandn.u32 v24, v5  }
0x3a3: {  	[tilespmem:v17+s28+$0x0] =	vst.idx.add.f32.msk $0xffff, v25;
	v24 =	vmul.f32 v24, v4  }
0x3a4: {  	v36 =	vld [tilespmem:s21+$0x180];
	s21 =	simm.s32 $0x11000  }
0x3a5: {  	s7 =	sor.u32 $0x280, s5;
	v37 =	vandn.u32 v63, v10;
	[tilespmem:v3+s21+$0x0] =	vst.idx.add.f32.msk $0xffff, v24  }
0x3a6: {  	v35 =	vandn.u32 v62, v18;
	v38 =	vmul.f32 v37, v7;
	v40 =	vld [tilespmem:s7+$0x7000]  }
0x3a7: {  	v25 =	vmul.f32 v35, v21;
	v43 =	vld [tilespmem:s20+$0x180];
	s20 =	simm.s32 $0x1A000  }
0x3a8: {  	v39 =	vandn.u32 v33, v11;
	[tilespmem:v6+s20+$0x0] =	vst.idx.add.f32.msk $0xffff, v38  }
0x3a9: {  	v27 =	vmul.f32 v39, v9;
	[tilespmem:v15+s28+$0x0] =	vst.idx.add.f32.msk $0xffff, v25;
	v26 =	vandn.u32 v36, v22  }
0x3aa: {  	v44 =	vld [tilespmem:s14+$0x180];
	v26 =	vmul.f32 v26, v23  }
0x3ab: {  	[tilespmem:v8+s20+$0x0] =	vst.idx.add.f32.msk $0xffff, v27;
	v45 =	vandn.u32 v40, v5  }
0x3ac: {  	s30 =	sor.u32 $0x200, s25;
	[tilespmem:v17+s10+$0x0] =	vst.idx.add.f32.msk $0xffff, v26;
	v24 =	vmul.f32 v45, v4  }
0x3ad: {  	s28 =	smov.u32 s15;
	s15 =	simm.s32 $0x12000;
	v46 =	vandn.u32 v43, v19;
	v26 =	vld [tilespmem:s30+$0x7000]  }
0x3ae: {  	s17 =	sor.u32 $0x300, s5;
	v27 =	vmul.f32 v46, v20;
	[tilespmem:v3+s15+$0x0] =	vst.idx.add.f32.msk $0xffff, v24  }
0x3af: {  	s19 =	sadd.s32 $0x10, s25;
	v47 =	vandn.u32 v44, v18;
	v49 =	vld [tilespmem:s17+$0x7000]  }
0x3b0: {  	s16 =	sor.u32 $0x200, s19;
	[tilespmem:v16+s10+$0x0] =	vst.idx.add.f32.msk $0xffff, v27;
	v48 =	vmul.f32 v47, v21  }
0x3b1: {  	[dreg:$0xa] =	wrdreg s3;
	s3 =	sadd.s32 $0x20, s25;
	v41 =	vandn.u32 v34, v14;
	v51 =	vld [tilespmem:s16+$0x7000]  }
0x3b2: {  	s2 =	sor.u32 $0x200, s3;
	v42 =	vmul.f32 v41, v12;
	[tilespmem:v15+s10+$0x0] =	vst.idx.add.f32.msk $0xffff, v48;
	v50 =	vandn.u32 v26, v22  }
0x3b3: {  	v52 =	vld [tilespmem:s2+$0x7000];
	v24 =	vmul.f32 v50, v23  }
0x3b4: {  	[tilespmem:v13+s20+$0x0] =	vst.idx.add.f32.msk $0xffff, v42;
	v28 =	vandn.u32 v49, v5  }
0x3b5: {  	s24 =	sor.u32 $0x280, s25;
	[tilespmem:v17+s21+$0x0] =	vst.idx.add.f32.msk $0xffff, v24;
	v53 =	vmul.f32 v28, v4  }
0x3b6: {  	s10 =	simm.s32 $0x13000;
	v26 =	vandn.u32 v51, v19;
	v54 =	vld [tilespmem:s24+$0x7000]  }
0x3b7: {  	s7 =	sor.u32 $0x380, s5;
	v55 =	vmul.f32 v26, v20;
	[tilespmem:v3+s10+$0x0] =	vst.idx.add.f32.msk $0xffff, v53  }
0x3b8: {  	v56 =	vandn.u32 v52, v18;
	v57 =	vld [tilespmem:s7+$0x7000]  }
0x3b9: {  	s26 =	smov.u32 s12;
	s12 =	sor.u32 $0x280, s19;
	v26 =	vmul.f32 v56, v21;
	[tilespmem:v16+s21+$0x0] =	vst.idx.add.f32.msk $0xffff, v55  }
0x3ba: {  	v60 =	vld [tilespmem:s12+$0x7000]  }
0x3bb: {  	s9 =	sor.u32 $0x280, s3;
	[tilespmem:v15+s21+$0x0] =	vst.idx.add.f32.msk $0xffff, v26;
	v59 =	vandn.u32 v54, v22  }
0x3bc: {  	s14 =	rddreg [dreg:$0x14];
	v26 =	vld [tilespmem:s9+$0x7000];
	v24 =	vmul.f32 v59, v23  }
0x3bd: {  	v58 =	vld [tilespmem:s14+$0x0];
	v27 =	vandn.u32 v57, v5  }
0x3be: {  	s25 =	sor.u32 $0x300, s25;
	[tilespmem:v17+s15+$0x0] =	vst.idx.add.f32.msk $0xffff, v24;
	v61 =	vmul.f32 v27, v4  }
0x3bf: {  	s16 =	sadd.s32 $0x9000, s4;
	s30 =	simm.s32 $0x14000;
	v63 =	vld [tilespmem:s25+$0x7000]  }
0x3c0: {  	s17 =	sor.u32 s6, s16;
	[tilespmem:v3+s30+$0x0] =	vst.idx.add.f32.msk $0xffff, v61  }
0x3c1: {  	s12 =	rddreg [dreg:$0x19];
	v26 =	vandn.u32 v26, v18;
	v33 =	vld [tilespmem:s17+$0x0]  }
0x3c2: {  	v34 =	vld [tilespmem:s12+$0x0];
	s14 =	rddreg [dreg:$0x18];
	v26 =	vmul.f32 v26, v21  }
0x3c3: {  	v32 =	vandn.u32 v60, v19;
	v35 =	vld [tilespmem:s14+$0x0]  }
0x3c4: {  	s22 =	sor.u32 $0x300, s3;
	[tilespmem:v15+s15+$0x0] =	vst.idx.add.f32.msk $0xffff, v26;
	v24 =	vmul.f32 v32, v20  }
0x3c5: {  	v38 =	vld [tilespmem:s22+$0x7000];
	v28 =	vandn.u32 v63, v22  }
0x3c6: {  	s1 =	sor.u32 $0x300, s19;
	[tilespmem:v16+s15+$0x0] =	vst.idx.add.f32.msk $0xffff, v24;
	v36 =	vmul.f32 v28, v23;
	v25 =	vandn.u32 v33, v5  }
0x3c7: {  	s5 =	sor.u32 s26, s16;
	s9 =	sor.u32 s8, s16;
	v37 =	vld [tilespmem:s1+$0x7000];
	v25 =	vmul.f32 v25, v4  }
0x3c8: {  	v29 =	vandn.u32 v34, v11;
	s22 =	simm.s32 $0x15000;
	s7 =	sor.u32 s0, s16;
	s16 =	sadd.s32 $0x9080, s4;
	[tilespmem:v17+s10+$0x0] =	vst.idx.add.f32.msk $0xffff, v36  }
0x3c9: {  	s18 =	sor.u32 $0x380, s3;
	v39 =	vmul.f32 v29, v9;
	s14 =	sor.u32 s26, s16;
	s1 =	sor.u32 s6, s16;
	[tilespmem:v3+s22+$0x0] =	vst.idx.add.f32.msk $0xffff, v25  }
0x3ca: {  	v62 =	vandn.u32 v58, v10;
	s3 =	sor.u32 s0, s16;
	s17 =	sor.u32 s8, s16;
	s16 =	simm.s32 $0x1B000;
	v42 =	vld [tilespmem:s1+$0x0]  }
0x3cb: {  	v27 =	vmul.f32 v62, v7;
	v28 =	vandn.u32 v38, v18;
	[tilespmem:v8+s16+$0x0] =	vst.idx.add.f32.msk $0xffff, v39  }
0x3cc: {  	v26 =	vandn.u32 v37, v19;
	v44 =	vmul.f32 v28, v21;
	v43 =	vld [tilespmem:s11+$0x7000]  }
0x3cd: {  	v26 =	vmul.f32 v26, v20;
	[tilespmem:v6+s16+$0x0] =	vst.idx.add.f32.msk $0xffff, v27  }
0x3ce: {  	[tilespmem:v15+s10+$0x0] =	vst.idx.add.f32.msk $0xffff, v44  }
0x3cf: {  	[tilespmem:v16+s10+$0x0] =	vst.idx.add.f32.msk $0xffff, v26;
	v45 =	vandn.u32 v42, v5  }
0x3d0: {  	s19 =	sor.u32 $0x380, s19;
	v48 =	vld [tilespmem:s18+$0x7000];
	v24 =	vmul.f32 v45, v4  }
0x3d1: {  	s2 =	sadd.s32 $0x9100, s4;
	v40 =	vandn.u32 v35, v14;
	s15 =	simm.s32 $0x16000;
	v47 =	vld [tilespmem:s19+$0x7000]  }
0x3d2: {  	v41 =	vmul.f32 v40, v12;
	s10 =	sor.u32 s6, s2;
	v46 =	vandn.u32 v43, v22;
	[tilespmem:v3+s15+$0x0] =	vst.idx.add.f32.msk $0xffff, v24  }
0x3d3: {  	s11 =	simm.s32 $0x1B000;
	v26 =	vmul.f32 v46, v23;
	v24 =	vld [tilespmem:s10+$0x0]  }
0x3d4: {  	[tilespmem:v13+s11+$0x0] =	vst.idx.add.f32.msk $0xffff, v41  }
0x3d5: {  	v28 =	vandn.u32 v48, v18;
	[tilespmem:v17+s30+$0x0] =	vst.idx.add.f32.msk $0xffff, v26  }
0x3d6: {  	s11 =	rddreg [dreg:$0x11];
	v27 =	vandn.u32 v47, v19;
	v49 =	vmul.f32 v28, v21;
	v26 =	vld [tilespmem:s9+$0x0]  }
0x3d7: {  	v27 =	vmul.f32 v27, v20;
	v50 =	vld [tilespmem:s11+$0x0]  }
0x3d8: {  	[tilespmem:v15+s30+$0x0] =	vst.idx.add.f32.msk $0xffff, v49;
	v24 =	vandn.u32 v24, v5  }
0x3d9: {  	[tilespmem:v16+s30+$0x0] =	vst.idx.add.f32.msk $0xffff, v27;
	v24 =	vmul.f32 v24, v4  }
0x3da: {  	s18 =	sadd.s32 $0x9180, s4;
	v52 =	vld [tilespmem:s5+$0x0];
	s10 =	simm.s32 $0x17000  }
0x3db: {  	s19 =	sor.u32 s6, s18;
	[tilespmem:v3+s10+$0x0] =	vst.idx.add.f32.msk $0xffff, v24  }
0x3dc: {  	s9 =	sor.u32 s26, s18;
	v51 =	vandn.u32 v26, v22;
	v24 =	vld [tilespmem:s19+$0x0]  }
0x3dd: {  	s11 =	sor.u32 s0, s18;
	v54 =	vld [tilespmem:s7+$0x0];
	s5 =	sor.u32 s8, s18;
	s18 =	rddreg [dreg:$0xb];
	v25 =	vmul.f32 v51, v23  }
0x3de: {  	v58 =	vld [tilespmem:s18+$0x0]  }
0x3df: {  	v56 =	vandn.u32 v52, v19;
	[tilespmem:v17+s22+$0x0] =	vst.idx.add.f32.msk $0xffff, v25  }
0x3e0: {  	v25 =	vmul.f32 v56, v20;
	v55 =	vld [tilespmem:s17+$0x0];
	s17 =	rddreg [dreg:$0xe]  }
0x3e1: {  	v57 =	vld [tilespmem:s17+$0x0];
	v24 =	vandn.u32 v24, v5  }
0x3e2: {  	[tilespmem:v16+s22+$0x0] =	vst.idx.add.f32.msk $0xffff, v25;
	v24 =	vmul.f32 v24, v4  }
0x3e3: {  	s7 =	sadd.s32 $0x9200, s4;
	v53 =	vandn.u32 v50, v10;
	v10 =	vmov v22;
	v22 =	vandn.u32 v54, v18;
	v25 =	vld [tilespmem:s14+$0x0];
	s19 =	simm.s32 $0x18000  }
0x3e4: {  	v22 =	vmul.f32 v22, v21;
	s17 =	sor.u32 s6, s7;
	[tilespmem:v3+s19+$0x0] =	vst.idx.add.f32.msk $0xffff, v24  }
0x3e5: {  	v27 =	vmul.f32 v53, v7;
	v7 =	vmov v23;
	v23 =	vandn.u32 v55, v10;
	v24 =	vld [tilespmem:s17+$0x0]  }
0x3e6: {  	[tilespmem:v15+s22+$0x0] =	vst.idx.add.f32.msk $0xffff, v22;
	v23 =	vmul.f32 v23, v7  }
0x3e7: {  	v59 =	vandn.u32 v58, v14;
	v14 =	vmovc v18;
	v18 =	vld [tilespmem:s3+$0x0];
	v26 =	vandn.u32 v57, v11;
	v11 =	vmov v19  }
0x3e8: {  	s16 =	sor.u32 s8, s2;
	v19 =	vmul.f32 v26, v9;
	v9 =	vmov v20;
	v20 =	vandn.u32 v25, v11;
	[tilespmem:v17+s15+$0x0] =	vst.idx.add.f32.msk $0xffff, v23  }
0x3e9: {  	s14 =	simm.s32 $0x1C000;
	v20 =	vmul.f32 v20, v9;
	v61 =	vld [tilespmem:s16+$0x0]  }
0x3ea: {  	[tilespmem:v6+s14+$0x0] =	vst.idx.add.f32.msk $0xffff, v27;
	v62 =	vandn.u32 v24, v5  }
0x3eb: {  	s12 =	sor.u32 s26, s2;
	v6 =	vmov v17;
	[tilespmem:v16+s15+$0x0] =	vst.idx.add.f32.msk $0xffff, v20;
	v17 =	vmul.f32 v62, v4  }
0x3ec: {  	v60 =	vmul.f32 v59, v12;
	v12 =	vmov v21;
	s3 =	sadd.s32 $0x9280, s4;
	v18 =	vandn.u32 v18, v14;
	v20 =	vld [tilespmem:s12+$0x0];
	s12 =	simm.s32 $0x19000  }
0x3ed: {  	v18 =	vmul.f32 v18, v12;
	[tilespmem:v3+s12+$0x0] =	vst.idx.add.f32.msk $0xffff, v17;
	s12 =	sor.u32 s6, s3  }
0x3ee: {  	v17 =	vandn.u32 v61, v10;
	v63 =	vld [tilespmem:s12+$0x0]  }
0x3ef: {  	s2 =	sor.u32 s0, s2;
	[tilespmem:v15+s15+$0x0] =	vst.idx.add.f32.msk $0xffff, v18;
	v17 =	vmul.f32 v17, v7  }
0x3f0: {  	v18 =	vld [tilespmem:s2+$0x0]  }
0x3f1: {  	[tilespmem:v6+s10+$0x0] =	vst.idx.add.f32.msk $0xffff, v17;
	v17 =	vandn.u32 v20, v11  }
0x3f2: {  	v20 =	vld [tilespmem:s5+$0x0];
	v17 =	vmul.f32 v17, v9  }
0x3f3: {  	[tilespmem:v8+s14+$0x0] =	vst.idx.add.f32.msk $0xffff, v19;
	v21 =	vandn.u32 v63, v5  }
0x3f4: {  	v8 =	vmov v16;
	[tilespmem:v16+s10+$0x0] =	vst.idx.add.f32.msk $0xffff, v17;
	v16 =	vmul.f32 v21, v4  }
0x3f5: {  	v18 =	vandn.u32 v18, v14;
	s12 =	sadd.s32 $0x9300, s4;
	v17 =	vld [tilespmem:s9+$0x0]  }
0x3f6: {  	s23 =	sadd.s32 $0x4, s23;
	v18 =	vmul.f32 v18, v12;
	[tilespmem:v3+s20+$0x0] =	vst.idx.add.f32.msk $0xffff, v16;
	s20 =	sor.u32 s6, s12  }
0x3f7: {  	p1 =	slt.u32 s23, $0x3C;
	s29 =	sadd.s32 $0x40, s29;
	s13 =	sadd.s32 $0x200, s13;
	v16 =	vandn.u32 v20, v10;
	v20 =	vld [tilespmem:s20+$0x0]  }
.Ltmp3:
0x3f8: {  	s24 =	simm.s32 $0xD000;
	s25 =	simm.s32 $0xE000;
	[tilespmem:v15+s10+$0x0] =	vst.idx.add.f32.msk $0xffff, v18;
	(pc) =	sbr.rel @p1 .LBB2_9-.Ltmp3, $4  }
0x3f9: {  	s1 =	sor.u32 s8, s7;
	s18 =	sor.u32 s26, s7;
	v18 =	vld [tilespmem:s11+$0x0];
	s5 =	simm.s32 $0x1C000;
	v16 =	vmul.f32 v16, v7  }
0x3fa: {  	s31 =	sor.u32 s26, s3;
	s16 =	simm.s32 $0x18000;
	s19 =	sor.u32 s0, s7;
	[tilespmem:v13+s5+$0x0] =	vst.idx.add.f32.msk $0xffff, v60  }
0x3fb: {  	s7 =	sor.u32 s0, s3;
	s17 =	sor.u32 s8, s3;
	s14 =	sor.u32 s8, s12;
	[tilespmem:v6+s16+$0x0] =	vst.idx.add.f32.msk $0xffff, v16;
	v16 =	vandn.u32 v17, v11  }
0x3fc: {  	[dreg:$0x14] =	wrdreg s14;
	v13 =	vmov v15;
	s9 =	sor.u32 s26, s12;
	s12 =	sor.u32 s0, s12;
	v17 =	vld [tilespmem:s1+$0x0];
	v19 =	vmul.f32 v16, v9;
	v16 =	vandn.u32 v20, v5  }
0x3fd: {  	_ =	sdelay $0x1  }
0x3fe: {  	v15 =	vandn.u32 v18, v14  }
0x3ff: {  	v15 =	vmul.f32 v15, v12  }
0x400: {  	[tilespmem:v8+s16+$0x0] =	vst.idx.add.f32.msk $0xffff, v19  }
0x401: {  	[tilespmem:v13+s16+$0x0] =	vst.idx.add.f32.msk $0xffff, v15  }
0x402: {  	v15 =	vld [tilespmem:s18+$0x0];
	_ =	sdelay $0x1  }
0x403: {  	v18 =	vld [tilespmem:s19+$0x0];
	_ =	sdelay $0x1  }
0x404: {  	v17 =	vandn.u32 v17, v10  }
0x405: {  	v17 =	vmul.f32 v17, v7;
	v15 =	vandn.u32 v15, v11  }
0x406: {  	s14 =	simm.s32 $0x19000;
	v15 =	vmul.f32 v15, v9  }
0x407: {  	[tilespmem:v6+s14+$0x0] =	vst.idx.add.f32.msk $0xffff, v17;
	v18 =	vandn.u32 v18, v14  }
0x408: {  	v18 =	vmul.f32 v18, v12;
	[tilespmem:v8+s14+$0x0] =	vst.idx.add.f32.msk $0xffff, v15  }
0x409: {  	v15 =	vld [tilespmem:s17+$0x0]  }
0x40a: {  	[tilespmem:v13+s14+$0x0] =	vst.idx.add.f32.msk $0xffff, v18  }
0x40b: {  	v17 =	vld [tilespmem:s31+$0x0]  }
0x40c: {  	v18 =	vld [tilespmem:s7+$0x0];
	_ =	sdelay $0x2  }
0x40d: {  	v15 =	vandn.u32 v15, v10  }
0x40e: {  	v15 =	vmul.f32 v15, v7;
	v17 =	vandn.u32 v17, v11  }
0x40f: {  	s13 =	simm.s32 $0x1A000;
	v17 =	vmul.f32 v17, v9;
	v18 =	vandn.u32 v18, v14  }
0x410: {  	v18 =	vmul.f32 v18, v12;
	[tilespmem:v6+s13+$0x0] =	vst.idx.add.f32.msk $0xffff, v15  }
0x411: {  	[tilespmem:v8+s13+$0x0] =	vst.idx.add.f32.msk $0xffff, v17  }
0x412: {  	[tilespmem:v13+s13+$0x0] =	vst.idx.add.f32.msk $0xffff, v18  }
0x413: {  	v17 =	vld [tilespmem:s9+$0x0]  }
0x414: {  	s1 =	rddreg [dreg:$0x14];
	v18 =	vld [tilespmem:s12+$0x0]  }
0x415: {  	v15 =	vld [tilespmem:s1+$0x0]  }
0x416: {  	v16 =	vmul.f32 v16, v4  }
0x417: {  	s3 =	simm.s32 $0x1B000  }
0x418: {  	s5 =	sadd.s32 $0x9380, s4;
	[tilespmem:v3+s3+$0x0] =	vst.idx.add.f32.msk $0xffff, v16;
	v16 =	vandn.u32 v17, v11  }
0x419: {  	s2 =	sor.u32 s6, s5;
	v16 =	vmul.f32 v16, v9;
	v18 =	vandn.u32 v18, v14  }
0x41a: {  	v17 =	vld [tilespmem:s2+$0x0];
	v15 =	vandn.u32 v15, v10;
	v18 =	vmul.f32 v18, v12  }
0x41b: {  	v15 =	vmul.f32 v15, v7;
	[tilespmem:v8+s3+$0x0] =	vst.idx.add.f32.msk $0xffff, v16  }
0x41c: {  	[tilespmem:v13+s3+$0x0] =	vst.idx.add.f32.msk $0xffff, v18  }
0x41d: {  	s0 =	sor.u32 s0, s5;
	[tilespmem:v6+s3+$0x0] =	vst.idx.add.f32.msk $0xffff, v15  }
0x41e: {  	s6 =	sor.u32 s8, s5;
	v18 =	vld [tilespmem:s0+$0x0]  }
0x41f: {  	s7 =	sor.u32 s26, s5;
	v15 =	vld [tilespmem:s6+$0x0]  }
0x420: {  	v16 =	vld [tilespmem:s7+$0x0];
	v5 =	vandn.u32 v17, v5  }
0x421: {  	v4 =	vmul.f32 v5, v4  }
0x422: {  	s8 =	simm.s32 $0x1C000  }
0x423: {  	[tilespmem:v3+s8+$0x0] =	vst.idx.add.f32.msk $0xffff, v4;
	v4 =	vandn.u32 v18, v14  }
0x424: {  	v5 =	vandn.u32 v15, v10;
	v4 =	vmul.f32 v4, v12  }
0x425: {  	v5 =	vmul.f32 v5, v7;
	v7 =	vandn.u32 v16, v11  }
0x426: {  	v3 =	vmul.f32 v7, v9;
	[tilespmem:v13+s8+$0x0] =	vst.idx.add.f32.msk $0xffff, v4  }
0x427: {  	[tilespmem:v6+s8+$0x0] =	vst.idx.add.f32.msk $0xffff, v5  }
0x428: {  	[tilespmem:v8+s8+$0x0] =	vst.idx.add.f32.msk $0xffff, v3  }
0x429: {  	s0 =	sld [smem:$0x7E2];
	_ =	sdelay $0x1  }
0x42a: {  	s10 =	simm.s32 $0x80000;
	s11 =	simm.s32 $0x7000  }
0x42b: {  	s9 =	simm.s32 $0x2000;
	s12 =	simm.s32 $0x3;
	s0 =	sadd.s32 $0xC00, s0  }
0x42c: {  	[tilespmem:s11], [sflag:$0x4] =	stream.strided.gather [hbm4b:s0+s9], $0x4000, s10, s9, $0x38;
	[tilespmem:$0x1D000] =	vst v63  }
0x42d: {  	_ =	swait.ge [sflag:s12], $0x4000  }
0x42e: {  	s26 =	simm.s32 $0x1830;
	s1 =	simm.s32 $0x0;
	[sflag:s12] =	ssyncset.done $0x0  }
0x42f: {  	s4 =	sand.u32 $0x1C00, s1;
	s8 =	sand.u32 $0x40, s1;
	[sflag:s12] =	ssyncadd.s32 $0xFFFFC000  }
0x430: {  	s17 =	sadd.s32 $0x3000, s4;
	s6 =	sor.u32 $0x30, s8;
	v5 =	vld [tilespmem:s26+$0x0]  }
0x431: {  	s19 =	sor.u32 s6, s17  }
0x432: {  	s10 =	simm.s32 $0x2830;
	v6 =	vld [tilespmem:s19+$0x0]  }
0x433: {  	v4 =	vld [tilespmem:s10+$0x0];
	_ =	sdelay $0x1  }
0x434: {  	v3 =	vand.u32 $0x7FFFFFFF, v5  }
0x435: {  	v5 =	vand.u32 $0x80000000, v5  }
0x436: {  	v6 =	vandn.u32 v6, v5  }
0x437: {  	v6 =	vmul.f32 v6, v4;
	_ =	sdelay $0x1  }
0x438: {  	[tilespmem:v3+s24+$0x0] =	vst.idx.add.f32.msk $0xffff, v6  }
0x439: {  	v6 =	vld [tilespmem:s19+$0x80];
	_ =	sdelay $0x4  }
0x43a: {  	v6 =	vandn.u32 v6, v5  }
0x43b: {  	v6 =	vmul.f32 v6, v4;
	_ =	sdelay $0x1  }
0x43c: {  	[tilespmem:v3+s25+$0x0] =	vst.idx.add.f32.msk $0xffff, v6  }
0x43d: {  	v6 =	vld [tilespmem:s19+$0x100];
	_ =	sdelay $0x1  }
0x43e: {  	v7 =	vld [tilespmem:s26+$0xFFFFFFD0]  }
0x43f: {  	s5 =	sor.u32 s8, s17;
	s11 =	sor.u32 $0x10, s8;
	v11 =	vld [tilespmem:s26+$0xFFFFFFE0]  }
0x440: {  	s20 =	sor.u32 s11, s17;
	v12 =	vld [tilespmem:s5+$0x0]  }
0x441: {  	v13 =	vld [tilespmem:s20+$0x0];
	v6 =	vandn.u32 v6, v5  }
0x442: {  	v8 =	vld [tilespmem:s10+$0xFFFFFFD0];
	v10 =	vmul.f32 v6, v4  }
0x443: {  	s18 =	simm.s32 $0xF000;
	v9 =	vld [tilespmem:s10+$0xFFFFFFE0]  }
0x444: {  	v6 =	vand.u32 $0x7FFFFFFF, v7;
	[tilespmem:v3+s18+$0x0] =	vst.idx.add.f32.msk $0xffff, v10  }
0x445: {  	s0 =	sor.u32 $0x20, s8;
	v10 =	vand.u32 $0x80000000, v7;
	v14 =	vld [tilespmem:s19+$0x180]  }
0x446: {  	s23 =	sor.u32 s0, s17;
	v15 =	vld [tilespmem:s26+$0xFFFFFFF0];
	v7 =	vand.u32 $0x7FFFFFFF, v11;
	v16 =	vandn.u32 v12, v10  }
0x447: {  	v17 =	vld [tilespmem:s23+$0x0];
	v12 =	vand.u32 $0x80000000, v11;
	v16 =	vmul.f32 v16, v8  }
0x448: {  	p0 =	por $0x0, $0x0;
	s2 =	simm.s32 $0x1;
	v11 =	vld [tilespmem:s10+$0xFFFFFFF0];
	v13 =	vandn.u32 v13, v12  }
0x449: {  	s2 =	simm.s32 @!p0 $0x0;
	v18 =	vmul.f32 v13, v9;
	[tilespmem:v6+s24+$0x0] =	vst.idx.add.f32.msk $0xffff, v16  }
0x44a: {  	s2 =	sshll.u32 s2, $0x6;
	v16 =	vld [tilespmem:s5+$0x80];
	v14 =	vandn.u32 v14, v5  }
0x44b: {  	s2 =	sadd.s32 $0x0, s2;
	v13 =	vand.u32 $0x7FFFFFFF, v15;
	[tilespmem:v7+s24+$0x0] =	vst.idx.add.f32.msk $0xffff, v18;
	v18 =	vmul.f32 v14, v4  }
0x44c: {  	s9 =	sadd.s32 $0x30, s2;
	s17 =	simm.s32 $0x10000;
	v14 =	vand.u32 $0x80000000, v15;
	v15 =	vld [tilespmem:s20+$0x80]  }
0x44d: {  	s29 =	sor.u32 $0x200, s9;
	v17 =	vandn.u32 v17, v14;
	[tilespmem:v3+s17+$0x0] =	vst.idx.add.f32.msk $0xffff, v18  }
0x44e: {  	v17 =	vmul.f32 v17, v11;
	v18 =	vld [tilespmem:s29+$0x3000]  }
0x44f: {  	v16 =	vandn.u32 v16, v10  }
0x450: {  	[tilespmem:v13+s24+$0x0] =	vst.idx.add.f32.msk $0xffff, v17;
	v16 =	vmul.f32 v16, v8  }
0x451: {  	v17 =	vld [tilespmem:s23+$0x80];
	v15 =	vandn.u32 v15, v12  }
0x452: {  	v15 =	vmul.f32 v15, v9;
	[tilespmem:v6+s25+$0x0] =	vst.idx.add.f32.msk $0xffff, v16  }
0x453: {  	v16 =	vld [tilespmem:s5+$0x100];
	v18 =	vandn.u32 v18, v5  }
0x454: {  	[tilespmem:v7+s25+$0x0] =	vst.idx.add.f32.msk $0xffff, v15;
	v15 =	vmul.f32 v18, v4  }
0x455: {  	v18 =	vld [tilespmem:s20+$0x100]  }
0x456: {  	s19 =	sor.u32 $0x280, s9;
	v17 =	vandn.u32 v17, v14;
	[tilespmem:v3+s21+$0x0] =	vst.idx.add.f32.msk $0xffff, v15  }
0x457: {  	v15 =	vmul.f32 v17, v11;
	v17 =	vld [tilespmem:s19+$0x3000]  }
0x458: {  	v16 =	vandn.u32 v16, v10  }
0x459: {  	[tilespmem:v13+s25+$0x0] =	vst.idx.add.f32.msk $0xffff, v15;
	v15 =	vmul.f32 v16, v8  }
0x45a: {  	v16 =	vld [tilespmem:s23+$0x100];
	v18 =	vandn.u32 v18, v12  }
0x45b: {  	v18 =	vmul.f32 v18, v9;
	[tilespmem:v6+s18+$0x0] =	vst.idx.add.f32.msk $0xffff, v15  }
0x45c: {  	v15 =	vld [tilespmem:s5+$0x180];
	v17 =	vandn.u32 v17, v5  }
0x45d: {  	[tilespmem:v7+s18+$0x0] =	vst.idx.add.f32.msk $0xffff, v18;
	v17 =	vmul.f32 v17, v4  }
0x45e: {  	s19 =	simm.s32 $0x12000;
	v18 =	vld [tilespmem:s20+$0x180]  }
0x45f: {  	s20 =	sor.u32 $0x300, s9;
	v16 =	vandn.u32 v16, v14;
	[tilespmem:v3+s19+$0x0] =	vst.idx.add.f32.msk $0xffff, v17  }
0x460: {  	v16 =	vmul.f32 v16, v11;
	v17 =	vld [tilespmem:s20+$0x3000]  }
0x461: {  	v15 =	vandn.u32 v15, v10  }
0x462: {  	[tilespmem:v13+s18+$0x0] =	vst.idx.add.f32.msk $0xffff, v16;
	v15 =	vmul.f32 v15, v8  }
0x463: {  	v16 =	vld [tilespmem:s23+$0x180];
	v18 =	vandn.u32 v18, v12  }
0x464: {  	s23 =	sor.u32 $0x200, s2;
	[tilespmem:v6+s17+$0x0] =	vst.idx.add.f32.msk $0xffff, v15;
	v15 =	vmul.f32 v18, v9  }
0x465: {  	s5 =	sadd.s32 $0x10, s2;
	v18 =	vld [tilespmem:s23+$0x3000];
	v17 =	vandn.u32 v17, v5  }
0x466: {  	s29 =	sor.u32 $0x200, s5;
	[tilespmem:v7+s17+$0x0] =	vst.idx.add.f32.msk $0xffff, v15;
	v15 =	vmul.f32 v17, v4  }
0x467: {  	s12 =	simm.s32 $0x13000;
	v17 =	vld [tilespmem:s29+$0x3000]  }
0x468: {  	s7 =	sor.u32 $0x380, s9;
	v16 =	vandn.u32 v16, v14;
	[tilespmem:v3+s12+$0x0] =	vst.idx.add.f32.msk $0xffff, v15  }
0x469: {  	v15 =	vmul.f32 v16, v11;
	v16 =	vld [tilespmem:s7+$0x3000]  }
0x46a: {  	s7 =	sadd.s32 $0x20, s2;
	v18 =	vandn.u32 v18, v10  }
0x46b: {  	s9 =	sor.u32 $0x200, s7;
	[tilespmem:v13+s17+$0x0] =	vst.idx.add.f32.msk $0xffff, v15;
	v15 =	vmul.f32 v18, v8  }
0x46c: {  	v18 =	vld [tilespmem:s9+$0x3000];
	v17 =	vandn.u32 v17, v12  }
0x46d: {  	s18 =	sor.u32 $0x280, s2;
	[tilespmem:v6+s21+$0x0] =	vst.idx.add.f32.msk $0xffff, v15;
	v15 =	vmul.f32 v17, v9  }
0x46e: {  	v17 =	vld [tilespmem:s18+$0x3000];
	v16 =	vandn.u32 v16, v5  }
0x46f: {  	s20 =	sor.u32 $0x280, s5;
	[tilespmem:v7+s21+$0x0] =	vst.idx.add.f32.msk $0xffff, v15;
	v15 =	vmul.f32 v16, v4  }
0x470: {  	s3 =	sadd.s32 $0x5000, s4;
	v16 =	vld [tilespmem:s20+$0x3000]  }
0x471: {  	s23 =	sor.u32 s6, s3;
	v18 =	vandn.u32 v18, v14;
	[tilespmem:v3+s30+$0x0] =	vst.idx.add.f32.msk $0xffff, v15  }
0x472: {  	v15 =	vmul.f32 v18, v11;
	v18 =	vld [tilespmem:s23+$0x0]  }
0x473: {  	v17 =	vandn.u32 v17, v10  }
0x474: {  	s29 =	sor.u32 $0x280, s7;
	[tilespmem:v13+s21+$0x0] =	vst.idx.add.f32.msk $0xffff, v15;
	v15 =	vmul.f32 v17, v8  }
0x475: {  	v17 =	vld [tilespmem:s29+$0x3000];
	v16 =	vandn.u32 v16, v12  }
0x476: {  	s2 =	sor.u32 $0x300, s2;
	[tilespmem:v6+s19+$0x0] =	vst.idx.add.f32.msk $0xffff, v15;
	v15 =	vmul.f32 v16, v9  }
0x477: {  	v16 =	vld [tilespmem:s2+$0x3000];
	v18 =	vandn.u32 v18, v5  }
0x478: {  	s17 =	sor.u32 $0x300, s5;
	[tilespmem:v7+s19+$0x0] =	vst.idx.add.f32.msk $0xffff, v15;
	v15 =	vmul.f32 v18, v4  }
0x479: {  	s2 =	sadd.s32 $0x5080, s4;
	v18 =	vld [tilespmem:s17+$0x3000]  }
0x47a: {  	s18 =	sor.u32 s6, s2;
	v17 =	vandn.u32 v17, v14;
	[tilespmem:v3+s22+$0x0] =	vst.idx.add.f32.msk $0xffff, v15  }
0x47b: {  	v15 =	vmul.f32 v17, v11;
	v17 =	vld [tilespmem:s18+$0x0]  }
0x47c: {  	v16 =	vandn.u32 v16, v10  }
0x47d: {  	s20 =	sor.u32 $0x300, s7;
	v16 =	vmul.f32 v16, v8;
	[tilespmem:v13+s19+$0x0] =	vst.idx.add.f32.msk $0xffff, v15  }
0x47e: {  	s1 =	sor.u32 s1, s1;
	v15 =	vld [tilespmem:s20+$0x3000];
	v18 =	vandn.u32 v18, v12  }
0x47f: {  	s1 =	sor.u32 $0x380, s1;
	[tilespmem:v6+s12+$0x0] =	vst.idx.add.f32.msk $0xffff, v16;
	v16 =	vmul.f32 v18, v9  }
0x480: {  	v18 =	vld [tilespmem:s1+$0x3000];
	v17 =	vandn.u32 v17, v5  }
0x481: {  	s21 =	sor.u32 $0x380, s5;
	[tilespmem:v7+s12+$0x0] =	vst.idx.add.f32.msk $0xffff, v16;
	v16 =	vmul.f32 v17, v4  }
0x482: {  	s23 =	sadd.s32 $0x5100, s4;
	v17 =	vld [tilespmem:s21+$0x3000]  }
0x483: {  	s29 =	sor.u32 s6, s23;
	v15 =	vandn.u32 v15, v14;
	[tilespmem:v3+s15+$0x0] =	vst.idx.add.f32.msk $0xffff, v16  }
0x484: {  	v15 =	vmul.f32 v15, v11;
	v16 =	vld [tilespmem:s29+$0x0]  }
0x485: {  	v18 =	vandn.u32 v18, v10  }
0x486: {  	s9 =	sor.u32 $0x380, s7;
	[tilespmem:v13+s12+$0x0] =	vst.idx.add.f32.msk $0xffff, v15;
	v15 =	vmul.f32 v18, v8  }
0x487: {  	v18 =	vld [tilespmem:s9+$0x3000];
	v17 =	vandn.u32 v17, v12  }
0x488: {  	s12 =	sor.u32 s8, s3;
	[tilespmem:v6+s30+$0x0] =	vst.idx.add.f32.msk $0xffff, v15;
	v15 =	vmul.f32 v17, v9  }
0x489: {  	v17 =	vld [tilespmem:s12+$0x0];
	v16 =	vandn.u32 v16, v5  }
0x48a: {  	s17 =	sor.u32 s11, s3;
	[tilespmem:v7+s30+$0x0] =	vst.idx.add.f32.msk $0xffff, v15;
	v15 =	vmul.f32 v16, v4  }
0x48b: {  	s18 =	sadd.s32 $0x5180, s4;
	s9 =	simm.s32 $0x17000;
	v16 =	vld [tilespmem:s17+$0x0]  }
0x48c: {  	s29 =	sor.u32 s6, s18;
	v18 =	vandn.u32 v18, v14;
	[tilespmem:v3+s9+$0x0] =	vst.idx.add.f32.msk $0xffff, v15  }
0x48d: {  	v15 =	vmul.f32 v18, v11;
	v18 =	vld [tilespmem:s29+$0x0]  }
0x48e: {  	v17 =	vandn.u32 v17, v10  }
0x48f: {  	s3 =	sor.u32 s0, s3;
	[tilespmem:v13+s30+$0x0] =	vst.idx.add.f32.msk $0xffff, v15;
	v15 =	vmul.f32 v17, v8  }
0x490: {  	v17 =	vld [tilespmem:s3+$0x0];
	v16 =	vandn.u32 v16, v12  }
0x491: {  	s7 =	sor.u32 s8, s2;
	[tilespmem:v6+s22+$0x0] =	vst.idx.add.f32.msk $0xffff, v15;
	v15 =	vmul.f32 v16, v9  }
0x492: {  	v16 =	vld [tilespmem:s7+$0x0];
	v18 =	vandn.u32 v18, v5  }
0x493: {  	s12 =	sor.u32 s11, s2;
	[tilespmem:v7+s22+$0x0] =	vst.idx.add.f32.msk $0xffff, v15;
	v15 =	vmul.f32 v18, v4  }
0x494: {  	s17 =	sadd.s32 $0x5200, s4;
	v18 =	vld [tilespmem:s12+$0x0]  }
0x495: {  	s29 =	sor.u32 s6, s17;
	v17 =	vandn.u32 v17, v14;
	[tilespmem:v3+s16+$0x0] =	vst.idx.add.f32.msk $0xffff, v15  }
0x496: {  	v15 =	vmul.f32 v17, v11;
	v17 =	vld [tilespmem:s29+$0x0]  }
0x497: {  	v16 =	vandn.u32 v16, v10  }
0x498: {  	s2 =	sor.u32 s0, s2;
	v16 =	vmul.f32 v16, v8;
	[tilespmem:v13+s22+$0x0] =	vst.idx.add.f32.msk $0xffff, v15  }
0x499: {  	v15 =	vld [tilespmem:s2+$0x0];
	v18 =	vandn.u32 v18, v12  }
0x49a: {  	s30 =	sor.u32 s8, s23;
	[tilespmem:v6+s15+$0x0] =	vst.idx.add.f32.msk $0xffff, v16;
	v16 =	vmul.f32 v18, v9  }
0x49b: {  	v18 =	vld [tilespmem:s30+$0x0];
	v17 =	vandn.u32 v17, v5  }
0x49c: {  	s3 =	sor.u32 s11, s23;
	[tilespmem:v7+s15+$0x0] =	vst.idx.add.f32.msk $0xffff, v16;
	v16 =	vmul.f32 v17, v4  }
0x49d: {  	s12 =	sadd.s32 $0x5280, s4;
	v17 =	vld [tilespmem:s3+$0x0]  }
0x49e: {  	s19 =	sor.u32 s6, s12;
	v15 =	vandn.u32 v15, v14;
	[tilespmem:v3+s14+$0x0] =	vst.idx.add.f32.msk $0xffff, v16  }
0x49f: {  	v15 =	vmul.f32 v15, v11;
	v16 =	vld [tilespmem:s19+$0x0]  }
0x4a0: {  	v18 =	vandn.u32 v18, v10  }
0x4a1: {  	s20 =	sor.u32 s0, s23;
	v18 =	vmul.f32 v18, v8;
	[tilespmem:v13+s15+$0x0] =	vst.idx.add.f32.msk $0xffff, v15  }
0x4a2: {  	v15 =	vld [tilespmem:s20+$0x0];
	v17 =	vandn.u32 v17, v12  }
0x4a3: {  	s21 =	sor.u32 s8, s18;
	[tilespmem:v6+s9+$0x0] =	vst.idx.add.f32.msk $0xffff, v18;
	v17 =	vmul.f32 v17, v9  }
0x4a4: {  	v18 =	vld [tilespmem:s21+$0x0];
	v16 =	vandn.u32 v16, v5  }
0x4a5: {  	s22 =	sor.u32 s11, s18;
	[tilespmem:v7+s9+$0x0] =	vst.idx.add.f32.msk $0xffff, v17;
	v16 =	vmul.f32 v16, v4  }
0x4a6: {  	s23 =	sadd.s32 $0x5300, s4;
	v17 =	vld [tilespmem:s22+$0x0]  }
0x4a7: {  	s29 =	sor.u32 s6, s23;
	v15 =	vandn.u32 v15, v14;
	[tilespmem:v3+s13+$0x0] =	vst.idx.add.f32.msk $0xffff, v16  }
0x4a8: {  	v15 =	vmul.f32 v15, v11;
	v16 =	vld [tilespmem:s29+$0x0]  }
0x4a9: {  	s28 =	simm.s32 $0x40;
	v18 =	vandn.u32 v18, v10  }
0x4aa: {  	s1 =	sor.u32 s0, s18;
	s31 =	sor.u32 s11, s12;
	s7 =	sor.u32 s0, s12;
	v19 =	vmul.f32 v18, v8;
	[tilespmem:v13+s9+$0x0] =	vst.idx.add.f32.msk $0xffff, v15  }
0x4ab: {  	s18 =	sor.u32 s11, s17;
	s30 =	sor.u32 s8, s17;
	s19 =	sor.u32 s0, s17;
	v18 =	vld [tilespmem:s1+$0x0]  }
0x4ac: {  	s17 =	sor.u32 s8, s12;
	s12 =	sor.u32 s0, s23;
	s15 =	simm.s32 $0x0;
	v15 =	vandn.u32 v17, v12;
	[tilespmem:v6+s16+$0x0] =	vst.idx.add.f32.msk $0xffff, v19  }
0x4ad: {  	s20 =	sor.u32 s8, s23;
	s13 =	simm.s32 $0x200;
	s9 =	sor.u32 s11, s23;
	v19 =	vmul.f32 v15, v9;
	v17 =	vld [tilespmem:s30+$0x0];
	v16 =	vandn.u32 v16, v5  }
.LBB2_11:
0x4ae: {  	_ = 	snop  }
0x4af: {  	s26 =	sadd.s32 $0x40, s26;
	[tilespmem:v7+s16+$0x0] =	vst.idx.add.f32.msk $0xffff, v19  }
0x4b0: {  	v15 =	vmul.f32 v16, v4;
	v16 =	vld [tilespmem:s26+$0x0]  }
0x4b1: {  	s3 =	simm.s32 $0x1B000;
	v19 =	vld [tilespmem:s26+$0xFFFFFFD0]  }
0x4b2: {  	s2 =	sand.u32 $0x40, s28;
	s5 =	sand.u32 $0x1C00, s13;
	s4 =	sadd.s32 $0x5380, s4;
	[tilespmem:v3+s3+$0x0] =	vst.idx.add.f32.msk $0xffff, v15  }
0x4b3: {  	s1 =	sadd.s32 $0x3000, s5;
	s21 =	sor.u32 s6, s4;
	s6 =	sor.u32 $0x30, s2;
	v20 =	vld [tilespmem:s26+$0xFFFFFFE0]  }
0x4b4: {  	[dreg:$0x1a] =	wrdreg s9;
	s9 =	sor.u32 s6, s1;
	v18 =	vandn.u32 v18, v14;
	v15 =	vandn.u32 v17, v10;
	v17 =	vld [tilespmem:s21+$0x0]  }
0x4b5: {  	s10 =	sadd.s32 $0x40, s10;
	v24 =	vmul.f32 v18, v11;
	v18 =	vld [tilespmem:s9+$0x0]  }
0x4b6: {  	v25 =	vmul.f32 v15, v8;
	v15 =	vld [tilespmem:s10+$0x0]  }
0x4b7: {  	s22 =	sor.u32 $0x10, s2;
	v23 =	vld [tilespmem:s26+$0xFFFFFFF0]  }
0x4b8: {  	[dreg:$0x1d] =	wrdreg s20;
	s20 =	sor.u32 s22, s1;
	v46 =	vld [tilespmem:s18+$0x0];
	v21 =	vand.u32 $0x7FFFFFFF, v16  }
0x4b9: {  	s23 =	sor.u32 $0x20, s2;
	v27 =	vld [tilespmem:s20+$0x0];
	s21 =	sor.u32 s2, s1;
	v22 =	vand.u32 $0x80000000, v19;
	v17 =	vandn.u32 v17, v5;
	v5 =	vand.u32 $0x80000000, v16  }
0x4ba: {  	s0 =	sor.u32 s0, s4;
	s14 =	sor.u32 s23, s1;
	v26 =	vld [tilespmem:s21+$0x0];
	v16 =	vandn.u32 v18, v5;
	v18 =	vmul.f32 v17, v4;
	v17 =	vand.u32 $0x7FFFFFFF, v19  }
0x4bb: {  	[dreg:$0xc] =	wrdreg s0;
	s0 =	smov.u32 s23;
	s23 =	simm.s32 $0x1C000;
	v19 =	vand.u32 $0x80000000, v20;
	v28 =	vmul.f32 v16, v15;
	v16 =	vand.u32 $0x7FFFFFFF, v20;
	v20 =	vld [tilespmem:s10+$0xFFFFFFE0]  }
0x4bc: {  	[tilespmem:v3+s23+$0x0] =	vst.idx.add.f32.msk $0xffff, v18  }
0x4bd: {  	v4 =	vmov v15;
	v15 =	vand.u32 $0x7FFFFFFF, v23;
	v18 =	vand.u32 $0x80000000, v23;
	v23 =	vld [tilespmem:s10+$0xFFFFFFD0]  }
0x4be: {  	[tilespmem:v21+s24+$0x0] =	vst.idx.add.f32.msk $0xffff, v28  }
0x4bf: {  	v28 =	vld [tilespmem:s9+$0x80]  }
0x4c0: {  	v29 =	vld [tilespmem:s14+$0x0]  }
0x4c1: {  	v27 =	vandn.u32 v27, v19;
	v3 =	vmov v21;
	v21 =	vld [tilespmem:s10+$0xFFFFFFF0]  }
0x4c2: {  	v26 =	vandn.u32 v26, v22;
	[tilespmem:v13+s16+$0x0] =	vst.idx.add.f32.msk $0xffff, v24;
	v27 =	vmul.f32 v27, v20  }
0x4c3: {  	v30 =	vld [tilespmem:s19+$0x0];
	v26 =	vmul.f32 v26, v23  }
0x4c4: {  	[tilespmem:v16+s24+$0x0] =	vst.idx.add.f32.msk $0xffff, v27;
	v28 =	vandn.u32 v28, v5  }
0x4c5: {  	[tilespmem:v17+s24+$0x0] =	vst.idx.add.f32.msk $0xffff, v26;
	v28 =	vmul.f32 v28, v4  }
0x4c6: {  	v45 =	vandn.u32 v29, v18;
	v51 =	vld [tilespmem:s20+$0x80]  }
0x4c7: {  	v24 =	vmul.f32 v45, v21;
	[tilespmem:v3+s25+$0x0] =	vst.idx.add.f32.msk $0xffff, v28  }
0x4c8: {  	v28 =	vld [tilespmem:s9+$0x100]  }
0x4c9: {  	[tilespmem:v15+s24+$0x0] =	vst.idx.add.f32.msk $0xffff, v24  }
0x4ca: {  	v47 =	vandn.u32 v46, v12;
	v50 =	vld [tilespmem:s21+$0x80]  }
0x4cb: {  	v48 =	vmul.f32 v47, v9;
	v49 =	vandn.u32 v30, v14;
	s24 =	simm.s32 $0x19000;
	v52 =	vld [tilespmem:s14+$0x80]  }
0x4cc: {  	v26 =	vmul.f32 v49, v11;
	[tilespmem:v6+s24+$0x0] =	vst.idx.add.f32.msk $0xffff, v25;
	v55 =	vandn.u32 v51, v19  }
0x4cd: {  	[tilespmem:v7+s24+$0x0] =	vst.idx.add.f32.msk $0xffff, v48;
	v56 =	vmul.f32 v55, v20;
	v28 =	vandn.u32 v28, v5  }
0x4ce: {  	[tilespmem:v13+s24+$0x0] =	vst.idx.add.f32.msk $0xffff, v26;
	v28 =	vmul.f32 v28, v4  }
0x4cf: {  	s30 =	simm.s32 $0xF000;
	v53 =	vandn.u32 v50, v22;
	[tilespmem:v16+s25+$0x0] =	vst.idx.add.f32.msk $0xffff, v56  }
0x4d0: {  	v25 =	vmul.f32 v53, v23;
	[tilespmem:v3+s30+$0x0] =	vst.idx.add.f32.msk $0xffff, v28  }
0x4d1: {  	v54 =	vld [tilespmem:s9+$0x180]  }
0x4d2: {  	[tilespmem:v17+s25+$0x0] =	vst.idx.add.f32.msk $0xffff, v25  }
0x4d3: {  	p0 =	por !p0, !p0;
	s8 =	sor.u32 s8, s4;
	v57 =	vandn.u32 v52, v18;
	v61 =	vld [tilespmem:s20+$0x100]  }
0x4d4: {  	[dreg:$0x12] =	wrdreg s8;
	s8 =	smov.u32 s2;
	s2 =	simm.s32 $0x1;
	v58 =	vmul.f32 v57, v21;
	v33 =	vld [tilespmem:s31+$0x0]  }
0x4d5: {  	s2 =	simm.s32 @!p0 $0x0;
	v60 =	vld [tilespmem:s21+$0x100]  }
0x4d6: {  	[dreg:$0x16] =	wrdreg s12;
	s2 =	sshll.u32 s2, $0x6;
	[tilespmem:v15+s25+$0x0] =	vst.idx.add.f32.msk $0xffff, v58;
	v59 =	vandn.u32 v54, v5  }
0x4d7: {  	[dreg:$0x8] =	wrdreg s26;
	s12 =	sor.u32 s11, s4;
	s18 =	sadd.s32 s2, s13;
	v63 =	vld [tilespmem:s17+$0x0];
	v24 =	vmul.f32 v59, v4  }
0x4d8: {  	s4 =	smov.u32 s5;
	s26 =	simm.s32 $0x10000;
	s5 =	sadd.s32 $0x30, s18;
	v62 =	vld [tilespmem:s14+$0x100]  }
0x4d9: {  	s25 =	sor.u32 $0x200, s5;
	v26 =	vandn.u32 v61, v19;
	[tilespmem:v3+s26+$0x0] =	vst.idx.add.f32.msk $0xffff, v24  }
0x4da: {  	v25 =	vandn.u32 v60, v22;
	v26 =	vmul.f32 v26, v20;
	v24 =	vld [tilespmem:s25+$0x3000]  }
0x4db: {  	v34 =	vld [tilespmem:s7+$0x0];
	v25 =	vmul.f32 v25, v23  }
0x4dc: {  	[tilespmem:v16+s30+$0x0] =	vst.idx.add.f32.msk $0xffff, v26  }
0x4dd: {  	s3 =	sor.u32 s13, s28;
	s11 =	smov.u32 s22;
	v35 =	vandn.u32 v62, v18;
	[tilespmem:v17+s30+$0x0] =	vst.idx.add.f32.msk $0xffff, v25  }
0x4de: {  	s1 =	sor.u32 $0x380, s3;
	s3 =	sor.u32 $0x200, s18;
	s16 =	sadd.s32 $0x20, s18;
	v37 =	vandn.u32 v63, v10;
	v25 =	vmul.f32 v35, v21;
	v43 =	vld [tilespmem:s20+$0x180]  }
0x4df: {  	s19 =	sadd.s32 $0x10, s18;
	s2 =	sor.u32 $0x200, s16;
	s22 =	sor.u32 $0x300, s16;
	v38 =	vmul.f32 v37, v8;
	v36 =	vld [tilespmem:s21+$0x180];
	v24 =	vandn.u32 v24, v5  }
0x4e0: {  	s24 =	sor.u32 $0x280, s18;
	s9 =	sor.u32 $0x280, s16;
	s21 =	simm.s32 $0x1A000;
	[tilespmem:v15+s30+$0x0] =	vst.idx.add.f32.msk $0xffff, v25;
	v24 =	vmul.f32 v24, v4  }
0x4e1: {  	v39 =	vandn.u32 v33, v12;
	[tilespmem:v6+s21+$0x0] =	vst.idx.add.f32.msk $0xffff, v38;
	s25 =	sor.u32 $0x300, s18;
	s18 =	sor.u32 $0x380, s16;
	s16 =	simm.s32 $0x11000  }
0x4e2: {  	s17 =	sor.u32 $0x280, s5;
	v27 =	vmul.f32 v39, v9;
	[tilespmem:v3+s16+$0x0] =	vst.idx.add.f32.msk $0xffff, v24  }
0x4e3: {  	v46 =	vandn.u32 v43, v19;
	v40 =	vld [tilespmem:s17+$0x3000]  }
0x4e4: {  	[tilespmem:v7+s21+$0x0] =	vst.idx.add.f32.msk $0xffff, v27;
	v26 =	vandn.u32 v36, v22;
	v27 =	vmul.f32 v46, v20  }
0x4e5: {  	v44 =	vld [tilespmem:s14+$0x180];
	v26 =	vmul.f32 v26, v23  }
0x4e6: {  	[tilespmem:v16+s26+$0x0] =	vst.idx.add.f32.msk $0xffff, v27  }
0x4e7: {  	s29 =	sor.u32 $0x200, s19;
	[tilespmem:v17+s26+$0x0] =	vst.idx.add.f32.msk $0xffff, v26  }
0x4e8: {  	v51 =	vld [tilespmem:s29+$0x3000];
	v45 =	vandn.u32 v40, v5  }
0x4e9: {  	v26 =	vld [tilespmem:s3+$0x3000];
	v24 =	vmul.f32 v45, v4  }
0x4ea: {  	s14 =	simm.s32 $0x12000  }
0x4eb: {  	s20 =	sor.u32 $0x300, s5;
	v47 =	vandn.u32 v44, v18;
	[tilespmem:v3+s14+$0x0] =	vst.idx.add.f32.msk $0xffff, v24  }
0x4ec: {  	v41 =	vandn.u32 v34, v14;
	v48 =	vmul.f32 v47, v21;
	v49 =	vld [tilespmem:s20+$0x3000]  }
0x4ed: {  	v42 =	vmul.f32 v41, v11  }
0x4ee: {  	[tilespmem:v15+s26+$0x0] =	vst.idx.add.f32.msk $0xffff, v48;
	v50 =	vandn.u32 v26, v22;
	v26 =	vandn.u32 v51, v19  }
0x4ef: {  	v52 =	vld [tilespmem:s2+$0x3000];
	v55 =	vmul.f32 v26, v20  }
0x4f0: {  	s30 =	simm.s32 $0x11000;
	[tilespmem:v13+s21+$0x0] =	vst.idx.add.f32.msk $0xffff, v42;
	v24 =	vmul.f32 v50, v23  }
0x4f1: {  	[tilespmem:v16+s30+$0x0] =	vst.idx.add.f32.msk $0xffff, v55;
	v28 =	vandn.u32 v49, v5  }
0x4f2: {  	[tilespmem:v17+s30+$0x0] =	vst.idx.add.f32.msk $0xffff, v24;
	v53 =	vmul.f32 v28, v4  }
0x4f3: {  	s29 =	simm.s32 $0x13000;
	v54 =	vld [tilespmem:s24+$0x3000]  }
0x4f4: {  	s7 =	sor.u32 $0x380, s5;
	v56 =	vandn.u32 v52, v18;
	[tilespmem:v3+s29+$0x0] =	vst.idx.add.f32.msk $0xffff, v53  }
0x4f5: {  	[dreg:$0xf] =	wrdreg s12;
	s12 =	sor.u32 $0x280, s19;
	v26 =	vmul.f32 v56, v21;
	v57 =	vld [tilespmem:s7+$0x3000]  }
0x4f6: {  	v60 =	vld [tilespmem:s12+$0x3000]  }
0x4f7: {  	[tilespmem:v15+s30+$0x0] =	vst.idx.add.f32.msk $0xffff, v26  }
0x4f8: {  	s3 =	rddreg [dreg:$0x1a];
	v26 =	vld [tilespmem:s9+$0x3000];
	v59 =	vandn.u32 v54, v22  }
0x4f9: {  	s16 =	rddreg [dreg:$0x1d];
	v34 =	vld [tilespmem:s3+$0x0];
	v24 =	vmul.f32 v59, v23  }
0x4fa: {  	v58 =	vld [tilespmem:s16+$0x0];
	v27 =	vandn.u32 v57, v5  }
0x4fb: {  	[tilespmem:v17+s14+$0x0] =	vst.idx.add.f32.msk $0xffff, v24;
	v61 =	vmul.f32 v27, v4  }
0x4fc: {  	s26 =	simm.s32 $0x14000;
	s17 =	sadd.s32 $0x5000, s4;
	v63 =	vld [tilespmem:s25+$0x3000]  }
0x4fd: {  	s20 =	sor.u32 s6, s17;
	v26 =	vandn.u32 v26, v18;
	[tilespmem:v3+s26+$0x0] =	vst.idx.add.f32.msk $0xffff, v61  }
0x4fe: {  	s12 =	rddreg [dreg:$0x16];
	v26 =	vmul.f32 v26, v21;
	v33 =	vld [tilespmem:s20+$0x0]  }
0x4ff: {  	v35 =	vld [tilespmem:s12+$0x0];
	v32 =	vandn.u32 v60, v19  }
0x500: {  	[tilespmem:v15+s14+$0x0] =	vst.idx.add.f32.msk $0xffff, v26;
	v24 =	vmul.f32 v32, v20  }
0x501: {  	v29 =	vandn.u32 v34, v12;
	v38 =	vld [tilespmem:s22+$0x3000]  }
0x502: {  	s23 =	sor.u32 $0x300, s19;
	v39 =	vmul.f32 v29, v9;
	[tilespmem:v16+s14+$0x0] =	vst.idx.add.f32.msk $0xffff, v24;
	v28 =	vandn.u32 v63, v22  }
0x503: {  	s12 =	simm.s32 $0x1B000;
	v37 =	vld [tilespmem:s23+$0x3000];
	v36 =	vmul.f32 v28, v23;
	v25 =	vandn.u32 v33, v5  }
0x504: {  	[tilespmem:v7+s12+$0x0] =	vst.idx.add.f32.msk $0xffff, v39;
	v25 =	vmul.f32 v25, v4  }
0x505: {  	s22 =	simm.s32 $0x15000;
	s14 =	sadd.s32 $0x5080, s4;
	[tilespmem:v17+s29+$0x0] =	vst.idx.add.f32.msk $0xffff, v36  }
0x506: {  	v62 =	vandn.u32 v58, v10;
	s16 =	sor.u32 s6, s14;
	[tilespmem:v3+s22+$0x0] =	vst.idx.add.f32.msk $0xffff, v25  }
0x507: {  	v27 =	vmul.f32 v62, v8;
	v28 =	vandn.u32 v38, v18;
	v42 =	vld [tilespmem:s16+$0x0]  }
0x508: {  	v26 =	vandn.u32 v37, v19;
	v44 =	vmul.f32 v28, v21;
	v43 =	vld [tilespmem:s1+$0x3000]  }
0x509: {  	v26 =	vmul.f32 v26, v20;
	[tilespmem:v6+s12+$0x0] =	vst.idx.add.f32.msk $0xffff, v27  }
0x50a: {  	[tilespmem:v15+s29+$0x0] =	vst.idx.add.f32.msk $0xffff, v44  }
0x50b: {  	s19 =	sor.u32 $0x380, s19;
	v40 =	vandn.u32 v35, v14;
	[tilespmem:v16+s29+$0x0] =	vst.idx.add.f32.msk $0xffff, v26  }
0x50c: {  	s31 =	simm.s32 $0x1B000;
	s5 =	sor.u32 s11, s17;
	s9 =	sor.u32 s8, s17;
	v41 =	vmul.f32 v40, v11;
	v48 =	vld [tilespmem:s18+$0x3000];
	v45 =	vandn.u32 v42, v5  }
0x50d: {  	s7 =	sor.u32 s0, s17;
	s23 =	simm.s32 $0x16000;
	s17 =	sor.u32 s11, s14;
	v47 =	vld [tilespmem:s19+$0x3000];
	v24 =	vmul.f32 v45, v4  }
0x50e: {  	s3 =	sor.u32 s0, s14;
	s20 =	sor.u32 s8, s14;
	s14 =	sadd.s32 $0x5100, s4;
	[tilespmem:v13+s31+$0x0] =	vst.idx.add.f32.msk $0xffff, v41;
	v46 =	vandn.u32 v43, v22  }
0x50f: {  	s19 =	sor.u32 s6, s14;
	v26 =	vmul.f32 v46, v23;
	[tilespmem:v3+s23+$0x0] =	vst.idx.add.f32.msk $0xffff, v24  }
0x510: {  	v24 =	vld [tilespmem:s19+$0x0]  }
0x511: {  	s2 =	sor.u32 s0, s14;
	v28 =	vandn.u32 v48, v18;
	[tilespmem:v17+s26+$0x0] =	vst.idx.add.f32.msk $0xffff, v26  }
0x512: {  	s12 =	sor.u32 s11, s14;
	s16 =	sor.u32 s8, s14;
	v27 =	vandn.u32 v47, v19;
	v49 =	vmul.f32 v28, v21;
	s14 =	rddreg [dreg:$0x12];
	v26 =	vld [tilespmem:s9+$0x0]  }
0x513: {  	v27 =	vmul.f32 v27, v20;
	v50 =	vld [tilespmem:s14+$0x0]  }
0x514: {  	[tilespmem:v15+s26+$0x0] =	vst.idx.add.f32.msk $0xffff, v49  }
0x515: {  	[tilespmem:v16+s26+$0x0] =	vst.idx.add.f32.msk $0xffff, v27;
	v24 =	vandn.u32 v24, v5  }
0x516: {  	v52 =	vld [tilespmem:s5+$0x0];
	v24 =	vmul.f32 v24, v4  }
0x517: {  	s18 =	sadd.s32 $0x5180, s4;
	s26 =	simm.s32 $0x17000;
	v54 =	vld [tilespmem:s7+$0x0]  }
0x518: {  	v51 =	vandn.u32 v26, v22;
	s19 =	sor.u32 s6, s18;
	[tilespmem:v3+s26+$0x0] =	vst.idx.add.f32.msk $0xffff, v24  }
0x519: {  	s7 =	rddreg [dreg:$0xf];
	v25 =	vmul.f32 v51, v23;
	v24 =	vld [tilespmem:s19+$0x0]  }
0x51a: {  	s9 =	sor.u32 s11, s18;
	v57 =	vld [tilespmem:s7+$0x0]  }
0x51b: {  	s14 =	sor.u32 s0, s18;
	s5 =	sor.u32 s8, s18;
	v56 =	vandn.u32 v52, v19;
	s18 =	rddreg [dreg:$0xc];
	[tilespmem:v17+s22+$0x0] =	vst.idx.add.f32.msk $0xffff, v25  }
0x51c: {  	v25 =	vmul.f32 v56, v20;
	v58 =	vld [tilespmem:s18+$0x0]  }
0x51d: {  	v55 =	vld [tilespmem:s20+$0x0]  }
0x51e: {  	[tilespmem:v16+s22+$0x0] =	vst.idx.add.f32.msk $0xffff, v25;
	v24 =	vandn.u32 v24, v5  }
0x51f: {  	v25 =	vld [tilespmem:s17+$0x0];
	v24 =	vmul.f32 v24, v4  }
0x520: {  	s7 =	sadd.s32 $0x5200, s4;
	v53 =	vandn.u32 v50, v10;
	v10 =	vmov v22;
	v22 =	vandn.u32 v54, v18;
	s19 =	simm.s32 $0x18000  }
0x521: {  	v22 =	vmul.f32 v22, v21;
	s20 =	sor.u32 s6, s7;
	[tilespmem:v3+s19+$0x0] =	vst.idx.add.f32.msk $0xffff, v24  }
0x522: {  	v27 =	vmul.f32 v53, v8;
	v8 =	vmovc v23;
	v26 =	vandn.u32 v57, v12;
	v23 =	vandn.u32 v55, v10;
	v24 =	vld [tilespmem:s20+$0x0]  }
0x523: {  	v12 =	vmov v19;
	v19 =	vmul.f32 v26, v9;
	[tilespmem:v15+s22+$0x0] =	vst.idx.add.f32.msk $0xffff, v22;
	v23 =	vmul.f32 v23, v8  }
0x524: {  	v9 =	vmovc v20;
	v59 =	vandn.u32 v58, v14;
	v14 =	vmov v18;
	v18 =	vld [tilespmem:s3+$0x0];
	v20 =	vandn.u32 v25, v12  }
0x525: {  	[tilespmem:v17+s23+$0x0] =	vst.idx.add.f32.msk $0xffff, v23;
	v20 =	vmul.f32 v20, v9  }
0x526: {  	v61 =	vld [tilespmem:s16+$0x0]  }
0x527: {  	[tilespmem:v16+s23+$0x0] =	vst.idx.add.f32.msk $0xffff, v20;
	s20 =	simm.s32 $0x1C000;
	v62 =	vandn.u32 v24, v5  }
0x528: {  	[tilespmem:v6+s20+$0x0] =	vst.idx.add.f32.msk $0xffff, v27;
	v6 =	vmov v17;
	v17 =	vmul.f32 v62, v4  }
0x529: {  	s3 =	sadd.s32 $0x5280, s4;
	v60 =	vmul.f32 v59, v11;
	v11 =	vmov v21;
	v18 =	vandn.u32 v18, v14;
	v20 =	vld [tilespmem:s12+$0x0];
	s12 =	simm.s32 $0x19000  }
0x52a: {  	v18 =	vmul.f32 v18, v11;
	[tilespmem:v3+s12+$0x0] =	vst.idx.add.f32.msk $0xffff, v17;
	s12 =	sor.u32 s6, s3  }
0x52b: {  	v17 =	vandn.u32 v61, v10;
	v63 =	vld [tilespmem:s12+$0x0]  }
0x52c: {  	[tilespmem:v15+s23+$0x0] =	vst.idx.add.f32.msk $0xffff, v18;
	v17 =	vmul.f32 v17, v8  }
0x52d: {  	v18 =	vld [tilespmem:s2+$0x0]  }
0x52e: {  	[tilespmem:v6+s26+$0x0] =	vst.idx.add.f32.msk $0xffff, v17;
	v17 =	vandn.u32 v20, v12  }
0x52f: {  	v20 =	vld [tilespmem:s5+$0x0];
	v17 =	vmul.f32 v17, v9  }
0x530: {  	[tilespmem:v7+s20+$0x0] =	vst.idx.add.f32.msk $0xffff, v19;
	v21 =	vandn.u32 v63, v5  }
0x531: {  	v7 =	vmov v16;
	[tilespmem:v16+s26+$0x0] =	vst.idx.add.f32.msk $0xffff, v17;
	v16 =	vmul.f32 v21, v4  }
0x532: {  	v18 =	vandn.u32 v18, v14;
	s12 =	sadd.s32 $0x5300, s4;
	v17 =	vld [tilespmem:s9+$0x0]  }
0x533: {  	s15 =	sadd.s32 $0x4, s15;
	v18 =	vmul.f32 v18, v11;
	[tilespmem:v3+s21+$0x0] =	vst.idx.add.f32.msk $0xffff, v16;
	s21 =	sor.u32 s6, s12  }
0x534: {  	p1 =	slt.u32 s15, $0x3C;
	s28 =	sadd.s32 $0x40, s28;
	s13 =	sadd.s32 $0x200, s13;
	v16 =	vandn.u32 v20, v10;
	v20 =	vld [tilespmem:s21+$0x0]  }
.Ltmp4:
0x535: {  	s24 =	simm.s32 $0xD000;
	s25 =	simm.s32 $0xE000;
	[tilespmem:v15+s26+$0x0] =	vst.idx.add.f32.msk $0xffff, v18;
	(pc) =	sbr.rel @p1 .LBB2_11-.Ltmp4, $4  }
0x536: {  	s1 =	sor.u32 s8, s7;
	s18 =	sor.u32 s11, s7;
	v18 =	vld [tilespmem:s14+$0x0];
	s5 =	simm.s32 $0x1C000;
	v16 =	vmul.f32 v16, v8  }
0x537: {  	s17 =	sor.u32 s8, s3;
	s31 =	sor.u32 s11, s3;
	s16 =	simm.s32 $0x18000;
	[tilespmem:v13+s5+$0x0] =	vst.idx.add.f32.msk $0xffff, v60  }
0x538: {  	s19 =	sor.u32 s0, s7;
	s7 =	sor.u32 s0, s3;
	s20 =	sor.u32 s8, s12;
	[tilespmem:v6+s16+$0x0] =	vst.idx.add.f32.msk $0xffff, v16;
	v16 =	vandn.u32 v17, v12  }
0x539: {  	v13 =	vmov v15;
	s26 =	rddreg [dreg:$0x8];
	s9 =	sor.u32 s11, s12;
	s12 =	sor.u32 s0, s12;
	v17 =	vld [tilespmem:s1+$0x0];
	v19 =	vmul.f32 v16, v9;
	v16 =	vandn.u32 v20, v5  }
0x53a: {  	_ =	sdelay $0x1  }
0x53b: {  	v15 =	vandn.u32 v18, v14  }
0x53c: {  	v15 =	vmul.f32 v15, v11  }
0x53d: {  	[tilespmem:v7+s16+$0x0] =	vst.idx.add.f32.msk $0xffff, v19  }
0x53e: {  	[tilespmem:v13+s16+$0x0] =	vst.idx.add.f32.msk $0xffff, v15  }
0x53f: {  	v15 =	vld [tilespmem:s18+$0x0];
	_ =	sdelay $0x3  }
0x540: {  	v17 =	vandn.u32 v17, v10;
	v18 =	vld [tilespmem:s19+$0x0]  }
0x541: {  	v17 =	vmul.f32 v17, v8;
	v15 =	vandn.u32 v15, v12  }
0x542: {  	s14 =	simm.s32 $0x19000;
	v15 =	vmul.f32 v15, v9  }
0x543: {  	[tilespmem:v6+s14+$0x0] =	vst.idx.add.f32.msk $0xffff, v17  }
0x544: {  	[tilespmem:v7+s14+$0x0] =	vst.idx.add.f32.msk $0xffff, v15  }
0x545: {  	v18 =	vandn.u32 v18, v14;
	v15 =	vld [tilespmem:s17+$0x0]  }
0x546: {  	v18 =	vmul.f32 v18, v11;
	v17 =	vld [tilespmem:s31+$0x0];
	_ =	sdelay $0x1  }
0x547: {  	[tilespmem:v13+s14+$0x0] =	vst.idx.add.f32.msk $0xffff, v18  }
0x548: {  	v18 =	vld [tilespmem:s7+$0x0]  }
0x549: {  	v15 =	vandn.u32 v15, v10  }
0x54a: {  	v15 =	vmul.f32 v15, v8;
	v17 =	vandn.u32 v17, v12  }
0x54b: {  	s13 =	simm.s32 $0x1A000;
	v17 =	vmul.f32 v17, v9  }
0x54c: {  	[tilespmem:v6+s13+$0x0] =	vst.idx.add.f32.msk $0xffff, v15  }
0x54d: {  	v18 =	vandn.u32 v18, v14;
	[tilespmem:v7+s13+$0x0] =	vst.idx.add.f32.msk $0xffff, v17  }
0x54e: {  	v18 =	vmul.f32 v18, v11;
	v15 =	vld [tilespmem:s20+$0x0]  }
0x54f: {  	v17 =	vld [tilespmem:s9+$0x0]  }
0x550: {  	[tilespmem:v13+s13+$0x0] =	vst.idx.add.f32.msk $0xffff, v18  }
0x551: {  	v16 =	vmul.f32 v16, v4;
	v18 =	vld [tilespmem:s12+$0x0]  }
0x552: {  	s1 =	sadd.s32 $0x5380, s4;
	s3 =	simm.s32 $0x1B000  }
0x553: {  	s2 =	sor.u32 s6, s1;
	[tilespmem:v3+s3+$0x0] =	vst.idx.add.f32.msk $0xffff, v16;
	v15 =	vandn.u32 v15, v10  }
0x554: {  	v15 =	vmul.f32 v15, v8;
	v16 =	vandn.u32 v17, v12;
	v17 =	vld [tilespmem:s2+$0x0]  }
0x555: {  	v16 =	vmul.f32 v16, v9  }
0x556: {  	v18 =	vandn.u32 v18, v14;
	[tilespmem:v6+s3+$0x0] =	vst.idx.add.f32.msk $0xffff, v15  }
0x557: {  	s10 =	sor.u32 s8, s1;
	v18 =	vmul.f32 v18, v11;
	[tilespmem:v7+s3+$0x0] =	vst.idx.add.f32.msk $0xffff, v16  }
0x558: {  	v15 =	vld [tilespmem:s10+$0x0]  }
0x559: {  	s11 =	sor.u32 s11, s1;
	[tilespmem:v13+s3+$0x0] =	vst.idx.add.f32.msk $0xffff, v18;
	v5 =	vandn.u32 v17, v5  }
0x55a: {  	s0 =	sor.u32 s0, s1;
	v16 =	vld [tilespmem:s11+$0x0];
	v4 =	vmul.f32 v5, v4  }
0x55b: {  	s15 =	simm.s32 $0x1C000;
	v18 =	vld [tilespmem:s0+$0x0]  }
0x55c: {  	s12 =	sld [smem:$0x7E3];
	[tilespmem:v3+s15+$0x0] =	vst.idx.add.f32.msk $0xffff, v4  }
0x55d: {  	s0 =	sld [smem:$0x7E9]  }
0x55e: {  	v5 =	vandn.u32 v15, v10;
	s1 =	sld [smem:$0x7E1]  }
0x55f: {  	v5 =	vmul.f32 v5, v8;
	v8 =	vandn.u32 v16, v12  }
0x560: {  	p0 =	seq.s32 s12, $0xF;
	v3 =	vmul.f32 v8, v9;
	v4 =	vandn.u32 v18, v14  }
0x561: {  	s17 =	simm.s32 $0x4;
	v4 =	vmul.f32 v4, v11;
	[tilespmem:v6+s15+$0x0] =	vst.idx.add.f32.msk $0xffff, v5;
	s0 =	sadd.s32 @!p0 s0, s1  }
0x562: {  	s2 =	simm.s32 @!p0 $0x80000;
	[tilespmem:v7+s15+$0x0] =	vst.idx.add.f32.msk $0xffff, v3;
	s1 =	rddreg [dreg:$0x0];
	s0 =	sshrl.u32 @!p0 s0, $0x3  }
0x563: {  	s3 =	simm.s32 @!p0 $0x3000;
	[tilespmem:v13+s15+$0x0] =	vst.idx.add.f32.msk $0xffff, v4;
	s0 =	sadd.s32 @!p0 s1, s0;
	s1 =	simm.s32 @!p0 $0x2000  }
0x564: {  	[tilespmem:s3], [sflag:$0x3] =	stream.strided.gather @!p0 [hbm4b:s0+s1], $0x4000, s2, s1, $0x38;
	[tilespmem:$0x1D000] =	vst v63  }
0x565: {  	_ =	swait.ge [sflag:s17], $0x4000  }
0x566: {  	s26 =	simm.s32 $0x1C30;
	s1 =	simm.s32 $0x0;
	[sflag:s17] =	ssyncset.done $0x0  }
0x567: {  	s8 =	sand.u32 $0x40, s1;
	s4 =	sand.u32 $0x1C00, s1;
	[sflag:s17] =	ssyncadd.s32 $0xFFFFC000  }
0x568: {  	s18 =	sadd.s32 $0x7000, s4;
	s6 =	sor.u32 $0x30, s8;
	v5 =	vld [tilespmem:s26+$0x0]  }
0x569: {  	s19 =	sor.u32 s6, s18  }
0x56a: {  	s10 =	simm.s32 $0x2C30;
	v6 =	vld [tilespmem:s19+$0x0]  }
0x56b: {  	v4 =	vld [tilespmem:s10+$0x0];
	_ =	sdelay $0x1  }
0x56c: {  	v3 =	vand.u32 $0x7FFFFFFF, v5  }
0x56d: {  	v5 =	vand.u32 $0x80000000, v5  }
0x56e: {  	v6 =	vandn.u32 v6, v5  }
0x56f: {  	v6 =	vmul.f32 v6, v4;
	_ =	sdelay $0x1  }
0x570: {  	[tilespmem:v3+s24+$0x0] =	vst.idx.add.f32.msk $0xffff, v6  }
0x571: {  	v6 =	vld [tilespmem:s19+$0x80];
	_ =	sdelay $0x4  }
0x572: {  	v6 =	vandn.u32 v6, v5  }
0x573: {  	v6 =	vmul.f32 v6, v4;
	_ =	sdelay $0x1  }
0x574: {  	[tilespmem:v3+s25+$0x0] =	vst.idx.add.f32.msk $0xffff, v6  }
0x575: {  	v6 =	vld [tilespmem:s19+$0x100];
	_ =	sdelay $0x1  }
0x576: {  	v8 =	vld [tilespmem:s26+$0xFFFFFFD0]  }
0x577: {  	s11 =	sor.u32 $0x10, s8;
	s5 =	sor.u32 s8, s18;
	v11 =	vld [tilespmem:s26+$0xFFFFFFE0]  }
0x578: {  	s20 =	sor.u32 s11, s18;
	v12 =	vld [tilespmem:s5+$0x0]  }
0x579: {  	v13 =	vld [tilespmem:s20+$0x0];
	v6 =	vandn.u32 v6, v5  }
0x57a: {  	v7 =	vld [tilespmem:s10+$0xFFFFFFD0];
	v10 =	vmul.f32 v6, v4  }
0x57b: {  	s15 =	simm.s32 $0xF000;
	v9 =	vld [tilespmem:s10+$0xFFFFFFE0]  }
0x57c: {  	v6 =	vand.u32 $0x7FFFFFFF, v8;
	[tilespmem:v3+s15+$0x0] =	vst.idx.add.f32.msk $0xffff, v10  }
0x57d: {  	s0 =	sor.u32 $0x20, s8;
	v10 =	vand.u32 $0x80000000, v8;
	v14 =	vld [tilespmem:s19+$0x180]  }
0x57e: {  	s21 =	sor.u32 s0, s18;
	v15 =	vld [tilespmem:s26+$0xFFFFFFF0];
	v8 =	vand.u32 $0x7FFFFFFF, v11;
	v12 =	vandn.u32 v12, v10  }
0x57f: {  	v16 =	vld [tilespmem:s21+$0x0];
	v11 =	vand.u32 $0x80000000, v11;
	v17 =	vmul.f32 v12, v7  }
0x580: {  	p1 =	por $0x0, $0x0;
	s2 =	simm.s32 $0x1;
	v13 =	vandn.u32 v13, v11;
	v12 =	vld [tilespmem:s10+$0xFFFFFFF0]  }
0x581: {  	s2 =	simm.s32 @!p1 $0x0;
	v18 =	vmul.f32 v13, v9;
	[tilespmem:v6+s24+$0x0] =	vst.idx.add.f32.msk $0xffff, v17  }
0x582: {  	s2 =	sshll.u32 s2, $0x6;
	v17 =	vld [tilespmem:s5+$0x80];
	v14 =	vandn.u32 v14, v5  }
0x583: {  	s2 =	sadd.s32 $0x0, s2;
	v13 =	vand.u32 $0x7FFFFFFF, v15;
	[tilespmem:v8+s24+$0x0] =	vst.idx.add.f32.msk $0xffff, v18;
	v18 =	vmul.f32 v14, v4  }
0x584: {  	s17 =	simm.s32 $0x10000;
	s9 =	sadd.s32 $0x30, s2;
	v14 =	vand.u32 $0x80000000, v15;
	v15 =	vld [tilespmem:s20+$0x80]  }
0x585: {  	s18 =	sor.u32 $0x200, s9;
	v16 =	vandn.u32 v16, v14;
	[tilespmem:v3+s17+$0x0] =	vst.idx.add.f32.msk $0xffff, v18  }
0x586: {  	v16 =	vmul.f32 v16, v12;
	v18 =	vld [tilespmem:s18+$0x7000]  }
0x587: {  	v17 =	vandn.u32 v17, v10  }
0x588: {  	[tilespmem:v13+s24+$0x0] =	vst.idx.add.f32.msk $0xffff, v16;
	v16 =	vmul.f32 v17, v7  }
0x589: {  	v17 =	vld [tilespmem:s21+$0x80];
	v15 =	vandn.u32 v15, v11  }
0x58a: {  	v15 =	vmul.f32 v15, v9;
	[tilespmem:v6+s25+$0x0] =	vst.idx.add.f32.msk $0xffff, v16  }
0x58b: {  	v16 =	vld [tilespmem:s5+$0x100];
	v18 =	vandn.u32 v18, v5  }
0x58c: {  	[tilespmem:v8+s25+$0x0] =	vst.idx.add.f32.msk $0xffff, v15;
	v15 =	vmul.f32 v18, v4  }
0x58d: {  	v18 =	vld [tilespmem:s20+$0x100]  }
0x58e: {  	s19 =	sor.u32 $0x280, s9;
	v17 =	vandn.u32 v17, v14;
	[tilespmem:v3+s30+$0x0] =	vst.idx.add.f32.msk $0xffff, v15  }
0x58f: {  	v15 =	vmul.f32 v17, v12;
	v17 =	vld [tilespmem:s19+$0x7000]  }
0x590: {  	v16 =	vandn.u32 v16, v10  }
0x591: {  	[tilespmem:v13+s25+$0x0] =	vst.idx.add.f32.msk $0xffff, v15;
	v15 =	vmul.f32 v16, v7  }
0x592: {  	v16 =	vld [tilespmem:s21+$0x100];
	v18 =	vandn.u32 v18, v11  }
0x593: {  	v18 =	vmul.f32 v18, v9;
	[tilespmem:v6+s15+$0x0] =	vst.idx.add.f32.msk $0xffff, v15  }
0x594: {  	v15 =	vld [tilespmem:s5+$0x180];
	v17 =	vandn.u32 v17, v5  }
0x595: {  	[tilespmem:v8+s15+$0x0] =	vst.idx.add.f32.msk $0xffff, v18;
	v17 =	vmul.f32 v17, v4  }
0x596: {  	s18 =	simm.s32 $0x12000;
	v18 =	vld [tilespmem:s20+$0x180]  }
0x597: {  	s20 =	sor.u32 $0x300, s9;
	v16 =	vandn.u32 v16, v14;
	[tilespmem:v3+s18+$0x0] =	vst.idx.add.f32.msk $0xffff, v17  }
0x598: {  	v16 =	vmul.f32 v16, v12;
	v17 =	vld [tilespmem:s20+$0x7000]  }
0x599: {  	v15 =	vandn.u32 v15, v10  }
0x59a: {  	[tilespmem:v13+s15+$0x0] =	vst.idx.add.f32.msk $0xffff, v16;
	v15 =	vmul.f32 v15, v7  }
0x59b: {  	v16 =	vld [tilespmem:s21+$0x180];
	v18 =	vandn.u32 v18, v11  }
0x59c: {  	s21 =	sor.u32 $0x200, s2;
	[tilespmem:v6+s17+$0x0] =	vst.idx.add.f32.msk $0xffff, v15;
	v15 =	vmul.f32 v18, v9  }
0x59d: {  	s5 =	sadd.s32 $0x10, s2;
	v18 =	vld [tilespmem:s21+$0x7000];
	v17 =	vandn.u32 v17, v5  }
0x59e: {  	s7 =	sor.u32 $0x200, s5;
	[tilespmem:v8+s17+$0x0] =	vst.idx.add.f32.msk $0xffff, v15;
	v15 =	vmul.f32 v17, v4  }
0x59f: {  	v17 =	vld [tilespmem:s7+$0x7000]  }
0x5a0: {  	s12 =	sor.u32 $0x380, s9;
	v16 =	vandn.u32 v16, v14;
	[tilespmem:v3+s29+$0x0] =	vst.idx.add.f32.msk $0xffff, v15  }
0x5a1: {  	v15 =	vmul.f32 v16, v12;
	v16 =	vld [tilespmem:s12+$0x7000]  }
0x5a2: {  	s7 =	sadd.s32 $0x20, s2;
	v18 =	vandn.u32 v18, v10  }
0x5a3: {  	s15 =	sor.u32 $0x200, s7;
	[tilespmem:v13+s17+$0x0] =	vst.idx.add.f32.msk $0xffff, v15;
	v15 =	vmul.f32 v18, v7  }
0x5a4: {  	v18 =	vld [tilespmem:s15+$0x7000];
	v17 =	vandn.u32 v17, v11  }
0x5a5: {  	s17 =	sor.u32 $0x280, s2;
	[tilespmem:v6+s30+$0x0] =	vst.idx.add.f32.msk $0xffff, v15;
	v15 =	vmul.f32 v17, v9  }
0x5a6: {  	v17 =	vld [tilespmem:s17+$0x7000];
	v16 =	vandn.u32 v16, v5  }
0x5a7: {  	s19 =	sor.u32 $0x280, s5;
	[tilespmem:v8+s30+$0x0] =	vst.idx.add.f32.msk $0xffff, v15;
	v15 =	vmul.f32 v16, v4  }
0x5a8: {  	s3 =	sadd.s32 $0x9000, s4;
	s12 =	simm.s32 $0x14000;
	v16 =	vld [tilespmem:s19+$0x7000]  }
0x5a9: {  	s20 =	sor.u32 s6, s3;
	v18 =	vandn.u32 v18, v14;
	[tilespmem:v3+s12+$0x0] =	vst.idx.add.f32.msk $0xffff, v15  }
0x5aa: {  	v15 =	vmul.f32 v18, v12;
	v18 =	vld [tilespmem:s20+$0x0]  }
0x5ab: {  	v17 =	vandn.u32 v17, v10  }
0x5ac: {  	s21 =	sor.u32 $0x280, s7;
	[tilespmem:v13+s30+$0x0] =	vst.idx.add.f32.msk $0xffff, v15;
	v15 =	vmul.f32 v17, v7  }
0x5ad: {  	v17 =	vld [tilespmem:s21+$0x7000];
	v16 =	vandn.u32 v16, v11  }
0x5ae: {  	s2 =	sor.u32 $0x300, s2;
	[tilespmem:v6+s18+$0x0] =	vst.idx.add.f32.msk $0xffff, v15;
	v15 =	vmul.f32 v16, v9  }
0x5af: {  	v16 =	vld [tilespmem:s2+$0x7000];
	v18 =	vandn.u32 v18, v5  }
0x5b0: {  	s15 =	sor.u32 $0x300, s5;
	[tilespmem:v8+s18+$0x0] =	vst.idx.add.f32.msk $0xffff, v15;
	v15 =	vmul.f32 v18, v4  }
0x5b1: {  	s2 =	sadd.s32 $0x9080, s4;
	v18 =	vld [tilespmem:s15+$0x7000]  }
0x5b2: {  	s17 =	sor.u32 s6, s2;
	v17 =	vandn.u32 v17, v14;
	[tilespmem:v3+s22+$0x0] =	vst.idx.add.f32.msk $0xffff, v15  }
0x5b3: {  	v15 =	vmul.f32 v17, v12;
	v17 =	vld [tilespmem:s17+$0x0]  }
0x5b4: {  	v16 =	vandn.u32 v16, v10  }
0x5b5: {  	s19 =	sor.u32 $0x300, s7;
	v16 =	vmul.f32 v16, v7;
	[tilespmem:v13+s18+$0x0] =	vst.idx.add.f32.msk $0xffff, v15  }
0x5b6: {  	s1 =	sor.u32 s1, s1;
	v15 =	vld [tilespmem:s19+$0x7000];
	v18 =	vandn.u32 v18, v11  }
0x5b7: {  	s1 =	sor.u32 $0x380, s1;
	[tilespmem:v6+s29+$0x0] =	vst.idx.add.f32.msk $0xffff, v16;
	v16 =	vmul.f32 v18, v9  }
0x5b8: {  	v18 =	vld [tilespmem:s1+$0x7000];
	v17 =	vandn.u32 v17, v5  }
0x5b9: {  	s20 =	sor.u32 $0x380, s5;
	[tilespmem:v8+s29+$0x0] =	vst.idx.add.f32.msk $0xffff, v16;
	v16 =	vmul.f32 v17, v4  }
0x5ba: {  	s21 =	sadd.s32 $0x9100, s4;
	v17 =	vld [tilespmem:s20+$0x7000]  }
0x5bb: {  	s30 =	sor.u32 s6, s21;
	v15 =	vandn.u32 v15, v14;
	[tilespmem:v3+s23+$0x0] =	vst.idx.add.f32.msk $0xffff, v16  }
0x5bc: {  	v15 =	vmul.f32 v15, v12;
	v16 =	vld [tilespmem:s30+$0x0]  }
0x5bd: {  	v18 =	vandn.u32 v18, v10  }
0x5be: {  	s9 =	sor.u32 $0x380, s7;
	[tilespmem:v13+s29+$0x0] =	vst.idx.add.f32.msk $0xffff, v15;
	v15 =	vmul.f32 v18, v7  }
0x5bf: {  	v18 =	vld [tilespmem:s9+$0x7000];
	v17 =	vandn.u32 v17, v11  }
0x5c0: {  	s15 =	sor.u32 s8, s3;
	[tilespmem:v6+s12+$0x0] =	vst.idx.add.f32.msk $0xffff, v15;
	v15 =	vmul.f32 v17, v9  }
0x5c1: {  	v17 =	vld [tilespmem:s15+$0x0];
	v16 =	vandn.u32 v16, v5  }
0x5c2: {  	s17 =	sor.u32 s11, s3;
	[tilespmem:v8+s12+$0x0] =	vst.idx.add.f32.msk $0xffff, v15;
	v15 =	vmul.f32 v16, v4  }
0x5c3: {  	s18 =	sadd.s32 $0x9180, s4;
	s9 =	simm.s32 $0x17000;
	v16 =	vld [tilespmem:s17+$0x0]  }
0x5c4: {  	s30 =	sor.u32 s6, s18;
	v18 =	vandn.u32 v18, v14;
	[tilespmem:v3+s9+$0x0] =	vst.idx.add.f32.msk $0xffff, v15  }
0x5c5: {  	v15 =	vmul.f32 v18, v12;
	v18 =	vld [tilespmem:s30+$0x0]  }
0x5c6: {  	v17 =	vandn.u32 v17, v10  }
0x5c7: {  	s3 =	sor.u32 s0, s3;
	[tilespmem:v13+s12+$0x0] =	vst.idx.add.f32.msk $0xffff, v15;
	v15 =	vmul.f32 v17, v7  }
0x5c8: {  	v17 =	vld [tilespmem:s3+$0x0];
	v16 =	vandn.u32 v16, v11  }
0x5c9: {  	s12 =	sor.u32 s8, s2;
	[tilespmem:v6+s22+$0x0] =	vst.idx.add.f32.msk $0xffff, v15;
	v15 =	vmul.f32 v16, v9  }
0x5ca: {  	v16 =	vld [tilespmem:s12+$0x0];
	v18 =	vandn.u32 v18, v5  }
0x5cb: {  	s15 =	sor.u32 s11, s2;
	[tilespmem:v8+s22+$0x0] =	vst.idx.add.f32.msk $0xffff, v15;
	v15 =	vmul.f32 v18, v4  }
0x5cc: {  	s17 =	sadd.s32 $0x9200, s4;
	v18 =	vld [tilespmem:s15+$0x0]  }
0x5cd: {  	s29 =	sor.u32 s6, s17;
	v17 =	vandn.u32 v17, v14;
	[tilespmem:v3+s16+$0x0] =	vst.idx.add.f32.msk $0xffff, v15  }
0x5ce: {  	v15 =	vmul.f32 v17, v12;
	v17 =	vld [tilespmem:s29+$0x0]  }
0x5cf: {  	v16 =	vandn.u32 v16, v10  }
0x5d0: {  	s2 =	sor.u32 s0, s2;
	v16 =	vmul.f32 v16, v7;
	[tilespmem:v13+s22+$0x0] =	vst.idx.add.f32.msk $0xffff, v15  }
0x5d1: {  	v15 =	vld [tilespmem:s2+$0x0];
	v18 =	vandn.u32 v18, v11  }
0x5d2: {  	s30 =	sor.u32 s8, s21;
	[tilespmem:v6+s23+$0x0] =	vst.idx.add.f32.msk $0xffff, v16;
	v16 =	vmul.f32 v18, v9  }
0x5d3: {  	v18 =	vld [tilespmem:s30+$0x0];
	v17 =	vandn.u32 v17, v5  }
0x5d4: {  	s3 =	sor.u32 s11, s21;
	[tilespmem:v8+s23+$0x0] =	vst.idx.add.f32.msk $0xffff, v16;
	v16 =	vmul.f32 v17, v4  }
0x5d5: {  	s12 =	sadd.s32 $0x9280, s4;
	v17 =	vld [tilespmem:s3+$0x0]  }
0x5d6: {  	s19 =	sor.u32 s6, s12;
	v15 =	vandn.u32 v15, v14;
	[tilespmem:v3+s14+$0x0] =	vst.idx.add.f32.msk $0xffff, v16  }
0x5d7: {  	v15 =	vmul.f32 v15, v12;
	v16 =	vld [tilespmem:s19+$0x0]  }
0x5d8: {  	v18 =	vandn.u32 v18, v10  }
0x5d9: {  	s20 =	sor.u32 s0, s21;
	v18 =	vmul.f32 v18, v7;
	[tilespmem:v13+s23+$0x0] =	vst.idx.add.f32.msk $0xffff, v15  }
0x5da: {  	v15 =	vld [tilespmem:s20+$0x0];
	v17 =	vandn.u32 v17, v11  }
0x5db: {  	s21 =	sor.u32 s8, s18;
	[tilespmem:v6+s9+$0x0] =	vst.idx.add.f32.msk $0xffff, v18;
	v17 =	vmul.f32 v17, v9  }
0x5dc: {  	v18 =	vld [tilespmem:s21+$0x0];
	v16 =	vandn.u32 v16, v5  }
0x5dd: {  	s22 =	sor.u32 s11, s18;
	[tilespmem:v8+s9+$0x0] =	vst.idx.add.f32.msk $0xffff, v17;
	v16 =	vmul.f32 v16, v4  }
0x5de: {  	s23 =	sadd.s32 $0x9300, s4;
	v17 =	vld [tilespmem:s22+$0x0]  }
0x5df: {  	s29 =	sor.u32 s6, s23;
	v15 =	vandn.u32 v15, v14;
	[tilespmem:v3+s13+$0x0] =	vst.idx.add.f32.msk $0xffff, v16  }
0x5e0: {  	v15 =	vmul.f32 v15, v12;
	v16 =	vld [tilespmem:s29+$0x0]  }
0x5e1: {  	s28 =	simm.s32 $0x40;
	v18 =	vandn.u32 v18, v10  }
0x5e2: {  	s1 =	sor.u32 s0, s18;
	s31 =	sor.u32 s11, s12;
	s7 =	sor.u32 s0, s12;
	v19 =	vmul.f32 v18, v7;
	[tilespmem:v13+s9+$0x0] =	vst.idx.add.f32.msk $0xffff, v15  }
0x5e3: {  	s15 =	simm.s32 $0x0;
	s18 =	sor.u32 s11, s17;
	s30 =	sor.u32 s8, s17;
	v18 =	vld [tilespmem:s1+$0x0]  }
0x5e4: {  	s19 =	sor.u32 s0, s17;
	s17 =	sor.u32 s8, s12;
	s20 =	sor.u32 s8, s23;
	v15 =	vandn.u32 v17, v11;
	[tilespmem:v6+s16+$0x0] =	vst.idx.add.f32.msk $0xffff, v19  }
0x5e5: {  	s12 =	sor.u32 s0, s23;
	s13 =	simm.s32 $0x200;
	s9 =	sor.u32 s11, s23;
	v19 =	vmul.f32 v15, v9;
	v17 =	vld [tilespmem:s30+$0x0];
	v16 =	vandn.u32 v16, v5  }
.LBB2_13:
0x5e6: {  	_ = 	snop  }
0x5e7: {  	s26 =	sadd.s32 $0x40, s26;
	[tilespmem:v8+s16+$0x0] =	vst.idx.add.f32.msk $0xffff, v19  }
0x5e8: {  	v15 =	vmul.f32 v16, v4;
	v16 =	vld [tilespmem:s26+$0x0]  }
0x5e9: {  	s3 =	simm.s32 $0x1B000;
	v19 =	vld [tilespmem:s26+$0xFFFFFFD0]  }
0x5ea: {  	s2 =	sand.u32 $0x40, s28;
	s5 =	sand.u32 $0x1C00, s13;
	s4 =	sadd.s32 $0x9380, s4;
	[tilespmem:v3+s3+$0x0] =	vst.idx.add.f32.msk $0xffff, v15  }
0x5eb: {  	s1 =	sadd.s32 $0x7000, s5;
	s21 =	sor.u32 s6, s4;
	s6 =	sor.u32 $0x30, s2;
	v20 =	vld [tilespmem:s26+$0xFFFFFFE0]  }
0x5ec: {  	[dreg:$0x1b] =	wrdreg s9;
	s9 =	sor.u32 s6, s1;
	v18 =	vandn.u32 v18, v14;
	v15 =	vandn.u32 v17, v10;
	v17 =	vld [tilespmem:s21+$0x0]  }
0x5ed: {  	s10 =	sadd.s32 $0x40, s10;
	v24 =	vmul.f32 v18, v12;
	v18 =	vld [tilespmem:s9+$0x0]  }
0x5ee: {  	v25 =	vmul.f32 v15, v7;
	v15 =	vld [tilespmem:s10+$0x0]  }
0x5ef: {  	s22 =	sor.u32 $0x10, s2;
	v23 =	vld [tilespmem:s26+$0xFFFFFFF0]  }
0x5f0: {  	[dreg:$0x1e] =	wrdreg s20;
	s20 =	sor.u32 s22, s1;
	v46 =	vld [tilespmem:s18+$0x0];
	v21 =	vand.u32 $0x7FFFFFFF, v16  }
0x5f1: {  	s23 =	sor.u32 $0x20, s2;
	v27 =	vld [tilespmem:s20+$0x0];
	s21 =	sor.u32 s2, s1;
	v22 =	vand.u32 $0x80000000, v19;
	v17 =	vandn.u32 v17, v5;
	v5 =	vand.u32 $0x80000000, v16  }
0x5f2: {  	s0 =	sor.u32 s0, s4;
	s14 =	sor.u32 s23, s1;
	v26 =	vld [tilespmem:s21+$0x0];
	v16 =	vandn.u32 v18, v5;
	v18 =	vmul.f32 v17, v4;
	v17 =	vand.u32 $0x7FFFFFFF, v19  }
0x5f3: {  	[dreg:$0xd] =	wrdreg s0;
	s0 =	smov.u32 s23;
	s23 =	simm.s32 $0x1C000;
	v19 =	vand.u32 $0x80000000, v20;
	v28 =	vmul.f32 v16, v15;
	v16 =	vand.u32 $0x7FFFFFFF, v20;
	v20 =	vld [tilespmem:s10+$0xFFFFFFE0]  }
0x5f4: {  	[tilespmem:v3+s23+$0x0] =	vst.idx.add.f32.msk $0xffff, v18  }
0x5f5: {  	v4 =	vmov v15;
	v15 =	vand.u32 $0x7FFFFFFF, v23;
	v18 =	vand.u32 $0x80000000, v23;
	v23 =	vld [tilespmem:s10+$0xFFFFFFD0]  }
0x5f6: {  	[tilespmem:v21+s24+$0x0] =	vst.idx.add.f32.msk $0xffff, v28  }
0x5f7: {  	v28 =	vld [tilespmem:s9+$0x80]  }
0x5f8: {  	v29 =	vld [tilespmem:s14+$0x0]  }
0x5f9: {  	v27 =	vandn.u32 v27, v19;
	v3 =	vmov v21;
	v21 =	vld [tilespmem:s10+$0xFFFFFFF0]  }
0x5fa: {  	v26 =	vandn.u32 v26, v22;
	[tilespmem:v13+s16+$0x0] =	vst.idx.add.f32.msk $0xffff, v24;
	v27 =	vmul.f32 v27, v20  }
0x5fb: {  	v30 =	vld [tilespmem:s19+$0x0];
	v26 =	vmul.f32 v26, v23  }
0x5fc: {  	[tilespmem:v16+s24+$0x0] =	vst.idx.add.f32.msk $0xffff, v27;
	v28 =	vandn.u32 v28, v5  }
0x5fd: {  	[tilespmem:v17+s24+$0x0] =	vst.idx.add.f32.msk $0xffff, v26;
	v28 =	vmul.f32 v28, v4  }
0x5fe: {  	v45 =	vandn.u32 v29, v18;
	v51 =	vld [tilespmem:s20+$0x80]  }
0x5ff: {  	v24 =	vmul.f32 v45, v21;
	[tilespmem:v3+s25+$0x0] =	vst.idx.add.f32.msk $0xffff, v28  }
0x600: {  	v28 =	vld [tilespmem:s9+$0x100]  }
0x601: {  	[tilespmem:v15+s24+$0x0] =	vst.idx.add.f32.msk $0xffff, v24  }
0x602: {  	v47 =	vandn.u32 v46, v11;
	v50 =	vld [tilespmem:s21+$0x80]  }
0x603: {  	v48 =	vmul.f32 v47, v9;
	v49 =	vandn.u32 v30, v14;
	s24 =	simm.s32 $0x19000;
	v52 =	vld [tilespmem:s14+$0x80]  }
0x604: {  	v26 =	vmul.f32 v49, v12;
	[tilespmem:v6+s24+$0x0] =	vst.idx.add.f32.msk $0xffff, v25;
	v55 =	vandn.u32 v51, v19  }
0x605: {  	[tilespmem:v8+s24+$0x0] =	vst.idx.add.f32.msk $0xffff, v48;
	v56 =	vmul.f32 v55, v20;
	v28 =	vandn.u32 v28, v5  }
0x606: {  	[tilespmem:v13+s24+$0x0] =	vst.idx.add.f32.msk $0xffff, v26;
	v28 =	vmul.f32 v28, v4  }
0x607: {  	s30 =	simm.s32 $0xF000;
	v53 =	vandn.u32 v50, v22;
	[tilespmem:v16+s25+$0x0] =	vst.idx.add.f32.msk $0xffff, v56  }
0x608: {  	v25 =	vmul.f32 v53, v23;
	[tilespmem:v3+s30+$0x0] =	vst.idx.add.f32.msk $0xffff, v28  }
0x609: {  	v54 =	vld [tilespmem:s9+$0x180]  }
0x60a: {  	[tilespmem:v17+s25+$0x0] =	vst.idx.add.f32.msk $0xffff, v25  }
0x60b: {  	p1 =	por !p1, !p1;
	s8 =	sor.u32 s8, s4;
	v57 =	vandn.u32 v52, v18;
	v61 =	vld [tilespmem:s20+$0x100]  }
0x60c: {  	[dreg:$0x13] =	wrdreg s8;
	s8 =	smov.u32 s2;
	s2 =	simm.s32 $0x1;
	v58 =	vmul.f32 v57, v21;
	v33 =	vld [tilespmem:s31+$0x0]  }
0x60d: {  	s2 =	simm.s32 @!p1 $0x0;
	v60 =	vld [tilespmem:s21+$0x100]  }
0x60e: {  	[dreg:$0x17] =	wrdreg s12;
	s2 =	sshll.u32 s2, $0x6;
	[tilespmem:v15+s25+$0x0] =	vst.idx.add.f32.msk $0xffff, v58;
	v59 =	vandn.u32 v54, v5  }
0x60f: {  	[dreg:$0x9] =	wrdreg s26;
	s12 =	sor.u32 s11, s4;
	s18 =	sadd.s32 s2, s13;
	v63 =	vld [tilespmem:s17+$0x0];
	v24 =	vmul.f32 v59, v4  }
0x610: {  	s4 =	smov.u32 s5;
	s26 =	simm.s32 $0x10000;
	s5 =	sadd.s32 $0x30, s18;
	v62 =	vld [tilespmem:s14+$0x100]  }
0x611: {  	s25 =	sor.u32 $0x200, s5;
	v26 =	vandn.u32 v61, v19;
	[tilespmem:v3+s26+$0x0] =	vst.idx.add.f32.msk $0xffff, v24  }
0x612: {  	v25 =	vandn.u32 v60, v22;
	v26 =	vmul.f32 v26, v20;
	v24 =	vld [tilespmem:s25+$0x7000]  }
0x613: {  	v34 =	vld [tilespmem:s7+$0x0];
	v25 =	vmul.f32 v25, v23  }
0x614: {  	[tilespmem:v16+s30+$0x0] =	vst.idx.add.f32.msk $0xffff, v26  }
0x615: {  	s3 =	sor.u32 s13, s28;
	s11 =	smov.u32 s22;
	v35 =	vandn.u32 v62, v18;
	[tilespmem:v17+s30+$0x0] =	vst.idx.add.f32.msk $0xffff, v25  }
0x616: {  	s1 =	sor.u32 $0x380, s3;
	s3 =	sor.u32 $0x200, s18;
	s16 =	sadd.s32 $0x20, s18;
	v37 =	vandn.u32 v63, v10;
	v25 =	vmul.f32 v35, v21;
	v43 =	vld [tilespmem:s20+$0x180]  }
0x617: {  	s19 =	sadd.s32 $0x10, s18;
	s2 =	sor.u32 $0x200, s16;
	s22 =	sor.u32 $0x300, s16;
	v38 =	vmul.f32 v37, v7;
	v36 =	vld [tilespmem:s21+$0x180];
	v24 =	vandn.u32 v24, v5  }
0x618: {  	s24 =	sor.u32 $0x280, s18;
	s9 =	sor.u32 $0x280, s16;
	s21 =	simm.s32 $0x1A000;
	[tilespmem:v15+s30+$0x0] =	vst.idx.add.f32.msk $0xffff, v25;
	v24 =	vmul.f32 v24, v4  }
0x619: {  	v39 =	vandn.u32 v33, v11;
	[tilespmem:v6+s21+$0x0] =	vst.idx.add.f32.msk $0xffff, v38;
	s25 =	sor.u32 $0x300, s18;
	s18 =	sor.u32 $0x380, s16;
	s16 =	simm.s32 $0x11000  }
0x61a: {  	s17 =	sor.u32 $0x280, s5;
	v27 =	vmul.f32 v39, v9;
	[tilespmem:v3+s16+$0x0] =	vst.idx.add.f32.msk $0xffff, v24  }
0x61b: {  	v46 =	vandn.u32 v43, v19;
	v40 =	vld [tilespmem:s17+$0x7000]  }
0x61c: {  	[tilespmem:v8+s21+$0x0] =	vst.idx.add.f32.msk $0xffff, v27;
	v26 =	vandn.u32 v36, v22;
	v27 =	vmul.f32 v46, v20  }
0x61d: {  	v44 =	vld [tilespmem:s14+$0x180];
	v26 =	vmul.f32 v26, v23  }
0x61e: {  	[tilespmem:v16+s26+$0x0] =	vst.idx.add.f32.msk $0xffff, v27  }
0x61f: {  	s29 =	sor.u32 $0x200, s19;
	[tilespmem:v17+s26+$0x0] =	vst.idx.add.f32.msk $0xffff, v26  }
0x620: {  	v51 =	vld [tilespmem:s29+$0x7000];
	v45 =	vandn.u32 v40, v5  }
0x621: {  	v26 =	vld [tilespmem:s3+$0x7000];
	v24 =	vmul.f32 v45, v4  }
0x622: {  	s14 =	simm.s32 $0x12000  }
0x623: {  	s20 =	sor.u32 $0x300, s5;
	v47 =	vandn.u32 v44, v18;
	[tilespmem:v3+s14+$0x0] =	vst.idx.add.f32.msk $0xffff, v24  }
0x624: {  	v41 =	vandn.u32 v34, v14;
	v48 =	vmul.f32 v47, v21;
	v49 =	vld [tilespmem:s20+$0x7000]  }
0x625: {  	v42 =	vmul.f32 v41, v12  }
0x626: {  	[tilespmem:v15+s26+$0x0] =	vst.idx.add.f32.msk $0xffff, v48;
	v50 =	vandn.u32 v26, v22;
	v26 =	vandn.u32 v51, v19  }
0x627: {  	v52 =	vld [tilespmem:s2+$0x7000];
	v55 =	vmul.f32 v26, v20  }
0x628: {  	s30 =	simm.s32 $0x11000;
	[tilespmem:v13+s21+$0x0] =	vst.idx.add.f32.msk $0xffff, v42;
	v24 =	vmul.f32 v50, v23  }
0x629: {  	[tilespmem:v16+s30+$0x0] =	vst.idx.add.f32.msk $0xffff, v55;
	v28 =	vandn.u32 v49, v5  }
0x62a: {  	[tilespmem:v17+s30+$0x0] =	vst.idx.add.f32.msk $0xffff, v24;
	v53 =	vmul.f32 v28, v4  }
0x62b: {  	s29 =	simm.s32 $0x13000;
	v54 =	vld [tilespmem:s24+$0x7000]  }
0x62c: {  	s7 =	sor.u32 $0x380, s5;
	v56 =	vandn.u32 v52, v18;
	[tilespmem:v3+s29+$0x0] =	vst.idx.add.f32.msk $0xffff, v53  }
0x62d: {  	[dreg:$0x10] =	wrdreg s12;
	s12 =	sor.u32 $0x280, s19;
	v26 =	vmul.f32 v56, v21;
	v57 =	vld [tilespmem:s7+$0x7000]  }
0x62e: {  	v60 =	vld [tilespmem:s12+$0x7000]  }
0x62f: {  	[tilespmem:v15+s30+$0x0] =	vst.idx.add.f32.msk $0xffff, v26  }
0x630: {  	s3 =	rddreg [dreg:$0x1b];
	v26 =	vld [tilespmem:s9+$0x7000];
	v59 =	vandn.u32 v54, v22  }
0x631: {  	s16 =	rddreg [dreg:$0x1e];
	v34 =	vld [tilespmem:s3+$0x0];
	v24 =	vmul.f32 v59, v23  }
0x632: {  	v58 =	vld [tilespmem:s16+$0x0];
	v27 =	vandn.u32 v57, v5  }
0x633: {  	[tilespmem:v17+s14+$0x0] =	vst.idx.add.f32.msk $0xffff, v24;
	v61 =	vmul.f32 v27, v4  }
0x634: {  	s26 =	simm.s32 $0x14000;
	s17 =	sadd.s32 $0x9000, s4;
	v63 =	vld [tilespmem:s25+$0x7000]  }
0x635: {  	s20 =	sor.u32 s6, s17;
	v26 =	vandn.u32 v26, v18;
	[tilespmem:v3+s26+$0x0] =	vst.idx.add.f32.msk $0xffff, v61  }
0x636: {  	s12 =	rddreg [dreg:$0x17];
	v26 =	vmul.f32 v26, v21;
	v33 =	vld [tilespmem:s20+$0x0]  }
0x637: {  	v35 =	vld [tilespmem:s12+$0x0];
	v32 =	vandn.u32 v60, v19  }
0x638: {  	[tilespmem:v15+s14+$0x0] =	vst.idx.add.f32.msk $0xffff, v26;
	v24 =	vmul.f32 v32, v20  }
0x639: {  	v29 =	vandn.u32 v34, v11;
	v38 =	vld [tilespmem:s22+$0x7000]  }
0x63a: {  	s23 =	sor.u32 $0x300, s19;
	v39 =	vmul.f32 v29, v9;
	[tilespmem:v16+s14+$0x0] =	vst.idx.add.f32.msk $0xffff, v24;
	v28 =	vandn.u32 v63, v22  }
0x63b: {  	s12 =	simm.s32 $0x1B000;
	v37 =	vld [tilespmem:s23+$0x7000];
	v36 =	vmul.f32 v28, v23;
	v25 =	vandn.u32 v33, v5  }
0x63c: {  	[tilespmem:v8+s12+$0x0] =	vst.idx.add.f32.msk $0xffff, v39;
	v25 =	vmul.f32 v25, v4  }
0x63d: {  	s22 =	simm.s32 $0x15000;
	s14 =	sadd.s32 $0x9080, s4;
	[tilespmem:v17+s29+$0x0] =	vst.idx.add.f32.msk $0xffff, v36  }
0x63e: {  	v62 =	vandn.u32 v58, v10;
	s16 =	sor.u32 s6, s14;
	[tilespmem:v3+s22+$0x0] =	vst.idx.add.f32.msk $0xffff, v25  }
0x63f: {  	v27 =	vmul.f32 v62, v7;
	v28 =	vandn.u32 v38, v18;
	v42 =	vld [tilespmem:s16+$0x0]  }
0x640: {  	v26 =	vandn.u32 v37, v19;
	v44 =	vmul.f32 v28, v21;
	v43 =	vld [tilespmem:s1+$0x7000]  }
0x641: {  	v26 =	vmul.f32 v26, v20;
	[tilespmem:v6+s12+$0x0] =	vst.idx.add.f32.msk $0xffff, v27  }
0x642: {  	[tilespmem:v15+s29+$0x0] =	vst.idx.add.f32.msk $0xffff, v44  }
0x643: {  	s19 =	sor.u32 $0x380, s19;
	v40 =	vandn.u32 v35, v14;
	[tilespmem:v16+s29+$0x0] =	vst.idx.add.f32.msk $0xffff, v26  }
0x644: {  	s31 =	simm.s32 $0x1B000;
	s5 =	sor.u32 s11, s17;
	s9 =	sor.u32 s8, s17;
	v41 =	vmul.f32 v40, v12;
	v48 =	vld [tilespmem:s18+$0x7000];
	v45 =	vandn.u32 v42, v5  }
0x645: {  	s7 =	sor.u32 s0, s17;
	s23 =	simm.s32 $0x16000;
	s17 =	sor.u32 s11, s14;
	v47 =	vld [tilespmem:s19+$0x7000];
	v24 =	vmul.f32 v45, v4  }
0x646: {  	s3 =	sor.u32 s0, s14;
	s20 =	sor.u32 s8, s14;
	s14 =	sadd.s32 $0x9100, s4;
	[tilespmem:v13+s31+$0x0] =	vst.idx.add.f32.msk $0xffff, v41;
	v46 =	vandn.u32 v43, v22  }
0x647: {  	s19 =	sor.u32 s6, s14;
	v26 =	vmul.f32 v46, v23;
	[tilespmem:v3+s23+$0x0] =	vst.idx.add.f32.msk $0xffff, v24  }
0x648: {  	v24 =	vld [tilespmem:s19+$0x0]  }
0x649: {  	s2 =	sor.u32 s0, s14;
	v28 =	vandn.u32 v48, v18;
	[tilespmem:v17+s26+$0x0] =	vst.idx.add.f32.msk $0xffff, v26  }
0x64a: {  	s12 =	sor.u32 s11, s14;
	s16 =	sor.u32 s8, s14;
	v27 =	vandn.u32 v47, v19;
	v49 =	vmul.f32 v28, v21;
	s14 =	rddreg [dreg:$0x13];
	v26 =	vld [tilespmem:s9+$0x0]  }
0x64b: {  	v27 =	vmul.f32 v27, v20;
	v50 =	vld [tilespmem:s14+$0x0]  }
0x64c: {  	[tilespmem:v15+s26+$0x0] =	vst.idx.add.f32.msk $0xffff, v49  }
0x64d: {  	[tilespmem:v16+s26+$0x0] =	vst.idx.add.f32.msk $0xffff, v27;
	v24 =	vandn.u32 v24, v5  }
0x64e: {  	v52 =	vld [tilespmem:s5+$0x0];
	v24 =	vmul.f32 v24, v4  }
0x64f: {  	s18 =	sadd.s32 $0x9180, s4;
	s26 =	simm.s32 $0x17000;
	v54 =	vld [tilespmem:s7+$0x0]  }
0x650: {  	v51 =	vandn.u32 v26, v22;
	s19 =	sor.u32 s6, s18;
	[tilespmem:v3+s26+$0x0] =	vst.idx.add.f32.msk $0xffff, v24  }
0x651: {  	s7 =	rddreg [dreg:$0x10];
	v25 =	vmul.f32 v51, v23;
	v24 =	vld [tilespmem:s19+$0x0]  }
0x652: {  	s9 =	sor.u32 s11, s18;
	v57 =	vld [tilespmem:s7+$0x0]  }
0x653: {  	s14 =	sor.u32 s0, s18;
	s5 =	sor.u32 s8, s18;
	v56 =	vandn.u32 v52, v19;
	s18 =	rddreg [dreg:$0xd];
	[tilespmem:v17+s22+$0x0] =	vst.idx.add.f32.msk $0xffff, v25  }
0x654: {  	v25 =	vmul.f32 v56, v20;
	v58 =	vld [tilespmem:s18+$0x0]  }
0x655: {  	v55 =	vld [tilespmem:s20+$0x0]  }
0x656: {  	[tilespmem:v16+s22+$0x0] =	vst.idx.add.f32.msk $0xffff, v25;
	v24 =	vandn.u32 v24, v5  }
0x657: {  	v25 =	vld [tilespmem:s17+$0x0];
	v24 =	vmul.f32 v24, v4  }
0x658: {  	s7 =	sadd.s32 $0x9200, s4;
	v53 =	vandn.u32 v50, v10;
	v10 =	vmov v22;
	v22 =	vandn.u32 v54, v18;
	s19 =	simm.s32 $0x18000  }
0x659: {  	v22 =	vmul.f32 v22, v21;
	s20 =	sor.u32 s6, s7;
	[tilespmem:v3+s19+$0x0] =	vst.idx.add.f32.msk $0xffff, v24  }
0x65a: {  	v27 =	vmul.f32 v53, v7;
	v7 =	vmovc v23;
	v26 =	vandn.u32 v57, v11;
	v23 =	vandn.u32 v55, v10;
	v24 =	vld [tilespmem:s20+$0x0]  }
0x65b: {  	v11 =	vmov v19;
	v19 =	vmul.f32 v26, v9;
	[tilespmem:v15+s22+$0x0] =	vst.idx.add.f32.msk $0xffff, v22;
	v23 =	vmul.f32 v23, v7  }
0x65c: {  	v9 =	vmovc v20;
	v59 =	vandn.u32 v58, v14;
	v14 =	vmov v18;
	v18 =	vld [tilespmem:s3+$0x0];
	v20 =	vandn.u32 v25, v11  }
0x65d: {  	[tilespmem:v17+s23+$0x0] =	vst.idx.add.f32.msk $0xffff, v23;
	v20 =	vmul.f32 v20, v9  }
0x65e: {  	v61 =	vld [tilespmem:s16+$0x0]  }
0x65f: {  	[tilespmem:v16+s23+$0x0] =	vst.idx.add.f32.msk $0xffff, v20;
	s20 =	simm.s32 $0x1C000;
	v62 =	vandn.u32 v24, v5  }
0x660: {  	[tilespmem:v6+s20+$0x0] =	vst.idx.add.f32.msk $0xffff, v27;
	v6 =	vmov v17;
	v17 =	vmul.f32 v62, v4  }
0x661: {  	s3 =	sadd.s32 $0x9280, s4;
	v60 =	vmul.f32 v59, v12;
	v12 =	vmov v21;
	v18 =	vandn.u32 v18, v14;
	v20 =	vld [tilespmem:s12+$0x0];
	s12 =	simm.s32 $0x19000  }
0x662: {  	v18 =	vmul.f32 v18, v12;
	[tilespmem:v3+s12+$0x0] =	vst.idx.add.f32.msk $0xffff, v17;
	s12 =	sor.u32 s6, s3  }
0x663: {  	v17 =	vandn.u32 v61, v10;
	v63 =	vld [tilespmem:s12+$0x0]  }
0x664: {  	[tilespmem:v15+s23+$0x0] =	vst.idx.add.f32.msk $0xffff, v18;
	v17 =	vmul.f32 v17, v7  }
0x665: {  	v18 =	vld [tilespmem:s2+$0x0]  }
0x666: {  	[tilespmem:v6+s26+$0x0] =	vst.idx.add.f32.msk $0xffff, v17;
	v17 =	vandn.u32 v20, v11  }
0x667: {  	v20 =	vld [tilespmem:s5+$0x0];
	v17 =	vmul.f32 v17, v9  }
0x668: {  	[tilespmem:v8+s20+$0x0] =	vst.idx.add.f32.msk $0xffff, v19;
	v21 =	vandn.u32 v63, v5  }
0x669: {  	v8 =	vmov v16;
	[tilespmem:v16+s26+$0x0] =	vst.idx.add.f32.msk $0xffff, v17;
	v16 =	vmul.f32 v21, v4  }
0x66a: {  	v18 =	vandn.u32 v18, v14;
	s12 =	sadd.s32 $0x9300, s4;
	v17 =	vld [tilespmem:s9+$0x0]  }
0x66b: {  	s15 =	sadd.s32 $0x4, s15;
	v18 =	vmul.f32 v18, v12;
	[tilespmem:v3+s21+$0x0] =	vst.idx.add.f32.msk $0xffff, v16;
	s21 =	sor.u32 s6, s12  }
0x66c: {  	p2 =	slt.u32 s15, $0x3C;
	s28 =	sadd.s32 $0x40, s28;
	s13 =	sadd.s32 $0x200, s13;
	v16 =	vandn.u32 v20, v10;
	v20 =	vld [tilespmem:s21+$0x0]  }
.Ltmp5:
0x66d: {  	s24 =	simm.s32 $0xD000;
	s25 =	simm.s32 $0xE000;
	[tilespmem:v15+s26+$0x0] =	vst.idx.add.f32.msk $0xffff, v18;
	(pc) =	sbr.rel @p2 .LBB2_13-.Ltmp5, $4  }
0x66e: {  	s1 =	sor.u32 s8, s7;
	s18 =	sor.u32 s11, s7;
	v18 =	vld [tilespmem:s14+$0x0];
	s5 =	simm.s32 $0x1C000;
	v16 =	vmul.f32 v16, v7  }
0x66f: {  	s17 =	sor.u32 s8, s3;
	s31 =	sor.u32 s11, s3;
	s16 =	simm.s32 $0x18000;
	[tilespmem:v13+s5+$0x0] =	vst.idx.add.f32.msk $0xffff, v60  }
0x670: {  	s19 =	sor.u32 s0, s7;
	s7 =	sor.u32 s0, s3;
	s20 =	sor.u32 s8, s12;
	[tilespmem:v6+s16+$0x0] =	vst.idx.add.f32.msk $0xffff, v16;
	v16 =	vandn.u32 v17, v11  }
0x671: {  	v13 =	vmov v15;
	s26 =	rddreg [dreg:$0x9];
	s9 =	sor.u32 s11, s12;
	s12 =	sor.u32 s0, s12;
	v17 =	vld [tilespmem:s1+$0x0];
	v19 =	vmul.f32 v16, v9;
	v16 =	vandn.u32 v20, v5  }
0x672: {  	_ =	sdelay $0x2  }
0x673: {  	v15 =	vandn.u32 v18, v14  }
0x674: {  	[tilespmem:v8+s16+$0x0] =	vst.idx.add.f32.msk $0xffff, v19;
	v15 =	vmul.f32 v15, v12  }
0x675: {  	v54 =	vld [tilespmem:s18+$0x0]  }
0x676: {  	[tilespmem:v13+s16+$0x0] =	vst.idx.add.f32.msk $0xffff, v15  }
0x677: {  	v55 =	vld [tilespmem:s19+$0x0]  }
0x678: {  	v17 =	vandn.u32 v17, v10  }
0x679: {  	v17 =	vmul.f32 v17, v7  }
0x67a: {  	s1 =	simm.s32 $0x19000;
	v15 =	vandn.u32 v54, v11  }
0x67b: {  	[tilespmem:v6+s1+$0x0] =	vst.idx.add.f32.msk $0xffff, v17;
	v15 =	vmul.f32 v15, v9  }
0x67c: {  	v56 =	vld [tilespmem:s17+$0x0];
	v18 =	vandn.u32 v55, v14  }
0x67d: {  	[tilespmem:v8+s1+$0x0] =	vst.idx.add.f32.msk $0xffff, v15;
	v18 =	vmul.f32 v18, v12  }
0x67e: {  	v57 =	vld [tilespmem:s31+$0x0]  }
0x67f: {  	[tilespmem:v13+s1+$0x0] =	vst.idx.add.f32.msk $0xffff, v18  }
0x680: {  	v18 =	vld [tilespmem:s7+$0x0]  }
0x681: {  	v15 =	vandn.u32 v56, v10  }
0x682: {  	v15 =	vmul.f32 v15, v7  }
0x683: {  	s19 =	simm.s32 $0x1A000;
	v17 =	vandn.u32 v57, v11  }
0x684: {  	[tilespmem:v6+s19+$0x0] =	vst.idx.add.f32.msk $0xffff, v15;
	v17 =	vmul.f32 v17, v9  }
0x685: {  	v15 =	vld [tilespmem:s20+$0x0];
	v18 =	vandn.u32 v18, v14  }
0x686: {  	[tilespmem:v8+s19+$0x0] =	vst.idx.add.f32.msk $0xffff, v17;
	v18 =	vmul.f32 v18, v12  }
0x687: {  	v17 =	vld [tilespmem:s9+$0x0]  }
0x688: {  	[tilespmem:v13+s19+$0x0] =	vst.idx.add.f32.msk $0xffff, v18  }
0x689: {  	v16 =	vmul.f32 v16, v4;
	v18 =	vld [tilespmem:s12+$0x0]  }
0x68a: {  	s21 =	sadd.s32 $0x9380, s4;
	s3 =	simm.s32 $0x1B000;
	v15 =	vandn.u32 v15, v10  }
0x68b: {  	s2 =	sor.u32 s6, s21;
	[tilespmem:v3+s3+$0x0] =	vst.idx.add.f32.msk $0xffff, v16;
	v15 =	vmul.f32 v15, v7  }
0x68c: {  	v59 =	vld [tilespmem:s2+$0x0];
	v58 =	vandn.u32 v17, v11  }
0x68d: {  	s26 =	sor.u32 s8, s21;
	[tilespmem:v6+s3+$0x0] =	vst.idx.add.f32.msk $0xffff, v15;
	v16 =	vmul.f32 v58, v9  }
0x68e: {  	v15 =	vld [tilespmem:s26+$0x0];
	v18 =	vandn.u32 v18, v14  }
0x68f: {  	s28 =	sor.u32 s11, s21;
	[tilespmem:v8+s3+$0x0] =	vst.idx.add.f32.msk $0xffff, v16;
	v18 =	vmul.f32 v18, v12  }
0x690: {  	v16 =	vld [tilespmem:s28+$0x0]  }
0x691: {  	s0 =	sor.u32 s0, s21;
	[tilespmem:v13+s3+$0x0] =	vst.idx.add.f32.msk $0xffff, v18  }
0x692: {  	v18 =	vld [tilespmem:s0+$0x0];
	_ =	sdelay $0x1  }
0x693: {  	v5 =	vandn.u32 v59, v5  }
0x694: {  	v60 =	vmul.f32 v5, v4;
	v61 =	vandn.u32 v15, v10  }
.Ltmp6:
0x695: {  	s31 =	simm.s32 $0x1C000;
	v5 =	vmul.f32 v61, v7;
	v62 =	vandn.u32 v16, v11;
	(pc) =	sbr.rel @p0 .LBB2_15-.Ltmp6, $4  }
0x696: {  	[tilespmem:v3+s31+$0x0] =	vst.idx.add.f32.msk $0xffff, v60;
	v3 =	vmul.f32 v62, v9;
	v63 =	vandn.u32 v18, v14  }
0x697: {  	[tilespmem:v6+s31+$0x0] =	vst.idx.add.f32.msk $0xffff, v5;
	v4 =	vmul.f32 v63, v12  }
0x698: {  	s4 =	simm.s32 $0x1A000;
	[tilespmem:v8+s31+$0x0] =	vst.idx.add.f32.msk $0xffff, v3  }
0x699: {  	s5 =	simm.s32 $0x1B000;
	s18 =	simm.s32 $0x19000;
	s7 =	simm.s32 $0x1C000;
	[tilespmem:v13+s31+$0x0] =	vst.idx.add.f32.msk $0xffff, v4  }
0x69a: {  	s0 =	sld [smem:$0x7EB]  }
0x69b: {  	s1 =	sld [smem:$0x7E1];
	_ =	sdelay $0x1  }
0x69c: {  	s26 =	rddreg [dreg:$0x0];
	s28 =	simm.s32 $0x2000;
	s2 =	simm.s32 $0x80000  }
.Ltmp7:
0x69d: {  	s3 =	simm.s32 $0x7000;
	s0 =	sadd.s32 s0, s1;
	(pc) =	sbr.rel .LBB2_6-.Ltmp7, $4  }
0x69e: {  	s31 =	sld [smem:$0x7E3];
	s10 =	simm.s32 $0xF000;
	s0 =	sshrl.u32 s0, $0x3  }
0x69f: {  	s12 =	simm.s32 $0x10000;
	s13 =	simm.s32 $0x12000;
	s0 =	sadd.s32 s26, s0  }
0x6a0: {  	[tilespmem:s3], [sflag:$0x4] =	stream.strided.gather [hbm4b:s0+s28], $0x4000, s2, s28, $0x38;
	[tilespmem:$0x1D000] =	vst v63  }
0x6a1: {  	s14 =	simm.s32 $0x14000;
	s15 =	simm.s32 $0x17000;
	s0 =	sadd.s32 $0x1, s31  }
.LBB2_15:
0x6a2: {  	s0 =	simm.s32 $0x0  }
0x6a3: {  	v3 =	vld [tilespmem:s0+$0x1C000]  }
0x6a4: {  	s1 =	simm.s32 $0x0;
	v4 =	vld [tilespmem:s0+$0xD000]  }
0x6a5: {  	v5 =	vld [tilespmem:s0+$0xE000];
	v6 =	vor.u32 s1, v1  }
0x6a6: {  	v7 =	vld [tilespmem:s0+$0xF000];
	v6 =	vsub.s32 v6, v2  }
0x6a7: {  	v8 =	vld [tilespmem:s0+$0x10000];
	v6 =	vmul.u32 $0xAAAAAAAB, v6  }
0x6a8: {  	v9 =	vld [tilespmem:s0+$0x11000];
	vm1 =	vgt.f32 v3, $0.0e+00  }
0x6a9: {  	v10 =	vld [tilespmem:s0+$0x12000];
	vm0 =	vle.u32 v6, $0x55555554;
	vm2 =	vgt.f32 v4, $0.0e+00;
	v6 =	vsel vm1, $0x3F800000, v0  }
0x6aa: {  	v11 =	vld [tilespmem:s0+$0x13000];
	v12 =	vsel vm2, $0x3F800000, v0;
	vm1 =	vgt.f32 v5, $0.0e+00;
	v3 =	vsel vm0, v6, v3  }
0x6ab: {  	v13 =	vld [tilespmem:s0+$0x14000];
	v4 =	vsel vm0, v12, v4;
	[tilespmem:s0+$0x1C000] =	vst v3;
	v3 =	vsel vm1, $0x3F800000, v0;
	vm1 =	vgt.f32 v7, $0.0e+00  }
0x6ac: {  	v63 =	vld [tilespmem:s0+$0x15000];
	[tilespmem:s0+$0xD000] =	vst v4;
	v3 =	vsel vm0, v3, v5;
	v4 =	vsel vm1, $0x3F800000, v0;
	vm1 =	vgt.f32 v8, $0.0e+00  }
0x6ad: {  	v14 =	vld [tilespmem:s0+$0x16000];
	[tilespmem:s0+$0xE000] =	vst v3;
	v3 =	vsel vm0, v4, v7;
	v4 =	vsel vm1, $0x3F800000, v0;
	vm1 =	vgt.f32 v9, $0.0e+00  }
0x6ae: {  	v7 =	vld [tilespmem:s0+$0x17000];
	[tilespmem:s0+$0xF000] =	vst v3;
	v3 =	vsel vm0, v4, v8;
	v4 =	vsel vm1, $0x3F800000, v0;
	vm1 =	vgt.f32 v10, $0.0e+00  }
0x6af: {  	v6 =	vld [tilespmem:s0+$0x18000];
	[tilespmem:s0+$0x10000] =	vst v3;
	v3 =	vsel vm0, v4, v9;
	v4 =	vsel vm1, $0x3F800000, v0;
	vm1 =	vgt.f32 v11, $0.0e+00  }
0x6b0: {  	v5 =	vld [tilespmem:s0+$0x19000];
	[tilespmem:s0+$0x11000] =	vst v3;
	v3 =	vsel vm0, v4, v10;
	v4 =	vsel vm1, $0x3F800000, v0;
	vm1 =	vgt.f32 v13, $0.0e+00  }
0x6b1: {  	[tilespmem:s0+$0x12000] =	vst v3;
	v4 =	vsel vm0, v4, v11;
	v3 =	vld [tilespmem:s0+$0x1A000];
	v8 =	vsel vm1, $0x3F800000, v0;
	vm1 =	vgt.f32 v63, $0.0e+00  }
0x6b2: {  	s8 =	simm.s32 $0x0;
	s6 =	simm.s32 $0x1;
	s10 =	simm.s32 $0xF000;
	[tilespmem:s0+$0x13000] =	vst v4;
	v8 =	vsel vm0, v8, v13;
	v9 =	vsel vm1, $0x3F800000, v0;
	vm1 =	vgt.f32 v14, $0.0e+00;
	v4 =	vld [tilespmem:s0+$0x1B000]  }
0x6b3: {  	s12 =	simm.s32 $0x10000;
	s13 =	simm.s32 $0x12000;
	s14 =	simm.s32 $0x14000;
	[tilespmem:s0+$0x14000] =	vst v8;
	v8 =	vsel vm0, v9, v63;
	v9 =	vsel vm1, $0x3F800000, v0;
	vm1 =	vgt.f32 v7, $0.0e+00  }
0x6b4: {  	s15 =	simm.s32 $0x17000;
	s2 =	simm.s32 $0x10;
	s3 =	simm.s32 $0x80;
	vm2 =	vgt.f32 v6, $0.0e+00;
	[tilespmem:s0+$0x15000] =	vst v8;
	v9 =	vsel vm0, v9, v14;
	v8 =	vsel vm1, $0x3F800000, v0  }
.LBB2_16:
0x6b5: {  	p0 =	sne.s32 s3, $0x3FC0;
	v10 =	vld [tilespmem:s2+$0x1C000];
	[tilespmem:s0+$0x16000] =	vst v9;
	v7 =	vsel vm0, v8, v7;
	v8 =	vsel vm2, $0x3F800000, v0;
	vm1 =	vgt.f32 v5, $0.0e+00  }
0x6b6: {  	s1 =	sadd.s32 $0x10, s1;
	v9 =	vld [tilespmem:s2+$0xD000];
	[tilespmem:s0+$0x17000] =	vst v7;
	v6 =	vsel vm0, v8, v6;
	v7 =	vsel vm1, $0x3F800000, v0;
	vm1 =	vgt.f32 v3, $0.0e+00  }
0x6b7: {  	v8 =	vor.u32 s1, v1;
	v11 =	vld [tilespmem:s2+$0xE000];
	[tilespmem:s0+$0x18000] =	vst v6;
	v6 =	vsel vm1, $0x3F800000, v0;
	vm1 =	vgt.f32 v4, $0.0e+00  }
0x6b8: {  	v8 =	vsub.s32 v8, v2;
	v5 =	vsel vm0, v7, v5;
	v12 =	vld [tilespmem:s2+$0xF000];
	v7 =	vsel vm1, $0x3F800000, v0  }
0x6b9: {  	v8 =	vmul.u32 $0xAAAAAAAB, v8;
	v3 =	vsel vm0, v6, v3;
	v13 =	vld [tilespmem:s2+$0x10000];
	[tilespmem:s0+$0x19000] =	vst v5;
	v4 =	vsel vm0, v7, v4  }
0x6ba: {  	v5 =	vld [tilespmem:s2+$0x11000];
	vm1 =	vgt.f32 v10, $0.0e+00;
	[tilespmem:s0+$0x1A000] =	vst v3  }
0x6bb: {  	vm0 =	vle.u32 v8, $0x55555554;
	vm2 =	vgt.f32 v9, $0.0e+00;
	v3 =	vld [tilespmem:s2+$0x12000];
	v6 =	vsel vm1, $0x3F800000, v0;
	[tilespmem:s0+$0x1B000] =	vst v4;
	s0 =	smov.u32 s2  }
0x6bc: {  	v4 =	vsel vm2, $0x3F800000, v0;
	vm1 =	vgt.f32 v11, $0.0e+00;
	v8 =	vld [tilespmem:s0+$0x13000];
	v6 =	vsel vm0, v6, v10  }
0x6bd: {  	v4 =	vsel vm0, v4, v9;
	v7 =	vsel vm1, $0x3F800000, v0;
	vm1 =	vgt.f32 v12, $0.0e+00;
	v9 =	vld [tilespmem:s0+$0x14000];
	[tilespmem:s0+$0x1C000] =	vst v6  }
0x6be: {  	[tilespmem:s0+$0xD000] =	vst v4;
	v4 =	vsel vm0, v7, v11;
	v6 =	vsel vm1, $0x3F800000, v0;
	vm1 =	vgt.f32 v13, $0.0e+00;
	v10 =	vld [tilespmem:s0+$0x15000]  }
0x6bf: {  	[tilespmem:s0+$0xE000] =	vst v4;
	v4 =	vsel vm0, v6, v12;
	v6 =	vsel vm1, $0x3F800000, v0;
	vm1 =	vgt.f32 v5, $0.0e+00;
	v11 =	vld [tilespmem:s0+$0x16000]  }
0x6c0: {  	[tilespmem:s0+$0xF000] =	vst v4;
	v4 =	vsel vm0, v6, v13;
	v6 =	vsel vm1, $0x3F800000, v0;
	vm1 =	vgt.f32 v3, $0.0e+00;
	v7 =	vld [tilespmem:s0+$0x17000]  }
0x6c1: {  	[tilespmem:s0+$0x10000] =	vst v4;
	v4 =	vsel vm0, v6, v5;
	v5 =	vsel vm1, $0x3F800000, v0;
	vm1 =	vgt.f32 v8, $0.0e+00;
	v6 =	vld [tilespmem:s0+$0x18000]  }
.Ltmp8:
0x6c2: {  	[tilespmem:s0+$0x11000] =	vst v4;
	v3 =	vsel vm0, v5, v3;
	v4 =	vsel vm1, $0x3F800000, v0;
	vm1 =	vgt.f32 v9, $0.0e+00;
	v5 =	vld [tilespmem:s0+$0x19000];
	(pc) =	sbr.rel @p0 .LBB2_16-.Ltmp8, $4  }
0x6c3: {  	[tilespmem:s0+$0x12000] =	vst v3;
	v4 =	vsel vm0, v4, v8;
	v8 =	vsel vm1, $0x3F800000, v0;
	vm1 =	vgt.f32 v10, $0.0e+00;
	v3 =	vld [tilespmem:s0+$0x1A000]  }
0x6c4: {  	[tilespmem:s0+$0x13000] =	vst v4;
	v8 =	vsel vm0, v8, v9;
	v9 =	vsel vm1, $0x3F800000, v0;
	vm1 =	vgt.f32 v11, $0.0e+00;
	v4 =	vld [tilespmem:s0+$0x1B000]  }
0x6c5: {  	[tilespmem:s0+$0x14000] =	vst v8;
	v8 =	vsel vm0, v9, v10;
	v9 =	vsel vm1, $0x3F800000, v0;
	vm1 =	vgt.f32 v7, $0.0e+00  }
0x6c6: {  	s2 =	sshra.s32 s3, $0x2;
	s3 =	sadd.s32 $0x40, s3;
	[tilespmem:s0+$0x15000] =	vst v8;
	v9 =	vsel vm0, v9, v11;
	v8 =	vsel vm1, $0x3F800000, v0;
	vm2 =	vgt.f32 v6, $0.0e+00  }
0x6c7: {  	v10 =	vld [tilespmem:s2+$0x1C000];
	s1 =	sadd.s32 $0x10, s1;
	v7 =	vsel vm0, v8, v7  }
0x6c8: {  	v11 =	vld [tilespmem:s2+$0xD000];
	v41 =	vsel vm2, $0x3F800000, v0;
	vm15 =	vgt.f32 v5, $0.0e+00;
	v13 =	vor.u32 s1, v1  }
0x6c9: {  	v14 =	vld [tilespmem:s2+$0xF000];
	[tilespmem:s0+$0x16000] =	vst v9;
	v6 =	vsel vm0, v41, v6;
	v45 =	vsel vm15, $0x3F800000, v0;
	vm5 =	vgt.f32 v3, $0.0e+00  }
0x6ca: {  	v15 =	vld [tilespmem:s2+$0x10000];
	[tilespmem:s0+$0x17000] =	vst v7;
	v13 =	vsub.s32 v13, v2;
	v47 =	vsel vm0, v45, v5;
	vm7 =	vgt.f32 v4, $0.0e+00  }
0x6cb: {  	v16 =	vld [tilespmem:s2+$0x11000];
	[tilespmem:s0+$0x18000] =	vst v6;
	v49 =	vsel vm5, $0x3F800000, v0;
	v13 =	vmul.u32 $0xAAAAAAAB, v13;
	v52 =	vsel vm7, $0x3F800000, v0  }
0x6cc: {  	v17 =	vld [tilespmem:s2+$0x12000];
	[tilespmem:s0+$0x19000] =	vst v47;
	v3 =	vsel vm0, v49, v3;
	v54 =	vsel vm0, v52, v4;
	vm3 =	vgt.f32 v10, $0.0e+00  }
0x6cd: {  	v18 =	vld [tilespmem:s2+$0x13000];
	[tilespmem:s0+$0x1A000] =	vst v3;
	vm1 =	vle.u32 v13, $0x55555554;
	vm10 =	vgt.f32 v11, $0.0e+00;
	v33 =	vsel vm3, $0x3F800000, v0  }
0x6ce: {  	v57 =	vld [tilespmem:s2+$0x1B000];
	vm12 =	vgt.f32 v14, $0.0e+00;
	[tilespmem:s0+$0x1B000] =	vst v54;
	v19 =	vsel vm10, $0x3F800000, v0;
	v10 =	vsel vm1, v33, v10  }
0x6cf: {  	v12 =	vld [tilespmem:s2+$0xE000];
	vm13 =	vgt.f32 v15, $0.0e+00;
	v37 =	vsel vm12, $0x3F800000, v0;
	v11 =	vsel vm1, v19, v11;
	[tilespmem:s2+$0x1C000] =	vst v10  }
0x6d0: {  	v34 =	vld [tilespmem:s2+$0x14000];
	vm14 =	vgt.f32 v16, $0.0e+00;
	v40 =	vsel vm13, $0x3F800000, v0;
	v38 =	vsel vm1, v37, v14;
	[tilespmem:s2+$0xD000] =	vst v11  }
0x6d1: {  	v36 =	vld [tilespmem:s2+$0x15000];
	vm4 =	vgt.f32 v17, $0.0e+00;
	v44 =	vsel vm14, $0x3F800000, v0;
	v42 =	vsel vm1, v40, v15;
	[tilespmem:s2+$0xF000] =	vst v38  }
0x6d2: {  	v39 =	vld [tilespmem:s2+$0x16000];
	vm6 =	vgt.f32 v18, $0.0e+00;
	v48 =	vsel vm4, $0x3F800000, v0;
	v7 =	vsel vm1, v44, v16;
	[tilespmem:s2+$0x10000] =	vst v42  }
0x6d3: {  	v43 =	vld [tilespmem:s2+$0x17000];
	vm15 =	vgt.f32 v57, $0.0e+00;
	v51 =	vsel vm6, $0x3F800000, v0;
	v6 =	vsel vm1, v48, v17;
	[tilespmem:s2+$0x11000] =	vst v7  }
0x6d4: {  	v46 =	vld [tilespmem:s2+$0x18000];
	vm11 =	vgt.f32 v12, $0.0e+00;
	v62 =	vsel vm15, $0x3F800000, v0;
	v3 =	vsel vm1, v51, v18;
	[tilespmem:s2+$0x12000] =	vst v6  }
0x6d5: {  	v50 =	vld [tilespmem:s2+$0x19000];
	vm8 =	vgt.f32 v34, $0.0e+00;
	v35 =	vsel vm11, $0x3F800000, v0;
	v63 =	vsel vm1, v62, v57;
	[tilespmem:s2+$0x13000] =	vst v3  }
0x6d6: {  	v53 =	vld [tilespmem:s2+$0x1A000];
	vm9 =	vgt.f32 v36, $0.0e+00;
	v55 =	vsel vm8, $0x3F800000, v0;
	v10 =	vsel vm1, v35, v12;
	[tilespmem:s2+$0x1B000] =	vst v63  }
0x6d7: {  	v56 =	vsel vm9, $0x3F800000, v0;
	vm10 =	vgt.f32 v39, $0.0e+00;
	v3 =	vsel vm1, v55, v34;
	[tilespmem:s2+$0xE000] =	vst v10  }
0x6d8: {  	vm11 =	vgt.f32 v43, $0.0e+00;
	v58 =	vsel vm10, $0x3F800000, v0;
	[tilespmem:s2+$0x14000] =	vst v3;
	v3 =	vsel vm1, v56, v36  }
0x6d9: {  	vm12 =	vgt.f32 v46, $0.0e+00;
	v59 =	vsel vm11, $0x3F800000, v0;
	[tilespmem:s2+$0x15000] =	vst v3;
	v3 =	vsel vm1, v58, v39  }
0x6da: {  	vm13 =	vgt.f32 v50, $0.0e+00;
	v60 =	vsel vm12, $0x3F800000, v0;
	[tilespmem:s2+$0x16000] =	vst v3;
	v3 =	vsel vm1, v59, v43  }
0x6db: {  	vm14 =	vgt.f32 v53, $0.0e+00;
	v61 =	vsel vm13, $0x3F800000, v0;
	[tilespmem:s2+$0x17000] =	vst v3;
	v3 =	vsel vm1, v60, v46  }
0x6dc: {  	v4 =	vsel vm1, v61, v50;
	[tilespmem:s2+$0x18000] =	vst v3;
	v3 =	vsel vm14, $0x3F800000, v0  }
0x6dd: {  	[tilespmem:s2+$0x19000] =	vst v4;
	v3 =	vsel vm1, v3, v53  }
0x6de: {  	[tilespmem:s2+$0x1A000] =	vst v3  }
0x6df: {  	s0 =	sld [smem:$0x7FC];
	_ =	sdelay $0x1  }
0x6e0: {  	s20 =	sld [smem:$0x7EC]  }
0x6e1: {  	[hbm4b:s0+s8] =	stream.linear.scatter [tilespmem:s24], [sflag:$0x1], $0x1000, $0x38;
	[tilespmem:$0x1D000] =	vst v63  }
0x6e2: {  	s21 =	sld [smem:$0x7ED]  }
0x6e3: {  	[hbm4b:s20+s8] =	stream.linear.scatter [tilespmem:s25], [sflag:$0x1], $0x1000, $0x38;
	[tilespmem:$0x1D000] =	vst v63  }
0x6e4: {  	s26 =	sld [smem:$0x7EE]  }
0x6e5: {  	[hbm4b:s21+s8] =	stream.linear.scatter [tilespmem:s10], [sflag:$0x1], $0x1000, $0x38;
	[tilespmem:$0x1D000] =	vst v63  }
0x6e6: {  	s28 =	sld [smem:$0x7EF]  }
0x6e7: {  	[hbm4b:s26+s8] =	stream.linear.scatter [tilespmem:s12], [sflag:$0x1], $0x1000, $0x38;
	[tilespmem:$0x1D000] =	vst v63  }
0x6e8: {  	s31 =	sld [smem:$0x7F0]  }
0x6e9: {  	[hbm4b:s28+s8] =	stream.linear.scatter [tilespmem:s30], [sflag:$0x1], $0x1000, $0x38;
	[tilespmem:$0x1D000] =	vst v63  }
0x6ea: {  	s1 =	sld [smem:$0x7F1]  }
0x6eb: {  	[hbm4b:s31+s8] =	stream.linear.scatter [tilespmem:s13], [sflag:$0x1], $0x1000, $0x38;
	[tilespmem:$0x1D000] =	vst v63  }
0x6ec: {  	s2 =	sld [smem:$0x7F2]  }
0x6ed: {  	[hbm4b:s1+s8] =	stream.linear.scatter [tilespmem:s29], [sflag:$0x1], $0x1000, $0x38;
	[tilespmem:$0x1D000] =	vst v63  }
0x6ee: {  	s3 =	sld [smem:$0x7F3]  }
0x6ef: {  	[hbm4b:s2+s8] =	stream.linear.scatter [tilespmem:s14], [sflag:$0x1], $0x1000, $0x38;
	[tilespmem:$0x1D000] =	vst v63  }
0x6f0: {  	s9 =	sld [smem:$0x7F4]  }
0x6f1: {  	[hbm4b:s3+s8] =	stream.linear.scatter [tilespmem:s22], [sflag:$0x1], $0x1000, $0x38;
	[tilespmem:$0x1D000] =	vst v63  }
0x6f2: {  	s11 =	sld [smem:$0x7F5]  }
0x6f3: {  	[hbm4b:s9+s8] =	stream.linear.scatter [tilespmem:s23], [sflag:$0x1], $0x1000, $0x38;
	[tilespmem:$0x1D000] =	vst v63  }
0x6f4: {  	s17 =	sld [smem:$0x7F8]  }
0x6f5: {  	[hbm4b:s11+s8] =	stream.linear.scatter [tilespmem:s15], [sflag:$0x1], $0x1000, $0x38;
	[tilespmem:$0x1D000] =	vst v63  }
0x6f6: {  	s19 =	sld [smem:$0x7F9]  }
0x6f7: {  	[hbm4b:s17+s8] =	stream.linear.scatter [tilespmem:s16], [sflag:$0x1], $0x1000, $0x38;
	[tilespmem:$0x1D000] =	vst v63  }
0x6f8: {  	s20 =	sld [smem:$0x7FA]  }
0x6f9: {  	[hbm4b:s19+s8] =	stream.linear.scatter [tilespmem:s18], [sflag:$0x1], $0x1000, $0x38;
	[tilespmem:$0x1D000] =	vst v63  }
0x6fa: {  	s21 =	sld [smem:$0x7FB]  }
0x6fb: {  	[hbm4b:s20+s8] =	stream.linear.scatter [tilespmem:s4], [sflag:$0x1], $0x1000, $0x38;
	[tilespmem:$0x1D000] =	vst v63  }
0x6fc: {  	s26 =	sld [smem:$0x7FD]  }
0x6fd: {  	[hbm4b:s21+s8] =	stream.linear.scatter [tilespmem:s5], [sflag:$0x1], $0x1000, $0x38;
	[tilespmem:$0x1D000] =	vst v63  }
0x6fe: {  	_ = 	snop  }
0x6ff: {  	[hbm4b:s26+s8] =	stream.linear.scatter [tilespmem:s7], [sflag:$0x1], $0x1000, $0x38;
	[tilespmem:$0x1D000] =	vst v63  }
0x700: {  	_ =	swait.ge [sflag:s6], $0x1000  }
0x701: {  	[sflag:s6] =	ssyncset.done $0x0  }
0x702: {  	[sflag:s6] =	ssyncadd.s32 $0xFFFFF000  }
0x703: {  	_ =	swait.ge [sflag:s6], $0x1000  }
0x704: {  	[sflag:s6] =	ssyncset.done $0x0  }
0x705: {  	[sflag:s6] =	ssyncadd.s32 $0xFFFFF000  }
0x706: {  	_ =	swait.ge [sflag:s6], $0x1000  }
0x707: {  	[sflag:s6] =	ssyncset.done $0x0  }
0x708: {  	[sflag:s6] =	ssyncadd.s32 $0xFFFFF000  }
0x709: {  	_ =	swait.ge [sflag:s6], $0x1000  }
0x70a: {  	[sflag:s6] =	ssyncset.done $0x0  }
0x70b: {  	[sflag:s6] =	ssyncadd.s32 $0xFFFFF000  }
0x70c: {  	_ =	swait.ge [sflag:s6], $0x1000  }
0x70d: {  	[sflag:s6] =	ssyncset.done $0x0  }
0x70e: {  	[sflag:s6] =	ssyncadd.s32 $0xFFFFF000  }
0x70f: {  	_ =	swait.ge [sflag:s6], $0x1000  }
0x710: {  	[sflag:s6] =	ssyncset.done $0x0  }
0x711: {  	[sflag:s6] =	ssyncadd.s32 $0xFFFFF000  }
0x712: {  	_ =	swait.ge [sflag:s6], $0x1000  }
0x713: {  	[sflag:s6] =	ssyncset.done $0x0  }
0x714: {  	[sflag:s6] =	ssyncadd.s32 $0xFFFFF000  }
0x715: {  	_ =	swait.ge [sflag:s6], $0x1000  }
0x716: {  	[sflag:s6] =	ssyncset.done $0x0  }
0x717: {  	[sflag:s6] =	ssyncadd.s32 $0xFFFFF000  }
0x718: {  	_ =	swait.ge [sflag:s6], $0x1000  }
0x719: {  	[sflag:s6] =	ssyncset.done $0x0  }
0x71a: {  	[sflag:s6] =	ssyncadd.s32 $0xFFFFF000  }
0x71b: {  	_ =	swait.ge [sflag:s6], $0x1000  }
0x71c: {  	[sflag:s6] =	ssyncset.done $0x0  }
0x71d: {  	[sflag:s6] =	ssyncadd.s32 $0xFFFFF000  }
0x71e: {  	_ =	swait.ge [sflag:s6], $0x1000  }
0x71f: {  	[sflag:s6] =	ssyncset.done $0x0  }
0x720: {  	[sflag:s6] =	ssyncadd.s32 $0xFFFFF000  }
0x721: {  	_ =	swait.ge [sflag:s6], $0x1000  }
0x722: {  	[sflag:s6] =	ssyncset.done $0x0  }
0x723: {  	[sflag:s6] =	ssyncadd.s32 $0xFFFFF000  }
0x724: {  	_ =	swait.ge [sflag:s6], $0x1000  }
0x725: {  	[sflag:s6] =	ssyncset.done $0x0  }
0x726: {  	[sflag:s6] =	ssyncadd.s32 $0xFFFFF000  }
0x727: {  	_ =	swait.ge [sflag:s6], $0x1000  }
0x728: {  	[sflag:s6] =	ssyncset.done $0x0  }
0x729: {  	[sflag:s6] =	ssyncadd.s32 $0xFFFFF000  }
0x72a: {  	_ =	swait.ge [sflag:s6], $0x1000  }
0x72b: {  	[sflag:s6] =	ssyncset.done $0x0  }
0x72c: {  	[sflag:s6] =	ssyncadd.s32 $0xFFFFF000  }
0x72d: {  	_ =	swait.ge [sflag:s6], $0x1000  }
0x72e: {  	s28 =	sld [smem:$0x7E4]  }
0x72f: {  	s31 =	sld [smem:$0x7F6];
	_ =	sdelay $0x1  }
0x730: {  	s1 =	sadd.s32 $0x1, s28  }
0x731: {  	p0 =	sne.s32 s1, s31  }
.Ltmp9:
0x732: {  	_ = 	snop;
	(pc) =	sbr.rel @p0 .LBB2_1-.Ltmp9, $3  }
0x733: {  	_ =	sdelay $0x1  }
0x734: {  	[sflag:s6] =	ssyncset.done $0x0  }
0x735: {  	[sflag:s6] =	ssyncadd.s32 $0xFFFFF000  }
0x736: {  	_ =	sfence.sel $0x180000  }
0x737: {  	[bflag:$0x0] =	sbarrier.arrive $0xFFFF  }
0x738: {  	_ =	strace $0x90000047  }
0x739: {  	s0 =	stileid.u32;
	[bflag:$0x2] =	sbarrier.arrive $0xFFFF  }
0x73a: {  	p0 =	sne.s32 s0, $0x0;
	s0 =	rddreg [dreg:$0x6]  }
0x73b: {  	s0 =	sadd.s32 @!p0 $0x100000, s0  }
0x73c: {  	[sflag:s0] =	ssyncadd.tile.s32 @!p0 $0x1;
	_ =	shalt  }
.Lfunc_end2:
_tile_overlayer_lowered:
.L_overlay_start_2:
0x73d: {  	(tag) =	ssettag $0x2  }
0x73e: {  	s0 =	rddreg [dreg:$0x0];
	s2 =	stileid.u32  }
0x73f: {  	s1 =	rddreg [dreg:$0x1];
	p0 =	sne.s32 s2, $0x0  }
0x740: {  	s3 =	rddreg [dreg:$0x2];
	[bflag:$0x3] =	sbarrier.arrive $0xFFFF;
	s2 =	simm.s32 @!p0 $0x1C05  }
0x741: {  	[timem:s3], [sflag:s2] =	dma.local @!p0 [hbm:s0], s1  }
0x742: {  	s0 =	simm.s32 @!p0 $0x5  }
0x743: {  	_ =	swait.ge @!p0 [sflag:s0], s1  }
0x744: {  	s1 =	ssub.s32 @!p0 $0x0, s1;
	[sflag:s0] =	ssyncset.done @!p0 $0x0  }
0x745: {  	[sflag:s0] =	ssyncadd.s32 @!p0 s1  }
0x746: {  	[bflag:$0x3] =	sbarrier.arrive $0xFFFF  }
0x747: {  	_ =	shalt  }

</sc_bundles>
